<compile_context>
chip_gen: v7x
topology: tpu7x:2x2x1
jax: 0.10.2.dev20260603
libtpu: 0.0.44.dev20260713+nightly
codegen_flags: <defaults>
</compile_context>

<pallas_src>
import functools

import jax
import jax.numpy as jnp
from jax import lax
from jax.experimental import pallas as pl
from jax.experimental.pallas import tpu as pltpu
from jax.experimental.pallas import tpu_sc as plsc

_D = 64
_B = 4096
_L = 200
_PAD = 1
_NW = 32
_RPW = _B // _NW
_NCH = 13
_IDXCAP = 224


def _sc_pool(text_flat, mask_flat, emb):
    mesh = plsc.VectorSubcoreMesh(core_axis_name="c", subcore_axis_name="s")

    @functools.partial(
        pl.kernel,
        mesh=mesh,
        compiler_params=pltpu.CompilerParams(
            use_tc_tiling_on_sc=False, needs_layout_passes=False
        ),
        out_type=jax.ShapeDtypeStruct((_B, _D), jnp.float32),
        scratch_types=[
            pltpu.VMEM((_RPW * _L,), jnp.int32),
            pltpu.VMEM((_RPW * _L,), jnp.int32),
            pltpu.VMEM((_IDXCAP,), jnp.int32),
            pltpu.VMEM((_NCH * 16, _D), jnp.float32),
            pltpu.VMEM((_RPW, _D), jnp.float32),
            pltpu.SemaphoreType.DMA,
        ],
    )
    def k(text_hbm, mask_hbm, emb_hbm, sums_hbm,
          text_v, mask_v, idx_v, rows_v, sums_v, sem):
        wid = lax.axis_index("s") * 2 + lax.axis_index("c")
        base = wid * _RPW
        pltpu.sync_copy(text_hbm.at[pl.ds(base * _L, _RPW * _L)], text_v)
        pltpu.sync_copy(mask_hbm.at[pl.ds(base * _L, _RPW * _L)], mask_v)

        lane = lax.iota(jnp.int32, 16)
        pad_vec = jnp.full((16,), _PAD, jnp.int32)
        zeros = jnp.zeros((16,), jnp.float32)

        def row_body(i, carry):
            rowoff = i * _L
            for kk in range(_IDXCAP // 16):
                idx_v[pl.ds(kk * 16, 16)] = pad_vec
            off_vec = jnp.zeros((16,), jnp.int32)
            for kk in range(_NCH):
                start = kk * 16 if kk < _NCH - 1 else _L - 16
                t = text_v[pl.ds(rowoff + start, 16)]
                m = mask_v[pl.ds(rowoff + start, 16)]
                if kk == _NCH - 1:
                    m = jnp.where(lane >= 16 * _NCH - _L, m, 0)
                mb = m != 0
                mi = jnp.where(mb, 1, 0)
                pos = plsc.cumsum(mi) + off_vec - 1
                plsc.store_scatter(idx_v, [pos], t, mask=mb)
                off_vec = off_vec + plsc.all_reduce_population_count(mb)

            pltpu.make_async_copy(
                emb_hbm.at[idx_v.at[pl.ds(0, _NCH * 16)]],
                rows_v,
                sem,
            ).start()
            pltpu.make_async_copy(
                emb_hbm.at[idx_v.at[pl.ds(0, _NCH * 16)]],
                rows_v,
                sem,
            ).wait()

            for v in range(4):
                sums_v[i, pl.ds(v * 16, 16)] = zeros
            for c in range(_NCH):
                for v in range(4):
                    av = sums_v[i, pl.ds(v * 16, 16)]
                    for rr in range(16):
                        av = av + rows_v[c * 16 + rr, pl.ds(v * 16, 16)]
                    sums_v[i, pl.ds(v * 16, 16)] = av
            return carry

        lax.fori_loop(0, _RPW, row_body, 0)
        pltpu.sync_copy(sums_v, sums_hbm.at[pl.ds(base, _RPW)])

    return k(text_flat, mask_flat, emb)


def _tc_body(sums_ref, mask_ref, w_ref, b_ref, out_ref):
    cnt = jnp.sum(mask_ref[...].astype(jnp.float32), axis=1, keepdims=True)
    sent = sums_ref[...] / cnt
    out_ref[...] = (
        jnp.dot(sent, w_ref[...], preferred_element_type=jnp.float32) + b_ref[...]
    )


def kernel(text, mask, emb, W, b):
    sums = _sc_pool(text.reshape(-1), mask.reshape(-1), emb)
    return pl.pallas_call(
        _tc_body,
        out_shape=jax.ShapeDtypeStruct((_B, 2), jnp.float32),
    )(sums, mask, W, b.reshape(1, 2))

# --- scband reference (transcript-rebuilt; emitter-appended) ---
"""Pipeline reference for scband-word-avgmodel-80547816669305 (READ-ONLY COPY).

The authoritative reference and input builder live on the scoring server;
editing this copy changes nothing except your own understanding.
"""

import jax, jax.numpy as jnp
import numpy as np

VOCAB = 1000000
EMB_DIM = 64
OUT_DIM = 2
PAD_IDX = 1
B, L = 4096, 200


def setup_inputs(seed: int = 0) -> dict:
    key = jax.random.key(seed)
    k_text, k_mask, k_emb, k_w, k_b = jax.random.split(key, 5)
    text = jax.random.randint(k_text, (B, L), 0, VOCAB, dtype=jnp.int64 if jax.config.read('jax_enable_x64') else jnp.int32).astype(jnp.int32)
    mask = jax.random.randint(k_mask, (B, L), 0, 2, dtype=jnp.int32)
    emb = jax.random.normal(k_emb, (VOCAB, EMB_DIM), dtype=jnp.float32)
    emb = emb.at[PAD_IDX].set(0.0)  # mimic nn.Embedding padding_idx init
    W = jax.random.normal(k_w, (EMB_DIM, OUT_DIM), dtype=jnp.float32) * (1.0 / np.sqrt(EMB_DIM))
    b = jnp.zeros((OUT_DIM,), dtype=jnp.float32)
    return {"text": text, "mask": mask, "emb": emb, "W": W, "b": b}


def reference(text, mask, emb, W, b):
    # embedded = self.embedding(text)
    embedded = jnp.take(emb, text, axis=0)  # [B, L, D] gather
    m = mask.astype(jnp.float32)
    # sent_embed = sum(embedded * mask.unsqueeze(2), 1) / mask.sum(1).unsqueeze(1)
    sent_embed = jnp.sum(embedded * m[:, :, None], axis=1) / jnp.sum(m, axis=1, keepdims=True)
    # self.fc(sent_embed)
    return sent_embed @ W + b

if __name__ == "__main__":
    import jax
    _d = setup_inputs()
    print(jax.jit(kernel)(*tuple(_d.values())))

</pallas_src>

<mosaic_0001>
#map = affine_map<(d0, d1) -> (0)>
#map1 = affine_map<(d0, d1) -> (0, 0)>
module attributes {stable_mosaic.version = 14 : i64} {
  func.func @k(%arg0: i32, %arg1: i32, %arg2: memref<819200xi32, #tpu.memory_space<hbm>>, %arg3: memref<819200xi32, #tpu.memory_space<hbm>>, %arg4: memref<1000000x64xf32, #tpu.memory_space<hbm>>, %arg5: memref<4096x64xf32, #tpu.memory_space<hbm>>, %arg6: memref<25600xi32, #tpu.memory_space<vmem>>, %arg7: memref<25600xi32, #tpu.memory_space<vmem>>, %arg8: memref<224xi32, #tpu.memory_space<vmem>>, %arg9: memref<208x64xf32, #tpu.memory_space<vmem>>, %arg10: memref<128x64xf32, #tpu.memory_space<vmem>>, %arg11: memref<!tpu.dma_semaphore, #tpu.memory_space<semaphore_mem>>) attributes {dimension_semantics = [#tpu.dimension_semantics<core_parallel>, #tpu.dimension_semantics<subcore_parallel>], iteration_bounds = array<i64: 2, 16>, scalar_prefetch = 0 : i64, scratch_operands = 6 : i64, tpu.core_type = #tpu.core_type<sc_vector_subcore>, window_params = [{transform_indices = #map}, {transform_indices = #map}, {transform_indices = #map1}, {transform_indices = #map1}]} {
    %mul3A = arith.constant 2 : i32
    %mul3A_0 = arith.muli %arg1, %mul3A : i32
    %add3A = arith.addi %mul3A_0, %arg0 : i32
    %mul3A_1 = arith.constant 128 : i32
    %mul3A_2 = arith.muli %add3A, %mul3A_1 : i32
    %mul3A_3 = arith.constant 200 : i32
    %mul3A_4 = arith.muli %mul3A_2, %mul3A_3 : i32
    "tpu.region"() ({
      %run_scoped3A = tpu.sem_alloc : memref<!tpu.dma_semaphore, #tpu.memory_space<semaphore_mem>>
      %dma_start3A = tpu.memref_slice %arg2[%mul3A_4] : memref<819200xi32, #tpu.memory_space<hbm>> -> memref<25600xi32, #tpu.memory_space<hbm>>
      %dma_start3A_15 = tpu.memref_slice %arg2[%mul3A_4] : memref<819200xi32, #tpu.memory_space<hbm>> -> memref<25600xi32, #tpu.memory_space<hbm>>
      tpu.enqueue_dma source(%dma_start3A_15 : memref<25600xi32, #tpu.memory_space<hbm>>) target(%arg6 : memref<25600xi32, #tpu.memory_space<vmem>>) target_semaphore(%run_scoped3A : memref<!tpu.dma_semaphore, #tpu.memory_space<semaphore_mem>>)
      %dma_wait3A = tpu.memref_slice %arg2[%mul3A_4] : memref<819200xi32, #tpu.memory_space<hbm>> -> memref<25600xi32, #tpu.memory_space<hbm>>
      %dma_wait3A_16 = tpu.memref_slice %arg2[%mul3A_4] : memref<819200xi32, #tpu.memory_space<hbm>> -> memref<25600xi32, #tpu.memory_space<hbm>>
      tpu.wait_dma2 semaphore(%run_scoped3A : memref<!tpu.dma_semaphore, #tpu.memory_space<semaphore_mem>>) src(%dma_wait3A_16 : memref<25600xi32, #tpu.memory_space<hbm>>) dst(%arg6 : memref<25600xi32, #tpu.memory_space<vmem>>)
      tpu.yield
    }) : () -> ()
    %mul3A_5 = arith.constant 200 : i32
    %mul3A_6 = arith.muli %mul3A_2, %mul3A_5 : i32
    "tpu.region"() ({
      %run_scoped3A = tpu.sem_alloc : memref<!tpu.dma_semaphore, #tpu.memory_space<semaphore_mem>>
      %dma_start3A = tpu.memref_slice %arg3[%mul3A_6] : memref<819200xi32, #tpu.memory_space<hbm>> -> memref<25600xi32, #tpu.memory_space<hbm>>
      %dma_start3A_15 = tpu.memref_slice %arg3[%mul3A_6] : memref<819200xi32, #tpu.memory_space<hbm>> -> memref<25600xi32, #tpu.memory_space<hbm>>
      tpu.enqueue_dma source(%dma_start3A_15 : memref<25600xi32, #tpu.memory_space<hbm>>) target(%arg7 : memref<25600xi32, #tpu.memory_space<vmem>>) target_semaphore(%run_scoped3A : memref<!tpu.dma_semaphore, #tpu.memory_space<semaphore_mem>>)
      %dma_wait3A = tpu.memref_slice %arg3[%mul3A_6] : memref<819200xi32, #tpu.memory_space<hbm>> -> memref<25600xi32, #tpu.memory_space<hbm>>
      %dma_wait3A_16 = tpu.memref_slice %arg3[%mul3A_6] : memref<819200xi32, #tpu.memory_space<hbm>> -> memref<25600xi32, #tpu.memory_space<hbm>>
      tpu.wait_dma2 semaphore(%run_scoped3A : memref<!tpu.dma_semaphore, #tpu.memory_space<semaphore_mem>>) src(%dma_wait3A_16 : memref<25600xi32, #tpu.memory_space<hbm>>) dst(%arg7 : memref<25600xi32, #tpu.memory_space<vmem>>)
      tpu.yield
    }) : () -> ()
    %iota3A = tpu.iota {dimensions = array<i32: 0>} : vector<16xi32>
    %broadcast_in_dim3A = arith.constant 1 : i32
    %broadcast_in_dim3A_7 = vector.broadcast %broadcast_in_dim3A : i32 to vector<16xi32>
    %broadcast_in_dim3A_8 = arith.constant 0.000000e+00 : f32
    %broadcast_in_dim3A_9 = vector.broadcast %broadcast_in_dim3A_8 : f32 to vector<16xf32>
    %scan3A = arith.constant 0 : i32
    %scan3A_10 = arith.constant 0 : i32
    %scan3A_11 = arith.constant 128 : i32
    %scan3A_12 = arith.addi %scan3A_10, %scan3A_11 : i32
    %scan3A_13 = arith.constant 1 : i32
    scf.for %scan3A_15 = %scan3A_10 to %scan3A_12 step %scan3A_13  : i32 {
      %mul3A_16 = arith.constant 200 : i32
      %mul3A_17 = arith.muli %scan3A_15, %mul3A_16 : i32
      %swap3A = arith.constant 0 : index
      %swap3A_18 = tpu.vector_load %arg8[%swap3A] {strides = array<i32>} : memref<224xi32, #tpu.memory_space<vmem>>, vector<16xi32>,
      tpu.vector_store %arg8[%swap3A], %broadcast_in_dim3A_7 {strides = array<i32>} : memref<224xi32, #tpu.memory_space<vmem>>, vector<16xi32>,
      %swap3A_19 = arith.constant 16 : index
      %swap3A_20 = tpu.vector_load %arg8[%swap3A_19] {strides = array<i32>} : memref<224xi32, #tpu.memory_space<vmem>>, vector<16xi32>,
      tpu.vector_store %arg8[%swap3A_19], %broadcast_in_dim3A_7 {strides = array<i32>} : memref<224xi32, #tpu.memory_space<vmem>>, vector<16xi32>,
      %swap3A_21 = arith.constant 32 : index
      %swap3A_22 = tpu.vector_load %arg8[%swap3A_21] {strides = array<i32>} : memref<224xi32, #tpu.memory_space<vmem>>, vector<16xi32>,
      tpu.vector_store %arg8[%swap3A_21], %broadcast_in_dim3A_7 {strides = array<i32>} : memref<224xi32, #tpu.memory_space<vmem>>, vector<16xi32>,
      %swap3A_23 = arith.constant 48 : index
      %swap3A_24 = tpu.vector_load %arg8[%swap3A_23] {strides = array<i32>} : memref<224xi32, #tpu.memory_space<vmem>>, vector<16xi32>,
      tpu.vector_store %arg8[%swap3A_23], %broadcast_in_dim3A_7 {strides = array<i32>} : memref<224xi32, #tpu.memory_space<vmem>>, vector<16xi32>,
      %swap3A_25 = arith.constant 64 : index
      %swap3A_26 = tpu.vector_load %arg8[%swap3A_25] {strides = array<i32>} : memref<224xi32, #tpu.memory_space<vmem>>, vector<16xi32>,
      tpu.vector_store %arg8[%swap3A_25], %broadcast_in_dim3A_7 {strides = array<i32>} : memref<224xi32, #tpu.memory_space<vmem>>, vector<16xi32>,
      %swap3A_27 = arith.constant 80 : index
      %swap3A_28 = tpu.vector_load %arg8[%swap3A_27] {strides = array<i32>} : memref<224xi32, #tpu.memory_space<vmem>>, vector<16xi32>,
      tpu.vector_store %arg8[%swap3A_27], %broadcast_in_dim3A_7 {strides = array<i32>} : memref<224xi32, #tpu.memory_space<vmem>>, vector<16xi32>,
      %swap3A_29 = arith.constant 96 : index
      %swap3A_30 = tpu.vector_load %arg8[%swap3A_29] {strides = array<i32>} : memref<224xi32, #tpu.memory_space<vmem>>, vector<16xi32>,
      tpu.vector_store %arg8[%swap3A_29], %broadcast_in_dim3A_7 {strides = array<i32>} : memref<224xi32, #tpu.memory_space<vmem>>, vector<16xi32>,
      %swap3A_31 = arith.constant 112 : index
      %swap3A_32 = tpu.vector_load %arg8[%swap3A_31] {strides = array<i32>} : memref<224xi32, #tpu.memory_space<vmem>>, vector<16xi32>,
      tpu.vector_store %arg8[%swap3A_31], %broadcast_in_dim3A_7 {strides = array<i32>} : memref<224xi32, #tpu.memory_space<vmem>>, vector<16xi32>,
      %swap3A_33 = arith.constant 128 : index
      %swap3A_34 = tpu.vector_load %arg8[%swap3A_33] {strides = array<i32>} : memref<224xi32, #tpu.memory_space<vmem>>, vector<16xi32>,
      tpu.vector_store %arg8[%swap3A_33], %broadcast_in_dim3A_7 {strides = array<i32>} : memref<224xi32, #tpu.memory_space<vmem>>, vector<16xi32>,
      %swap3A_35 = arith.constant 144 : index
      %swap3A_36 = tpu.vector_load %arg8[%swap3A_35] {strides = array<i32>} : memref<224xi32, #tpu.memory_space<vmem>>, vector<16xi32>,
      tpu.vector_store %arg8[%swap3A_35], %broadcast_in_dim3A_7 {strides = array<i32>} : memref<224xi32, #tpu.memory_space<vmem>>, vector<16xi32>,
      %swap3A_37 = arith.constant 160 : index
      %swap3A_38 = tpu.vector_load %arg8[%swap3A_37] {strides = array<i32>} : memref<224xi32, #tpu.memory_space<vmem>>, vector<16xi32>,
      tpu.vector_store %arg8[%swap3A_37], %broadcast_in_dim3A_7 {strides = array<i32>} : memref<224xi32, #tpu.memory_space<vmem>>, vector<16xi32>,
      %swap3A_39 = arith.constant 176 : index
      %swap3A_40 = tpu.vector_load %arg8[%swap3A_39] {strides = array<i32>} : memref<224xi32, #tpu.memory_space<vmem>>, vector<16xi32>,
      tpu.vector_store %arg8[%swap3A_39], %broadcast_in_dim3A_7 {strides = array<i32>} : memref<224xi32, #tpu.memory_space<vmem>>, vector<16xi32>,
      %swap3A_41 = arith.constant 192 : index
      %swap3A_42 = tpu.vector_load %arg8[%swap3A_41] {strides = array<i32>} : memref<224xi32, #tpu.memory_space<vmem>>, vector<16xi32>,
      tpu.vector_store %arg8[%swap3A_41], %broadcast_in_dim3A_7 {strides = array<i32>} : memref<224xi32, #tpu.memory_space<vmem>>, vector<16xi32>,
      %swap3A_43 = arith.constant 208 : index
      %swap3A_44 = tpu.vector_load %arg8[%swap3A_43] {strides = array<i32>} : memref<224xi32, #tpu.memory_space<vmem>>, vector<16xi32>,
      tpu.vector_store %arg8[%swap3A_43], %broadcast_in_dim3A_7 {strides = array<i32>} : memref<224xi32, #tpu.memory_space<vmem>>, vector<16xi32>,
      %broadcast_in_dim3A_45 = arith.constant 0 : i32
      %broadcast_in_dim3A_46 = vector.broadcast %broadcast_in_dim3A_45 : i32 to vector<16xi32>
      %add3A_47 = arith.constant 0 : i32
      %add3A_48 = arith.addi %mul3A_17, %add3A_47 : i32
      %get3A = arith.index_cast %add3A_48 : i32 to index
      %get3A_49 = tpu.vector_load %arg6[%get3A] {strides = array<i32>} : memref<25600xi32, #tpu.memory_space<vmem>>, vector<16xi32>,
      %add3A_50 = arith.constant 0 : i32
      %add3A_51 = arith.addi %mul3A_17, %add3A_50 : i32
      %get3A_52 = arith.index_cast %add3A_51 : i32 to index
      %get3A_53 = tpu.vector_load %arg7[%get3A_52] {strides = array<i32>} : memref<25600xi32, #tpu.memory_space<vmem>>, vector<16xi32>,
      %ne3A = arith.constant 0 : i32
      %ne3A_54 = vector.broadcast %ne3A : i32 to vector<16xi32>
      %ne3A_55 = arith.cmpi ne, %get3A_53, %ne3A_54 : vector<16xi32>
      %jit3A = arith.constant 1 : i32
      %jit3A_56 = arith.constant 0 : i32
      %broadcast_in_dim3A_57 = vector.broadcast %jit3A : i32 to vector<16xi32>
      %broadcast_in_dim3A_58 = vector.broadcast %jit3A_56 : i32 to vector<16xi32>
      %select_n3A = arith.select %ne3A_55, %broadcast_in_dim3A_57, %broadcast_in_dim3A_58 : vector<16xi1>, vector<16xi32>
      %broadcast_in_dim3A_59 = arith.constant true
      %broadcast_in_dim3A_60 = vector.broadcast %broadcast_in_dim3A_59 : i1 to vector<16xi1>
      %masked_cumsum3A = tpu.scan <sum>, %select_n3A masked %broadcast_in_dim3A_60 : vector<16xi32>, vector<16xi1> -> vector<16xi32>
      %add3A_61 = arith.addi %masked_cumsum3A, %broadcast_in_dim3A_46 : vector<16xi32>
      %sub3A = arith.constant 1 : i32
      %sub3A_62 = vector.broadcast %sub3A : i32 to vector<16xi32>
      %sub3A_63 = arith.subi %add3A_61, %sub3A_62 : vector<16xi32>
      tpu.vector_store_idx %arg8[%sub3A_63], %get3A_49 masked %ne3A_55 : memref<224xi32, #tpu.memory_space<vmem>>[vector<16xi32>], vector<16xi32>, vector<16xi1>
      %all_reduce_population_count3A = tpu.all_reduce %ne3A_55 {dim = 0 : i64, kind = #tpu.reduction_kind<sum>} : vector<16xi1> -> vector<16xi32>
      %add3A_64 = arith.addi %broadcast_in_dim3A_46, %all_reduce_population_count3A : vector<16xi32>
      %add3A_65 = arith.constant 16 : i32
      %add3A_66 = arith.addi %mul3A_17, %add3A_65 : i32
      %get3A_67 = arith.index_cast %add3A_66 : i32 to index
      %get3A_68 = tpu.vector_load %arg6[%get3A_67] {strides = array<i32>} : memref<25600xi32, #tpu.memory_space<vmem>>, vector<16xi32>,
      %add3A_69 = arith.constant 16 : i32
      %add3A_70 = arith.addi %mul3A_17, %add3A_69 : i32
      %get3A_71 = arith.index_cast %add3A_70 : i32 to index
      %get3A_72 = tpu.vector_load %arg7[%get3A_71] {strides = array<i32>} : memref<25600xi32, #tpu.memory_space<vmem>>, vector<16xi32>,
      %ne3A_73 = arith.constant 0 : i32
      %ne3A_74 = vector.broadcast %ne3A_73 : i32 to vector<16xi32>
      %ne3A_75 = arith.cmpi ne, %get3A_72, %ne3A_74 : vector<16xi32>
      %jit3A_76 = arith.constant 1 : i32
      %jit3A_77 = arith.constant 0 : i32
      %broadcast_in_dim3A_78 = vector.broadcast %jit3A_76 : i32 to vector<16xi32>
      %broadcast_in_dim3A_79 = vector.broadcast %jit3A_77 : i32 to vector<16xi32>
      %select_n3A_80 = arith.select %ne3A_75, %broadcast_in_dim3A_78, %broadcast_in_dim3A_79 : vector<16xi1>, vector<16xi32>
      %broadcast_in_dim3A_81 = arith.constant true
      %broadcast_in_dim3A_82 = vector.broadcast %broadcast_in_dim3A_81 : i1 to vector<16xi1>
      %masked_cumsum3A_83 = tpu.scan <sum>, %select_n3A_80 masked %broadcast_in_dim3A_82 : vector<16xi32>, vector<16xi1> -> vector<16xi32>
      %add3A_84 = arith.addi %masked_cumsum3A_83, %add3A_64 : vector<16xi32>
      %sub3A_85 = arith.constant 1 : i32
      %sub3A_86 = vector.broadcast %sub3A_85 : i32 to vector<16xi32>
      %sub3A_87 = arith.subi %add3A_84, %sub3A_86 : vector<16xi32>
      tpu.vector_store_idx %arg8[%sub3A_87], %get3A_68 masked %ne3A_75 : memref<224xi32, #tpu.memory_space<vmem>>[vector<16xi32>], vector<16xi32>, vector<16xi1>
      %all_reduce_population_count3A_88 = tpu.all_reduce %ne3A_75 {dim = 0 : i64, kind = #tpu.reduction_kind<sum>} : vector<16xi1> -> vector<16xi32>
      %add3A_89 = arith.addi %add3A_64, %all_reduce_population_count3A_88 : vector<16xi32>
      %add3A_90 = arith.constant 32 : i32
      %add3A_91 = arith.addi %mul3A_17, %add3A_90 : i32
      %get3A_92 = arith.index_cast %add3A_91 : i32 to index
      %get3A_93 = tpu.vector_load %arg6[%get3A_92] {strides = array<i32>} : memref<25600xi32, #tpu.memory_space<vmem>>, vector<16xi32>,
      %add3A_94 = arith.constant 32 : i32
      %add3A_95 = arith.addi %mul3A_17, %add3A_94 : i32
      %get3A_96 = arith.index_cast %add3A_95 : i32 to index
      %get3A_97 = tpu.vector_load %arg7[%get3A_96] {strides = array<i32>} : memref<25600xi32, #tpu.memory_space<vmem>>, vector<16xi32>,
      %ne3A_98 = arith.constant 0 : i32
      %ne3A_99 = vector.broadcast %ne3A_98 : i32 to vector<16xi32>
      %ne3A_100 = arith.cmpi ne, %get3A_97, %ne3A_99 : vector<16xi32>
      %jit3A_101 = arith.constant 1 : i32
      %jit3A_102 = arith.constant 0 : i32
      %broadcast_in_dim3A_103 = vector.broadcast %jit3A_101 : i32 to vector<16xi32>
      %broadcast_in_dim3A_104 = vector.broadcast %jit3A_102 : i32 to vector<16xi32>
      %select_n3A_105 = arith.select %ne3A_100, %broadcast_in_dim3A_103, %broadcast_in_dim3A_104 : vector<16xi1>, vector<16xi32>
      %broadcast_in_dim3A_106 = arith.constant true
      %broadcast_in_dim3A_107 = vector.broadcast %broadcast_in_dim3A_106 : i1 to vector<16xi1>
      %masked_cumsum3A_108 = tpu.scan <sum>, %select_n3A_105 masked %broadcast_in_dim3A_107 : vector<16xi32>, vector<16xi1> -> vector<16xi32>
      %add3A_109 = arith.addi %masked_cumsum3A_108, %add3A_89 : vector<16xi32>
      %sub3A_110 = arith.constant 1 : i32
      %sub3A_111 = vector.broadcast %sub3A_110 : i32 to vector<16xi32>
      %sub3A_112 = arith.subi %add3A_109, %sub3A_111 : vector<16xi32>
      tpu.vector_store_idx %arg8[%sub3A_112], %get3A_93 masked %ne3A_100 : memref<224xi32, #tpu.memory_space<vmem>>[vector<16xi32>], vector<16xi32>, vector<16xi1>
      %all_reduce_population_count3A_113 = tpu.all_reduce %ne3A_100 {dim = 0 : i64, kind = #tpu.reduction_kind<sum>} : vector<16xi1> -> vector<16xi32>
      %add3A_114 = arith.addi %add3A_89, %all_reduce_population_count3A_113 : vector<16xi32>
      %add3A_115 = arith.constant 48 : i32
      %add3A_116 = arith.addi %mul3A_17, %add3A_115 : i32
      %get3A_117 = arith.index_cast %add3A_116 : i32 to index
      %get3A_118 = tpu.vector_load %arg6[%get3A_117] {strides = array<i32>} : memref<25600xi32, #tpu.memory_space<vmem>>, vector<16xi32>,
      %add3A_119 = arith.constant 48 : i32
      %add3A_120 = arith.addi %mul3A_17, %add3A_119 : i32
      %get3A_121 = arith.index_cast %add3A_120 : i32 to index
      %get3A_122 = tpu.vector_load %arg7[%get3A_121] {strides = array<i32>} : memref<25600xi32, #tpu.memory_space<vmem>>, vector<16xi32>,
      %ne3A_123 = arith.constant 0 : i32
      %ne3A_124 = vector.broadcast %ne3A_123 : i32 to vector<16xi32>
      %ne3A_125 = arith.cmpi ne, %get3A_122, %ne3A_124 : vector<16xi32>
      %jit3A_126 = arith.constant 1 : i32
      %jit3A_127 = arith.constant 0 : i32
      %broadcast_in_dim3A_128 = vector.broadcast %jit3A_126 : i32 to vector<16xi32>
      %broadcast_in_dim3A_129 = vector.broadcast %jit3A_127 : i32 to vector<16xi32>
      %select_n3A_130 = arith.select %ne3A_125, %broadcast_in_dim3A_128, %broadcast_in_dim3A_129 : vector<16xi1>, vector<16xi32>
      %broadcast_in_dim3A_131 = arith.constant true
      %broadcast_in_dim3A_132 = vector.broadcast %broadcast_in_dim3A_131 : i1 to vector<16xi1>
      %masked_cumsum3A_133 = tpu.scan <sum>, %select_n3A_130 masked %broadcast_in_dim3A_132 : vector<16xi32>, vector<16xi1> -> vector<16xi32>
      %add3A_134 = arith.addi %masked_cumsum3A_133, %add3A_114 : vector<16xi32>
      %sub3A_135 = arith.constant 1 : i32
      %sub3A_136 = vector.broadcast %sub3A_135 : i32 to vector<16xi32>
      %sub3A_137 = arith.subi %add3A_134, %sub3A_136 : vector<16xi32>
      tpu.vector_store_idx %arg8[%sub3A_137], %get3A_118 masked %ne3A_125 : memref<224xi32, #tpu.memory_space<vmem>>[vector<16xi32>], vector<16xi32>, vector<16xi1>
      %all_reduce_population_count3A_138 = tpu.all_reduce %ne3A_125 {dim = 0 : i64, kind = #tpu.reduction_kind<sum>} : vector<16xi1> -> vector<16xi32>
      %add3A_139 = arith.addi %add3A_114, %all_reduce_population_count3A_138 : vector<16xi32>
      %add3A_140 = arith.constant 64 : i32
      %add3A_141 = arith.addi %mul3A_17, %add3A_140 : i32
      %get3A_142 = arith.index_cast %add3A_141 : i32 to index
      %get3A_143 = tpu.vector_load %arg6[%get3A_142] {strides = array<i32>} : memref<25600xi32, #tpu.memory_space<vmem>>, vector<16xi32>,
      %add3A_144 = arith.constant 64 : i32
      %add3A_145 = arith.addi %mul3A_17, %add3A_144 : i32
      %get3A_146 = arith.index_cast %add3A_145 : i32 to index
      %get3A_147 = tpu.vector_load %arg7[%get3A_146] {strides = array<i32>} : memref<25600xi32, #tpu.memory_space<vmem>>, vector<16xi32>,
      %ne3A_148 = arith.constant 0 : i32
      %ne3A_149 = vector.broadcast %ne3A_148 : i32 to vector<16xi32>
      %ne3A_150 = arith.cmpi ne, %get3A_147, %ne3A_149 : vector<16xi32>
      %jit3A_151 = arith.constant 1 : i32
      %jit3A_152 = arith.constant 0 : i32
      %broadcast_in_dim3A_153 = vector.broadcast %jit3A_151 : i32 to vector<16xi32>
      %broadcast_in_dim3A_154 = vector.broadcast %jit3A_152 : i32 to vector<16xi32>
      %select_n3A_155 = arith.select %ne3A_150, %broadcast_in_dim3A_153, %broadcast_in_dim3A_154 : vector<16xi1>, vector<16xi32>
      %broadcast_in_dim3A_156 = arith.constant true
      %broadcast_in_dim3A_157 = vector.broadcast %broadcast_in_dim3A_156 : i1 to vector<16xi1>
      %masked_cumsum3A_158 = tpu.scan <sum>, %select_n3A_155 masked %broadcast_in_dim3A_157 : vector<16xi32>, vector<16xi1> -> vector<16xi32>
      %add3A_159 = arith.addi %masked_cumsum3A_158, %add3A_139 : vector<16xi32>
      %sub3A_160 = arith.constant 1 : i32
      %sub3A_161 = vector.broadcast %sub3A_160 : i32 to vector<16xi32>
      %sub3A_162 = arith.subi %add3A_159, %sub3A_161 : vector<16xi32>
      tpu.vector_store_idx %arg8[%sub3A_162], %get3A_143 masked %ne3A_150 : memref<224xi32, #tpu.memory_space<vmem>>[vector<16xi32>], vector<16xi32>, vector<16xi1>
      %all_reduce_population_count3A_163 = tpu.all_reduce %ne3A_150 {dim = 0 : i64, kind = #tpu.reduction_kind<sum>} : vector<16xi1> -> vector<16xi32>
      %add3A_164 = arith.addi %add3A_139, %all_reduce_population_count3A_163 : vector<16xi32>
      %add3A_165 = arith.constant 80 : i32
      %add3A_166 = arith.addi %mul3A_17, %add3A_165 : i32
      %get3A_167 = arith.index_cast %add3A_166 : i32 to index
      %get3A_168 = tpu.vector_load %arg6[%get3A_167] {strides = array<i32>} : memref<25600xi32, #tpu.memory_space<vmem>>, vector<16xi32>,
      %add3A_169 = arith.constant 80 : i32
      %add3A_170 = arith.addi %mul3A_17, %add3A_169 : i32
      %get3A_171 = arith.index_cast %add3A_170 : i32 to index
      %get3A_172 = tpu.vector_load %arg7[%get3A_171] {strides = array<i32>} : memref<25600xi32, #tpu.memory_space<vmem>>, vector<16xi32>,
      %ne3A_173 = arith.constant 0 : i32
      %ne3A_174 = vector.broadcast %ne3A_173 : i32 to vector<16xi32>
      %ne3A_175 = arith.cmpi ne, %get3A_172, %ne3A_174 : vector<16xi32>
      %jit3A_176 = arith.constant 1 : i32
      %jit3A_177 = arith.constant 0 : i32
      %broadcast_in_dim3A_178 = vector.broadcast %jit3A_176 : i32 to vector<16xi32>
      %broadcast_in_dim3A_179 = vector.broadcast %jit3A_177 : i32 to vector<16xi32>
      %select_n3A_180 = arith.select %ne3A_175, %broadcast_in_dim3A_178, %broadcast_in_dim3A_179 : vector<16xi1>, vector<16xi32>
      %broadcast_in_dim3A_181 = arith.constant true
      %broadcast_in_dim3A_182 = vector.broadcast %broadcast_in_dim3A_181 : i1 to vector<16xi1>
      %masked_cumsum3A_183 = tpu.scan <sum>, %select_n3A_180 masked %broadcast_in_dim3A_182 : vector<16xi32>, vector<16xi1> -> vector<16xi32>
      %add3A_184 = arith.addi %masked_cumsum3A_183, %add3A_164 : vector<16xi32>
      %sub3A_185 = arith.constant 1 : i32
      %sub3A_186 = vector.broadcast %sub3A_185 : i32 to vector<16xi32>
      %sub3A_187 = arith.subi %add3A_184, %sub3A_186 : vector<16xi32>
      tpu.vector_store_idx %arg8[%sub3A_187], %get3A_168 masked %ne3A_175 : memref<224xi32, #tpu.memory_space<vmem>>[vector<16xi32>], vector<16xi32>, vector<16xi1>
      %all_reduce_population_count3A_188 = tpu.all_reduce %ne3A_175 {dim = 0 : i64, kind = #tpu.reduction_kind<sum>} : vector<16xi1> -> vector<16xi32>
      %add3A_189 = arith.addi %add3A_164, %all_reduce_population_count3A_188 : vector<16xi32>
      %add3A_190 = arith.constant 96 : i32
      %add3A_191 = arith.addi %mul3A_17, %add3A_190 : i32
      %get3A_192 = arith.index_cast %add3A_191 : i32 to index
      %get3A_193 = tpu.vector_load %arg6[%get3A_192] {strides = array<i32>} : memref<25600xi32, #tpu.memory_space<vmem>>, vector<16xi32>,
      %add3A_194 = arith.constant 96 : i32
      %add3A_195 = arith.addi %mul3A_17, %add3A_194 : i32
      %get3A_196 = arith.index_cast %add3A_195 : i32 to index
      %get3A_197 = tpu.vector_load %arg7[%get3A_196] {strides = array<i32>} : memref<25600xi32, #tpu.memory_space<vmem>>, vector<16xi32>,
      %ne3A_198 = arith.constant 0 : i32
      %ne3A_199 = vector.broadcast %ne3A_198 : i32 to vector<16xi32>
      %ne3A_200 = arith.cmpi ne, %get3A_197, %ne3A_199 : vector<16xi32>
      %jit3A_201 = arith.constant 1 : i32
      %jit3A_202 = arith.constant 0 : i32
      %broadcast_in_dim3A_203 = vector.broadcast %jit3A_201 : i32 to vector<16xi32>
      %broadcast_in_dim3A_204 = vector.broadcast %jit3A_202 : i32 to vector<16xi32>
      %select_n3A_205 = arith.select %ne3A_200, %broadcast_in_dim3A_203, %broadcast_in_dim3A_204 : vector<16xi1>, vector<16xi32>
      %broadcast_in_dim3A_206 = arith.constant true
      %broadcast_in_dim3A_207 = vector.broadcast %broadcast_in_dim3A_206 : i1 to vector<16xi1>
      %masked_cumsum3A_208 = tpu.scan <sum>, %select_n3A_205 masked %broadcast_in_dim3A_207 : vector<16xi32>, vector<16xi1> -> vector<16xi32>
      %add3A_209 = arith.addi %masked_cumsum3A_208, %add3A_189 : vector<16xi32>
      %sub3A_210 = arith.constant 1 : i32
      %sub3A_211 = vector.broadcast %sub3A_210 : i32 to vector<16xi32>
      %sub3A_212 = arith.subi %add3A_209, %sub3A_211 : vector<16xi32>
      tpu.vector_store_idx %arg8[%sub3A_212], %get3A_193 masked %ne3A_200 : memref<224xi32, #tpu.memory_space<vmem>>[vector<16xi32>], vector<16xi32>, vector<16xi1>
      %all_reduce_population_count3A_213 = tpu.all_reduce %ne3A_200 {dim = 0 : i64, kind = #tpu.reduction_kind<sum>} : vector<16xi1> -> vector<16xi32>
      %add3A_214 = arith.addi %add3A_189, %all_reduce_population_count3A_213 : vector<16xi32>
      %add3A_215 = arith.constant 112 : i32
      %add3A_216 = arith.addi %mul3A_17, %add3A_215 : i32
      %get3A_217 = arith.index_cast %add3A_216 : i32 to index
      %get3A_218 = tpu.vector_load %arg6[%get3A_217] {strides = array<i32>} : memref<25600xi32, #tpu.memory_space<vmem>>, vector<16xi32>,
      %add3A_219 = arith.constant 112 : i32
      %add3A_220 = arith.addi %mul3A_17, %add3A_219 : i32
      %get3A_221 = arith.index_cast %add3A_220 : i32 to index
      %get3A_222 = tpu.vector_load %arg7[%get3A_221] {strides = array<i32>} : memref<25600xi32, #tpu.memory_space<vmem>>, vector<16xi32>,
      %ne3A_223 = arith.constant 0 : i32
      %ne3A_224 = vector.broadcast %ne3A_223 : i32 to vector<16xi32>
      %ne3A_225 = arith.cmpi ne, %get3A_222, %ne3A_224 : vector<16xi32>
      %jit3A_226 = arith.constant 1 : i32
      %jit3A_227 = arith.constant 0 : i32
      %broadcast_in_dim3A_228 = vector.broadcast %jit3A_226 : i32 to vector<16xi32>
      %broadcast_in_dim3A_229 = vector.broadcast %jit3A_227 : i32 to vector<16xi32>
      %select_n3A_230 = arith.select %ne3A_225, %broadcast_in_dim3A_228, %broadcast_in_dim3A_229 : vector<16xi1>, vector<16xi32>
      %broadcast_in_dim3A_231 = arith.constant true
      %broadcast_in_dim3A_232 = vector.broadcast %broadcast_in_dim3A_231 : i1 to vector<16xi1>
      %masked_cumsum3A_233 = tpu.scan <sum>, %select_n3A_230 masked %broadcast_in_dim3A_232 : vector<16xi32>, vector<16xi1> -> vector<16xi32>
      %add3A_234 = arith.addi %masked_cumsum3A_233, %add3A_214 : vector<16xi32>
      %sub3A_235 = arith.constant 1 : i32
      %sub3A_236 = vector.broadcast %sub3A_235 : i32 to vector<16xi32>
      %sub3A_237 = arith.subi %add3A_234, %sub3A_236 : vector<16xi32>
      tpu.vector_store_idx %arg8[%sub3A_237], %get3A_218 masked %ne3A_225 : memref<224xi32, #tpu.memory_space<vmem>>[vector<16xi32>], vector<16xi32>, vector<16xi1>
      %all_reduce_population_count3A_238 = tpu.all_reduce %ne3A_225 {dim = 0 : i64, kind = #tpu.reduction_kind<sum>} : vector<16xi1> -> vector<16xi32>
      %add3A_239 = arith.addi %add3A_214, %all_reduce_population_count3A_238 : vector<16xi32>
      %add3A_240 = arith.constant 128 : i32
      %add3A_241 = arith.addi %mul3A_17, %add3A_240 : i32
      %get3A_242 = arith.index_cast %add3A_241 : i32 to index
      %get3A_243 = tpu.vector_load %arg6[%get3A_242] {strides = array<i32>} : memref<25600xi32, #tpu.memory_space<vmem>>, vector<16xi32>,
      %add3A_244 = arith.constant 128 : i32
      %add3A_245 = arith.addi %mul3A_17, %add3A_244 : i32
      %get3A_246 = arith.index_cast %add3A_245 : i32 to index
      %get3A_247 = tpu.vector_load %arg7[%get3A_246] {strides = array<i32>} : memref<25600xi32, #tpu.memory_space<vmem>>, vector<16xi32>,
      %ne3A_248 = arith.constant 0 : i32
      %ne3A_249 = vector.broadcast %ne3A_248 : i32 to vector<16xi32>
      %ne3A_250 = arith.cmpi ne, %get3A_247, %ne3A_249 : vector<16xi32>
      %jit3A_251 = arith.constant 1 : i32
      %jit3A_252 = arith.constant 0 : i32
      %broadcast_in_dim3A_253 = vector.broadcast %jit3A_251 : i32 to vector<16xi32>
      %broadcast_in_dim3A_254 = vector.broadcast %jit3A_252 : i32 to vector<16xi32>
      %select_n3A_255 = arith.select %ne3A_250, %broadcast_in_dim3A_253, %broadcast_in_dim3A_254 : vector<16xi1>, vector<16xi32>
      %broadcast_in_dim3A_256 = arith.constant true
      %broadcast_in_dim3A_257 = vector.broadcast %broadcast_in_dim3A_256 : i1 to vector<16xi1>
      %masked_cumsum3A_258 = tpu.scan <sum>, %select_n3A_255 masked %broadcast_in_dim3A_257 : vector<16xi32>, vector<16xi1> -> vector<16xi32>
      %add3A_259 = arith.addi %masked_cumsum3A_258, %add3A_239 : vector<16xi32>
      %sub3A_260 = arith.constant 1 : i32
      %sub3A_261 = vector.broadcast %sub3A_260 : i32 to vector<16xi32>
      %sub3A_262 = arith.subi %add3A_259, %sub3A_261 : vector<16xi32>
      tpu.vector_store_idx %arg8[%sub3A_262], %get3A_243 masked %ne3A_250 : memref<224xi32, #tpu.memory_space<vmem>>[vector<16xi32>], vector<16xi32>, vector<16xi1>
      %all_reduce_population_count3A_263 = tpu.all_reduce %ne3A_250 {dim = 0 : i64, kind = #tpu.reduction_kind<sum>} : vector<16xi1> -> vector<16xi32>
      %add3A_264 = arith.addi %add3A_239, %all_reduce_population_count3A_263 : vector<16xi32>
      %add3A_265 = arith.constant 144 : i32
      %add3A_266 = arith.addi %mul3A_17, %add3A_265 : i32
      %get3A_267 = arith.index_cast %add3A_266 : i32 to index
      %get3A_268 = tpu.vector_load %arg6[%get3A_267] {strides = array<i32>} : memref<25600xi32, #tpu.memory_space<vmem>>, vector<16xi32>,
      %add3A_269 = arith.constant 144 : i32
      %add3A_270 = arith.addi %mul3A_17, %add3A_269 : i32
      %get3A_271 = arith.index_cast %add3A_270 : i32 to index
      %get3A_272 = tpu.vector_load %arg7[%get3A_271] {strides = array<i32>} : memref<25600xi32, #tpu.memory_space<vmem>>, vector<16xi32>,
      %ne3A_273 = arith.constant 0 : i32
      %ne3A_274 = vector.broadcast %ne3A_273 : i32 to vector<16xi32>
      %ne3A_275 = arith.cmpi ne, %get3A_272, %ne3A_274 : vector<16xi32>
      %jit3A_276 = arith.constant 1 : i32
      %jit3A_277 = arith.constant 0 : i32
      %broadcast_in_dim3A_278 = vector.broadcast %jit3A_276 : i32 to vector<16xi32>
      %broadcast_in_dim3A_279 = vector.broadcast %jit3A_277 : i32 to vector<16xi32>
      %select_n3A_280 = arith.select %ne3A_275, %broadcast_in_dim3A_278, %broadcast_in_dim3A_279 : vector<16xi1>, vector<16xi32>
      %broadcast_in_dim3A_281 = arith.constant true
      %broadcast_in_dim3A_282 = vector.broadcast %broadcast_in_dim3A_281 : i1 to vector<16xi1>
      %masked_cumsum3A_283 = tpu.scan <sum>, %select_n3A_280 masked %broadcast_in_dim3A_282 : vector<16xi32>, vector<16xi1> -> vector<16xi32>
      %add3A_284 = arith.addi %masked_cumsum3A_283, %add3A_264 : vector<16xi32>
      %sub3A_285 = arith.constant 1 : i32
      %sub3A_286 = vector.broadcast %sub3A_285 : i32 to vector<16xi32>
      %sub3A_287 = arith.subi %add3A_284, %sub3A_286 : vector<16xi32>
      tpu.vector_store_idx %arg8[%sub3A_287], %get3A_268 masked %ne3A_275 : memref<224xi32, #tpu.memory_space<vmem>>[vector<16xi32>], vector<16xi32>, vector<16xi1>
      %all_reduce_population_count3A_288 = tpu.all_reduce %ne3A_275 {dim = 0 : i64, kind = #tpu.reduction_kind<sum>} : vector<16xi1> -> vector<16xi32>
      %add3A_289 = arith.addi %add3A_264, %all_reduce_population_count3A_288 : vector<16xi32>
      %add3A_290 = arith.constant 160 : i32
      %add3A_291 = arith.addi %mul3A_17, %add3A_290 : i32
      %get3A_292 = arith.index_cast %add3A_291 : i32 to index
      %get3A_293 = tpu.vector_load %arg6[%get3A_292] {strides = array<i32>} : memref<25600xi32, #tpu.memory_space<vmem>>, vector<16xi32>,
      %add3A_294 = arith.constant 160 : i32
      %add3A_295 = arith.addi %mul3A_17, %add3A_294 : i32
      %get3A_296 = arith.index_cast %add3A_295 : i32 to index
      %get3A_297 = tpu.vector_load %arg7[%get3A_296] {strides = array<i32>} : memref<25600xi32, #tpu.memory_space<vmem>>, vector<16xi32>,
      %ne3A_298 = arith.constant 0 : i32
      %ne3A_299 = vector.broadcast %ne3A_298 : i32 to vector<16xi32>
      %ne3A_300 = arith.cmpi ne, %get3A_297, %ne3A_299 : vector<16xi32>
      %jit3A_301 = arith.constant 1 : i32
      %jit3A_302 = arith.constant 0 : i32
      %broadcast_in_dim3A_303 = vector.broadcast %jit3A_301 : i32 to vector<16xi32>
      %broadcast_in_dim3A_304 = vector.broadcast %jit3A_302 : i32 to vector<16xi32>
      %select_n3A_305 = arith.select %ne3A_300, %broadcast_in_dim3A_303, %broadcast_in_dim3A_304 : vector<16xi1>, vector<16xi32>
      %broadcast_in_dim3A_306 = arith.constant true
      %broadcast_in_dim3A_307 = vector.broadcast %broadcast_in_dim3A_306 : i1 to vector<16xi1>
      %masked_cumsum3A_308 = tpu.scan <sum>, %select_n3A_305 masked %broadcast_in_dim3A_307 : vector<16xi32>, vector<16xi1> -> vector<16xi32>
      %add3A_309 = arith.addi %masked_cumsum3A_308, %add3A_289 : vector<16xi32>
      %sub3A_310 = arith.constant 1 : i32
      %sub3A_311 = vector.broadcast %sub3A_310 : i32 to vector<16xi32>
      %sub3A_312 = arith.subi %add3A_309, %sub3A_311 : vector<16xi32>
      tpu.vector_store_idx %arg8[%sub3A_312], %get3A_293 masked %ne3A_300 : memref<224xi32, #tpu.memory_space<vmem>>[vector<16xi32>], vector<16xi32>, vector<16xi1>
      %all_reduce_population_count3A_313 = tpu.all_reduce %ne3A_300 {dim = 0 : i64, kind = #tpu.reduction_kind<sum>} : vector<16xi1> -> vector<16xi32>
      %add3A_314 = arith.addi %add3A_289, %all_reduce_population_count3A_313 : vector<16xi32>
      %add3A_315 = arith.constant 176 : i32
      %add3A_316 = arith.addi %mul3A_17, %add3A_315 : i32
      %get3A_317 = arith.index_cast %add3A_316 : i32 to index
      %get3A_318 = tpu.vector_load %arg6[%get3A_317] {strides = array<i32>} : memref<25600xi32, #tpu.memory_space<vmem>>, vector<16xi32>,
      %add3A_319 = arith.constant 176 : i32
      %add3A_320 = arith.addi %mul3A_17, %add3A_319 : i32
      %get3A_321 = arith.index_cast %add3A_320 : i32 to index
      %get3A_322 = tpu.vector_load %arg7[%get3A_321] {strides = array<i32>} : memref<25600xi32, #tpu.memory_space<vmem>>, vector<16xi32>,
      %ne3A_323 = arith.constant 0 : i32
      %ne3A_324 = vector.broadcast %ne3A_323 : i32 to vector<16xi32>
      %ne3A_325 = arith.cmpi ne, %get3A_322, %ne3A_324 : vector<16xi32>
      %jit3A_326 = arith.constant 1 : i32
      %jit3A_327 = arith.constant 0 : i32
      %broadcast_in_dim3A_328 = vector.broadcast %jit3A_326 : i32 to vector<16xi32>
      %broadcast_in_dim3A_329 = vector.broadcast %jit3A_327 : i32 to vector<16xi32>
      %select_n3A_330 = arith.select %ne3A_325, %broadcast_in_dim3A_328, %broadcast_in_dim3A_329 : vector<16xi1>, vector<16xi32>
      %broadcast_in_dim3A_331 = arith.constant true
      %broadcast_in_dim3A_332 = vector.broadcast %broadcast_in_dim3A_331 : i1 to vector<16xi1>
      %masked_cumsum3A_333 = tpu.scan <sum>, %select_n3A_330 masked %broadcast_in_dim3A_332 : vector<16xi32>, vector<16xi1> -> vector<16xi32>
      %add3A_334 = arith.addi %masked_cumsum3A_333, %add3A_314 : vector<16xi32>
      %sub3A_335 = arith.constant 1 : i32
      %sub3A_336 = vector.broadcast %sub3A_335 : i32 to vector<16xi32>
      %sub3A_337 = arith.subi %add3A_334, %sub3A_336 : vector<16xi32>
      tpu.vector_store_idx %arg8[%sub3A_337], %get3A_318 masked %ne3A_325 : memref<224xi32, #tpu.memory_space<vmem>>[vector<16xi32>], vector<16xi32>, vector<16xi1>
      %all_reduce_population_count3A_338 = tpu.all_reduce %ne3A_325 {dim = 0 : i64, kind = #tpu.reduction_kind<sum>} : vector<16xi1> -> vector<16xi32>
      %add3A_339 = arith.addi %add3A_314, %all_reduce_population_count3A_338 : vector<16xi32>
      %add3A_340 = arith.constant 184 : i32
      %add3A_341 = arith.addi %mul3A_17, %add3A_340 : i32
      %get3A_342 = arith.index_cast %add3A_341 : i32 to index
      %get3A_343 = tpu.vector_load %arg6[%get3A_342] {strides = array<i32>} : memref<25600xi32, #tpu.memory_space<vmem>>, vector<16xi32>,
      %add3A_344 = arith.constant 184 : i32
      %add3A_345 = arith.addi %mul3A_17, %add3A_344 : i32
      %get3A_346 = arith.index_cast %add3A_345 : i32 to index
      %get3A_347 = tpu.vector_load %arg7[%get3A_346] {strides = array<i32>} : memref<25600xi32, #tpu.memory_space<vmem>>, vector<16xi32>,
      %ge3A = arith.constant 8 : i32
      %ge3A_348 = vector.broadcast %ge3A : i32 to vector<16xi32>
      %ge3A_349 = arith.cmpi sge, %iota3A, %ge3A_348 : vector<16xi32>
      %jit3A_350 = arith.constant 0 : i32
      %broadcast_in_dim3A_351 = vector.broadcast %jit3A_350 : i32 to vector<16xi32>
      %select_n3A_352 = arith.select %ge3A_349, %get3A_347, %broadcast_in_dim3A_351 : vector<16xi1>, vector<16xi32>
      %ne3A_353 = arith.constant 0 : i32
      %ne3A_354 = vector.broadcast %ne3A_353 : i32 to vector<16xi32>
      %ne3A_355 = arith.cmpi ne, %select_n3A_352, %ne3A_354 : vector<16xi32>
      %jit3A_356 = arith.constant 1 : i32
      %jit3A_357 = arith.constant 0 : i32
      %broadcast_in_dim3A_358 = vector.broadcast %jit3A_356 : i32 to vector<16xi32>
      %broadcast_in_dim3A_359 = vector.broadcast %jit3A_357 : i32 to vector<16xi32>
      %select_n3A_360 = arith.select %ne3A_355, %broadcast_in_dim3A_358, %broadcast_in_dim3A_359 : vector<16xi1>, vector<16xi32>
      %broadcast_in_dim3A_361 = arith.constant true
      %broadcast_in_dim3A_362 = vector.broadcast %broadcast_in_dim3A_361 : i1 to vector<16xi1>
      %masked_cumsum3A_363 = tpu.scan <sum>, %select_n3A_360 masked %broadcast_in_dim3A_362 : vector<16xi32>, vector<16xi1> -> vector<16xi32>
      %add3A_364 = arith.addi %masked_cumsum3A_363, %add3A_339 : vector<16xi32>
      %sub3A_365 = arith.constant 1 : i32
      %sub3A_366 = vector.broadcast %sub3A_365 : i32 to vector<16xi32>
      %sub3A_367 = arith.subi %add3A_364, %sub3A_366 : vector<16xi32>
      tpu.vector_store_idx %arg8[%sub3A_367], %get3A_343 masked %ne3A_355 : memref<224xi32, #tpu.memory_space<vmem>>[vector<16xi32>], vector<16xi32>, vector<16xi1>
      %all_reduce_population_count3A_368 = tpu.all_reduce %ne3A_355 {dim = 0 : i64, kind = #tpu.reduction_kind<sum>} : vector<16xi1> -> vector<16xi32>
      %add3A_369 = arith.addi %add3A_339, %all_reduce_population_count3A_368 : vector<16xi32>
      %dma_start3A = arith.constant 0 : i32
      %dma_start3A_370 = tpu.memref_slice %arg8[%dma_start3A] : memref<224xi32, #tpu.memory_space<vmem>> -> memref<208xi32, #tpu.memory_space<vmem>>
      %dma_start3A_371 = arith.constant 0 : i32
      %dma_start3A_372 = arith.constant 0 : i32
      %dma_start3A_373 = tpu.memref_slice %arg4[%dma_start3A_371, %dma_start3A_372] : memref<1000000x64xf32, #tpu.memory_space<hbm>> -> memref<1000000x64xf32, #tpu.memory_space<hbm>>
      tpu.enqueue_indirect_dma source(%dma_start3A_373 : memref<1000000x64xf32, #tpu.memory_space<hbm>>) target(%arg9 : memref<208x64xf32, #tpu.memory_space<vmem>>) offsets(%dma_start3A_370 : memref<208xi32, #tpu.memory_space<vmem>>) semaphore(%arg11 : memref<!tpu.dma_semaphore, #tpu.memory_space<semaphore_mem>>)
      %dma_wait3A = arith.constant 0 : i32
      %dma_wait3A_374 = tpu.memref_slice %arg8[%dma_wait3A] : memref<224xi32, #tpu.memory_space<vmem>> -> memref<208xi32, #tpu.memory_space<vmem>>
      %dma_wait3A_375 = arith.constant 0 : i32
      %dma_wait3A_376 = arith.constant 0 : i32
      %dma_wait3A_377 = tpu.memref_slice %arg4[%dma_wait3A_375, %dma_wait3A_376] : memref<1000000x64xf32, #tpu.memory_space<hbm>> -> memref<1000000x64xf32, #tpu.memory_space<hbm>>
      tpu.wait_indirect_dma semaphore(%arg11 : memref<!tpu.dma_semaphore, #tpu.memory_space<semaphore_mem>>) src(%dma_wait3A_377 : memref<1000000x64xf32, #tpu.memory_space<hbm>>) dst(%arg9 : memref<208x64xf32, #tpu.memory_space<vmem>>)
      %swap3A_378 = arith.index_cast %scan3A_15 : i32 to index
      %swap3A_379 = arith.constant 0 : index
      %swap3A_380 = tpu.vector_load %arg10[%swap3A_378, %swap3A_379] {strides = array<i32>} : memref<128x64xf32, #tpu.memory_space<vmem>>, vector<16xf32>,
      tpu.vector_store %arg10[%swap3A_378, %swap3A_379], %broadcast_in_dim3A_9 {strides = array<i32>} : memref<128x64xf32, #tpu.memory_space<vmem>>, vector<16xf32>,
      %swap3A_381 = arith.index_cast %scan3A_15 : i32 to index
      %swap3A_382 = arith.constant 16 : index
      %swap3A_383 = tpu.vector_load %arg10[%swap3A_381, %swap3A_382] {strides = array<i32>} : memref<128x64xf32, #tpu.memory_space<vmem>>, vector<16xf32>,
      tpu.vector_store %arg10[%swap3A_381, %swap3A_382], %broadcast_in_dim3A_9 {strides = array<i32>} : memref<128x64xf32, #tpu.memory_space<vmem>>, vector<16xf32>,
      %swap3A_384 = arith.index_cast %scan3A_15 : i32 to index
      %swap3A_385 = arith.constant 32 : index
      %swap3A_386 = tpu.vector_load %arg10[%swap3A_384, %swap3A_385] {strides = array<i32>} : memref<128x64xf32, #tpu.memory_space<vmem>>, vector<16xf32>,
      tpu.vector_store %arg10[%swap3A_384, %swap3A_385], %broadcast_in_dim3A_9 {strides = array<i32>} : memref<128x64xf32, #tpu.memory_space<vmem>>, vector<16xf32>,
      %swap3A_387 = arith.index_cast %scan3A_15 : i32 to index
      %swap3A_388 = arith.constant 48 : index
      %swap3A_389 = tpu.vector_load %arg10[%swap3A_387, %swap3A_388] {strides = array<i32>} : memref<128x64xf32, #tpu.memory_space<vmem>>, vector<16xf32>,
      tpu.vector_store %arg10[%swap3A_387, %swap3A_388], %broadcast_in_dim3A_9 {strides = array<i32>} : memref<128x64xf32, #tpu.memory_space<vmem>>, vector<16xf32>,
      %get3A_390 = arith.index_cast %scan3A_15 : i32 to index
      %get3A_391 = arith.constant 0 : index
      %get3A_392 = tpu.vector_load %arg10[%get3A_390, %get3A_391] {strides = array<i32>} : memref<128x64xf32, #tpu.memory_space<vmem>>, vector<16xf32>,
      %get3A_393 = arith.constant 0 : i32
      %get3A_394 = arith.index_cast %get3A_393 : i32 to index
      %get3A_395 = arith.constant 0 : index
      %get3A_396 = tpu.vector_load %arg9[%get3A_394, %get3A_395] {strides = array<i32>} : memref<208x64xf32, #tpu.memory_space<vmem>>, vector<16xf32>,
      %add3A_397 = arith.addf %get3A_392, %get3A_396 : vector<16xf32>
      %get3A_398 = arith.constant 1 : i32
      %get3A_399 = arith.index_cast %get3A_398 : i32 to index
      %get3A_400 = arith.constant 0 : index
      %get3A_401 = tpu.vector_load %arg9[%get3A_399, %get3A_400] {strides = array<i32>} : memref<208x64xf32, #tpu.memory_space<vmem>>, vector<16xf32>,
      %add3A_402 = arith.addf %add3A_397, %get3A_401 : vector<16xf32>
      %get3A_403 = arith.constant 2 : i32
      %get3A_404 = arith.index_cast %get3A_403 : i32 to index
      %get3A_405 = arith.constant 0 : index
      %get3A_406 = tpu.vector_load %arg9[%get3A_404, %get3A_405] {strides = array<i32>} : memref<208x64xf32, #tpu.memory_space<vmem>>, vector<16xf32>,
      %add3A_407 = arith.addf %add3A_402, %get3A_406 : vector<16xf32>
      %get3A_408 = arith.constant 3 : i32
      %get3A_409 = arith.index_cast %get3A_408 : i32 to index
      %get3A_410 = arith.constant 0 : index
      %get3A_411 = tpu.vector_load %arg9[%get3A_409, %get3A_410] {strides = array<i32>} : memref<208x64xf32, #tpu.memory_space<vmem>>, vector<16xf32>,
      %add3A_412 = arith.addf %add3A_407, %get3A_411 : vector<16xf32>
      %get3A_413 = arith.constant 4 : i32
      %get3A_414 = arith.index_cast %get3A_413 : i32 to index
      %get3A_415 = arith.constant 0 : index
      %get3A_416 = tpu.vector_load %arg9[%get3A_414, %get3A_415] {strides = array<i32>} : memref<208x64xf32, #tpu.memory_space<vmem>>, vector<16xf32>,
      %add3A_417 = arith.addf %add3A_412, %get3A_416 : vector<16xf32>
      %get3A_418 = arith.constant 5 : i32
      %get3A_419 = arith.index_cast %get3A_418 : i32 to index
      %get3A_420 = arith.constant 0 : index
      %get3A_421 = tpu.vector_load %arg9[%get3A_419, %get3A_420] {strides = array<i32>} : memref<208x64xf32, #tpu.memory_space<vmem>>, vector<16xf32>,
      %add3A_422 = arith.addf %add3A_417, %get3A_421 : vector<16xf32>
      %get3A_423 = arith.constant 6 : i32
      %get3A_424 = arith.index_cast %get3A_423 : i32 to index
      %get3A_425 = arith.constant 0 : index
      %get3A_426 = tpu.vector_load %arg9[%get3A_424, %get3A_425] {strides = array<i32>} : memref<208x64xf32, #tpu.memory_space<vmem>>, vector<16xf32>,
      %add3A_427 = arith.addf %add3A_422, %get3A_426 : vector<16xf32>
      %get3A_428 = arith.constant 7 : i32
      %get3A_429 = arith.index_cast %get3A_428 : i32 to index
      %get3A_430 = arith.constant 0 : index
      %get3A_431 = tpu.vector_load %arg9[%get3A_429, %get3A_430] {strides = array<i32>} : memref<208x64xf32, #tpu.memory_space<vmem>>, vector<16xf32>,
      %add3A_432 = arith.addf %add3A_427, %get3A_431 : vector<16xf32>
      %get3A_433 = arith.constant 8 : i32
      %get3A_434 = arith.index_cast %get3A_433 : i32 to index
      %get3A_435 = arith.constant 0 : index
      %get3A_436 = tpu.vector_load %arg9[%get3A_434, %get3A_435] {strides = array<i32>} : memref<208x64xf32, #tpu.memory_space<vmem>>, vector<16xf32>,
      %add3A_437 = arith.addf %add3A_432, %get3A_436 : vector<16xf32>
      %get3A_438 = arith.constant 9 : i32
      %get3A_439 = arith.index_cast %get3A_438 : i32 to index
      %get3A_440 = arith.constant 0 : index
      %get3A_441 = tpu.vector_load %arg9[%get3A_439, %get3A_440] {strides = array<i32>} : memref<208x64xf32, #tpu.memory_space<vmem>>, vector<16xf32>,
      %add3A_442 = arith.addf %add3A_437, %get3A_441 : vector<16xf32>
      %get3A_443 = arith.constant 10 : i32
      %get3A_444 = arith.index_cast %get3A_443 : i32 to index
      %get3A_445 = arith.constant 0 : index
      %get3A_446 = tpu.vector_load %arg9[%get3A_444, %get3A_445] {strides = array<i32>} : memref<208x64xf32, #tpu.memory_space<vmem>>, vector<16xf32>,
      %add3A_447 = arith.addf %add3A_442, %get3A_446 : vector<16xf32>
      %get3A_448 = arith.constant 11 : i32
      %get3A_449 = arith.index_cast %get3A_448 : i32 to index
      %get3A_450 = arith.constant 0 : index
      %get3A_451 = tpu.vector_load %arg9[%get3A_449, %get3A_450] {strides = array<i32>} : memref<208x64xf32, #tpu.memory_space<vmem>>, vector<16xf32>,
      %add3A_452 = arith.addf %add3A_447, %get3A_451 : vector<16xf32>
      %get3A_453 = arith.constant 12 : i32
      %get3A_454 = arith.index_cast %get3A_453 : i32 to index
      %get3A_455 = arith.constant 0 : index
      %get3A_456 = tpu.vector_load %arg9[%get3A_454, %get3A_455] {strides = array<i32>} : memref<208x64xf32, #tpu.memory_space<vmem>>, vector<16xf32>,
      %add3A_457 = arith.addf %add3A_452, %get3A_456 : vector<16xf32>
      %get3A_458 = arith.constant 13 : i32
      %get3A_459 = arith.index_cast %get3A_458 : i32 to index
      %get3A_460 = arith.constant 0 : index
      %get3A_461 = tpu.vector_load %arg9[%get3A_459, %get3A_460] {strides = array<i32>} : memref<208x64xf32, #tpu.memory_space<vmem>>, vector<16xf32>,
      %add3A_462 = arith.addf %add3A_457, %get3A_461 : vector<16xf32>
      %get3A_463 = arith.constant 14 : i32
      %get3A_464 = arith.index_cast %get3A_463 : i32 to index
      %get3A_465 = arith.constant 0 : index
      %get3A_466 = tpu.vector_load %arg9[%get3A_464, %get3A_465] {strides = array<i32>} : memref<208x64xf32, #tpu.memory_space<vmem>>, vector<16xf32>,
      %add3A_467 = arith.addf %add3A_462, %get3A_466 : vector<16xf32>
      %get3A_468 = arith.constant 15 : i32
      %get3A_469 = arith.index_cast %get3A_468 : i32 to index
      %get3A_470 = arith.constant 0 : index
      %get3A_471 = tpu.vector_load %arg9[%get3A_469, %get3A_470] {strides = array<i32>} : memref<208x64xf32, #tpu.memory_space<vmem>>, vector<16xf32>,
      %add3A_472 = arith.addf %add3A_467, %get3A_471 : vector<16xf32>
      %swap3A_473 = arith.index_cast %scan3A_15 : i32 to index
      %swap3A_474 = arith.constant 0 : index
      %swap3A_475 = tpu.vector_load %arg10[%swap3A_473, %swap3A_474] {strides = array<i32>} : memref<128x64xf32, #tpu.memory_space<vmem>>, vector<16xf32>,
      tpu.vector_store %arg10[%swap3A_473, %swap3A_474], %add3A_472 {strides = array<i32>} : memref<128x64xf32, #tpu.memory_space<vmem>>, vector<16xf32>,
      %get3A_476 = arith.index_cast %scan3A_15 : i32 to index
      %get3A_477 = arith.constant 16 : index
      %get3A_478 = tpu.vector_load %arg10[%get3A_476, %get3A_477] {strides = array<i32>} : memref<128x64xf32, #tpu.memory_space<vmem>>, vector<16xf32>,
      %get3A_479 = arith.constant 0 : i32
      %get3A_480 = arith.index_cast %get3A_479 : i32 to index
      %get3A_481 = arith.constant 16 : index
      %get3A_482 = tpu.vector_load %arg9[%get3A_480, %get3A_481] {strides = array<i32>} : memref<208x64xf32, #tpu.memory_space<vmem>>, vector<16xf32>,
      %add3A_483 = arith.addf %get3A_478, %get3A_482 : vector<16xf32>
      %get3A_484 = arith.constant 1 : i32
      %get3A_485 = arith.index_cast %get3A_484 : i32 to index
      %get3A_486 = arith.constant 16 : index
      %get3A_487 = tpu.vector_load %arg9[%get3A_485, %get3A_486] {strides = array<i32>} : memref<208x64xf32, #tpu.memory_space<vmem>>, vector<16xf32>,
      %add3A_488 = arith.addf %add3A_483, %get3A_487 : vector<16xf32>
      %get3A_489 = arith.constant 2 : i32
      %get3A_490 = arith.index_cast %get3A_489 : i32 to index
      %get3A_491 = arith.constant 16 : index
      %get3A_492 = tpu.vector_load %arg9[%get3A_490, %get3A_491] {strides = array<i32>} : memref<208x64xf32, #tpu.memory_space<vmem>>, vector<16xf32>,
      %add3A_493 = arith.addf %add3A_488, %get3A_492 : vector<16xf32>
      %get3A_494 = arith.constant 3 : i32
      %get3A_495 = arith.index_cast %get3A_494 : i32 to index
      %get3A_496 = arith.constant 16 : index
      %get3A_497 = tpu.vector_load %arg9[%get3A_495, %get3A_496] {strides = array<i32>} : memref<208x64xf32, #tpu.memory_space<vmem>>, vector<16xf32>,
      %add3A_498 = arith.addf %add3A_493, %get3A_497 : vector<16xf32>
      %get3A_499 = arith.constant 4 : i32
      %get3A_500 = arith.index_cast %get3A_499 : i32 to index
      %get3A_501 = arith.constant 16 : index
      %get3A_502 = tpu.vector_load %arg9[%get3A_500, %get3A_501] {strides = array<i32>} : memref<208x64xf32, #tpu.memory_space<vmem>>, vector<16xf32>,
      %add3A_503 = arith.addf %add3A_498, %get3A_502 : vector<16xf32>
      %get3A_504 = arith.constant 5 : i32
      %get3A_505 = arith.index_cast %get3A_504 : i32 to index
      %get3A_506 = arith.constant 16 : index
      %get3A_507 = tpu.vector_load %arg9[%get3A_505, %get3A_506] {strides = array<i32>} : memref<208x64xf32, #tpu.memory_space<vmem>>, vector<16xf32>,
      %add3A_508 = arith.addf %add3A_503, %get3A_507 : vector<16xf32>
      %get3A_509 = arith.constant 6 : i32
      %get3A_510 = arith.index_cast %get3A_509 : i32 to index
      %get3A_511 = arith.constant 16 : index
      %get3A_512 = tpu.vector_load %arg9[%get3A_510, %get3A_511] {strides = array<i32>} : memref<208x64xf32, #tpu.memory_space<vmem>>, vector<16xf32>,
      %add3A_513 = arith.addf %add3A_508, %get3A_512 : vector<16xf32>
      %get3A_514 = arith.constant 7 : i32
      %get3A_515 = arith.index_cast %get3A_514 : i32 to index
      %get3A_516 = arith.constant 16 : index
      %get3A_517 = tpu.vector_load %arg9[%get3A_515, %get3A_516] {strides = array<i32>} : memref<208x64xf32, #tpu.memory_space<vmem>>, vector<16xf32>,
      %add3A_518 = arith.addf %add3A_513, %get3A_517 : vector<16xf32>
      %get3A_519 = arith.constant 8 : i32
      %get3A_520 = arith.index_cast %get3A_519 : i32 to index
      %get3A_521 = arith.constant 16 : index
      %get3A_522 = tpu.vector_load %arg9[%get3A_520, %get3A_521] {strides = array<i32>} : memref<208x64xf32, #tpu.memory_space<vmem>>, vector<16xf32>,
      %add3A_523 = arith.addf %add3A_518, %get3A_522 : vector<16xf32>
      %get3A_524 = arith.constant 9 : i32
      %get3A_525 = arith.index_cast %get3A_524 : i32 to index
      %get3A_526 = arith.constant 16 : index
      %get3A_527 = tpu.vector_load %arg9[%get3A_525, %get3A_526] {strides = array<i32>} : memref<208x64xf32, #tpu.memory_space<vmem>>, vector<16xf32>,
      %add3A_528 = arith.addf %add3A_523, %get3A_527 : vector<16xf32>
      %get3A_529 = arith.constant 10 : i32
      %get3A_530 = arith.index_cast %get3A_529 : i32 to index
      %get3A_531 = arith.constant 16 : index
      %get3A_532 = tpu.vector_load %arg9[%get3A_530, %get3A_531] {strides = array<i32>} : memref<208x64xf32, #tpu.memory_space<vmem>>, vector<16xf32>,
      %add3A_533 = arith.addf %add3A_528, %get3A_532 : vector<16xf32>
      %get3A_534 = arith.constant 11 : i32
      %get3A_535 = arith.index_cast %get3A_534 : i32 to index
      %get3A_536 = arith.constant 16 : index
      %get3A_537 = tpu.vector_load %arg9[%get3A_535, %get3A_536] {strides = array<i32>} : memref<208x64xf32, #tpu.memory_space<vmem>>, vector<16xf32>,
      %add3A_538 = arith.addf %add3A_533, %get3A_537 : vector<16xf32>
      %get3A_539 = arith.constant 12 : i32
      %get3A_540 = arith.index_cast %get3A_539 : i32 to index
      %get3A_541 = arith.constant 16 : index
      %get3A_542 = tpu.vector_load %arg9[%get3A_540, %get3A_541] {strides = array<i32>} : memref<208x64xf32, #tpu.memory_space<vmem>>, vector<16xf32>,
      %add3A_543 = arith.addf %add3A_538, %get3A_542 : vector<16xf32>
      %get3A_544 = arith.constant 13 : i32
      %get3A_545 = arith.index_cast %get3A_544 : i32 to index
      %get3A_546 = arith.constant 16 : index
      %get3A_547 = tpu.vector_load %arg9[%get3A_545, %get3A_546] {strides = array<i32>} : memref<208x64xf32, #tpu.memory_space<vmem>>, vector<16xf32>,
      %add3A_548 = arith.addf %add3A_543, %get3A_547 : vector<16xf32>
      %get3A_549 = arith.constant 14 : i32
      %get3A_550 = arith.index_cast %get3A_549 : i32 to index
      %get3A_551 = arith.constant 16 : index
      %get3A_552 = tpu.vector_load %arg9[%get3A_550, %get3A_551] {strides = array<i32>} : memref<208x64xf32, #tpu.memory_space<vmem>>, vector<16xf32>,
      %add3A_553 = arith.addf %add3A_548, %get3A_552 : vector<16xf32>
      %get3A_554 = arith.constant 15 : i32
      %get3A_555 = arith.index_cast %get3A_554 : i32 to index
      %get3A_556 = arith.constant 16 : index
      %get3A_557 = tpu.vector_load %arg9[%get3A_555, %get3A_556] {strides = array<i32>} : memref<208x64xf32, #tpu.memory_space<vmem>>, vector<16xf32>,
      %add3A_558 = arith.addf %add3A_553, %get3A_557 : vector<16xf32>
      %swap3A_559 = arith.index_cast %scan3A_15 : i32 to index
      %swap3A_560 = arith.constant 16 : index
      %swap3A_561 = tpu.vector_load %arg10[%swap3A_559, %swap3A_560] {strides = array<i32>} : memref<128x64xf32, #tpu.memory_space<vmem>>, vector<16xf32>,
      tpu.vector_store %arg10[%swap3A_559, %swap3A_560], %add3A_558 {strides = array<i32>} : memref<128x64xf32, #tpu.memory_space<vmem>>, vector<16xf32>,
      %get3A_562 = arith.index_cast %scan3A_15 : i32 to index
      %get3A_563 = arith.constant 32 : index
      %get3A_564 = tpu.vector_load %arg10[%get3A_562, %get3A_563] {strides = array<i32>} : memref<128x64xf32, #tpu.memory_space<vmem>>, vector<16xf32>,
      %get3A_565 = arith.constant 0 : i32
      %get3A_566 = arith.index_cast %get3A_565 : i32 to index
      %get3A_567 = arith.constant 32 : index
      %get3A_568 = tpu.vector_load %arg9[%get3A_566, %get3A_567] {strides = array<i32>} : memref<208x64xf32, #tpu.memory_space<vmem>>, vector<16xf32>,
      %add3A_569 = arith.addf %get3A_564, %get3A_568 : vector<16xf32>
      %get3A_570 = arith.constant 1 : i32
      %get3A_571 = arith.index_cast %get3A_570 : i32 to index
      %get3A_572 = arith.constant 32 : index
      %get3A_573 = tpu.vector_load %arg9[%get3A_571, %get3A_572] {strides = array<i32>} : memref<208x64xf32, #tpu.memory_space<vmem>>, vector<16xf32>,
      %add3A_574 = arith.addf %add3A_569, %get3A_573 : vector<16xf32>
      %get3A_575 = arith.constant 2 : i32
      %get3A_576 = arith.index_cast %get3A_575 : i32 to index
      %get3A_577 = arith.constant 32 : index
      %get3A_578 = tpu.vector_load %arg9[%get3A_576, %get3A_577] {strides = array<i32>} : memref<208x64xf32, #tpu.memory_space<vmem>>, vector<16xf32>,
      %add3A_579 = arith.addf %add3A_574, %get3A_578 : vector<16xf32>
      %get3A_580 = arith.constant 3 : i32
      %get3A_581 = arith.index_cast %get3A_580 : i32 to index
      %get3A_582 = arith.constant 32 : index
      %get3A_583 = tpu.vector_load %arg9[%get3A_581, %get3A_582] {strides = array<i32>} : memref<208x64xf32, #tpu.memory_space<vmem>>, vector<16xf32>,
      %add3A_584 = arith.addf %add3A_579, %get3A_583 : vector<16xf32>
      %get3A_585 = arith.constant 4 : i32
      %get3A_586 = arith.index_cast %get3A_585 : i32 to index
      %get3A_587 = arith.constant 32 : index
      %get3A_588 = tpu.vector_load %arg9[%get3A_586, %get3A_587] {strides = array<i32>} : memref<208x64xf32, #tpu.memory_space<vmem>>, vector<16xf32>,
      %add3A_589 = arith.addf %add3A_584, %get3A_588 : vector<16xf32>
      %get3A_590 = arith.constant 5 : i32
      %get3A_591 = arith.index_cast %get3A_590 : i32 to index
      %get3A_592 = arith.constant 32 : index
      %get3A_593 = tpu.vector_load %arg9[%get3A_591, %get3A_592] {strides = array<i32>} : memref<208x64xf32, #tpu.memory_space<vmem>>, vector<16xf32>,
      %add3A_594 = arith.addf %add3A_589, %get3A_593 : vector<16xf32>
      %get3A_595 = arith.constant 6 : i32
      %get3A_596 = arith.index_cast %get3A_595 : i32 to index
      %get3A_597 = arith.constant 32 : index
      %get3A_598 = tpu.vector_load %arg9[%get3A_596, %get3A_597] {strides = array<i32>} : memref<208x64xf32, #tpu.memory_space<vmem>>, vector<16xf32>,
      %add3A_599 = arith.addf %add3A_594, %get3A_598 : vector<16xf32>
      %get3A_600 = arith.constant 7 : i32
      %get3A_601 = arith.index_cast %get3A_600 : i32 to index
      %get3A_602 = arith.constant 32 : index
      %get3A_603 = tpu.vector_load %arg9[%get3A_601, %get3A_602] {strides = array<i32>} : memref<208x64xf32, #tpu.memory_space<vmem>>, vector<16xf32>,
      %add3A_604 = arith.addf %add3A_599, %get3A_603 : vector<16xf32>
      %get3A_605 = arith.constant 8 : i32
      %get3A_606 = arith.index_cast %get3A_605 : i32 to index
      %get3A_607 = arith.constant 32 : index
      %get3A_608 = tpu.vector_load %arg9[%get3A_606, %get3A_607] {strides = array<i32>} : memref<208x64xf32, #tpu.memory_space<vmem>>, vector<16xf32>,
      %add3A_609 = arith.addf %add3A_604, %get3A_608 : vector<16xf32>
      %get3A_610 = arith.constant 9 : i32
      %get3A_611 = arith.index_cast %get3A_610 : i32 to index
      %get3A_612 = arith.constant 32 : index
      %get3A_613 = tpu.vector_load %arg9[%get3A_611, %get3A_612] {strides = array<i32>} : memref<208x64xf32, #tpu.memory_space<vmem>>, vector<16xf32>,
      %add3A_614 = arith.addf %add3A_609, %get3A_613 : vector<16xf32>
      %get3A_615 = arith.constant 10 : i32
      %get3A_616 = arith.index_cast %get3A_615 : i32 to index
      %get3A_617 = arith.constant 32 : index
      %get3A_618 = tpu.vector_load %arg9[%get3A_616, %get3A_617] {strides = array<i32>} : memref<208x64xf32, #tpu.memory_space<vmem>>, vector<16xf32>,
      %add3A_619 = arith.addf %add3A_614, %get3A_618 : vector<16xf32>
      %get3A_620 = arith.constant 11 : i32
      %get3A_621 = arith.index_cast %get3A_620 : i32 to index
      %get3A_622 = arith.constant 32 : index
      %get3A_623 = tpu.vector_load %arg9[%get3A_621, %get3A_622] {strides = array<i32>} : memref<208x64xf32, #tpu.memory_space<vmem>>, vector<16xf32>,
      %add3A_624 = arith.addf %add3A_619, %get3A_623 : vector<16xf32>
      %get3A_625 = arith.constant 12 : i32
      %get3A_626 = arith.index_cast %get3A_625 : i32 to index
      %get3A_627 = arith.constant 32 : index
      %get3A_628 = tpu.vector_load %arg9[%get3A_626, %get3A_627] {strides = array<i32>} : memref<208x64xf32, #tpu.memory_space<vmem>>, vector<16xf32>,
      %add3A_629 = arith.addf %add3A_624, %get3A_628 : vector<16xf32>
      %get3A_630 = arith.constant 13 : i32
      %get3A_631 = arith.index_cast %get3A_630 : i32 to index
      %get3A_632 = arith.constant 32 : index
      %get3A_633 = tpu.vector_load %arg9[%get3A_631, %get3A_632] {strides = array<i32>} : memref<208x64xf32, #tpu.memory_space<vmem>>, vector<16xf32>,
      %add3A_634 = arith.addf %add3A_629, %get3A_633 : vector<16xf32>
      %get3A_635 = arith.constant 14 : i32
      %get3A_636 = arith.index_cast %get3A_635 : i32 to index
      %get3A_637 = arith.constant 32 : index
      %get3A_638 = tpu.vector_load %arg9[%get3A_636, %get3A_637] {strides = array<i32>} : memref<208x64xf32, #tpu.memory_space<vmem>>, vector<16xf32>,
      %add3A_639 = arith.addf %add3A_634, %get3A_638 : vector<16xf32>
      %get3A_640 = arith.constant 15 : i32
      %get3A_641 = arith.index_cast %get3A_640 : i32 to index
      %get3A_642 = arith.constant 32 : index
      %get3A_643 = tpu.vector_load %arg9[%get3A_641, %get3A_642] {strides = array<i32>} : memref<208x64xf32, #tpu.memory_space<vmem>>, vector<16xf32>,
      %add3A_644 = arith.addf %add3A_639, %get3A_643 : vector<16xf32>
      %swap3A_645 = arith.index_cast %scan3A_15 : i32 to index
      %swap3A_646 = arith.constant 32 : index
      %swap3A_647 = tpu.vector_load %arg10[%swap3A_645, %swap3A_646] {strides = array<i32>} : memref<128x64xf32, #tpu.memory_space<vmem>>, vector<16xf32>,
      tpu.vector_store %arg10[%swap3A_645, %swap3A_646], %add3A_644 {strides = array<i32>} : memref<128x64xf32, #tpu.memory_space<vmem>>, vector<16xf32>,
      %get3A_648 = arith.index_cast %scan3A_15 : i32 to index
      %get3A_649 = arith.constant 48 : index
      %get3A_650 = tpu.vector_load %arg10[%get3A_648, %get3A_649] {strides = array<i32>} : memref<128x64xf32, #tpu.memory_space<vmem>>, vector<16xf32>,
      %get3A_651 = arith.constant 0 : i32
      %get3A_652 = arith.index_cast %get3A_651 : i32 to index
      %get3A_653 = arith.constant 48 : index
      %get3A_654 = tpu.vector_load %arg9[%get3A_652, %get3A_653] {strides = array<i32>} : memref<208x64xf32, #tpu.memory_space<vmem>>, vector<16xf32>,
      %add3A_655 = arith.addf %get3A_650, %get3A_654 : vector<16xf32>
      %get3A_656 = arith.constant 1 : i32
      %get3A_657 = arith.index_cast %get3A_656 : i32 to index
      %get3A_658 = arith.constant 48 : index
      %get3A_659 = tpu.vector_load %arg9[%get3A_657, %get3A_658] {strides = array<i32>} : memref<208x64xf32, #tpu.memory_space<vmem>>, vector<16xf32>,
      %add3A_660 = arith.addf %add3A_655, %get3A_659 : vector<16xf32>
      %get3A_661 = arith.constant 2 : i32
      %get3A_662 = arith.index_cast %get3A_661 : i32 to index
      %get3A_663 = arith.constant 48 : index
      %get3A_664 = tpu.vector_load %arg9[%get3A_662, %get3A_663] {strides = array<i32>} : memref<208x64xf32, #tpu.memory_space<vmem>>, vector<16xf32>,
      %add3A_665 = arith.addf %add3A_660, %get3A_664 : vector<16xf32>
      %get3A_666 = arith.constant 3 : i32
      %get3A_667 = arith.index_cast %get3A_666 : i32 to index
      %get3A_668 = arith.constant 48 : index
      %get3A_669 = tpu.vector_load %arg9[%get3A_667, %get3A_668] {strides = array<i32>} : memref<208x64xf32, #tpu.memory_space<vmem>>, vector<16xf32>,
      %add3A_670 = arith.addf %add3A_665, %get3A_669 : vector<16xf32>
      %get3A_671 = arith.constant 4 : i32
      %get3A_672 = arith.index_cast %get3A_671 : i32 to index
      %get3A_673 = arith.constant 48 : index
      %get3A_674 = tpu.vector_load %arg9[%get3A_672, %get3A_673] {strides = array<i32>} : memref<208x64xf32, #tpu.memory_space<vmem>>, vector<16xf32>,
      %add3A_675 = arith.addf %add3A_670, %get3A_674 : vector<16xf32>
      %get3A_676 = arith.constant 5 : i32
      %get3A_677 = arith.index_cast %get3A_676 : i32 to index
      %get3A_678 = arith.constant 48 : index
      %get3A_679 = tpu.vector_load %arg9[%get3A_677, %get3A_678] {strides = array<i32>} : memref<208x64xf32, #tpu.memory_space<vmem>>, vector<16xf32>,
      %add3A_680 = arith.addf %add3A_675, %get3A_679 : vector<16xf32>
      %get3A_681 = arith.constant 6 : i32
      %get3A_682 = arith.index_cast %get3A_681 : i32 to index
      %get3A_683 = arith.constant 48 : index
      %get3A_684 = tpu.vector_load %arg9[%get3A_682, %get3A_683] {strides = array<i32>} : memref<208x64xf32, #tpu.memory_space<vmem>>, vector<16xf32>,
      %add3A_685 = arith.addf %add3A_680, %get3A_684 : vector<16xf32>
      %get3A_686 = arith.constant 7 : i32
      %get3A_687 = arith.index_cast %get3A_686 : i32 to index
      %get3A_688 = arith.constant 48 : index
      %get3A_689 = tpu.vector_load %arg9[%get3A_687, %get3A_688] {strides = array<i32>} : memref<208x64xf32, #tpu.memory_space<vmem>>, vector<16xf32>,
      %add3A_690 = arith.addf %add3A_685, %get3A_689 : vector<16xf32>
      %get3A_691 = arith.constant 8 : i32
      %get3A_692 = arith.index_cast %get3A_691 : i32 to index
      %get3A_693 = arith.constant 48 : index
      %get3A_694 = tpu.vector_load %arg9[%get3A_692, %get3A_693] {strides = array<i32>} : memref<208x64xf32, #tpu.memory_space<vmem>>, vector<16xf32>,
      %add3A_695 = arith.addf %add3A_690, %get3A_694 : vector<16xf32>
      %get3A_696 = arith.constant 9 : i32
      %get3A_697 = arith.index_cast %get3A_696 : i32 to index
      %get3A_698 = arith.constant 48 : index
      %get3A_699 = tpu.vector_load %arg9[%get3A_697, %get3A_698] {strides = array<i32>} : memref<208x64xf32, #tpu.memory_space<vmem>>, vector<16xf32>,
      %add3A_700 = arith.addf %add3A_695, %get3A_699 : vector<16xf32>
      %get3A_701 = arith.constant 10 : i32
      %get3A_702 = arith.index_cast %get3A_701 : i32 to index
      %get3A_703 = arith.constant 48 : index
      %get3A_704 = tpu.vector_load %arg9[%get3A_702, %get3A_703] {strides = array<i32>} : memref<208x64xf32, #tpu.memory_space<vmem>>, vector<16xf32>,
      %add3A_705 = arith.addf %add3A_700, %get3A_704 : vector<16xf32>
      %get3A_706 = arith.constant 11 : i32
      %get3A_707 = arith.index_cast %get3A_706 : i32 to index
      %get3A_708 = arith.constant 48 : index
      %get3A_709 = tpu.vector_load %arg9[%get3A_707, %get3A_708] {strides = array<i32>} : memref<208x64xf32, #tpu.memory_space<vmem>>, vector<16xf32>,
      %add3A_710 = arith.addf %add3A_705, %get3A_709 : vector<16xf32>
      %get3A_711 = arith.constant 12 : i32
      %get3A_712 = arith.index_cast %get3A_711 : i32 to index
      %get3A_713 = arith.constant 48 : index
      %get3A_714 = tpu.vector_load %arg9[%get3A_712, %get3A_713] {strides = array<i32>} : memref<208x64xf32, #tpu.memory_space<vmem>>, vector<16xf32>,
      %add3A_715 = arith.addf %add3A_710, %get3A_714 : vector<16xf32>
      %get3A_716 = arith.constant 13 : i32
      %get3A_717 = arith.index_cast %get3A_716 : i32 to index
      %get3A_718 = arith.constant 48 : index
      %get3A_719 = tpu.vector_load %arg9[%get3A_717, %get3A_718] {strides = array<i32>} : memref<208x64xf32, #tpu.memory_space<vmem>>, vector<16xf32>,
      %add3A_720 = arith.addf %add3A_715, %get3A_719 : vector<16xf32>
      %get3A_721 = arith.constant 14 : i32
      %get3A_722 = arith.index_cast %get3A_721 : i32 to index
      %get3A_723 = arith.constant 48 : index
      %get3A_724 = tpu.vector_load %arg9[%get3A_722, %get3A_723] {strides = array<i32>} : memref<208x64xf32, #tpu.memory_space<vmem>>, vector<16xf32>,
      %add3A_725 = arith.addf %add3A_720, %get3A_724 : vector<16xf32>
      %get3A_726 = arith.constant 15 : i32
      %get3A_727 = arith.index_cast %get3A_726 : i32 to index
      %get3A_728 = arith.constant 48 : index
      %get3A_729 = tpu.vector_load %arg9[%get3A_727, %get3A_728] {strides = array<i32>} : memref<208x64xf32, #tpu.memory_space<vmem>>, vector<16xf32>,
      %add3A_730 = arith.addf %add3A_725, %get3A_729 : vector<16xf32>
      %swap3A_731 = arith.index_cast %scan3A_15 : i32 to index
      %swap3A_732 = arith.constant 48 : index
      %swap3A_733 = tpu.vector_load %arg10[%swap3A_731, %swap3A_732] {strides = array<i32>} : memref<128x64xf32, #tpu.memory_space<vmem>>, vector<16xf32>,
      tpu.vector_store %arg10[%swap3A_731, %swap3A_732], %add3A_730 {strides = array<i32>} : memref<128x64xf32, #tpu.memory_space<vmem>>, vector<16xf32>,
      %get3A_734 = arith.index_cast %scan3A_15 : i32 to index
      %get3A_735 = arith.constant 0 : index
      %get3A_736 = tpu.vector_load %arg10[%get3A_734, %get3A_735] {strides = array<i32>} : memref<128x64xf32, #tpu.memory_space<vmem>>, vector<16xf32>,
      %get3A_737 = arith.constant 16 : i32
      %get3A_738 = arith.index_cast %get3A_737 : i32 to index
      %get3A_739 = arith.constant 0 : index
      %get3A_740 = tpu.vector_load %arg9[%get3A_738, %get3A_739] {strides = array<i32>} : memref<208x64xf32, #tpu.memory_space<vmem>>, vector<16xf32>,
      %add3A_741 = arith.addf %get3A_736, %get3A_740 : vector<16xf32>
      %get3A_742 = arith.constant 17 : i32
      %get3A_743 = arith.index_cast %get3A_742 : i32 to index
      %get3A_744 = arith.constant 0 : index
      %get3A_745 = tpu.vector_load %arg9[%get3A_743, %get3A_744] {strides = array<i32>} : memref<208x64xf32, #tpu.memory_space<vmem>>, vector<16xf32>,
      %add3A_746 = arith.addf %add3A_741, %get3A_745 : vector<16xf32>
      %get3A_747 = arith.constant 18 : i32
      %get3A_748 = arith.index_cast %get3A_747 : i32 to index
      %get3A_749 = arith.constant 0 : index
      %get3A_750 = tpu.vector_load %arg9[%get3A_748, %get3A_749] {strides = array<i32>} : memref<208x64xf32, #tpu.memory_space<vmem>>, vector<16xf32>,
      %add3A_751 = arith.addf %add3A_746, %get3A_750 : vector<16xf32>
      %get3A_752 = arith.constant 19 : i32
      %get3A_753 = arith.index_cast %get3A_752 : i32 to index
      %get3A_754 = arith.constant 0 : index
      %get3A_755 = tpu.vector_load %arg9[%get3A_753, %get3A_754] {strides = array<i32>} : memref<208x64xf32, #tpu.memory_space<vmem>>, vector<16xf32>,
      %add3A_756 = arith.addf %add3A_751, %get3A_755 : vector<16xf32>
      %get3A_757 = arith.constant 20 : i32
      %get3A_758 = arith.index_cast %get3A_757 : i32 to index
      %get3A_759 = arith.constant 0 : index
      %get3A_760 = tpu.vector_load %arg9[%get3A_758, %get3A_759] {strides = array<i32>} : memref<208x64xf32, #tpu.memory_space<vmem>>, vector<16xf32>,
      %add3A_761 = arith.addf %add3A_756, %get3A_760 : vector<16xf32>
      %get3A_762 = arith.constant 21 : i32
      %get3A_763 = arith.index_cast %get3A_762 : i32 to index
      %get3A_764 = arith.constant 0 : index
      %get3A_765 = tpu.vector_load %arg9[%get3A_763, %get3A_764] {strides = array<i32>} : memref<208x64xf32, #tpu.memory_space<vmem>>, vector<16xf32>,
      %add3A_766 = arith.addf %add3A_761, %get3A_765 : vector<16xf32>
      %get3A_767 = arith.constant 22 : i32
      %get3A_768 = arith.index_cast %get3A_767 : i32 to index
      %get3A_769 = arith.constant 0 : index
      %get3A_770 = tpu.vector_load %arg9[%get3A_768, %get3A_769] {strides = array<i32>} : memref<208x64xf32, #tpu.memory_space<vmem>>, vector<16xf32>,
      %add3A_771 = arith.addf %add3A_766, %get3A_770 : vector<16xf32>
      %get3A_772 = arith.constant 23 : i32
      %get3A_773 = arith.index_cast %get3A_772 : i32 to index
      %get3A_774 = arith.constant 0 : index
      %get3A_775 = tpu.vector_load %arg9[%get3A_773, %get3A_774] {strides = array<i32>} : memref<208x64xf32, #tpu.memory_space<vmem>>, vector<16xf32>,
      %add3A_776 = arith.addf %add3A_771, %get3A_775 : vector<16xf32>
      %get3A_777 = arith.constant 24 : i32
      %get3A_778 = arith.index_cast %get3A_777 : i32 to index
      %get3A_779 = arith.constant 0 : index
      %get3A_780 = tpu.vector_load %arg9[%get3A_778, %get3A_779] {strides = array<i32>} : memref<208x64xf32, #tpu.memory_space<vmem>>, vector<16xf32>,
      %add3A_781 = arith.addf %add3A_776, %get3A_780 : vector<16xf32>
      %get3A_782 = arith.constant 25 : i32
      %get3A_783 = arith.index_cast %get3A_782 : i32 to index
      %get3A_784 = arith.constant 0 : index
      %get3A_785 = tpu.vector_load %arg9[%get3A_783, %get3A_784] {strides = array<i32>} : memref<208x64xf32, #tpu.memory_space<vmem>>, vector<16xf32>,
      %add3A_786 = arith.addf %add3A_781, %get3A_785 : vector<16xf32>
      %get3A_787 = arith.constant 26 : i32
      %get3A_788 = arith.index_cast %get3A_787 : i32 to index
      %get3A_789 = arith.constant 0 : index
      %get3A_790 = tpu.vector_load %arg9[%get3A_788, %get3A_789] {strides = array<i32>} : memref<208x64xf32, #tpu.memory_space<vmem>>, vector<16xf32>,
      %add3A_791 = arith.addf %add3A_786, %get3A_790 : vector<16xf32>
      %get3A_792 = arith.constant 27 : i32
      %get3A_793 = arith.index_cast %get3A_792 : i32 to index
      %get3A_794 = arith.constant 0 : index
      %get3A_795 = tpu.vector_load %arg9[%get3A_793, %get3A_794] {strides = array<i32>} : memref<208x64xf32, #tpu.memory_space<vmem>>, vector<16xf32>,
      %add3A_796 = arith.addf %add3A_791, %get3A_795 : vector<16xf32>
      %get3A_797 = arith.constant 28 : i32
      %get3A_798 = arith.index_cast %get3A_797 : i32 to index
      %get3A_799 = arith.constant 0 : index
      %get3A_800 = tpu.vector_load %arg9[%get3A_798, %get3A_799] {strides = array<i32>} : memref<208x64xf32, #tpu.memory_space<vmem>>, vector<16xf32>,
      %add3A_801 = arith.addf %add3A_796, %get3A_800 : vector<16xf32>
      %get3A_802 = arith.constant 29 : i32
      %get3A_803 = arith.index_cast %get3A_802 : i32 to index
      %get3A_804 = arith.constant 0 : index
      %get3A_805 = tpu.vector_load %arg9[%get3A_803, %get3A_804] {strides = array<i32>} : memref<208x64xf32, #tpu.memory_space<vmem>>, vector<16xf32>,
      %add3A_806 = arith.addf %add3A_801, %get3A_805 : vector<16xf32>
      %get3A_807 = arith.constant 30 : i32
      %get3A_808 = arith.index_cast %get3A_807 : i32 to index
      %get3A_809 = arith.constant 0 : index
      %get3A_810 = tpu.vector_load %arg9[%get3A_808, %get3A_809] {strides = array<i32>} : memref<208x64xf32, #tpu.memory_space<vmem>>, vector<16xf32>,
      %add3A_811 = arith.addf %add3A_806, %get3A_810 : vector<16xf32>
      %get3A_812 = arith.constant 31 : i32
      %get3A_813 = arith.index_cast %get3A_812 : i32 to index
      %get3A_814 = arith.constant 0 : index
      %get3A_815 = tpu.vector_load %arg9[%get3A_813, %get3A_814] {strides = array<i32>} : memref<208x64xf32, #tpu.memory_space<vmem>>, vector<16xf32>,
      %add3A_816 = arith.addf %add3A_811, %get3A_815 : vector<16xf32>
      %swap3A_817 = arith.index_cast %scan3A_15 : i32 to index
      %swap3A_818 = arith.constant 0 : index
      %swap3A_819 = tpu.vector_load %arg10[%swap3A_817, %swap3A_818] {strides = array<i32>} : memref<128x64xf32, #tpu.memory_space<vmem>>, vector<16xf32>,
      tpu.vector_store %arg10[%swap3A_817, %swap3A_818], %add3A_816 {strides = array<i32>} : memref<128x64xf32, #tpu.memory_space<vmem>>, vector<16xf32>,
      %get3A_820 = arith.index_cast %scan3A_15 : i32 to index
      %get3A_821 = arith.constant 16 : index
      %get3A_822 = tpu.vector_load %arg10[%get3A_820, %get3A_821] {strides = array<i32>} : memref<128x64xf32, #tpu.memory_space<vmem>>, vector<16xf32>,
      %get3A_823 = arith.constant 16 : i32
      %get3A_824 = arith.index_cast %get3A_823 : i32 to index
      %get3A_825 = arith.constant 16 : index
      %get3A_826 = tpu.vector_load %arg9[%get3A_824, %get3A_825] {strides = array<i32>} : memref<208x64xf32, #tpu.memory_space<vmem>>, vector<16xf32>,
      %add3A_827 = arith.addf %get3A_822, %get3A_826 : vector<16xf32>
      %get3A_828 = arith.constant 17 : i32
      %get3A_829 = arith.index_cast %get3A_828 : i32 to index
      %get3A_830 = arith.constant 16 : index
      %get3A_831 = tpu.vector_load %arg9[%get3A_829, %get3A_830] {strides = array<i32>} : memref<208x64xf32, #tpu.memory_space<vmem>>, vector<16xf32>,
      %add3A_832 = arith.addf %add3A_827, %get3A_831 : vector<16xf32>
      %get3A_833 = arith.constant 18 : i32
      %get3A_834 = arith.index_cast %get3A_833 : i32 to index
      %get3A_835 = arith.constant 16 : index
      %get3A_836 = tpu.vector_load %arg9[%get3A_834, %get3A_835] {strides = array<i32>} : memref<208x64xf32, #tpu.memory_space<vmem>>, vector<16xf32>,
      %add3A_837 = arith.addf %add3A_832, %get3A_836 : vector<16xf32>
      %get3A_838 = arith.constant 19 : i32
      %get3A_839 = arith.index_cast %get3A_838 : i32 to index
      %get3A_840 = arith.constant 16 : index
      %get3A_841 = tpu.vector_load %arg9[%get3A_839, %get3A_840] {strides = array<i32>} : memref<208x64xf32, #tpu.memory_space<vmem>>, vector<16xf32>,
      %add3A_842 = arith.addf %add3A_837, %get3A_841 : vector<16xf32>
      %get3A_843 = arith.constant 20 : i32
      %get3A_844 = arith.index_cast %get3A_843 : i32 to index
      %get3A_845 = arith.constant 16 : index
      %get3A_846 = tpu.vector_load %arg9[%get3A_844, %get3A_845] {strides = array<i32>} : memref<208x64xf32, #tpu.memory_space<vmem>>, vector<16xf32>,
      %add3A_847 = arith.addf %add3A_842, %get3A_846 : vector<16xf32>
      %get3A_848 = arith.constant 21 : i32
      %get3A_849 = arith.index_cast %get3A_848 : i32 to index
      %get3A_850 = arith.constant 16 : index
      %get3A_851 = tpu.vector_load %arg9[%get3A_849, %get3A_850] {strides = array<i32>} : memref<208x64xf32, #tpu.memory_space<vmem>>, vector<16xf32>,
      %add3A_852 = arith.addf %add3A_847, %get3A_851 : vector<16xf32>
      %get3A_853 = arith.constant 22 : i32
      %get3A_854 = arith.index_cast %get3A_853 : i32 to index
      %get3A_855 = arith.constant 16 : index
      %get3A_856 = tpu.vector_load %arg9[%get3A_854, %get3A_855] {strides = array<i32>} : memref<208x64xf32, #tpu.memory_space<vmem>>, vector<16xf32>,
      %add3A_857 = arith.addf %add3A_852, %get3A_856 : vector<16xf32>
      %get3A_858 = arith.constant 23 : i32
      %get3A_859 = arith.index_cast %get3A_858 : i32 to index
      %get3A_860 = arith.constant 16 : index
      %get3A_861 = tpu.vector_load %arg9[%get3A_859, %get3A_860] {strides = array<i32>} : memref<208x64xf32, #tpu.memory_space<vmem>>, vector<16xf32>,
      %add3A_862 = arith.addf %add3A_857, %get3A_861 : vector<16xf32>
      %get3A_863 = arith.constant 24 : i32
      %get3A_864 = arith.index_cast %get3A_863 : i32 to index
      %get3A_865 = arith.constant 16 : index
      %get3A_866 = tpu.vector_load %arg9[%get3A_864, %get3A_865] {strides = array<i32>} : memref<208x64xf32, #tpu.memory_space<vmem>>, vector<16xf32>,
      %add3A_867 = arith.addf %add3A_862, %get3A_866 : vector<16xf32>
      %get3A_868 = arith.constant 25 : i32
      %get3A_869 = arith.index_cast %get3A_868 : i32 to index
      %get3A_870 = arith.constant 16 : index
      %get3A_871 = tpu.vector_load %arg9[%get3A_869, %get3A_870] {strides = array<i32>} : memref<208x64xf32, #tpu.memory_space<vmem>>, vector<16xf32>,
      %add3A_872 = arith.addf %add3A_867, %get3A_871 : vector<16xf32>
      %get3A_873 = arith.constant 26 : i32
      %get3A_874 = arith.index_cast %get3A_873 : i32 to index
      %get3A_875 = arith.constant 16 : index
      %get3A_876 = tpu.vector_load %arg9[%get3A_874, %get3A_875] {strides = array<i32>} : memref<208x64xf32, #tpu.memory_space<vmem>>, vector<16xf32>,
      %add3A_877 = arith.addf %add3A_872, %get3A_876 : vector<16xf32>
      %get3A_878 = arith.constant 27 : i32
      %get3A_879 = arith.index_cast %get3A_878 : i32 to index
      %get3A_880 = arith.constant 16 : index
      %get3A_881 = tpu.vector_load %arg9[%get3A_879, %get3A_880] {strides = array<i32>} : memref<208x64xf32, #tpu.memory_space<vmem>>, vector<16xf32>,
      %add3A_882 = arith.addf %add3A_877, %get3A_881 : vector<16xf32>
      %get3A_883 = arith.constant 28 : i32
      %get3A_884 = arith.index_cast %get3A_883 : i32 to index
      %get3A_885 = arith.constant 16 : index
      %get3A_886 = tpu.vector_load %arg9[%get3A_884, %get3A_885] {strides = array<i32>} : memref<208x64xf32, #tpu.memory_space<vmem>>, vector<16xf32>,
      %add3A_887 = arith.addf %add3A_882, %get3A_886 : vector<16xf32>
      %get3A_888 = arith.constant 29 : i32
      %get3A_889 = arith.index_cast %get3A_888 : i32 to index
      %get3A_890 = arith.constant 16 : index
      %get3A_891 = tpu.vector_load %arg9[%get3A_889, %get3A_890] {strides = array<i32>} : memref<208x64xf32, #tpu.memory_space<vmem>>, vector<16xf32>,
      %add3A_892 = arith.addf %add3A_887, %get3A_891 : vector<16xf32>
      %get3A_893 = arith.constant 30 : i32
      %get3A_894 = arith.index_cast %get3A_893 : i32 to index
      %get3A_895 = arith.constant 16 : index
      %get3A_896 = tpu.vector_load %arg9[%get3A_894, %get3A_895] {strides = array<i32>} : memref<208x64xf32, #tpu.memory_space<vmem>>, vector<16xf32>,
      %add3A_897 = arith.addf %add3A_892, %get3A_896 : vector<16xf32>
      %get3A_898 = arith.constant 31 : i32
      %get3A_899 = arith.index_cast %get3A_898 : i32 to index
      %get3A_900 = arith.constant 16 : index
      %get3A_901 = tpu.vector_load %arg9[%get3A_899, %get3A_900] {strides = array<i32>} : memref<208x64xf32, #tpu.memory_space<vmem>>, vector<16xf32>,
      %add3A_902 = arith.addf %add3A_897, %get3A_901 : vector<16xf32>
      %swap3A_903 = arith.index_cast %scan3A_15 : i32 to index
      %swap3A_904 = arith.constant 16 : index
      %swap3A_905 = tpu.vector_load %arg10[%swap3A_903, %swap3A_904] {strides = array<i32>} : memref<128x64xf32, #tpu.memory_space<vmem>>, vector<16xf32>,
      tpu.vector_store %arg10[%swap3A_903, %swap3A_904], %add3A_902 {strides = array<i32>} : memref<128x64xf32, #tpu.memory_space<vmem>>, vector<16xf32>,
      %get3A_906 = arith.index_cast %scan3A_15 : i32 to index
      %get3A_907 = arith.constant 32 : index
      %get3A_908 = tpu.vector_load %arg10[%get3A_906, %get3A_907] {strides = array<i32>} : memref<128x64xf32, #tpu.memory_space<vmem>>, vector<16xf32>,
      %get3A_909 = arith.constant 16 : i32
      %get3A_910 = arith.index_cast %get3A_909 : i32 to index
      %get3A_911 = arith.constant 32 : index
      %get3A_912 = tpu.vector_load %arg9[%get3A_910, %get3A_911] {strides = array<i32>} : memref<208x64xf32, #tpu.memory_space<vmem>>, vector<16xf32>,
      %add3A_913 = arith.addf %get3A_908, %get3A_912 : vector<16xf32>
      %get3A_914 = arith.constant 17 : i32
      %get3A_915 = arith.index_cast %get3A_914 : i32 to index
      %get3A_916 = arith.constant 32 : index
      %get3A_917 = tpu.vector_load %arg9[%get3A_915, %get3A_916] {strides = array<i32>} : memref<208x64xf32, #tpu.memory_space<vmem>>, vector<16xf32>,
      %add3A_918 = arith.addf %add3A_913, %get3A_917 : vector<16xf32>
      %get3A_919 = arith.constant 18 : i32
      %get3A_920 = arith.index_cast %get3A_919 : i32 to index
      %get3A_921 = arith.constant 32 : index
      %get3A_922 = tpu.vector_load %arg9[%get3A_920, %get3A_921] {strides = array<i32>} : memref<208x64xf32, #tpu.memory_space<vmem>>, vector<16xf32>,
      %add3A_923 = arith.addf %add3A_918, %get3A_922 : vector<16xf32>
      %get3A_924 = arith.constant 19 : i32
      %get3A_925 = arith.index_cast %get3A_924 : i32 to index
      %get3A_926 = arith.constant 32 : index
      %get3A_927 = tpu.vector_load %arg9[%get3A_925, %get3A_926] {strides = array<i32>} : memref<208x64xf32, #tpu.memory_space<vmem>>, vector<16xf32>,
      %add3A_928 = arith.addf %add3A_923, %get3A_927 : vector<16xf32>
      %get3A_929 = arith.constant 20 : i32
      %get3A_930 = arith.index_cast %get3A_929 : i32 to index
      %get3A_931 = arith.constant 32 : index
      %get3A_932 = tpu.vector_load %arg9[%get3A_930, %get3A_931] {strides = array<i32>} : memref<208x64xf32, #tpu.memory_space<vmem>>, vector<16xf32>,
      %add3A_933 = arith.addf %add3A_928, %get3A_932 : vector<16xf32>
      %get3A_934 = arith.constant 21 : i32
      %get3A_935 = arith.index_cast %get3A_934 : i32 to index
      %get3A_936 = arith.constant 32 : index
      %get3A_937 = tpu.vector_load %arg9[%get3A_935, %get3A_936] {strides = array<i32>} : memref<208x64xf32, #tpu.memory_space<vmem>>, vector<16xf32>,
      %add3A_938 = arith.addf %add3A_933, %get3A_937 : vector<16xf32>
      %get3A_939 = arith.constant 22 : i32
      %get3A_940 = arith.index_cast %get3A_939 : i32 to index
      %get3A_941 = arith.constant 32 : index
      %get3A_942 = tpu.vector_load %arg9[%get3A_940, %get3A_941] {strides = array<i32>} : memref<208x64xf32, #tpu.memory_space<vmem>>, vector<16xf32>,
      %add3A_943 = arith.addf %add3A_938, %get3A_942 : vector<16xf32>
      %get3A_944 = arith.constant 23 : i32
      %get3A_945 = arith.index_cast %get3A_944 : i32 to index
      %get3A_946 = arith.constant 32 : index
      %get3A_947 = tpu.vector_load %arg9[%get3A_945, %get3A_946] {strides = array<i32>} : memref<208x64xf32, #tpu.memory_space<vmem>>, vector<16xf32>,
      %add3A_948 = arith.addf %add3A_943, %get3A_947 : vector<16xf32>
      %get3A_949 = arith.constant 24 : i32
      %get3A_950 = arith.index_cast %get3A_949 : i32 to index
      %get3A_951 = arith.constant 32 : index
      %get3A_952 = tpu.vector_load %arg9[%get3A_950, %get3A_951] {strides = array<i32>} : memref<208x64xf32, #tpu.memory_space<vmem>>, vector<16xf32>,
      %add3A_953 = arith.addf %add3A_948, %get3A_952 : vector<16xf32>
      %get3A_954 = arith.constant 25 : i32
      %get3A_955 = arith.index_cast %get3A_954 : i32 to index
      %get3A_956 = arith.constant 32 : index
      %get3A_957 = tpu.vector_load %arg9[%get3A_955, %get3A_956] {strides = array<i32>} : memref<208x64xf32, #tpu.memory_space<vmem>>, vector<16xf32>,
      %add3A_958 = arith.addf %add3A_953, %get3A_957 : vector<16xf32>
      %get3A_959 = arith.constant 26 : i32
      %get3A_960 = arith.index_cast %get3A_959 : i32 to index
      %get3A_961 = arith.constant 32 : index
      %get3A_962 = tpu.vector_load %arg9[%get3A_960, %get3A_961] {strides = array<i32>} : memref<208x64xf32, #tpu.memory_space<vmem>>, vector<16xf32>,
      %add3A_963 = arith.addf %add3A_958, %get3A_962 : vector<16xf32>
      %get3A_964 = arith.constant 27 : i32
      %get3A_965 = arith.index_cast %get3A_964 : i32 to index
      %get3A_966 = arith.constant 32 : index
      %get3A_967 = tpu.vector_load %arg9[%get3A_965, %get3A_966] {strides = array<i32>} : memref<208x64xf32, #tpu.memory_space<vmem>>, vector<16xf32>,
      %add3A_968 = arith.addf %add3A_963, %get3A_967 : vector<16xf32>
      %get3A_969 = arith.constant 28 : i32
      %get3A_970 = arith.index_cast %get3A_969 : i32 to index
      %get3A_971 = arith.constant 32 : index
      %get3A_972 = tpu.vector_load %arg9[%get3A_970, %get3A_971] {strides = array<i32>} : memref<208x64xf32, #tpu.memory_space<vmem>>, vector<16xf32>,
      %add3A_973 = arith.addf %add3A_968, %get3A_972 : vector<16xf32>
      %get3A_974 = arith.constant 29 : i32
      %get3A_975 = arith.index_cast %get3A_974 : i32 to index
      %get3A_976 = arith.constant 32 : index
      %get3A_977 = tpu.vector_load %arg9[%get3A_975, %get3A_976] {strides = array<i32>} : memref<208x64xf32, #tpu.memory_space<vmem>>, vector<16xf32>,
      %add3A_978 = arith.addf %add3A_973, %get3A_977 : vector<16xf32>
      %get3A_979 = arith.constant 30 : i32
      %get3A_980 = arith.index_cast %get3A_979 : i32 to index
      %get3A_981 = arith.constant 32 : index
      %get3A_982 = tpu.vector_load %arg9[%get3A_980, %get3A_981] {strides = array<i32>} : memref<208x64xf32, #tpu.memory_space<vmem>>, vector<16xf32>,
      %add3A_983 = arith.addf %add3A_978, %get3A_982 : vector<16xf32>
      %get3A_984 = arith.constant 31 : i32
      %get3A_985 = arith.index_cast %get3A_984 : i32 to index
      %get3A_986 = arith.constant 32 : index
      %get3A_987 = tpu.vector_load %arg9[%get3A_985, %get3A_986] {strides = array<i32>} : memref<208x64xf32, #tpu.memory_space<vmem>>, vector<16xf32>,
      %add3A_988 = arith.addf %add3A_983, %get3A_987 : vector<16xf32>
      %swap3A_989 = arith.index_cast %scan3A_15 : i32 to index
      %swap3A_990 = arith.constant 32 : index
      %swap3A_991 = tpu.vector_load %arg10[%swap3A_989, %swap3A_990] {strides = array<i32>} : memref<128x64xf32, #tpu.memory_space<vmem>>, vector<16xf32>,
      tpu.vector_store %arg10[%swap3A_989, %swap3A_990], %add3A_988 {strides = array<i32>} : memref<128x64xf32, #tpu.memory_space<vmem>>, vector<16xf32>,
      %get3A_992 = arith.index_cast %scan3A_15 : i32 to index
      %get3A_993 = arith.constant 48 : index
      %get3A_994 = tpu.vector_load %arg10[%get3A_992, %get3A_993] {strides = array<i32>} : memref<128x64xf32, #tpu.memory_space<vmem>>, vector<16xf32>,
      %get3A_995 = arith.constant 16 : i32
      %get3A_996 = arith.index_cast %get3A_995 : i32 to index
      %get3A_997 = arith.constant 48 : index
      %get3A_998 = tpu.vector_load %arg9[%get3A_996, %get3A_997] {strides = array<i32>} : memref<208x64xf32, #tpu.memory_space<vmem>>, vector<16xf32>,
      %add3A_999 = arith.addf %get3A_994, %get3A_998 : vector<16xf32>
      %get3A_1000 = arith.constant 17 : i32
      %get3A_1001 = arith.index_cast %get3A_1000 : i32 to index
      %get3A_1002 = arith.constant 48 : index
      %get3A_1003 = tpu.vector_load %arg9[%get3A_1001, %get3A_1002] {strides = array<i32>} : memref<208x64xf32, #tpu.memory_space<vmem>>, vector<16xf32>,
      %add3A_1004 = arith.addf %add3A_999, %get3A_1003 : vector<16xf32>
      %get3A_1005 = arith.constant 18 : i32
      %get3A_1006 = arith.index_cast %get3A_1005 : i32 to index
      %get3A_1007 = arith.constant 48 : index
      %get3A_1008 = tpu.vector_load %arg9[%get3A_1006, %get3A_1007] {strides = array<i32>} : memref<208x64xf32, #tpu.memory_space<vmem>>, vector<16xf32>,
      %add3A_1009 = arith.addf %add3A_1004, %get3A_1008 : vector<16xf32>
      %get3A_1010 = arith.constant 19 : i32
      %get3A_1011 = arith.index_cast %get3A_1010 : i32 to index
      %get3A_1012 = arith.constant 48 : index
      %get3A_1013 = tpu.vector_load %arg9[%get3A_1011, %get3A_1012] {strides = array<i32>} : memref<208x64xf32, #tpu.memory_space<vmem>>, vector<16xf32>,
      %add3A_1014 = arith.addf %add3A_1009, %get3A_1013 : vector<16xf32>
      %get3A_1015 = arith.constant 20 : i32
      %get3A_1016 = arith.index_cast %get3A_1015 : i32 to index
      %get3A_1017 = arith.constant 48 : index
      %get3A_1018 = tpu.vector_load %arg9[%get3A_1016, %get3A_1017] {strides = array<i32>} : memref<208x64xf32, #tpu.memory_space<vmem>>, vector<16xf32>,
      %add3A_1019 = arith.addf %add3A_1014, %get3A_1018 : vector<16xf32>
      %get3A_1020 = arith.constant 21 : i32
      %get3A_1021 = arith.index_cast %get3A_1020 : i32 to index
      %get3A_1022 = arith.constant 48 : index
      %get3A_1023 = tpu.vector_load %arg9[%get3A_1021, %get3A_1022] {strides = array<i32>} : memref<208x64xf32, #tpu.memory_space<vmem>>, vector<16xf32>,
      %add3A_1024 = arith.addf %add3A_1019, %get3A_1023 : vector<16xf32>
      %get3A_1025 = arith.constant 22 : i32
      %get3A_1026 = arith.index_cast %get3A_1025 : i32 to index
      %get3A_1027 = arith.constant 48 : index
      %get3A_1028 = tpu.vector_load %arg9[%get3A_1026, %get3A_1027] {strides = array<i32>} : memref<208x64xf32, #tpu.memory_space<vmem>>, vector<16xf32>,
      %add3A_1029 = arith.addf %add3A_1024, %get3A_1028 : vector<16xf32>
      %get3A_1030 = arith.constant 23 : i32
      %get3A_1031 = arith.index_cast %get3A_1030 : i32 to index
      %get3A_1032 = arith.constant 48 : index
      %get3A_1033 = tpu.vector_load %arg9[%get3A_1031, %get3A_1032] {strides = array<i32>} : memref<208x64xf32, #tpu.memory_space<vmem>>, vector<16xf32>,
      %add3A_1034 = arith.addf %add3A_1029, %get3A_1033 : vector<16xf32>
      %get3A_1035 = arith.constant 24 : i32
      %get3A_1036 = arith.index_cast %get3A_1035 : i32 to index
      %get3A_1037 = arith.constant 48 : index
      %get3A_1038 = tpu.vector_load %arg9[%get3A_1036, %get3A_1037] {strides = array<i32>} : memref<208x64xf32, #tpu.memory_space<vmem>>, vector<16xf32>,
      %add3A_1039 = arith.addf %add3A_1034, %get3A_1038 : vector<16xf32>
      %get3A_1040 = arith.constant 25 : i32
      %get3A_1041 = arith.index_cast %get3A_1040 : i32 to index
      %get3A_1042 = arith.constant 48 : index
      %get3A_1043 = tpu.vector_load %arg9[%get3A_1041, %get3A_1042] {strides = array<i32>} : memref<208x64xf32, #tpu.memory_space<vmem>>, vector<16xf32>,
      %add3A_1044 = arith.addf %add3A_1039, %get3A_1043 : vector<16xf32>
      %get3A_1045 = arith.constant 26 : i32
      %get3A_1046 = arith.index_cast %get3A_1045 : i32 to index
      %get3A_1047 = arith.constant 48 : index
      %get3A_1048 = tpu.vector_load %arg9[%get3A_1046, %get3A_1047] {strides = array<i32>} : memref<208x64xf32, #tpu.memory_space<vmem>>, vector<16xf32>,
      %add3A_1049 = arith.addf %add3A_1044, %get3A_1048 : vector<16xf32>
      %get3A_1050 = arith.constant 27 : i32
      %get3A_1051 = arith.index_cast %get3A_1050 : i32 to index
      %get3A_1052 = arith.constant 48 : index
      %get3A_1053 = tpu.vector_load %arg9[%get3A_1051, %get3A_1052] {strides = array<i32>} : memref<208x64xf32, #tpu.memory_space<vmem>>, vector<16xf32>,
      %add3A_1054 = arith.addf %add3A_1049, %get3A_1053 : vector<16xf32>
      %get3A_1055 = arith.constant 28 : i32
      %get3A_1056 = arith.index_cast %get3A_1055 : i32 to index
      %get3A_1057 = arith.constant 48 : index
      %get3A_1058 = tpu.vector_load %arg9[%get3A_1056, %get3A_1057] {strides = array<i32>} : memref<208x64xf32, #tpu.memory_space<vmem>>, vector<16xf32>,
      %add3A_1059 = arith.addf %add3A_1054, %get3A_1058 : vector<16xf32>
      %get3A_1060 = arith.constant 29 : i32
      %get3A_1061 = arith.index_cast %get3A_1060 : i32 to index
      %get3A_1062 = arith.constant 48 : index
      %get3A_1063 = tpu.vector_load %arg9[%get3A_1061, %get3A_1062] {strides = array<i32>} : memref<208x64xf32, #tpu.memory_space<vmem>>, vector<16xf32>,
      %add3A_1064 = arith.addf %add3A_1059, %get3A_1063 : vector<16xf32>
      %get3A_1065 = arith.constant 30 : i32
      %get3A_1066 = arith.index_cast %get3A_1065 : i32 to index
      %get3A_1067 = arith.constant 48 : index
      %get3A_1068 = tpu.vector_load %arg9[%get3A_1066, %get3A_1067] {strides = array<i32>} : memref<208x64xf32, #tpu.memory_space<vmem>>, vector<16xf32>,
      %add3A_1069 = arith.addf %add3A_1064, %get3A_1068 : vector<16xf32>
      %get3A_1070 = arith.constant 31 : i32
      %get3A_1071 = arith.index_cast %get3A_1070 : i32 to index
      %get3A_1072 = arith.constant 48 : index
      %get3A_1073 = tpu.vector_load %arg9[%get3A_1071, %get3A_1072] {strides = array<i32>} : memref<208x64xf32, #tpu.memory_space<vmem>>, vector<16xf32>,
      %add3A_1074 = arith.addf %add3A_1069, %get3A_1073 : vector<16xf32>
      %swap3A_1075 = arith.index_cast %scan3A_15 : i32 to index
      %swap3A_1076 = arith.constant 48 : index
      %swap3A_1077 = tpu.vector_load %arg10[%swap3A_1075, %swap3A_1076] {strides = array<i32>} : memref<128x64xf32, #tpu.memory_space<vmem>>, vector<16xf32>,
      tpu.vector_store %arg10[%swap3A_1075, %swap3A_1076], %add3A_1074 {strides = array<i32>} : memref<128x64xf32, #tpu.memory_space<vmem>>, vector<16xf32>,
      %get3A_1078 = arith.index_cast %scan3A_15 : i32 to index
      %get3A_1079 = arith.constant 0 : index
      %get3A_1080 = tpu.vector_load %arg10[%get3A_1078, %get3A_1079] {strides = array<i32>} : memref<128x64xf32, #tpu.memory_space<vmem>>, vector<16xf32>,
      %get3A_1081 = arith.constant 32 : i32
      %get3A_1082 = arith.index_cast %get3A_1081 : i32 to index
      %get3A_1083 = arith.constant 0 : index
      %get3A_1084 = tpu.vector_load %arg9[%get3A_1082, %get3A_1083] {strides = array<i32>} : memref<208x64xf32, #tpu.memory_space<vmem>>, vector<16xf32>,
      %add3A_1085 = arith.addf %get3A_1080, %get3A_1084 : vector<16xf32>
      %get3A_1086 = arith.constant 33 : i32
      %get3A_1087 = arith.index_cast %get3A_1086 : i32 to index
      %get3A_1088 = arith.constant 0 : index
      %get3A_1089 = tpu.vector_load %arg9[%get3A_1087, %get3A_1088] {strides = array<i32>} : memref<208x64xf32, #tpu.memory_space<vmem>>, vector<16xf32>,
      %add3A_1090 = arith.addf %add3A_1085, %get3A_1089 : vector<16xf32>
      %get3A_1091 = arith.constant 34 : i32
      %get3A_1092 = arith.index_cast %get3A_1091 : i32 to index
      %get3A_1093 = arith.constant 0 : index
      %get3A_1094 = tpu.vector_load %arg9[%get3A_1092, %get3A_1093] {strides = array<i32>} : memref<208x64xf32, #tpu.memory_space<vmem>>, vector<16xf32>,
      %add3A_1095 = arith.addf %add3A_1090, %get3A_1094 : vector<16xf32>
      %get3A_1096 = arith.constant 35 : i32
      %get3A_1097 = arith.index_cast %get3A_1096 : i32 to index
      %get3A_1098 = arith.constant 0 : index
      %get3A_1099 = tpu.vector_load %arg9[%get3A_1097, %get3A_1098] {strides = array<i32>} : memref<208x64xf32, #tpu.memory_space<vmem>>, vector<16xf32>,
      %add3A_1100 = arith.addf %add3A_1095, %get3A_1099 : vector<16xf32>
      %get3A_1101 = arith.constant 36 : i32
      %get3A_1102 = arith.index_cast %get3A_1101 : i32 to index
      %get3A_1103 = arith.constant 0 : index
      %get3A_1104 = tpu.vector_load %arg9[%get3A_1102, %get3A_1103] {strides = array<i32>} : memref<208x64xf32, #tpu.memory_space<vmem>>, vector<16xf32>,
      %add3A_1105 = arith.addf %add3A_1100, %get3A_1104 : vector<16xf32>
      %get3A_1106 = arith.constant 37 : i32
      %get3A_1107 = arith.index_cast %get3A_1106 : i32 to index
      %get3A_1108 = arith.constant 0 : index
      %get3A_1109 = tpu.vector_load %arg9[%get3A_1107, %get3A_1108] {strides = array<i32>} : memref<208x64xf32, #tpu.memory_space<vmem>>, vector<16xf32>,
      %add3A_1110 = arith.addf %add3A_1105, %get3A_1109 : vector<16xf32>
      %get3A_1111 = arith.constant 38 : i32
      %get3A_1112 = arith.index_cast %get3A_1111 : i32 to index
      %get3A_1113 = arith.constant 0 : index
      %get3A_1114 = tpu.vector_load %arg9[%get3A_1112, %get3A_1113] {strides = array<i32>} : memref<208x64xf32, #tpu.memory_space<vmem>>, vector<16xf32>,
      %add3A_1115 = arith.addf %add3A_1110, %get3A_1114 : vector<16xf32>
      %get3A_1116 = arith.constant 39 : i32
      %get3A_1117 = arith.index_cast %get3A_1116 : i32 to index
      %get3A_1118 = arith.constant 0 : index
      %get3A_1119 = tpu.vector_load %arg9[%get3A_1117, %get3A_1118] {strides = array<i32>} : memref<208x64xf32, #tpu.memory_space<vmem>>, vector<16xf32>,
      %add3A_1120 = arith.addf %add3A_1115, %get3A_1119 : vector<16xf32>
      %get3A_1121 = arith.constant 40 : i32
      %get3A_1122 = arith.index_cast %get3A_1121 : i32 to index
      %get3A_1123 = arith.constant 0 : index
      %get3A_1124 = tpu.vector_load %arg9[%get3A_1122, %get3A_1123] {strides = array<i32>} : memref<208x64xf32, #tpu.memory_space<vmem>>, vector<16xf32>,
      %add3A_1125 = arith.addf %add3A_1120, %get3A_1124 : vector<16xf32>
      %get3A_1126 = arith.constant 41 : i32
      %get3A_1127 = arith.index_cast %get3A_1126 : i32 to index
      %get3A_1128 = arith.constant 0 : index
      %get3A_1129 = tpu.vector_load %arg9[%get3A_1127, %get3A_1128] {strides = array<i32>} : memref<208x64xf32, #tpu.memory_space<vmem>>, vector<16xf32>,
      %add3A_1130 = arith.addf %add3A_1125, %get3A_1129 : vector<16xf32>
      %get3A_1131 = arith.constant 42 : i32
      %get3A_1132 = arith.index_cast %get3A_1131 : i32 to index
      %get3A_1133 = arith.constant 0 : index
      %get3A_1134 = tpu.vector_load %arg9[%get3A_1132, %get3A_1133] {strides = array<i32>} : memref<208x64xf32, #tpu.memory_space<vmem>>, vector<16xf32>,
      %add3A_1135 = arith.addf %add3A_1130, %get3A_1134 : vector<16xf32>
      %get3A_1136 = arith.constant 43 : i32
      %get3A_1137 = arith.index_cast %get3A_1136 : i32 to index
      %get3A_1138 = arith.constant 0 : index
      %get3A_1139 = tpu.vector_load %arg9[%get3A_1137, %get3A_1138] {strides = array<i32>} : memref<208x64xf32, #tpu.memory_space<vmem>>, vector<16xf32>,
      %add3A_1140 = arith.addf %add3A_1135, %get3A_1139 : vector<16xf32>
      %get3A_1141 = arith.constant 44 : i32
      %get3A_1142 = arith.index_cast %get3A_1141 : i32 to index
      %get3A_1143 = arith.constant 0 : index
      %get3A_1144 = tpu.vector_load %arg9[%get3A_1142, %get3A_1143] {strides = array<i32>} : memref<208x64xf32, #tpu.memory_space<vmem>>, vector<16xf32>,
      %add3A_1145 = arith.addf %add3A_1140, %get3A_1144 : vector<16xf32>
      %get3A_1146 = arith.constant 45 : i32
      %get3A_1147 = arith.index_cast %get3A_1146 : i32 to index
      %get3A_1148 = arith.constant 0 : index
      %get3A_1149 = tpu.vector_load %arg9[%get3A_1147, %get3A_1148] {strides = array<i32>} : memref<208x64xf32, #tpu.memory_space<vmem>>, vector<16xf32>,
      %add3A_1150 = arith.addf %add3A_1145, %get3A_1149 : vector<16xf32>
      %get3A_1151 = arith.constant 46 : i32
      %get3A_1152 = arith.index_cast %get3A_1151 : i32 to index
      %get3A_1153 = arith.constant 0 : index
      %get3A_1154 = tpu.vector_load %arg9[%get3A_1152, %get3A_1153] {strides = array<i32>} : memref<208x64xf32, #tpu.memory_space<vmem>>, vector<16xf32>,
      %add3A_1155 = arith.addf %add3A_1150, %get3A_1154 : vector<16xf32>
      %get3A_1156 = arith.constant 47 : i32
      %get3A_1157 = arith.index_cast %get3A_1156 : i32 to index
      %get3A_1158 = arith.constant 0 : index
      %get3A_1159 = tpu.vector_load %arg9[%get3A_1157, %get3A_1158] {strides = array<i32>} : memref<208x64xf32, #tpu.memory_space<vmem>>, vector<16xf32>,
      %add3A_1160 = arith.addf %add3A_1155, %get3A_1159 : vector<16xf32>
      %swap3A_1161 = arith.index_cast %scan3A_15 : i32 to index
      %swap3A_1162 = arith.constant 0 : index
      %swap3A_1163 = tpu.vector_load %arg10[%swap3A_1161, %swap3A_1162] {strides = array<i32>} : memref<128x64xf32, #tpu.memory_space<vmem>>, vector<16xf32>,
      tpu.vector_store %arg10[%swap3A_1161, %swap3A_1162], %add3A_1160 {strides = array<i32>} : memref<128x64xf32, #tpu.memory_space<vmem>>, vector<16xf32>,
      %get3A_1164 = arith.index_cast %scan3A_15 : i32 to index
      %get3A_1165 = arith.constant 16 : index
      %get3A_1166 = tpu.vector_load %arg10[%get3A_1164, %get3A_1165] {strides = array<i32>} : memref<128x64xf32, #tpu.memory_space<vmem>>, vector<16xf32>,
      %get3A_1167 = arith.constant 32 : i32
      %get3A_1168 = arith.index_cast %get3A_1167 : i32 to index
      %get3A_1169 = arith.constant 16 : index
      %get3A_1170 = tpu.vector_load %arg9[%get3A_1168, %get3A_1169] {strides = array<i32>} : memref<208x64xf32, #tpu.memory_space<vmem>>, vector<16xf32>,
      %add3A_1171 = arith.addf %get3A_1166, %get3A_1170 : vector<16xf32>
      %get3A_1172 = arith.constant 33 : i32
      %get3A_1173 = arith.index_cast %get3A_1172 : i32 to index
      %get3A_1174 = arith.constant 16 : index
      %get3A_1175 = tpu.vector_load %arg9[%get3A_1173, %get3A_1174] {strides = array<i32>} : memref<208x64xf32, #tpu.memory_space<vmem>>, vector<16xf32>,
      %add3A_1176 = arith.addf %add3A_1171, %get3A_1175 : vector<16xf32>
      %get3A_1177 = arith.constant 34 : i32
      %get3A_1178 = arith.index_cast %get3A_1177 : i32 to index
      %get3A_1179 = arith.constant 16 : index
      %get3A_1180 = tpu.vector_load %arg9[%get3A_1178, %get3A_1179] {strides = array<i32>} : memref<208x64xf32, #tpu.memory_space<vmem>>, vector<16xf32>,
      %add3A_1181 = arith.addf %add3A_1176, %get3A_1180 : vector<16xf32>
      %get3A_1182 = arith.constant 35 : i32
      %get3A_1183 = arith.index_cast %get3A_1182 : i32 to index
      %get3A_1184 = arith.constant 16 : index
      %get3A_1185 = tpu.vector_load %arg9[%get3A_1183, %get3A_1184] {strides = array<i32>} : memref<208x64xf32, #tpu.memory_space<vmem>>, vector<16xf32>,
      %add3A_1186 = arith.addf %add3A_1181, %get3A_1185 : vector<16xf32>
      %get3A_1187 = arith.constant 36 : i32
      %get3A_1188 = arith.index_cast %get3A_1187 : i32 to index
      %get3A_1189 = arith.constant 16 : index
      %get3A_1190 = tpu.vector_load %arg9[%get3A_1188, %get3A_1189] {strides = array<i32>} : memref<208x64xf32, #tpu.memory_space<vmem>>, vector<16xf32>,
      %add3A_1191 = arith.addf %add3A_1186, %get3A_1190 : vector<16xf32>
      %get3A_1192 = arith.constant 37 : i32
      %get3A_1193 = arith.index_cast %get3A_1192 : i32 to index
      %get3A_1194 = arith.constant 16 : index
      %get3A_1195 = tpu.vector_load %arg9[%get3A_1193, %get3A_1194] {strides = array<i32>} : memref<208x64xf32, #tpu.memory_space<vmem>>, vector<16xf32>,
      %add3A_1196 = arith.addf %add3A_1191, %get3A_1195 : vector<16xf32>
      %get3A_1197 = arith.constant 38 : i32
      %get3A_1198 = arith.index_cast %get3A_1197 : i32 to index
      %get3A_1199 = arith.constant 16 : index
      %get3A_1200 = tpu.vector_load %arg9[%get3A_1198, %get3A_1199] {strides = array<i32>} : memref<208x64xf32, #tpu.memory_space<vmem>>, vector<16xf32>,
      %add3A_1201 = arith.addf %add3A_1196, %get3A_1200 : vector<16xf32>
      %get3A_1202 = arith.constant 39 : i32
      %get3A_1203 = arith.index_cast %get3A_1202 : i32 to index
      %get3A_1204 = arith.constant 16 : index
      %get3A_1205 = tpu.vector_load %arg9[%get3A_1203, %get3A_1204] {strides = array<i32>} : memref<208x64xf32, #tpu.memory_space<vmem>>, vector<16xf32>,
      %add3A_1206 = arith.addf %add3A_1201, %get3A_1205 : vector<16xf32>
      %get3A_1207 = arith.constant 40 : i32
      %get3A_1208 = arith.index_cast %get3A_1207 : i32 to index
      %get3A_1209 = arith.constant 16 : index
      %get3A_1210 = tpu.vector_load %arg9[%get3A_1208, %get3A_1209] {strides = array<i32>} : memref<208x64xf32, #tpu.memory_space<vmem>>, vector<16xf32>,
      %add3A_1211 = arith.addf %add3A_1206, %get3A_1210 : vector<16xf32>
      %get3A_1212 = arith.constant 41 : i32
      %get3A_1213 = arith.index_cast %get3A_1212 : i32 to index
      %get3A_1214 = arith.constant 16 : index
      %get3A_1215 = tpu.vector_load %arg9[%get3A_1213, %get3A_1214] {strides = array<i32>} : memref<208x64xf32, #tpu.memory_space<vmem>>, vector<16xf32>,
      %add3A_1216 = arith.addf %add3A_1211, %get3A_1215 : vector<16xf32>
      %get3A_1217 = arith.constant 42 : i32
      %get3A_1218 = arith.index_cast %get3A_1217 : i32 to index
      %get3A_1219 = arith.constant 16 : index
      %get3A_1220 = tpu.vector_load %arg9[%get3A_1218, %get3A_1219] {strides = array<i32>} : memref<208x64xf32, #tpu.memory_space<vmem>>, vector<16xf32>,
      %add3A_1221 = arith.addf %add3A_1216, %get3A_1220 : vector<16xf32>
      %get3A_1222 = arith.constant 43 : i32
      %get3A_1223 = arith.index_cast %get3A_1222 : i32 to index
      %get3A_1224 = arith.constant 16 : index
      %get3A_1225 = tpu.vector_load %arg9[%get3A_1223, %get3A_1224] {strides = array<i32>} : memref<208x64xf32, #tpu.memory_space<vmem>>, vector<16xf32>,
      %add3A_1226 = arith.addf %add3A_1221, %get3A_1225 : vector<16xf32>
      %get3A_1227 = arith.constant 44 : i32
      %get3A_1228 = arith.index_cast %get3A_1227 : i32 to index
      %get3A_1229 = arith.constant 16 : index
      %get3A_1230 = tpu.vector_load %arg9[%get3A_1228, %get3A_1229] {strides = array<i32>} : memref<208x64xf32, #tpu.memory_space<vmem>>, vector<16xf32>,
      %add3A_1231 = arith.addf %add3A_1226, %get3A_1230 : vector<16xf32>
      %get3A_1232 = arith.constant 45 : i32
      %get3A_1233 = arith.index_cast %get3A_1232 : i32 to index
      %get3A_1234 = arith.constant 16 : index
      %get3A_1235 = tpu.vector_load %arg9[%get3A_1233, %get3A_1234] {strides = array<i32>} : memref<208x64xf32, #tpu.memory_space<vmem>>, vector<16xf32>,
      %add3A_1236 = arith.addf %add3A_1231, %get3A_1235 : vector<16xf32>
      %get3A_1237 = arith.constant 46 : i32
      %get3A_1238 = arith.index_cast %get3A_1237 : i32 to index
      %get3A_1239 = arith.constant 16 : index
      %get3A_1240 = tpu.vector_load %arg9[%get3A_1238, %get3A_1239] {strides = array<i32>} : memref<208x64xf32, #tpu.memory_space<vmem>>, vector<16xf32>,
      %add3A_1241 = arith.addf %add3A_1236, %get3A_1240 : vector<16xf32>
      %get3A_1242 = arith.constant 47 : i32
      %get3A_1243 = arith.index_cast %get3A_1242 : i32 to index
      %get3A_1244 = arith.constant 16 : index
      %get3A_1245 = tpu.vector_load %arg9[%get3A_1243, %get3A_1244] {strides = array<i32>} : memref<208x64xf32, #tpu.memory_space<vmem>>, vector<16xf32>,
      %add3A_1246 = arith.addf %add3A_1241, %get3A_1245 : vector<16xf32>
      %swap3A_1247 = arith.index_cast %scan3A_15 : i32 to index
      %swap3A_1248 = arith.constant 16 : index
      %swap3A_1249 = tpu.vector_load %arg10[%swap3A_1247, %swap3A_1248] {strides = array<i32>} : memref<128x64xf32, #tpu.memory_space<vmem>>, vector<16xf32>,
      tpu.vector_store %arg10[%swap3A_1247, %swap3A_1248], %add3A_1246 {strides = array<i32>} : memref<128x64xf32, #tpu.memory_space<vmem>>, vector<16xf32>,
      %get3A_1250 = arith.index_cast %scan3A_15 : i32 to index
      %get3A_1251 = arith.constant 32 : index
      %get3A_1252 = tpu.vector_load %arg10[%get3A_1250, %get3A_1251] {strides = array<i32>} : memref<128x64xf32, #tpu.memory_space<vmem>>, vector<16xf32>,
      %get3A_1253 = arith.constant 32 : i32
      %get3A_1254 = arith.index_cast %get3A_1253 : i32 to index
      %get3A_1255 = arith.constant 32 : index
      %get3A_1256 = tpu.vector_load %arg9[%get3A_1254, %get3A_1255] {strides = array<i32>} : memref<208x64xf32, #tpu.memory_space<vmem>>, vector<16xf32>,
      %add3A_1257 = arith.addf %get3A_1252, %get3A_1256 : vector<16xf32>
      %get3A_1258 = arith.constant 33 : i32
      %get3A_1259 = arith.index_cast %get3A_1258 : i32 to index
      %get3A_1260 = arith.constant 32 : index
      %get3A_1261 = tpu.vector_load %arg9[%get3A_1259, %get3A_1260] {strides = array<i32>} : memref<208x64xf32, #tpu.memory_space<vmem>>, vector<16xf32>,
      %add3A_1262 = arith.addf %add3A_1257, %get3A_1261 : vector<16xf32>
      %get3A_1263 = arith.constant 34 : i32
      %get3A_1264 = arith.index_cast %get3A_1263 : i32 to index
      %get3A_1265 = arith.constant 32 : index
      %get3A_1266 = tpu.vector_load %arg9[%get3A_1264, %get3A_1265] {strides = array<i32>} : memref<208x64xf32, #tpu.memory_space<vmem>>, vector<16xf32>,
      %add3A_1267 = arith.addf %add3A_1262, %get3A_1266 : vector<16xf32>
      %get3A_1268 = arith.constant 35 : i32
      %get3A_1269 = arith.index_cast %get3A_1268 : i32 to index
      %get3A_1270 = arith.constant 32 : index
      %get3A_1271 = tpu.vector_load %arg9[%get3A_1269, %get3A_1270] {strides = array<i32>} : memref<208x64xf32, #tpu.memory_space<vmem>>, vector<16xf32>,
      %add3A_1272 = arith.addf %add3A_1267, %get3A_1271 : vector<16xf32>
      %get3A_1273 = arith.constant 36 : i32
      %get3A_1274 = arith.index_cast %get3A_1273 : i32 to index
      %get3A_1275 = arith.constant 32 : index
      %get3A_1276 = tpu.vector_load %arg9[%get3A_1274, %get3A_1275] {strides = array<i32>} : memref<208x64xf32, #tpu.memory_space<vmem>>, vector<16xf32>,
      %add3A_1277 = arith.addf %add3A_1272, %get3A_1276 : vector<16xf32>
      %get3A_1278 = arith.constant 37 : i32
      %get3A_1279 = arith.index_cast %get3A_1278 : i32 to index
      %get3A_1280 = arith.constant 32 : index
      %get3A_1281 = tpu.vector_load %arg9[%get3A_1279, %get3A_1280] {strides = array<i32>} : memref<208x64xf32, #tpu.memory_space<vmem>>, vector<16xf32>,
      %add3A_1282 = arith.addf %add3A_1277, %get3A_1281 : vector<16xf32>
      %get3A_1283 = arith.constant 38 : i32
      %get3A_1284 = arith.index_cast %get3A_1283 : i32 to index
      %get3A_1285 = arith.constant 32 : index
      %get3A_1286 = tpu.vector_load %arg9[%get3A_1284, %get3A_1285] {strides = array<i32>} : memref<208x64xf32, #tpu.memory_space<vmem>>, vector<16xf32>,
      %add3A_1287 = arith.addf %add3A_1282, %get3A_1286 : vector<16xf32>
      %get3A_1288 = arith.constant 39 : i32
      %get3A_1289 = arith.index_cast %get3A_1288 : i32 to index
      %get3A_1290 = arith.constant 32 : index
      %get3A_1291 = tpu.vector_load %arg9[%get3A_1289, %get3A_1290] {strides = array<i32>} : memref<208x64xf32, #tpu.memory_space<vmem>>, vector<16xf32>,
      %add3A_1292 = arith.addf %add3A_1287, %get3A_1291 : vector<16xf32>
      %get3A_1293 = arith.constant 40 : i32
      %get3A_1294 = arith.index_cast %get3A_1293 : i32 to index
      %get3A_1295 = arith.constant 32 : index
      %get3A_1296 = tpu.vector_load %arg9[%get3A_1294, %get3A_1295] {strides = array<i32>} : memref<208x64xf32, #tpu.memory_space<vmem>>, vector<16xf32>,
      %add3A_1297 = arith.addf %add3A_1292, %get3A_1296 : vector<16xf32>
      %get3A_1298 = arith.constant 41 : i32
      %get3A_1299 = arith.index_cast %get3A_1298 : i32 to index
      %get3A_1300 = arith.constant 32 : index
      %get3A_1301 = tpu.vector_load %arg9[%get3A_1299, %get3A_1300] {strides = array<i32>} : memref<208x64xf32, #tpu.memory_space<vmem>>, vector<16xf32>,
      %add3A_1302 = arith.addf %add3A_1297, %get3A_1301 : vector<16xf32>
      %get3A_1303 = arith.constant 42 : i32
      %get3A_1304 = arith.index_cast %get3A_1303 : i32 to index
      %get3A_1305 = arith.constant 32 : index
      %get3A_1306 = tpu.vector_load %arg9[%get3A_1304, %get3A_1305] {strides = array<i32>} : memref<208x64xf32, #tpu.memory_space<vmem>>, vector<16xf32>,
      %add3A_1307 = arith.addf %add3A_1302, %get3A_1306 : vector<16xf32>
      %get3A_1308 = arith.constant 43 : i32
      %get3A_1309 = arith.index_cast %get3A_1308 : i32 to index
      %get3A_1310 = arith.constant 32 : index
      %get3A_1311 = tpu.vector_load %arg9[%get3A_1309, %get3A_1310] {strides = array<i32>} : memref<208x64xf32, #tpu.memory_space<vmem>>, vector<16xf32>,
      %add3A_1312 = arith.addf %add3A_1307, %get3A_1311 : vector<16xf32>
      %get3A_1313 = arith.constant 44 : i32
      %get3A_1314 = arith.index_cast %get3A_1313 : i32 to index
      %get3A_1315 = arith.constant 32 : index
      %get3A_1316 = tpu.vector_load %arg9[%get3A_1314, %get3A_1315] {strides = array<i32>} : memref<208x64xf32, #tpu.memory_space<vmem>>, vector<16xf32>,
      %add3A_1317 = arith.addf %add3A_1312, %get3A_1316 : vector<16xf32>
      %get3A_1318 = arith.constant 45 : i32
      %get3A_1319 = arith.index_cast %get3A_1318 : i32 to index
      %get3A_1320 = arith.constant 32 : index
      %get3A_1321 = tpu.vector_load %arg9[%get3A_1319, %get3A_1320] {strides = array<i32>} : memref<208x64xf32, #tpu.memory_space<vmem>>, vector<16xf32>,
      %add3A_1322 = arith.addf %add3A_1317, %get3A_1321 : vector<16xf32>
      %get3A_1323 = arith.constant 46 : i32
      %get3A_1324 = arith.index_cast %get3A_1323 : i32 to index
      %get3A_1325 = arith.constant 32 : index
      %get3A_1326 = tpu.vector_load %arg9[%get3A_1324, %get3A_1325] {strides = array<i32>} : memref<208x64xf32, #tpu.memory_space<vmem>>, vector<16xf32>,
      %add3A_1327 = arith.addf %add3A_1322, %get3A_1326 : vector<16xf32>
      %get3A_1328 = arith.constant 47 : i32
      %get3A_1329 = arith.index_cast %get3A_1328 : i32 to index
      %get3A_1330 = arith.constant 32 : index
      %get3A_1331 = tpu.vector_load %arg9[%get3A_1329, %get3A_1330] {strides = array<i32>} : memref<208x64xf32, #tpu.memory_space<vmem>>, vector<16xf32>,
      %add3A_1332 = arith.addf %add3A_1327, %get3A_1331 : vector<16xf32>
      %swap3A_1333 = arith.index_cast %scan3A_15 : i32 to index
      %swap3A_1334 = arith.constant 32 : index
      %swap3A_1335 = tpu.vector_load %arg10[%swap3A_1333, %swap3A_1334] {strides = array<i32>} : memref<128x64xf32, #tpu.memory_space<vmem>>, vector<16xf32>,
      tpu.vector_store %arg10[%swap3A_1333, %swap3A_1334], %add3A_1332 {strides = array<i32>} : memref<128x64xf32, #tpu.memory_space<vmem>>, vector<16xf32>,
      %get3A_1336 = arith.index_cast %scan3A_15 : i32 to index
      %get3A_1337 = arith.constant 48 : index
      %get3A_1338 = tpu.vector_load %arg10[%get3A_1336, %get3A_1337] {strides = array<i32>} : memref<128x64xf32, #tpu.memory_space<vmem>>, vector<16xf32>,
      %get3A_1339 = arith.constant 32 : i32
      %get3A_1340 = arith.index_cast %get3A_1339 : i32 to index
      %get3A_1341 = arith.constant 48 : index
      %get3A_1342 = tpu.vector_load %arg9[%get3A_1340, %get3A_1341] {strides = array<i32>} : memref<208x64xf32, #tpu.memory_space<vmem>>, vector<16xf32>,
      %add3A_1343 = arith.addf %get3A_1338, %get3A_1342 : vector<16xf32>
      %get3A_1344 = arith.constant 33 : i32
      %get3A_1345 = arith.index_cast %get3A_1344 : i32 to index
      %get3A_1346 = arith.constant 48 : index
      %get3A_1347 = tpu.vector_load %arg9[%get3A_1345, %get3A_1346] {strides = array<i32>} : memref<208x64xf32, #tpu.memory_space<vmem>>, vector<16xf32>,
      %add3A_1348 = arith.addf %add3A_1343, %get3A_1347 : vector<16xf32>
      %get3A_1349 = arith.constant 34 : i32
      %get3A_1350 = arith.index_cast %get3A_1349 : i32 to index
      %get3A_1351 = arith.constant 48 : index
      %get3A_1352 = tpu.vector_load %arg9[%get3A_1350, %get3A_1351] {strides = array<i32>} : memref<208x64xf32, #tpu.memory_space<vmem>>, vector<16xf32>,
      %add3A_1353 = arith.addf %add3A_1348, %get3A_1352 : vector<16xf32>
      %get3A_1354 = arith.constant 35 : i32
      %get3A_1355 = arith.index_cast %get3A_1354 : i32 to index
      %get3A_1356 = arith.constant 48 : index
      %get3A_1357 = tpu.vector_load %arg9[%get3A_1355, %get3A_1356] {strides = array<i32>} : memref<208x64xf32, #tpu.memory_space<vmem>>, vector<16xf32>,
      %add3A_1358 = arith.addf %add3A_1353, %get3A_1357 : vector<16xf32>
      %get3A_1359 = arith.constant 36 : i32
      %get3A_1360 = arith.index_cast %get3A_1359 : i32 to index
      %get3A_1361 = arith.constant 48 : index
      %get3A_1362 = tpu.vector_load %arg9[%get3A_1360, %get3A_1361] {strides = array<i32>} : memref<208x64xf32, #tpu.memory_space<vmem>>, vector<16xf32>,
      %add3A_1363 = arith.addf %add3A_1358, %get3A_1362 : vector<16xf32>
      %get3A_1364 = arith.constant 37 : i32
      %get3A_1365 = arith.index_cast %get3A_1364 : i32 to index
      %get3A_1366 = arith.constant 48 : index
      %get3A_1367 = tpu.vector_load %arg9[%get3A_1365, %get3A_1366] {strides = array<i32>} : memref<208x64xf32, #tpu.memory_space<vmem>>, vector<16xf32>,
      %add3A_1368 = arith.addf %add3A_1363, %get3A_1367 : vector<16xf32>
      %get3A_1369 = arith.constant 38 : i32
      %get3A_1370 = arith.index_cast %get3A_1369 : i32 to index
      %get3A_1371 = arith.constant 48 : index
      %get3A_1372 = tpu.vector_load %arg9[%get3A_1370, %get3A_1371] {strides = array<i32>} : memref<208x64xf32, #tpu.memory_space<vmem>>, vector<16xf32>,
      %add3A_1373 = arith.addf %add3A_1368, %get3A_1372 : vector<16xf32>
      %get3A_1374 = arith.constant 39 : i32
      %get3A_1375 = arith.index_cast %get3A_1374 : i32 to index
      %get3A_1376 = arith.constant 48 : index
      %get3A_1377 = tpu.vector_load %arg9[%get3A_1375, %get3A_1376] {strides = array<i32>} : memref<208x64xf32, #tpu.memory_space<vmem>>, vector<16xf32>,
      %add3A_1378 = arith.addf %add3A_1373, %get3A_1377 : vector<16xf32>
      %get3A_1379 = arith.constant 40 : i32
      %get3A_1380 = arith.index_cast %get3A_1379 : i32 to index
      %get3A_1381 = arith.constant 48 : index
      %get3A_1382 = tpu.vector_load %arg9[%get3A_1380, %get3A_1381] {strides = array<i32>} : memref<208x64xf32, #tpu.memory_space<vmem>>, vector<16xf32>,
      %add3A_1383 = arith.addf %add3A_1378, %get3A_1382 : vector<16xf32>
      %get3A_1384 = arith.constant 41 : i32
      %get3A_1385 = arith.index_cast %get3A_1384 : i32 to index
      %get3A_1386 = arith.constant 48 : index
      %get3A_1387 = tpu.vector_load %arg9[%get3A_1385, %get3A_1386] {strides = array<i32>} : memref<208x64xf32, #tpu.memory_space<vmem>>, vector<16xf32>,
      %add3A_1388 = arith.addf %add3A_1383, %get3A_1387 : vector<16xf32>
      %get3A_1389 = arith.constant 42 : i32
      %get3A_1390 = arith.index_cast %get3A_1389 : i32 to index
      %get3A_1391 = arith.constant 48 : index
      %get3A_1392 = tpu.vector_load %arg9[%get3A_1390, %get3A_1391] {strides = array<i32>} : memref<208x64xf32, #tpu.memory_space<vmem>>, vector<16xf32>,
      %add3A_1393 = arith.addf %add3A_1388, %get3A_1392 : vector<16xf32>
      %get3A_1394 = arith.constant 43 : i32
      %get3A_1395 = arith.index_cast %get3A_1394 : i32 to index
      %get3A_1396 = arith.constant 48 : index
      %get3A_1397 = tpu.vector_load %arg9[%get3A_1395, %get3A_1396] {strides = array<i32>} : memref<208x64xf32, #tpu.memory_space<vmem>>, vector<16xf32>,
      %add3A_1398 = arith.addf %add3A_1393, %get3A_1397 : vector<16xf32>
      %get3A_1399 = arith.constant 44 : i32
      %get3A_1400 = arith.index_cast %get3A_1399 : i32 to index
      %get3A_1401 = arith.constant 48 : index
      %get3A_1402 = tpu.vector_load %arg9[%get3A_1400, %get3A_1401] {strides = array<i32>} : memref<208x64xf32, #tpu.memory_space<vmem>>, vector<16xf32>,
      %add3A_1403 = arith.addf %add3A_1398, %get3A_1402 : vector<16xf32>
      %get3A_1404 = arith.constant 45 : i32
      %get3A_1405 = arith.index_cast %get3A_1404 : i32 to index
      %get3A_1406 = arith.constant 48 : index
      %get3A_1407 = tpu.vector_load %arg9[%get3A_1405, %get3A_1406] {strides = array<i32>} : memref<208x64xf32, #tpu.memory_space<vmem>>, vector<16xf32>,
      %add3A_1408 = arith.addf %add3A_1403, %get3A_1407 : vector<16xf32>
      %get3A_1409 = arith.constant 46 : i32
      %get3A_1410 = arith.index_cast %get3A_1409 : i32 to index
      %get3A_1411 = arith.constant 48 : index
      %get3A_1412 = tpu.vector_load %arg9[%get3A_1410, %get3A_1411] {strides = array<i32>} : memref<208x64xf32, #tpu.memory_space<vmem>>, vector<16xf32>,
      %add3A_1413 = arith.addf %add3A_1408, %get3A_1412 : vector<16xf32>
      %get3A_1414 = arith.constant 47 : i32
      %get3A_1415 = arith.index_cast %get3A_1414 : i32 to index
      %get3A_1416 = arith.constant 48 : index
      %get3A_1417 = tpu.vector_load %arg9[%get3A_1415, %get3A_1416] {strides = array<i32>} : memref<208x64xf32, #tpu.memory_space<vmem>>, vector<16xf32>,
      %add3A_1418 = arith.addf %add3A_1413, %get3A_1417 : vector<16xf32>
      %swap3A_1419 = arith.index_cast %scan3A_15 : i32 to index
      %swap3A_1420 = arith.constant 48 : index
      %swap3A_1421 = tpu.vector_load %arg10[%swap3A_1419, %swap3A_1420] {strides = array<i32>} : memref<128x64xf32, #tpu.memory_space<vmem>>, vector<16xf32>,
      tpu.vector_store %arg10[%swap3A_1419, %swap3A_1420], %add3A_1418 {strides = array<i32>} : memref<128x64xf32, #tpu.memory_space<vmem>>, vector<16xf32>,
      %get3A_1422 = arith.index_cast %scan3A_15 : i32 to index
      %get3A_1423 = arith.constant 0 : index
      %get3A_1424 = tpu.vector_load %arg10[%get3A_1422, %get3A_1423] {strides = array<i32>} : memref<128x64xf32, #tpu.memory_space<vmem>>, vector<16xf32>,
      %get3A_1425 = arith.constant 48 : i32
      %get3A_1426 = arith.index_cast %get3A_1425 : i32 to index
      %get3A_1427 = arith.constant 0 : index
      %get3A_1428 = tpu.vector_load %arg9[%get3A_1426, %get3A_1427] {strides = array<i32>} : memref<208x64xf32, #tpu.memory_space<vmem>>, vector<16xf32>,
      %add3A_1429 = arith.addf %get3A_1424, %get3A_1428 : vector<16xf32>
      %get3A_1430 = arith.constant 49 : i32
      %get3A_1431 = arith.index_cast %get3A_1430 : i32 to index
      %get3A_1432 = arith.constant 0 : index
      %get3A_1433 = tpu.vector_load %arg9[%get3A_1431, %get3A_1432] {strides = array<i32>} : memref<208x64xf32, #tpu.memory_space<vmem>>, vector<16xf32>,
      %add3A_1434 = arith.addf %add3A_1429, %get3A_1433 : vector<16xf32>
      %get3A_1435 = arith.constant 50 : i32
      %get3A_1436 = arith.index_cast %get3A_1435 : i32 to index
      %get3A_1437 = arith.constant 0 : index
      %get3A_1438 = tpu.vector_load %arg9[%get3A_1436, %get3A_1437] {strides = array<i32>} : memref<208x64xf32, #tpu.memory_space<vmem>>, vector<16xf32>,
      %add3A_1439 = arith.addf %add3A_1434, %get3A_1438 : vector<16xf32>
      %get3A_1440 = arith.constant 51 : i32
      %get3A_1441 = arith.index_cast %get3A_1440 : i32 to index
      %get3A_1442 = arith.constant 0 : index
      %get3A_1443 = tpu.vector_load %arg9[%get3A_1441, %get3A_1442] {strides = array<i32>} : memref<208x64xf32, #tpu.memory_space<vmem>>, vector<16xf32>,
      %add3A_1444 = arith.addf %add3A_1439, %get3A_1443 : vector<16xf32>
      %get3A_1445 = arith.constant 52 : i32
      %get3A_1446 = arith.index_cast %get3A_1445 : i32 to index
      %get3A_1447 = arith.constant 0 : index
      %get3A_1448 = tpu.vector_load %arg9[%get3A_1446, %get3A_1447] {strides = array<i32>} : memref<208x64xf32, #tpu.memory_space<vmem>>, vector<16xf32>,
      %add3A_1449 = arith.addf %add3A_1444, %get3A_1448 : vector<16xf32>
      %get3A_1450 = arith.constant 53 : i32
      %get3A_1451 = arith.index_cast %get3A_1450 : i32 to index
      %get3A_1452 = arith.constant 0 : index
      %get3A_1453 = tpu.vector_load %arg9[%get3A_1451, %get3A_1452] {strides = array<i32>} : memref<208x64xf32, #tpu.memory_space<vmem>>, vector<16xf32>,
      %add3A_1454 = arith.addf %add3A_1449, %get3A_1453 : vector<16xf32>
      %get3A_1455 = arith.constant 54 : i32
      %get3A_1456 = arith.index_cast %get3A_1455 : i32 to index
      %get3A_1457 = arith.constant 0 : index
      %get3A_1458 = tpu.vector_load %arg9[%get3A_1456, %get3A_1457] {strides = array<i32>} : memref<208x64xf32, #tpu.memory_space<vmem>>, vector<16xf32>,
      %add3A_1459 = arith.addf %add3A_1454, %get3A_1458 : vector<16xf32>
      %get3A_1460 = arith.constant 55 : i32
      %get3A_1461 = arith.index_cast %get3A_1460 : i32 to index
      %get3A_1462 = arith.constant 0 : index
      %get3A_1463 = tpu.vector_load %arg9[%get3A_1461, %get3A_1462] {strides = array<i32>} : memref<208x64xf32, #tpu.memory_space<vmem>>, vector<16xf32>,
      %add3A_1464 = arith.addf %add3A_1459, %get3A_1463 : vector<16xf32>
      %get3A_1465 = arith.constant 56 : i32
      %get3A_1466 = arith.index_cast %get3A_1465 : i32 to index
      %get3A_1467 = arith.constant 0 : index
      %get3A_1468 = tpu.vector_load %arg9[%get3A_1466, %get3A_1467] {strides = array<i32>} : memref<208x64xf32, #tpu.memory_space<vmem>>, vector<16xf32>,
      %add3A_1469 = arith.addf %add3A_1464, %get3A_1468 : vector<16xf32>
      %get3A_1470 = arith.constant 57 : i32
      %get3A_1471 = arith.index_cast %get3A_1470 : i32 to index
      %get3A_1472 = arith.constant 0 : index
      %get3A_1473 = tpu.vector_load %arg9[%get3A_1471, %get3A_1472] {strides = array<i32>} : memref<208x64xf32, #tpu.memory_space<vmem>>, vector<16xf32>,
      %add3A_1474 = arith.addf %add3A_1469, %get3A_1473 : vector<16xf32>
      %get3A_1475 = arith.constant 58 : i32
      %get3A_1476 = arith.index_cast %get3A_1475 : i32 to index
      %get3A_1477 = arith.constant 0 : index
      %get3A_1478 = tpu.vector_load %arg9[%get3A_1476, %get3A_1477] {strides = array<i32>} : memref<208x64xf32, #tpu.memory_space<vmem>>, vector<16xf32>,
      %add3A_1479 = arith.addf %add3A_1474, %get3A_1478 : vector<16xf32>
      %get3A_1480 = arith.constant 59 : i32
      %get3A_1481 = arith.index_cast %get3A_1480 : i32 to index
      %get3A_1482 = arith.constant 0 : index
      %get3A_1483 = tpu.vector_load %arg9[%get3A_1481, %get3A_1482] {strides = array<i32>} : memref<208x64xf32, #tpu.memory_space<vmem>>, vector<16xf32>,
      %add3A_1484 = arith.addf %add3A_1479, %get3A_1483 : vector<16xf32>
      %get3A_1485 = arith.constant 60 : i32
      %get3A_1486 = arith.index_cast %get3A_1485 : i32 to index
      %get3A_1487 = arith.constant 0 : index
      %get3A_1488 = tpu.vector_load %arg9[%get3A_1486, %get3A_1487] {strides = array<i32>} : memref<208x64xf32, #tpu.memory_space<vmem>>, vector<16xf32>,
      %add3A_1489 = arith.addf %add3A_1484, %get3A_1488 : vector<16xf32>
      %get3A_1490 = arith.constant 61 : i32
      %get3A_1491 = arith.index_cast %get3A_1490 : i32 to index
      %get3A_1492 = arith.constant 0 : index
      %get3A_1493 = tpu.vector_load %arg9[%get3A_1491, %get3A_1492] {strides = array<i32>} : memref<208x64xf32, #tpu.memory_space<vmem>>, vector<16xf32>,
      %add3A_1494 = arith.addf %add3A_1489, %get3A_1493 : vector<16xf32>
      %get3A_1495 = arith.constant 62 : i32
      %get3A_1496 = arith.index_cast %get3A_1495 : i32 to index
      %get3A_1497 = arith.constant 0 : index
      %get3A_1498 = tpu.vector_load %arg9[%get3A_1496, %get3A_1497] {strides = array<i32>} : memref<208x64xf32, #tpu.memory_space<vmem>>, vector<16xf32>,
      %add3A_1499 = arith.addf %add3A_1494, %get3A_1498 : vector<16xf32>
      %get3A_1500 = arith.constant 63 : i32
      %get3A_1501 = arith.index_cast %get3A_1500 : i32 to index
      %get3A_1502 = arith.constant 0 : index
      %get3A_1503 = tpu.vector_load %arg9[%get3A_1501, %get3A_1502] {strides = array<i32>} : memref<208x64xf32, #tpu.memory_space<vmem>>, vector<16xf32>,
      %add3A_1504 = arith.addf %add3A_1499, %get3A_1503 : vector<16xf32>
      %swap3A_1505 = arith.index_cast %scan3A_15 : i32 to index
      %swap3A_1506 = arith.constant 0 : index
      %swap3A_1507 = tpu.vector_load %arg10[%swap3A_1505, %swap3A_1506] {strides = array<i32>} : memref<128x64xf32, #tpu.memory_space<vmem>>, vector<16xf32>,
      tpu.vector_store %arg10[%swap3A_1505, %swap3A_1506], %add3A_1504 {strides = array<i32>} : memref<128x64xf32, #tpu.memory_space<vmem>>, vector<16xf32>,
      %get3A_1508 = arith.index_cast %scan3A_15 : i32 to index
      %get3A_1509 = arith.constant 16 : index
      %get3A_1510 = tpu.vector_load %arg10[%get3A_1508, %get3A_1509] {strides = array<i32>} : memref<128x64xf32, #tpu.memory_space<vmem>>, vector<16xf32>,
      %get3A_1511 = arith.constant 48 : i32
      %get3A_1512 = arith.index_cast %get3A_1511 : i32 to index
      %get3A_1513 = arith.constant 16 : index
      %get3A_1514 = tpu.vector_load %arg9[%get3A_1512, %get3A_1513] {strides = array<i32>} : memref<208x64xf32, #tpu.memory_space<vmem>>, vector<16xf32>,
      %add3A_1515 = arith.addf %get3A_1510, %get3A_1514 : vector<16xf32>
      %get3A_1516 = arith.constant 49 : i32
      %get3A_1517 = arith.index_cast %get3A_1516 : i32 to index
      %get3A_1518 = arith.constant 16 : index
      %get3A_1519 = tpu.vector_load %arg9[%get3A_1517, %get3A_1518] {strides = array<i32>} : memref<208x64xf32, #tpu.memory_space<vmem>>, vector<16xf32>,
      %add3A_1520 = arith.addf %add3A_1515, %get3A_1519 : vector<16xf32>
      %get3A_1521 = arith.constant 50 : i32
      %get3A_1522 = arith.index_cast %get3A_1521 : i32 to index
      %get3A_1523 = arith.constant 16 : index
      %get3A_1524 = tpu.vector_load %arg9[%get3A_1522, %get3A_1523] {strides = array<i32>} : memref<208x64xf32, #tpu.memory_space<vmem>>, vector<16xf32>,
      %add3A_1525 = arith.addf %add3A_1520, %get3A_1524 : vector<16xf32>
      %get3A_1526 = arith.constant 51 : i32
      %get3A_1527 = arith.index_cast %get3A_1526 : i32 to index
      %get3A_1528 = arith.constant 16 : index
      %get3A_1529 = tpu.vector_load %arg9[%get3A_1527, %get3A_1528] {strides = array<i32>} : memref<208x64xf32, #tpu.memory_space<vmem>>, vector<16xf32>,
      %add3A_1530 = arith.addf %add3A_1525, %get3A_1529 : vector<16xf32>
      %get3A_1531 = arith.constant 52 : i32
      %get3A_1532 = arith.index_cast %get3A_1531 : i32 to index
      %get3A_1533 = arith.constant 16 : index
      %get3A_1534 = tpu.vector_load %arg9[%get3A_1532, %get3A_1533] {strides = array<i32>} : memref<208x64xf32, #tpu.memory_space<vmem>>, vector<16xf32>,
      %add3A_1535 = arith.addf %add3A_1530, %get3A_1534 : vector<16xf32>
      %get3A_1536 = arith.constant 53 : i32
      %get3A_1537 = arith.index_cast %get3A_1536 : i32 to index
      %get3A_1538 = arith.constant 16 : index
      %get3A_1539 = tpu.vector_load %arg9[%get3A_1537, %get3A_1538] {strides = array<i32>} : memref<208x64xf32, #tpu.memory_space<vmem>>, vector<16xf32>,
      %add3A_1540 = arith.addf %add3A_1535, %get3A_1539 : vector<16xf32>
      %get3A_1541 = arith.constant 54 : i32
      %get3A_1542 = arith.index_cast %get3A_1541 : i32 to index
      %get3A_1543 = arith.constant 16 : index
      %get3A_1544 = tpu.vector_load %arg9[%get3A_1542, %get3A_1543] {strides = array<i32>} : memref<208x64xf32, #tpu.memory_space<vmem>>, vector<16xf32>,
      %add3A_1545 = arith.addf %add3A_1540, %get3A_1544 : vector<16xf32>
      %get3A_1546 = arith.constant 55 : i32
      %get3A_1547 = arith.index_cast %get3A_1546 : i32 to index
      %get3A_1548 = arith.constant 16 : index
      %get3A_1549 = tpu.vector_load %arg9[%get3A_1547, %get3A_1548] {strides = array<i32>} : memref<208x64xf32, #tpu.memory_space<vmem>>, vector<16xf32>,
      %add3A_1550 = arith.addf %add3A_1545, %get3A_1549 : vector<16xf32>
      %get3A_1551 = arith.constant 56 : i32
      %get3A_1552 = arith.index_cast %get3A_1551 : i32 to index
      %get3A_1553 = arith.constant 16 : index
      %get3A_1554 = tpu.vector_load %arg9[%get3A_1552, %get3A_1553] {strides = array<i32>} : memref<208x64xf32, #tpu.memory_space<vmem>>, vector<16xf32>,
      %add3A_1555 = arith.addf %add3A_1550, %get3A_1554 : vector<16xf32>
      %get3A_1556 = arith.constant 57 : i32
      %get3A_1557 = arith.index_cast %get3A_1556 : i32 to index
      %get3A_1558 = arith.constant 16 : index
      %get3A_1559 = tpu.vector_load %arg9[%get3A_1557, %get3A_1558] {strides = array<i32>} : memref<208x64xf32, #tpu.memory_space<vmem>>, vector<16xf32>,
      %add3A_1560 = arith.addf %add3A_1555, %get3A_1559 : vector<16xf32>
      %get3A_1561 = arith.constant 58 : i32
      %get3A_1562 = arith.index_cast %get3A_1561 : i32 to index
      %get3A_1563 = arith.constant 16 : index
      %get3A_1564 = tpu.vector_load %arg9[%get3A_1562, %get3A_1563] {strides = array<i32>} : memref<208x64xf32, #tpu.memory_space<vmem>>, vector<16xf32>,
      %add3A_1565 = arith.addf %add3A_1560, %get3A_1564 : vector<16xf32>
      %get3A_1566 = arith.constant 59 : i32
      %get3A_1567 = arith.index_cast %get3A_1566 : i32 to index
      %get3A_1568 = arith.constant 16 : index
      %get3A_1569 = tpu.vector_load %arg9[%get3A_1567, %get3A_1568] {strides = array<i32>} : memref<208x64xf32, #tpu.memory_space<vmem>>, vector<16xf32>,
      %add3A_1570 = arith.addf %add3A_1565, %get3A_1569 : vector<16xf32>
      %get3A_1571 = arith.constant 60 : i32
      %get3A_1572 = arith.index_cast %get3A_1571 : i32 to index
      %get3A_1573 = arith.constant 16 : index
      %get3A_1574 = tpu.vector_load %arg9[%get3A_1572, %get3A_1573] {strides = array<i32>} : memref<208x64xf32, #tpu.memory_space<vmem>>, vector<16xf32>,
      %add3A_1575 = arith.addf %add3A_1570, %get3A_1574 : vector<16xf32>
      %get3A_1576 = arith.constant 61 : i32
      %get3A_1577 = arith.index_cast %get3A_1576 : i32 to index
      %get3A_1578 = arith.constant 16 : index
      %get3A_1579 = tpu.vector_load %arg9[%get3A_1577, %get3A_1578] {strides = array<i32>} : memref<208x64xf32, #tpu.memory_space<vmem>>, vector<16xf32>,
      %add3A_1580 = arith.addf %add3A_1575, %get3A_1579 : vector<16xf32>
      %get3A_1581 = arith.constant 62 : i32
      %get3A_1582 = arith.index_cast %get3A_1581 : i32 to index
      %get3A_1583 = arith.constant 16 : index
      %get3A_1584 = tpu.vector_load %arg9[%get3A_1582, %get3A_1583] {strides = array<i32>} : memref<208x64xf32, #tpu.memory_space<vmem>>, vector<16xf32>,
      %add3A_1585 = arith.addf %add3A_1580, %get3A_1584 : vector<16xf32>
      %get3A_1586 = arith.constant 63 : i32
      %get3A_1587 = arith.index_cast %get3A_1586 : i32 to index
      %get3A_1588 = arith.constant 16 : index
      %get3A_1589 = tpu.vector_load %arg9[%get3A_1587, %get3A_1588] {strides = array<i32>} : memref<208x64xf32, #tpu.memory_space<vmem>>, vector<16xf32>,
      %add3A_1590 = arith.addf %add3A_1585, %get3A_1589 : vector<16xf32>
      %swap3A_1591 = arith.index_cast %scan3A_15 : i32 to index
      %swap3A_1592 = arith.constant 16 : index
      %swap3A_1593 = tpu.vector_load %arg10[%swap3A_1591, %swap3A_1592] {strides = array<i32>} : memref<128x64xf32, #tpu.memory_space<vmem>>, vector<16xf32>,
      tpu.vector_store %arg10[%swap3A_1591, %swap3A_1592], %add3A_1590 {strides = array<i32>} : memref<128x64xf32, #tpu.memory_space<vmem>>, vector<16xf32>,
      %get3A_1594 = arith.index_cast %scan3A_15 : i32 to index
      %get3A_1595 = arith.constant 32 : index
      %get3A_1596 = tpu.vector_load %arg10[%get3A_1594, %get3A_1595] {strides = array<i32>} : memref<128x64xf32, #tpu.memory_space<vmem>>, vector<16xf32>,
      %get3A_1597 = arith.constant 48 : i32
      %get3A_1598 = arith.index_cast %get3A_1597 : i32 to index
      %get3A_1599 = arith.constant 32 : index
      %get3A_1600 = tpu.vector_load %arg9[%get3A_1598, %get3A_1599] {strides = array<i32>} : memref<208x64xf32, #tpu.memory_space<vmem>>, vector<16xf32>,
      %add3A_1601 = arith.addf %get3A_1596, %get3A_1600 : vector<16xf32>
      %get3A_1602 = arith.constant 49 : i32
      %get3A_1603 = arith.index_cast %get3A_1602 : i32 to index
      %get3A_1604 = arith.constant 32 : index
      %get3A_1605 = tpu.vector_load %arg9[%get3A_1603, %get3A_1604] {strides = array<i32>} : memref<208x64xf32, #tpu.memory_space<vmem>>, vector<16xf32>,
      %add3A_1606 = arith.addf %add3A_1601, %get3A_1605 : vector<16xf32>
      %get3A_1607 = arith.constant 50 : i32
      %get3A_1608 = arith.index_cast %get3A_1607 : i32 to index
      %get3A_1609 = arith.constant 32 : index
      %get3A_1610 = tpu.vector_load %arg9[%get3A_1608, %get3A_1609] {strides = array<i32>} : memref<208x64xf32, #tpu.memory_space<vmem>>, vector<16xf32>,
      %add3A_1611 = arith.addf %add3A_1606, %get3A_1610 : vector<16xf32>
      %get3A_1612 = arith.constant 51 : i32
      %get3A_1613 = arith.index_cast %get3A_1612 : i32 to index
      %get3A_1614 = arith.constant 32 : index
      %get3A_1615 = tpu.vector_load %arg9[%get3A_1613, %get3A_1614] {strides = array<i32>} : memref<208x64xf32, #tpu.memory_space<vmem>>, vector<16xf32>,
      %add3A_1616 = arith.addf %add3A_1611, %get3A_1615 : vector<16xf32>
      %get3A_1617 = arith.constant 52 : i32
      %get3A_1618 = arith.index_cast %get3A_1617 : i32 to index
      %get3A_1619 = arith.constant 32 : index
      %get3A_1620 = tpu.vector_load %arg9[%get3A_1618, %get3A_1619] {strides = array<i32>} : memref<208x64xf32, #tpu.memory_space<vmem>>, vector<16xf32>,
      %add3A_1621 = arith.addf %add3A_1616, %get3A_1620 : vector<16xf32>
      %get3A_1622 = arith.constant 53 : i32
      %get3A_1623 = arith.index_cast %get3A_1622 : i32 to index
      %get3A_1624 = arith.constant 32 : index
      %get3A_1625 = tpu.vector_load %arg9[%get3A_1623, %get3A_1624] {strides = array<i32>} : memref<208x64xf32, #tpu.memory_space<vmem>>, vector<16xf32>,
      %add3A_1626 = arith.addf %add3A_1621, %get3A_1625 : vector<16xf32>
      %get3A_1627 = arith.constant 54 : i32
      %get3A_1628 = arith.index_cast %get3A_1627 : i32 to index
      %get3A_1629 = arith.constant 32 : index
      %get3A_1630 = tpu.vector_load %arg9[%get3A_1628, %get3A_1629] {strides = array<i32>} : memref<208x64xf32, #tpu.memory_space<vmem>>, vector<16xf32>,
      %add3A_1631 = arith.addf %add3A_1626, %get3A_1630 : vector<16xf32>
      %get3A_1632 = arith.constant 55 : i32
      %get3A_1633 = arith.index_cast %get3A_1632 : i32 to index
      %get3A_1634 = arith.constant 32 : index
      %get3A_1635 = tpu.vector_load %arg9[%get3A_1633, %get3A_1634] {strides = array<i32>} : memref<208x64xf32, #tpu.memory_space<vmem>>, vector<16xf32>,
      %add3A_1636 = arith.addf %add3A_1631, %get3A_1635 : vector<16xf32>
      %get3A_1637 = arith.constant 56 : i32
      %get3A_1638 = arith.index_cast %get3A_1637 : i32 to index
      %get3A_1639 = arith.constant 32 : index
      %get3A_1640 = tpu.vector_load %arg9[%get3A_1638, %get3A_1639] {strides = array<i32>} : memref<208x64xf32, #tpu.memory_space<vmem>>, vector<16xf32>,
      %add3A_1641 = arith.addf %add3A_1636, %get3A_1640 : vector<16xf32>
      %get3A_1642 = arith.constant 57 : i32
      %get3A_1643 = arith.index_cast %get3A_1642 : i32 to index
      %get3A_1644 = arith.constant 32 : index
      %get3A_1645 = tpu.vector_load %arg9[%get3A_1643, %get3A_1644] {strides = array<i32>} : memref<208x64xf32, #tpu.memory_space<vmem>>, vector<16xf32>,
      %add3A_1646 = arith.addf %add3A_1641, %get3A_1645 : vector<16xf32>
      %get3A_1647 = arith.constant 58 : i32
      %get3A_1648 = arith.index_cast %get3A_1647 : i32 to index
      %get3A_1649 = arith.constant 32 : index
      %get3A_1650 = tpu.vector_load %arg9[%get3A_1648, %get3A_1649] {strides = array<i32>} : memref<208x64xf32, #tpu.memory_space<vmem>>, vector<16xf32>,
      %add3A_1651 = arith.addf %add3A_1646, %get3A_1650 : vector<16xf32>
      %get3A_1652 = arith.constant 59 : i32
      %get3A_1653 = arith.index_cast %get3A_1652 : i32 to index
      %get3A_1654 = arith.constant 32 : index
      %get3A_1655 = tpu.vector_load %arg9[%get3A_1653, %get3A_1654] {strides = array<i32>} : memref<208x64xf32, #tpu.memory_space<vmem>>, vector<16xf32>,
      %add3A_1656 = arith.addf %add3A_1651, %get3A_1655 : vector<16xf32>
      %get3A_1657 = arith.constant 60 : i32
      %get3A_1658 = arith.index_cast %get3A_1657 : i32 to index
      %get3A_1659 = arith.constant 32 : index
      %get3A_1660 = tpu.vector_load %arg9[%get3A_1658, %get3A_1659] {strides = array<i32>} : memref<208x64xf32, #tpu.memory_space<vmem>>, vector<16xf32>,
      %add3A_1661 = arith.addf %add3A_1656, %get3A_1660 : vector<16xf32>
      %get3A_1662 = arith.constant 61 : i32
      %get3A_1663 = arith.index_cast %get3A_1662 : i32 to index
      %get3A_1664 = arith.constant 32 : index
      %get3A_1665 = tpu.vector_load %arg9[%get3A_1663, %get3A_1664] {strides = array<i32>} : memref<208x64xf32, #tpu.memory_space<vmem>>, vector<16xf32>,
      %add3A_1666 = arith.addf %add3A_1661, %get3A_1665 : vector<16xf32>
      %get3A_1667 = arith.constant 62 : i32
      %get3A_1668 = arith.index_cast %get3A_1667 : i32 to index
      %get3A_1669 = arith.constant 32 : index
      %get3A_1670 = tpu.vector_load %arg9[%get3A_1668, %get3A_1669] {strides = array<i32>} : memref<208x64xf32, #tpu.memory_space<vmem>>, vector<16xf32>,
      %add3A_1671 = arith.addf %add3A_1666, %get3A_1670 : vector<16xf32>
      %get3A_1672 = arith.constant 63 : i32
      %get3A_1673 = arith.index_cast %get3A_1672 : i32 to index
      %get3A_1674 = arith.constant 32 : index
      %get3A_1675 = tpu.vector_load %arg9[%get3A_1673, %get3A_1674] {strides = array<i32>} : memref<208x64xf32, #tpu.memory_space<vmem>>, vector<16xf32>,
      %add3A_1676 = arith.addf %add3A_1671, %get3A_1675 : vector<16xf32>
      %swap3A_1677 = arith.index_cast %scan3A_15 : i32 to index
      %swap3A_1678 = arith.constant 32 : index
      %swap3A_1679 = tpu.vector_load %arg10[%swap3A_1677, %swap3A_1678] {strides = array<i32>} : memref<128x64xf32, #tpu.memory_space<vmem>>, vector<16xf32>,
      tpu.vector_store %arg10[%swap3A_1677, %swap3A_1678], %add3A_1676 {strides = array<i32>} : memref<128x64xf32, #tpu.memory_space<vmem>>, vector<16xf32>,
      %get3A_1680 = arith.index_cast %scan3A_15 : i32 to index
      %get3A_1681 = arith.constant 48 : index
      %get3A_1682 = tpu.vector_load %arg10[%get3A_1680, %get3A_1681] {strides = array<i32>} : memref<128x64xf32, #tpu.memory_space<vmem>>, vector<16xf32>,
      %get3A_1683 = arith.constant 48 : i32
      %get3A_1684 = arith.index_cast %get3A_1683 : i32 to index
      %get3A_1685 = arith.constant 48 : index
      %get3A_1686 = tpu.vector_load %arg9[%get3A_1684, %get3A_1685] {strides = array<i32>} : memref<208x64xf32, #tpu.memory_space<vmem>>, vector<16xf32>,
      %add3A_1687 = arith.addf %get3A_1682, %get3A_1686 : vector<16xf32>
      %get3A_1688 = arith.constant 49 : i32
      %get3A_1689 = arith.index_cast %get3A_1688 : i32 to index
      %get3A_1690 = arith.constant 48 : index
      %get3A_1691 = tpu.vector_load %arg9[%get3A_1689, %get3A_1690] {strides = array<i32>} : memref<208x64xf32, #tpu.memory_space<vmem>>, vector<16xf32>,
      %add3A_1692 = arith.addf %add3A_1687, %get3A_1691 : vector<16xf32>
      %get3A_1693 = arith.constant 50 : i32
      %get3A_1694 = arith.index_cast %get3A_1693 : i32 to index
      %get3A_1695 = arith.constant 48 : index
      %get3A_1696 = tpu.vector_load %arg9[%get3A_1694, %get3A_1695] {strides = array<i32>} : memref<208x64xf32, #tpu.memory_space<vmem>>, vector<16xf32>,
      %add3A_1697 = arith.addf %add3A_1692, %get3A_1696 : vector<16xf32>
      %get3A_1698 = arith.constant 51 : i32
      %get3A_1699 = arith.index_cast %get3A_1698 : i32 to index
      %get3A_1700 = arith.constant 48 : index
      %get3A_1701 = tpu.vector_load %arg9[%get3A_1699, %get3A_1700] {strides = array<i32>} : memref<208x64xf32, #tpu.memory_space<vmem>>, vector<16xf32>,
      %add3A_1702 = arith.addf %add3A_1697, %get3A_1701 : vector<16xf32>
      %get3A_1703 = arith.constant 52 : i32
      %get3A_1704 = arith.index_cast %get3A_1703 : i32 to index
      %get3A_1705 = arith.constant 48 : index
      %get3A_1706 = tpu.vector_load %arg9[%get3A_1704, %get3A_1705] {strides = array<i32>} : memref<208x64xf32, #tpu.memory_space<vmem>>, vector<16xf32>,
      %add3A_1707 = arith.addf %add3A_1702, %get3A_1706 : vector<16xf32>
      %get3A_1708 = arith.constant 53 : i32
      %get3A_1709 = arith.index_cast %get3A_1708 : i32 to index
      %get3A_1710 = arith.constant 48 : index
      %get3A_1711 = tpu.vector_load %arg9[%get3A_1709, %get3A_1710] {strides = array<i32>} : memref<208x64xf32, #tpu.memory_space<vmem>>, vector<16xf32>,
      %add3A_1712 = arith.addf %add3A_1707, %get3A_1711 : vector<16xf32>
      %get3A_1713 = arith.constant 54 : i32
      %get3A_1714 = arith.index_cast %get3A_1713 : i32 to index
      %get3A_1715 = arith.constant 48 : index
      %get3A_1716 = tpu.vector_load %arg9[%get3A_1714, %get3A_1715] {strides = array<i32>} : memref<208x64xf32, #tpu.memory_space<vmem>>, vector<16xf32>,
      %add3A_1717 = arith.addf %add3A_1712, %get3A_1716 : vector<16xf32>
      %get3A_1718 = arith.constant 55 : i32
      %get3A_1719 = arith.index_cast %get3A_1718 : i32 to index
      %get3A_1720 = arith.constant 48 : index
      %get3A_1721 = tpu.vector_load %arg9[%get3A_1719, %get3A_1720] {strides = array<i32>} : memref<208x64xf32, #tpu.memory_space<vmem>>, vector<16xf32>,
      %add3A_1722 = arith.addf %add3A_1717, %get3A_1721 : vector<16xf32>
      %get3A_1723 = arith.constant 56 : i32
      %get3A_1724 = arith.index_cast %get3A_1723 : i32 to index
      %get3A_1725 = arith.constant 48 : index
      %get3A_1726 = tpu.vector_load %arg9[%get3A_1724, %get3A_1725] {strides = array<i32>} : memref<208x64xf32, #tpu.memory_space<vmem>>, vector<16xf32>,
      %add3A_1727 = arith.addf %add3A_1722, %get3A_1726 : vector<16xf32>
      %get3A_1728 = arith.constant 57 : i32
      %get3A_1729 = arith.index_cast %get3A_1728 : i32 to index
      %get3A_1730 = arith.constant 48 : index
      %get3A_1731 = tpu.vector_load %arg9[%get3A_1729, %get3A_1730] {strides = array<i32>} : memref<208x64xf32, #tpu.memory_space<vmem>>, vector<16xf32>,
      %add3A_1732 = arith.addf %add3A_1727, %get3A_1731 : vector<16xf32>
      %get3A_1733 = arith.constant 58 : i32
      %get3A_1734 = arith.index_cast %get3A_1733 : i32 to index
      %get3A_1735 = arith.constant 48 : index
      %get3A_1736 = tpu.vector_load %arg9[%get3A_1734, %get3A_1735] {strides = array<i32>} : memref<208x64xf32, #tpu.memory_space<vmem>>, vector<16xf32>,
      %add3A_1737 = arith.addf %add3A_1732, %get3A_1736 : vector<16xf32>
      %get3A_1738 = arith.constant 59 : i32
      %get3A_1739 = arith.index_cast %get3A_1738 : i32 to index
      %get3A_1740 = arith.constant 48 : index
      %get3A_1741 = tpu.vector_load %arg9[%get3A_1739, %get3A_1740] {strides = array<i32>} : memref<208x64xf32, #tpu.memory_space<vmem>>, vector<16xf32>,
      %add3A_1742 = arith.addf %add3A_1737, %get3A_1741 : vector<16xf32>
      %get3A_1743 = arith.constant 60 : i32
      %get3A_1744 = arith.index_cast %get3A_1743 : i32 to index
      %get3A_1745 = arith.constant 48 : index
      %get3A_1746 = tpu.vector_load %arg9[%get3A_1744, %get3A_1745] {strides = array<i32>} : memref<208x64xf32, #tpu.memory_space<vmem>>, vector<16xf32>,
      %add3A_1747 = arith.addf %add3A_1742, %get3A_1746 : vector<16xf32>
      %get3A_1748 = arith.constant 61 : i32
      %get3A_1749 = arith.index_cast %get3A_1748 : i32 to index
      %get3A_1750 = arith.constant 48 : index
      %get3A_1751 = tpu.vector_load %arg9[%get3A_1749, %get3A_1750] {strides = array<i32>} : memref<208x64xf32, #tpu.memory_space<vmem>>, vector<16xf32>,
      %add3A_1752 = arith.addf %add3A_1747, %get3A_1751 : vector<16xf32>
      %get3A_1753 = arith.constant 62 : i32
      %get3A_1754 = arith.index_cast %get3A_1753 : i32 to index
      %get3A_1755 = arith.constant 48 : index
      %get3A_1756 = tpu.vector_load %arg9[%get3A_1754, %get3A_1755] {strides = array<i32>} : memref<208x64xf32, #tpu.memory_space<vmem>>, vector<16xf32>,
      %add3A_1757 = arith.addf %add3A_1752, %get3A_1756 : vector<16xf32>
      %get3A_1758 = arith.constant 63 : i32
      %get3A_1759 = arith.index_cast %get3A_1758 : i32 to index
      %get3A_1760 = arith.constant 48 : index
      %get3A_1761 = tpu.vector_load %arg9[%get3A_1759, %get3A_1760] {strides = array<i32>} : memref<208x64xf32, #tpu.memory_space<vmem>>, vector<16xf32>,
      %add3A_1762 = arith.addf %add3A_1757, %get3A_1761 : vector<16xf32>
      %swap3A_1763 = arith.index_cast %scan3A_15 : i32 to index
      %swap3A_1764 = arith.constant 48 : index
      %swap3A_1765 = tpu.vector_load %arg10[%swap3A_1763, %swap3A_1764] {strides = array<i32>} : memref<128x64xf32, #tpu.memory_space<vmem>>, vector<16xf32>,
      tpu.vector_store %arg10[%swap3A_1763, %swap3A_1764], %add3A_1762 {strides = array<i32>} : memref<128x64xf32, #tpu.memory_space<vmem>>, vector<16xf32>,
      %get3A_1766 = arith.index_cast %scan3A_15 : i32 to index
      %get3A_1767 = arith.constant 0 : index
      %get3A_1768 = tpu.vector_load %arg10[%get3A_1766, %get3A_1767] {strides = array<i32>} : memref<128x64xf32, #tpu.memory_space<vmem>>, vector<16xf32>,
      %get3A_1769 = arith.constant 64 : i32
      %get3A_1770 = arith.index_cast %get3A_1769 : i32 to index
      %get3A_1771 = arith.constant 0 : index
      %get3A_1772 = tpu.vector_load %arg9[%get3A_1770, %get3A_1771] {strides = array<i32>} : memref<208x64xf32, #tpu.memory_space<vmem>>, vector<16xf32>,
      %add3A_1773 = arith.addf %get3A_1768, %get3A_1772 : vector<16xf32>
      %get3A_1774 = arith.constant 65 : i32
      %get3A_1775 = arith.index_cast %get3A_1774 : i32 to index
      %get3A_1776 = arith.constant 0 : index
      %get3A_1777 = tpu.vector_load %arg9[%get3A_1775, %get3A_1776] {strides = array<i32>} : memref<208x64xf32, #tpu.memory_space<vmem>>, vector<16xf32>,
      %add3A_1778 = arith.addf %add3A_1773, %get3A_1777 : vector<16xf32>
      %get3A_1779 = arith.constant 66 : i32
      %get3A_1780 = arith.index_cast %get3A_1779 : i32 to index
      %get3A_1781 = arith.constant 0 : index
      %get3A_1782 = tpu.vector_load %arg9[%get3A_1780, %get3A_1781] {strides = array<i32>} : memref<208x64xf32, #tpu.memory_space<vmem>>, vector<16xf32>,
      %add3A_1783 = arith.addf %add3A_1778, %get3A_1782 : vector<16xf32>
      %get3A_1784 = arith.constant 67 : i32
      %get3A_1785 = arith.index_cast %get3A_1784 : i32 to index
      %get3A_1786 = arith.constant 0 : index
      %get3A_1787 = tpu.vector_load %arg9[%get3A_1785, %get3A_1786] {strides = array<i32>} : memref<208x64xf32, #tpu.memory_space<vmem>>, vector<16xf32>,
      %add3A_1788 = arith.addf %add3A_1783, %get3A_1787 : vector<16xf32>
      %get3A_1789 = arith.constant 68 : i32
      %get3A_1790 = arith.index_cast %get3A_1789 : i32 to index
      %get3A_1791 = arith.constant 0 : index
      %get3A_1792 = tpu.vector_load %arg9[%get3A_1790, %get3A_1791] {strides = array<i32>} : memref<208x64xf32, #tpu.memory_space<vmem>>, vector<16xf32>,
      %add3A_1793 = arith.addf %add3A_1788, %get3A_1792 : vector<16xf32>
      %get3A_1794 = arith.constant 69 : i32
      %get3A_1795 = arith.index_cast %get3A_1794 : i32 to index
      %get3A_1796 = arith.constant 0 : index
      %get3A_1797 = tpu.vector_load %arg9[%get3A_1795, %get3A_1796] {strides = array<i32>} : memref<208x64xf32, #tpu.memory_space<vmem>>, vector<16xf32>,
      %add3A_1798 = arith.addf %add3A_1793, %get3A_1797 : vector<16xf32>
      %get3A_1799 = arith.constant 70 : i32
      %get3A_1800 = arith.index_cast %get3A_1799 : i32 to index
      %get3A_1801 = arith.constant 0 : index
      %get3A_1802 = tpu.vector_load %arg9[%get3A_1800, %get3A_1801] {strides = array<i32>} : memref<208x64xf32, #tpu.memory_space<vmem>>, vector<16xf32>,
      %add3A_1803 = arith.addf %add3A_1798, %get3A_1802 : vector<16xf32>
      %get3A_1804 = arith.constant 71 : i32
      %get3A_1805 = arith.index_cast %get3A_1804 : i32 to index
      %get3A_1806 = arith.constant 0 : index
      %get3A_1807 = tpu.vector_load %arg9[%get3A_1805, %get3A_1806] {strides = array<i32>} : memref<208x64xf32, #tpu.memory_space<vmem>>, vector<16xf32>,
      %add3A_1808 = arith.addf %add3A_1803, %get3A_1807 : vector<16xf32>
      %get3A_1809 = arith.constant 72 : i32
      %get3A_1810 = arith.index_cast %get3A_1809 : i32 to index
      %get3A_1811 = arith.constant 0 : index
      %get3A_1812 = tpu.vector_load %arg9[%get3A_1810, %get3A_1811] {strides = array<i32>} : memref<208x64xf32, #tpu.memory_space<vmem>>, vector<16xf32>,
      %add3A_1813 = arith.addf %add3A_1808, %get3A_1812 : vector<16xf32>
      %get3A_1814 = arith.constant 73 : i32
      %get3A_1815 = arith.index_cast %get3A_1814 : i32 to index
      %get3A_1816 = arith.constant 0 : index
      %get3A_1817 = tpu.vector_load %arg9[%get3A_1815, %get3A_1816] {strides = array<i32>} : memref<208x64xf32, #tpu.memory_space<vmem>>, vector<16xf32>,
      %add3A_1818 = arith.addf %add3A_1813, %get3A_1817 : vector<16xf32>
      %get3A_1819 = arith.constant 74 : i32
      %get3A_1820 = arith.index_cast %get3A_1819 : i32 to index
      %get3A_1821 = arith.constant 0 : index
      %get3A_1822 = tpu.vector_load %arg9[%get3A_1820, %get3A_1821] {strides = array<i32>} : memref<208x64xf32, #tpu.memory_space<vmem>>, vector<16xf32>,
      %add3A_1823 = arith.addf %add3A_1818, %get3A_1822 : vector<16xf32>
      %get3A_1824 = arith.constant 75 : i32
      %get3A_1825 = arith.index_cast %get3A_1824 : i32 to index
      %get3A_1826 = arith.constant 0 : index
      %get3A_1827 = tpu.vector_load %arg9[%get3A_1825, %get3A_1826] {strides = array<i32>} : memref<208x64xf32, #tpu.memory_space<vmem>>, vector<16xf32>,
      %add3A_1828 = arith.addf %add3A_1823, %get3A_1827 : vector<16xf32>
      %get3A_1829 = arith.constant 76 : i32
      %get3A_1830 = arith.index_cast %get3A_1829 : i32 to index
      %get3A_1831 = arith.constant 0 : index
      %get3A_1832 = tpu.vector_load %arg9[%get3A_1830, %get3A_1831] {strides = array<i32>} : memref<208x64xf32, #tpu.memory_space<vmem>>, vector<16xf32>,
      %add3A_1833 = arith.addf %add3A_1828, %get3A_1832 : vector<16xf32>
      %get3A_1834 = arith.constant 77 : i32
      %get3A_1835 = arith.index_cast %get3A_1834 : i32 to index
      %get3A_1836 = arith.constant 0 : index
      %get3A_1837 = tpu.vector_load %arg9[%get3A_1835, %get3A_1836] {strides = array<i32>} : memref<208x64xf32, #tpu.memory_space<vmem>>, vector<16xf32>,
      %add3A_1838 = arith.addf %add3A_1833, %get3A_1837 : vector<16xf32>
      %get3A_1839 = arith.constant 78 : i32
      %get3A_1840 = arith.index_cast %get3A_1839 : i32 to index
      %get3A_1841 = arith.constant 0 : index
      %get3A_1842 = tpu.vector_load %arg9[%get3A_1840, %get3A_1841] {strides = array<i32>} : memref<208x64xf32, #tpu.memory_space<vmem>>, vector<16xf32>,
      %add3A_1843 = arith.addf %add3A_1838, %get3A_1842 : vector<16xf32>
      %get3A_1844 = arith.constant 79 : i32
      %get3A_1845 = arith.index_cast %get3A_1844 : i32 to index
      %get3A_1846 = arith.constant 0 : index
      %get3A_1847 = tpu.vector_load %arg9[%get3A_1845, %get3A_1846] {strides = array<i32>} : memref<208x64xf32, #tpu.memory_space<vmem>>, vector<16xf32>,
      %add3A_1848 = arith.addf %add3A_1843, %get3A_1847 : vector<16xf32>
      %swap3A_1849 = arith.index_cast %scan3A_15 : i32 to index
      %swap3A_1850 = arith.constant 0 : index
      %swap3A_1851 = tpu.vector_load %arg10[%swap3A_1849, %swap3A_1850] {strides = array<i32>} : memref<128x64xf32, #tpu.memory_space<vmem>>, vector<16xf32>,
      tpu.vector_store %arg10[%swap3A_1849, %swap3A_1850], %add3A_1848 {strides = array<i32>} : memref<128x64xf32, #tpu.memory_space<vmem>>, vector<16xf32>,
      %get3A_1852 = arith.index_cast %scan3A_15 : i32 to index
      %get3A_1853 = arith.constant 16 : index
      %get3A_1854 = tpu.vector_load %arg10[%get3A_1852, %get3A_1853] {strides = array<i32>} : memref<128x64xf32, #tpu.memory_space<vmem>>, vector<16xf32>,
      %get3A_1855 = arith.constant 64 : i32
      %get3A_1856 = arith.index_cast %get3A_1855 : i32 to index
      %get3A_1857 = arith.constant 16 : index
      %get3A_1858 = tpu.vector_load %arg9[%get3A_1856, %get3A_1857] {strides = array<i32>} : memref<208x64xf32, #tpu.memory_space<vmem>>, vector<16xf32>,
      %add3A_1859 = arith.addf %get3A_1854, %get3A_1858 : vector<16xf32>
      %get3A_1860 = arith.constant 65 : i32
      %get3A_1861 = arith.index_cast %get3A_1860 : i32 to index
      %get3A_1862 = arith.constant 16 : index
      %get3A_1863 = tpu.vector_load %arg9[%get3A_1861, %get3A_1862] {strides = array<i32>} : memref<208x64xf32, #tpu.memory_space<vmem>>, vector<16xf32>,
      %add3A_1864 = arith.addf %add3A_1859, %get3A_1863 : vector<16xf32>
      %get3A_1865 = arith.constant 66 : i32
      %get3A_1866 = arith.index_cast %get3A_1865 : i32 to index
      %get3A_1867 = arith.constant 16 : index
      %get3A_1868 = tpu.vector_load %arg9[%get3A_1866, %get3A_1867] {strides = array<i32>} : memref<208x64xf32, #tpu.memory_space<vmem>>, vector<16xf32>,
      %add3A_1869 = arith.addf %add3A_1864, %get3A_1868 : vector<16xf32>
      %get3A_1870 = arith.constant 67 : i32
      %get3A_1871 = arith.index_cast %get3A_1870 : i32 to index
      %get3A_1872 = arith.constant 16 : index
      %get3A_1873 = tpu.vector_load %arg9[%get3A_1871, %get3A_1872] {strides = array<i32>} : memref<208x64xf32, #tpu.memory_space<vmem>>, vector<16xf32>,
      %add3A_1874 = arith.addf %add3A_1869, %get3A_1873 : vector<16xf32>
      %get3A_1875 = arith.constant 68 : i32
      %get3A_1876 = arith.index_cast %get3A_1875 : i32 to index
      %get3A_1877 = arith.constant 16 : index
      %get3A_1878 = tpu.vector_load %arg9[%get3A_1876, %get3A_1877] {strides = array<i32>} : memref<208x64xf32, #tpu.memory_space<vmem>>, vector<16xf32>,
      %add3A_1879 = arith.addf %add3A_1874, %get3A_1878 : vector<16xf32>
      %get3A_1880 = arith.constant 69 : i32
      %get3A_1881 = arith.index_cast %get3A_1880 : i32 to index
      %get3A_1882 = arith.constant 16 : index
      %get3A_1883 = tpu.vector_load %arg9[%get3A_1881, %get3A_1882] {strides = array<i32>} : memref<208x64xf32, #tpu.memory_space<vmem>>, vector<16xf32>,
      %add3A_1884 = arith.addf %add3A_1879, %get3A_1883 : vector<16xf32>
      %get3A_1885 = arith.constant 70 : i32
      %get3A_1886 = arith.index_cast %get3A_1885 : i32 to index
      %get3A_1887 = arith.constant 16 : index
      %get3A_1888 = tpu.vector_load %arg9[%get3A_1886, %get3A_1887] {strides = array<i32>} : memref<208x64xf32, #tpu.memory_space<vmem>>, vector<16xf32>,
      %add3A_1889 = arith.addf %add3A_1884, %get3A_1888 : vector<16xf32>
      %get3A_1890 = arith.constant 71 : i32
      %get3A_1891 = arith.index_cast %get3A_1890 : i32 to index
      %get3A_1892 = arith.constant 16 : index
      %get3A_1893 = tpu.vector_load %arg9[%get3A_1891, %get3A_1892] {strides = array<i32>} : memref<208x64xf32, #tpu.memory_space<vmem>>, vector<16xf32>,
      %add3A_1894 = arith.addf %add3A_1889, %get3A_1893 : vector<16xf32>
      %get3A_1895 = arith.constant 72 : i32
      %get3A_1896 = arith.index_cast %get3A_1895 : i32 to index
      %get3A_1897 = arith.constant 16 : index
      %get3A_1898 = tpu.vector_load %arg9[%get3A_1896, %get3A_1897] {strides = array<i32>} : memref<208x64xf32, #tpu.memory_space<vmem>>, vector<16xf32>,
      %add3A_1899 = arith.addf %add3A_1894, %get3A_1898 : vector<16xf32>
      %get3A_1900 = arith.constant 73 : i32
      %get3A_1901 = arith.index_cast %get3A_1900 : i32 to index
      %get3A_1902 = arith.constant 16 : index
      %get3A_1903 = tpu.vector_load %arg9[%get3A_1901, %get3A_1902] {strides = array<i32>} : memref<208x64xf32, #tpu.memory_space<vmem>>, vector<16xf32>,
      %add3A_1904 = arith.addf %add3A_1899, %get3A_1903 : vector<16xf32>
      %get3A_1905 = arith.constant 74 : i32
      %get3A_1906 = arith.index_cast %get3A_1905 : i32 to index
      %get3A_1907 = arith.constant 16 : index
      %get3A_1908 = tpu.vector_load %arg9[%get3A_1906, %get3A_1907] {strides = array<i32>} : memref<208x64xf32, #tpu.memory_space<vmem>>, vector<16xf32>,
      %add3A_1909 = arith.addf %add3A_1904, %get3A_1908 : vector<16xf32>
      %get3A_1910 = arith.constant 75 : i32
      %get3A_1911 = arith.index_cast %get3A_1910 : i32 to index
      %get3A_1912 = arith.constant 16 : index
      %get3A_1913 = tpu.vector_load %arg9[%get3A_1911, %get3A_1912] {strides = array<i32>} : memref<208x64xf32, #tpu.memory_space<vmem>>, vector<16xf32>,
      %add3A_1914 = arith.addf %add3A_1909, %get3A_1913 : vector<16xf32>
      %get3A_1915 = arith.constant 76 : i32
      %get3A_1916 = arith.index_cast %get3A_1915 : i32 to index
      %get3A_1917 = arith.constant 16 : index
      %get3A_1918 = tpu.vector_load %arg9[%get3A_1916, %get3A_1917] {strides = array<i32>} : memref<208x64xf32, #tpu.memory_space<vmem>>, vector<16xf32>,
      %add3A_1919 = arith.addf %add3A_1914, %get3A_1918 : vector<16xf32>
      %get3A_1920 = arith.constant 77 : i32
      %get3A_1921 = arith.index_cast %get3A_1920 : i32 to index
      %get3A_1922 = arith.constant 16 : index
      %get3A_1923 = tpu.vector_load %arg9[%get3A_1921, %get3A_1922] {strides = array<i32>} : memref<208x64xf32, #tpu.memory_space<vmem>>, vector<16xf32>,
      %add3A_1924 = arith.addf %add3A_1919, %get3A_1923 : vector<16xf32>
      %get3A_1925 = arith.constant 78 : i32
      %get3A_1926 = arith.index_cast %get3A_1925 : i32 to index
      %get3A_1927 = arith.constant 16 : index
      %get3A_1928 = tpu.vector_load %arg9[%get3A_1926, %get3A_1927] {strides = array<i32>} : memref<208x64xf32, #tpu.memory_space<vmem>>, vector<16xf32>,
      %add3A_1929 = arith.addf %add3A_1924, %get3A_1928 : vector<16xf32>
      %get3A_1930 = arith.constant 79 : i32
      %get3A_1931 = arith.index_cast %get3A_1930 : i32 to index
      %get3A_1932 = arith.constant 16 : index
      %get3A_1933 = tpu.vector_load %arg9[%get3A_1931, %get3A_1932] {strides = array<i32>} : memref<208x64xf32, #tpu.memory_space<vmem>>, vector<16xf32>,
      %add3A_1934 = arith.addf %add3A_1929, %get3A_1933 : vector<16xf32>
      %swap3A_1935 = arith.index_cast %scan3A_15 : i32 to index
      %swap3A_1936 = arith.constant 16 : index
      %swap3A_1937 = tpu.vector_load %arg10[%swap3A_1935, %swap3A_1936] {strides = array<i32>} : memref<128x64xf32, #tpu.memory_space<vmem>>, vector<16xf32>,
      tpu.vector_store %arg10[%swap3A_1935, %swap3A_1936], %add3A_1934 {strides = array<i32>} : memref<128x64xf32, #tpu.memory_space<vmem>>, vector<16xf32>,
      %get3A_1938 = arith.index_cast %scan3A_15 : i32 to index
      %get3A_1939 = arith.constant 32 : index
      %get3A_1940 = tpu.vector_load %arg10[%get3A_1938, %get3A_1939] {strides = array<i32>} : memref<128x64xf32, #tpu.memory_space<vmem>>, vector<16xf32>,
      %get3A_1941 = arith.constant 64 : i32
      %get3A_1942 = arith.index_cast %get3A_1941 : i32 to index
      %get3A_1943 = arith.constant 32 : index
      %get3A_1944 = tpu.vector_load %arg9[%get3A_1942, %get3A_1943] {strides = array<i32>} : memref<208x64xf32, #tpu.memory_space<vmem>>, vector<16xf32>,
      %add3A_1945 = arith.addf %get3A_1940, %get3A_1944 : vector<16xf32>
      %get3A_1946 = arith.constant 65 : i32
      %get3A_1947 = arith.index_cast %get3A_1946 : i32 to index
      %get3A_1948 = arith.constant 32 : index
      %get3A_1949 = tpu.vector_load %arg9[%get3A_1947, %get3A_1948] {strides = array<i32>} : memref<208x64xf32, #tpu.memory_space<vmem>>, vector<16xf32>,
      %add3A_1950 = arith.addf %add3A_1945, %get3A_1949 : vector<16xf32>
      %get3A_1951 = arith.constant 66 : i32
      %get3A_1952 = arith.index_cast %get3A_1951 : i32 to index
      %get3A_1953 = arith.constant 32 : index
      %get3A_1954 = tpu.vector_load %arg9[%get3A_1952, %get3A_1953] {strides = array<i32>} : memref<208x64xf32, #tpu.memory_space<vmem>>, vector<16xf32>,
      %add3A_1955 = arith.addf %add3A_1950, %get3A_1954 : vector<16xf32>
      %get3A_1956 = arith.constant 67 : i32
      %get3A_1957 = arith.index_cast %get3A_1956 : i32 to index
      %get3A_1958 = arith.constant 32 : index
      %get3A_1959 = tpu.vector_load %arg9[%get3A_1957, %get3A_1958] {strides = array<i32>} : memref<208x64xf32, #tpu.memory_space<vmem>>, vector<16xf32>,
      %add3A_1960 = arith.addf %add3A_1955, %get3A_1959 : vector<16xf32>
      %get3A_1961 = arith.constant 68 : i32
      %get3A_1962 = arith.index_cast %get3A_1961 : i32 to index
      %get3A_1963 = arith.constant 32 : index
      %get3A_1964 = tpu.vector_load %arg9[%get3A_1962, %get3A_1963] {strides = array<i32>} : memref<208x64xf32, #tpu.memory_space<vmem>>, vector<16xf32>,
      %add3A_1965 = arith.addf %add3A_1960, %get3A_1964 : vector<16xf32>
      %get3A_1966 = arith.constant 69 : i32
      %get3A_1967 = arith.index_cast %get3A_1966 : i32 to index
      %get3A_1968 = arith.constant 32 : index
      %get3A_1969 = tpu.vector_load %arg9[%get3A_1967, %get3A_1968] {strides = array<i32>} : memref<208x64xf32, #tpu.memory_space<vmem>>, vector<16xf32>,
      %add3A_1970 = arith.addf %add3A_1965, %get3A_1969 : vector<16xf32>
      %get3A_1971 = arith.constant 70 : i32
      %get3A_1972 = arith.index_cast %get3A_1971 : i32 to index
      %get3A_1973 = arith.constant 32 : index
      %get3A_1974 = tpu.vector_load %arg9[%get3A_1972, %get3A_1973] {strides = array<i32>} : memref<208x64xf32, #tpu.memory_space<vmem>>, vector<16xf32>,
      %add3A_1975 = arith.addf %add3A_1970, %get3A_1974 : vector<16xf32>
      %get3A_1976 = arith.constant 71 : i32
      %get3A_1977 = arith.index_cast %get3A_1976 : i32 to index
      %get3A_1978 = arith.constant 32 : index
      %get3A_1979 = tpu.vector_load %arg9[%get3A_1977, %get3A_1978] {strides = array<i32>} : memref<208x64xf32, #tpu.memory_space<vmem>>, vector<16xf32>,
      %add3A_1980 = arith.addf %add3A_1975, %get3A_1979 : vector<16xf32>
      %get3A_1981 = arith.constant 72 : i32
      %get3A_1982 = arith.index_cast %get3A_1981 : i32 to index
      %get3A_1983 = arith.constant 32 : index
      %get3A_1984 = tpu.vector_load %arg9[%get3A_1982, %get3A_1983] {strides = array<i32>} : memref<208x64xf32, #tpu.memory_space<vmem>>, vector<16xf32>,
      %add3A_1985 = arith.addf %add3A_1980, %get3A_1984 : vector<16xf32>
      %get3A_1986 = arith.constant 73 : i32
      %get3A_1987 = arith.index_cast %get3A_1986 : i32 to index
      %get3A_1988 = arith.constant 32 : index
      %get3A_1989 = tpu.vector_load %arg9[%get3A_1987, %get3A_1988] {strides = array<i32>} : memref<208x64xf32, #tpu.memory_space<vmem>>, vector<16xf32>,
      %add3A_1990 = arith.addf %add3A_1985, %get3A_1989 : vector<16xf32>
      %get3A_1991 = arith.constant 74 : i32
      %get3A_1992 = arith.index_cast %get3A_1991 : i32 to index
      %get3A_1993 = arith.constant 32 : index
      %get3A_1994 = tpu.vector_load %arg9[%get3A_1992, %get3A_1993] {strides = array<i32>} : memref<208x64xf32, #tpu.memory_space<vmem>>, vector<16xf32>,
      %add3A_1995 = arith.addf %add3A_1990, %get3A_1994 : vector<16xf32>
      %get3A_1996 = arith.constant 75 : i32
      %get3A_1997 = arith.index_cast %get3A_1996 : i32 to index
      %get3A_1998 = arith.constant 32 : index
      %get3A_1999 = tpu.vector_load %arg9[%get3A_1997, %get3A_1998] {strides = array<i32>} : memref<208x64xf32, #tpu.memory_space<vmem>>, vector<16xf32>,
      %add3A_2000 = arith.addf %add3A_1995, %get3A_1999 : vector<16xf32>
      %get3A_2001 = arith.constant 76 : i32
      %get3A_2002 = arith.index_cast %get3A_2001 : i32 to index
      %get3A_2003 = arith.constant 32 : index
      %get3A_2004 = tpu.vector_load %arg9[%get3A_2002, %get3A_2003] {strides = array<i32>} : memref<208x64xf32, #tpu.memory_space<vmem>>, vector<16xf32>,
      %add3A_2005 = arith.addf %add3A_2000, %get3A_2004 : vector<16xf32>
      %get3A_2006 = arith.constant 77 : i32
      %get3A_2007 = arith.index_cast %get3A_2006 : i32 to index
      %get3A_2008 = arith.constant 32 : index
      %get3A_2009 = tpu.vector_load %arg9[%get3A_2007, %get3A_2008] {strides = array<i32>} : memref<208x64xf32, #tpu.memory_space<vmem>>, vector<16xf32>,
      %add3A_2010 = arith.addf %add3A_2005, %get3A_2009 : vector<16xf32>
      %get3A_2011 = arith.constant 78 : i32
      %get3A_2012 = arith.index_cast %get3A_2011 : i32 to index
      %get3A_2013 = arith.constant 32 : index
      %get3A_2014 = tpu.vector_load %arg9[%get3A_2012, %get3A_2013] {strides = array<i32>} : memref<208x64xf32, #tpu.memory_space<vmem>>, vector<16xf32>,
      %add3A_2015 = arith.addf %add3A_2010, %get3A_2014 : vector<16xf32>
      %get3A_2016 = arith.constant 79 : i32
      %get3A_2017 = arith.index_cast %get3A_2016 : i32 to index
      %get3A_2018 = arith.constant 32 : index
      %get3A_2019 = tpu.vector_load %arg9[%get3A_2017, %get3A_2018] {strides = array<i32>} : memref<208x64xf32, #tpu.memory_space<vmem>>, vector<16xf32>,
      %add3A_2020 = arith.addf %add3A_2015, %get3A_2019 : vector<16xf32>
      %swap3A_2021 = arith.index_cast %scan3A_15 : i32 to index
      %swap3A_2022 = arith.constant 32 : index
      %swap3A_2023 = tpu.vector_load %arg10[%swap3A_2021, %swap3A_2022] {strides = array<i32>} : memref<128x64xf32, #tpu.memory_space<vmem>>, vector<16xf32>,
      tpu.vector_store %arg10[%swap3A_2021, %swap3A_2022], %add3A_2020 {strides = array<i32>} : memref<128x64xf32, #tpu.memory_space<vmem>>, vector<16xf32>,
      %get3A_2024 = arith.index_cast %scan3A_15 : i32 to index
      %get3A_2025 = arith.constant 48 : index
      %get3A_2026 = tpu.vector_load %arg10[%get3A_2024, %get3A_2025] {strides = array<i32>} : memref<128x64xf32, #tpu.memory_space<vmem>>, vector<16xf32>,
      %get3A_2027 = arith.constant 64 : i32
      %get3A_2028 = arith.index_cast %get3A_2027 : i32 to index
      %get3A_2029 = arith.constant 48 : index
      %get3A_2030 = tpu.vector_load %arg9[%get3A_2028, %get3A_2029] {strides = array<i32>} : memref<208x64xf32, #tpu.memory_space<vmem>>, vector<16xf32>,
      %add3A_2031 = arith.addf %get3A_2026, %get3A_2030 : vector<16xf32>
      %get3A_2032 = arith.constant 65 : i32
      %get3A_2033 = arith.index_cast %get3A_2032 : i32 to index
      %get3A_2034 = arith.constant 48 : index
      %get3A_2035 = tpu.vector_load %arg9[%get3A_2033, %get3A_2034] {strides = array<i32>} : memref<208x64xf32, #tpu.memory_space<vmem>>, vector<16xf32>,
      %add3A_2036 = arith.addf %add3A_2031, %get3A_2035 : vector<16xf32>
      %get3A_2037 = arith.constant 66 : i32
      %get3A_2038 = arith.index_cast %get3A_2037 : i32 to index
      %get3A_2039 = arith.constant 48 : index
      %get3A_2040 = tpu.vector_load %arg9[%get3A_2038, %get3A_2039] {strides = array<i32>} : memref<208x64xf32, #tpu.memory_space<vmem>>, vector<16xf32>,
      %add3A_2041 = arith.addf %add3A_2036, %get3A_2040 : vector<16xf32>
      %get3A_2042 = arith.constant 67 : i32
      %get3A_2043 = arith.index_cast %get3A_2042 : i32 to index
      %get3A_2044 = arith.constant 48 : index
      %get3A_2045 = tpu.vector_load %arg9[%get3A_2043, %get3A_2044] {strides = array<i32>} : memref<208x64xf32, #tpu.memory_space<vmem>>, vector<16xf32>,
      %add3A_2046 = arith.addf %add3A_2041, %get3A_2045 : vector<16xf32>
      %get3A_2047 = arith.constant 68 : i32
      %get3A_2048 = arith.index_cast %get3A_2047 : i32 to index
      %get3A_2049 = arith.constant 48 : index
      %get3A_2050 = tpu.vector_load %arg9[%get3A_2048, %get3A_2049] {strides = array<i32>} : memref<208x64xf32, #tpu.memory_space<vmem>>, vector<16xf32>,
      %add3A_2051 = arith.addf %add3A_2046, %get3A_2050 : vector<16xf32>
      %get3A_2052 = arith.constant 69 : i32
      %get3A_2053 = arith.index_cast %get3A_2052 : i32 to index
      %get3A_2054 = arith.constant 48 : index
      %get3A_2055 = tpu.vector_load %arg9[%get3A_2053, %get3A_2054] {strides = array<i32>} : memref<208x64xf32, #tpu.memory_space<vmem>>, vector<16xf32>,
      %add3A_2056 = arith.addf %add3A_2051, %get3A_2055 : vector<16xf32>
      %get3A_2057 = arith.constant 70 : i32
      %get3A_2058 = arith.index_cast %get3A_2057 : i32 to index
      %get3A_2059 = arith.constant 48 : index
      %get3A_2060 = tpu.vector_load %arg9[%get3A_2058, %get3A_2059] {strides = array<i32>} : memref<208x64xf32, #tpu.memory_space<vmem>>, vector<16xf32>,
      %add3A_2061 = arith.addf %add3A_2056, %get3A_2060 : vector<16xf32>
      %get3A_2062 = arith.constant 71 : i32
      %get3A_2063 = arith.index_cast %get3A_2062 : i32 to index
      %get3A_2064 = arith.constant 48 : index
      %get3A_2065 = tpu.vector_load %arg9[%get3A_2063, %get3A_2064] {strides = array<i32>} : memref<208x64xf32, #tpu.memory_space<vmem>>, vector<16xf32>,
      %add3A_2066 = arith.addf %add3A_2061, %get3A_2065 : vector<16xf32>
      %get3A_2067 = arith.constant 72 : i32
      %get3A_2068 = arith.index_cast %get3A_2067 : i32 to index
      %get3A_2069 = arith.constant 48 : index
      %get3A_2070 = tpu.vector_load %arg9[%get3A_2068, %get3A_2069] {strides = array<i32>} : memref<208x64xf32, #tpu.memory_space<vmem>>, vector<16xf32>,
      %add3A_2071 = arith.addf %add3A_2066, %get3A_2070 : vector<16xf32>
      %get3A_2072 = arith.constant 73 : i32
      %get3A_2073 = arith.index_cast %get3A_2072 : i32 to index
      %get3A_2074 = arith.constant 48 : index
      %get3A_2075 = tpu.vector_load %arg9[%get3A_2073, %get3A_2074] {strides = array<i32>} : memref<208x64xf32, #tpu.memory_space<vmem>>, vector<16xf32>,
      %add3A_2076 = arith.addf %add3A_2071, %get3A_2075 : vector<16xf32>
      %get3A_2077 = arith.constant 74 : i32
      %get3A_2078 = arith.index_cast %get3A_2077 : i32 to index
      %get3A_2079 = arith.constant 48 : index
      %get3A_2080 = tpu.vector_load %arg9[%get3A_2078, %get3A_2079] {strides = array<i32>} : memref<208x64xf32, #tpu.memory_space<vmem>>, vector<16xf32>,
      %add3A_2081 = arith.addf %add3A_2076, %get3A_2080 : vector<16xf32>
      %get3A_2082 = arith.constant 75 : i32
      %get3A_2083 = arith.index_cast %get3A_2082 : i32 to index
      %get3A_2084 = arith.constant 48 : index
      %get3A_2085 = tpu.vector_load %arg9[%get3A_2083, %get3A_2084] {strides = array<i32>} : memref<208x64xf32, #tpu.memory_space<vmem>>, vector<16xf32>,
      %add3A_2086 = arith.addf %add3A_2081, %get3A_2085 : vector<16xf32>
      %get3A_2087 = arith.constant 76 : i32
      %get3A_2088 = arith.index_cast %get3A_2087 : i32 to index
      %get3A_2089 = arith.constant 48 : index
      %get3A_2090 = tpu.vector_load %arg9[%get3A_2088, %get3A_2089] {strides = array<i32>} : memref<208x64xf32, #tpu.memory_space<vmem>>, vector<16xf32>,
      %add3A_2091 = arith.addf %add3A_2086, %get3A_2090 : vector<16xf32>
      %get3A_2092 = arith.constant 77 : i32
      %get3A_2093 = arith.index_cast %get3A_2092 : i32 to index
      %get3A_2094 = arith.constant 48 : index
      %get3A_2095 = tpu.vector_load %arg9[%get3A_2093, %get3A_2094] {strides = array<i32>} : memref<208x64xf32, #tpu.memory_space<vmem>>, vector<16xf32>,
      %add3A_2096 = arith.addf %add3A_2091, %get3A_2095 : vector<16xf32>
      %get3A_2097 = arith.constant 78 : i32
      %get3A_2098 = arith.index_cast %get3A_2097 : i32 to index
      %get3A_2099 = arith.constant 48 : index
      %get3A_2100 = tpu.vector_load %arg9[%get3A_2098, %get3A_2099] {strides = array<i32>} : memref<208x64xf32, #tpu.memory_space<vmem>>, vector<16xf32>,
      %add3A_2101 = arith.addf %add3A_2096, %get3A_2100 : vector<16xf32>
      %get3A_2102 = arith.constant 79 : i32
      %get3A_2103 = arith.index_cast %get3A_2102 : i32 to index
      %get3A_2104 = arith.constant 48 : index
      %get3A_2105 = tpu.vector_load %arg9[%get3A_2103, %get3A_2104] {strides = array<i32>} : memref<208x64xf32, #tpu.memory_space<vmem>>, vector<16xf32>,
      %add3A_2106 = arith.addf %add3A_2101, %get3A_2105 : vector<16xf32>
      %swap3A_2107 = arith.index_cast %scan3A_15 : i32 to index
      %swap3A_2108 = arith.constant 48 : index
      %swap3A_2109 = tpu.vector_load %arg10[%swap3A_2107, %swap3A_2108] {strides = array<i32>} : memref<128x64xf32, #tpu.memory_space<vmem>>, vector<16xf32>,
      tpu.vector_store %arg10[%swap3A_2107, %swap3A_2108], %add3A_2106 {strides = array<i32>} : memref<128x64xf32, #tpu.memory_space<vmem>>, vector<16xf32>,
      %get3A_2110 = arith.index_cast %scan3A_15 : i32 to index
      %get3A_2111 = arith.constant 0 : index
      %get3A_2112 = tpu.vector_load %arg10[%get3A_2110, %get3A_2111] {strides = array<i32>} : memref<128x64xf32, #tpu.memory_space<vmem>>, vector<16xf32>,
      %get3A_2113 = arith.constant 80 : i32
      %get3A_2114 = arith.index_cast %get3A_2113 : i32 to index
      %get3A_2115 = arith.constant 0 : index
      %get3A_2116 = tpu.vector_load %arg9[%get3A_2114, %get3A_2115] {strides = array<i32>} : memref<208x64xf32, #tpu.memory_space<vmem>>, vector<16xf32>,
      %add3A_2117 = arith.addf %get3A_2112, %get3A_2116 : vector<16xf32>
      %get3A_2118 = arith.constant 81 : i32
      %get3A_2119 = arith.index_cast %get3A_2118 : i32 to index
      %get3A_2120 = arith.constant 0 : index
      %get3A_2121 = tpu.vector_load %arg9[%get3A_2119, %get3A_2120] {strides = array<i32>} : memref<208x64xf32, #tpu.memory_space<vmem>>, vector<16xf32>,
      %add3A_2122 = arith.addf %add3A_2117, %get3A_2121 : vector<16xf32>
      %get3A_2123 = arith.constant 82 : i32
      %get3A_2124 = arith.index_cast %get3A_2123 : i32 to index
      %get3A_2125 = arith.constant 0 : index
      %get3A_2126 = tpu.vector_load %arg9[%get3A_2124, %get3A_2125] {strides = array<i32>} : memref<208x64xf32, #tpu.memory_space<vmem>>, vector<16xf32>,
      %add3A_2127 = arith.addf %add3A_2122, %get3A_2126 : vector<16xf32>
      %get3A_2128 = arith.constant 83 : i32
      %get3A_2129 = arith.index_cast %get3A_2128 : i32 to index
      %get3A_2130 = arith.constant 0 : index
      %get3A_2131 = tpu.vector_load %arg9[%get3A_2129, %get3A_2130] {strides = array<i32>} : memref<208x64xf32, #tpu.memory_space<vmem>>, vector<16xf32>,
      %add3A_2132 = arith.addf %add3A_2127, %get3A_2131 : vector<16xf32>
      %get3A_2133 = arith.constant 84 : i32
      %get3A_2134 = arith.index_cast %get3A_2133 : i32 to index
      %get3A_2135 = arith.constant 0 : index
      %get3A_2136 = tpu.vector_load %arg9[%get3A_2134, %get3A_2135] {strides = array<i32>} : memref<208x64xf32, #tpu.memory_space<vmem>>, vector<16xf32>,
      %add3A_2137 = arith.addf %add3A_2132, %get3A_2136 : vector<16xf32>
      %get3A_2138 = arith.constant 85 : i32
      %get3A_2139 = arith.index_cast %get3A_2138 : i32 to index
      %get3A_2140 = arith.constant 0 : index
      %get3A_2141 = tpu.vector_load %arg9[%get3A_2139, %get3A_2140] {strides = array<i32>} : memref<208x64xf32, #tpu.memory_space<vmem>>, vector<16xf32>,
      %add3A_2142 = arith.addf %add3A_2137, %get3A_2141 : vector<16xf32>
      %get3A_2143 = arith.constant 86 : i32
      %get3A_2144 = arith.index_cast %get3A_2143 : i32 to index
      %get3A_2145 = arith.constant 0 : index
      %get3A_2146 = tpu.vector_load %arg9[%get3A_2144, %get3A_2145] {strides = array<i32>} : memref<208x64xf32, #tpu.memory_space<vmem>>, vector<16xf32>,
      %add3A_2147 = arith.addf %add3A_2142, %get3A_2146 : vector<16xf32>
      %get3A_2148 = arith.constant 87 : i32
      %get3A_2149 = arith.index_cast %get3A_2148 : i32 to index
      %get3A_2150 = arith.constant 0 : index
      %get3A_2151 = tpu.vector_load %arg9[%get3A_2149, %get3A_2150] {strides = array<i32>} : memref<208x64xf32, #tpu.memory_space<vmem>>, vector<16xf32>,
      %add3A_2152 = arith.addf %add3A_2147, %get3A_2151 : vector<16xf32>
      %get3A_2153 = arith.constant 88 : i32
      %get3A_2154 = arith.index_cast %get3A_2153 : i32 to index
      %get3A_2155 = arith.constant 0 : index
      %get3A_2156 = tpu.vector_load %arg9[%get3A_2154, %get3A_2155] {strides = array<i32>} : memref<208x64xf32, #tpu.memory_space<vmem>>, vector<16xf32>,
      %add3A_2157 = arith.addf %add3A_2152, %get3A_2156 : vector<16xf32>
      %get3A_2158 = arith.constant 89 : i32
      %get3A_2159 = arith.index_cast %get3A_2158 : i32 to index
      %get3A_2160 = arith.constant 0 : index
      %get3A_2161 = tpu.vector_load %arg9[%get3A_2159, %get3A_2160] {strides = array<i32>} : memref<208x64xf32, #tpu.memory_space<vmem>>, vector<16xf32>,
      %add3A_2162 = arith.addf %add3A_2157, %get3A_2161 : vector<16xf32>
      %get3A_2163 = arith.constant 90 : i32
      %get3A_2164 = arith.index_cast %get3A_2163 : i32 to index
      %get3A_2165 = arith.constant 0 : index
      %get3A_2166 = tpu.vector_load %arg9[%get3A_2164, %get3A_2165] {strides = array<i32>} : memref<208x64xf32, #tpu.memory_space<vmem>>, vector<16xf32>,
      %add3A_2167 = arith.addf %add3A_2162, %get3A_2166 : vector<16xf32>
      %get3A_2168 = arith.constant 91 : i32
      %get3A_2169 = arith.index_cast %get3A_2168 : i32 to index
      %get3A_2170 = arith.constant 0 : index
      %get3A_2171 = tpu.vector_load %arg9[%get3A_2169, %get3A_2170] {strides = array<i32>} : memref<208x64xf32, #tpu.memory_space<vmem>>, vector<16xf32>,
      %add3A_2172 = arith.addf %add3A_2167, %get3A_2171 : vector<16xf32>
      %get3A_2173 = arith.constant 92 : i32
      %get3A_2174 = arith.index_cast %get3A_2173 : i32 to index
      %get3A_2175 = arith.constant 0 : index
      %get3A_2176 = tpu.vector_load %arg9[%get3A_2174, %get3A_2175] {strides = array<i32>} : memref<208x64xf32, #tpu.memory_space<vmem>>, vector<16xf32>,
      %add3A_2177 = arith.addf %add3A_2172, %get3A_2176 : vector<16xf32>
      %get3A_2178 = arith.constant 93 : i32
      %get3A_2179 = arith.index_cast %get3A_2178 : i32 to index
      %get3A_2180 = arith.constant 0 : index
      %get3A_2181 = tpu.vector_load %arg9[%get3A_2179, %get3A_2180] {strides = array<i32>} : memref<208x64xf32, #tpu.memory_space<vmem>>, vector<16xf32>,
      %add3A_2182 = arith.addf %add3A_2177, %get3A_2181 : vector<16xf32>
      %get3A_2183 = arith.constant 94 : i32
      %get3A_2184 = arith.index_cast %get3A_2183 : i32 to index
      %get3A_2185 = arith.constant 0 : index
      %get3A_2186 = tpu.vector_load %arg9[%get3A_2184, %get3A_2185] {strides = array<i32>} : memref<208x64xf32, #tpu.memory_space<vmem>>, vector<16xf32>,
      %add3A_2187 = arith.addf %add3A_2182, %get3A_2186 : vector<16xf32>
      %get3A_2188 = arith.constant 95 : i32
      %get3A_2189 = arith.index_cast %get3A_2188 : i32 to index
      %get3A_2190 = arith.constant 0 : index
      %get3A_2191 = tpu.vector_load %arg9[%get3A_2189, %get3A_2190] {strides = array<i32>} : memref<208x64xf32, #tpu.memory_space<vmem>>, vector<16xf32>,
      %add3A_2192 = arith.addf %add3A_2187, %get3A_2191 : vector<16xf32>
      %swap3A_2193 = arith.index_cast %scan3A_15 : i32 to index
      %swap3A_2194 = arith.constant 0 : index
      %swap3A_2195 = tpu.vector_load %arg10[%swap3A_2193, %swap3A_2194] {strides = array<i32>} : memref<128x64xf32, #tpu.memory_space<vmem>>, vector<16xf32>,
      tpu.vector_store %arg10[%swap3A_2193, %swap3A_2194], %add3A_2192 {strides = array<i32>} : memref<128x64xf32, #tpu.memory_space<vmem>>, vector<16xf32>,
      %get3A_2196 = arith.index_cast %scan3A_15 : i32 to index
      %get3A_2197 = arith.constant 16 : index
      %get3A_2198 = tpu.vector_load %arg10[%get3A_2196, %get3A_2197] {strides = array<i32>} : memref<128x64xf32, #tpu.memory_space<vmem>>, vector<16xf32>,
      %get3A_2199 = arith.constant 80 : i32
      %get3A_2200 = arith.index_cast %get3A_2199 : i32 to index
      %get3A_2201 = arith.constant 16 : index
      %get3A_2202 = tpu.vector_load %arg9[%get3A_2200, %get3A_2201] {strides = array<i32>} : memref<208x64xf32, #tpu.memory_space<vmem>>, vector<16xf32>,
      %add3A_2203 = arith.addf %get3A_2198, %get3A_2202 : vector<16xf32>
      %get3A_2204 = arith.constant 81 : i32
      %get3A_2205 = arith.index_cast %get3A_2204 : i32 to index
      %get3A_2206 = arith.constant 16 : index
      %get3A_2207 = tpu.vector_load %arg9[%get3A_2205, %get3A_2206] {strides = array<i32>} : memref<208x64xf32, #tpu.memory_space<vmem>>, vector<16xf32>,
      %add3A_2208 = arith.addf %add3A_2203, %get3A_2207 : vector<16xf32>
      %get3A_2209 = arith.constant 82 : i32
      %get3A_2210 = arith.index_cast %get3A_2209 : i32 to index
      %get3A_2211 = arith.constant 16 : index
      %get3A_2212 = tpu.vector_load %arg9[%get3A_2210, %get3A_2211] {strides = array<i32>} : memref<208x64xf32, #tpu.memory_space<vmem>>, vector<16xf32>,
      %add3A_2213 = arith.addf %add3A_2208, %get3A_2212 : vector<16xf32>
      %get3A_2214 = arith.constant 83 : i32
      %get3A_2215 = arith.index_cast %get3A_2214 : i32 to index
      %get3A_2216 = arith.constant 16 : index
      %get3A_2217 = tpu.vector_load %arg9[%get3A_2215, %get3A_2216] {strides = array<i32>} : memref<208x64xf32, #tpu.memory_space<vmem>>, vector<16xf32>,
      %add3A_2218 = arith.addf %add3A_2213, %get3A_2217 : vector<16xf32>
      %get3A_2219 = arith.constant 84 : i32
      %get3A_2220 = arith.index_cast %get3A_2219 : i32 to index
      %get3A_2221 = arith.constant 16 : index
      %get3A_2222 = tpu.vector_load %arg9[%get3A_2220, %get3A_2221] {strides = array<i32>} : memref<208x64xf32, #tpu.memory_space<vmem>>, vector<16xf32>,
      %add3A_2223 = arith.addf %add3A_2218, %get3A_2222 : vector<16xf32>
      %get3A_2224 = arith.constant 85 : i32
      %get3A_2225 = arith.index_cast %get3A_2224 : i32 to index
      %get3A_2226 = arith.constant 16 : index
      %get3A_2227 = tpu.vector_load %arg9[%get3A_2225, %get3A_2226] {strides = array<i32>} : memref<208x64xf32, #tpu.memory_space<vmem>>, vector<16xf32>,
      %add3A_2228 = arith.addf %add3A_2223, %get3A_2227 : vector<16xf32>
      %get3A_2229 = arith.constant 86 : i32
      %get3A_2230 = arith.index_cast %get3A_2229 : i32 to index
      %get3A_2231 = arith.constant 16 : index
      %get3A_2232 = tpu.vector_load %arg9[%get3A_2230, %get3A_2231] {strides = array<i32>} : memref<208x64xf32, #tpu.memory_space<vmem>>, vector<16xf32>,
      %add3A_2233 = arith.addf %add3A_2228, %get3A_2232 : vector<16xf32>
      %get3A_2234 = arith.constant 87 : i32
      %get3A_2235 = arith.index_cast %get3A_2234 : i32 to index
      %get3A_2236 = arith.constant 16 : index
      %get3A_2237 = tpu.vector_load %arg9[%get3A_2235, %get3A_2236] {strides = array<i32>} : memref<208x64xf32, #tpu.memory_space<vmem>>, vector<16xf32>,
      %add3A_2238 = arith.addf %add3A_2233, %get3A_2237 : vector<16xf32>
      %get3A_2239 = arith.constant 88 : i32
      %get3A_2240 = arith.index_cast %get3A_2239 : i32 to index
      %get3A_2241 = arith.constant 16 : index
      %get3A_2242 = tpu.vector_load %arg9[%get3A_2240, %get3A_2241] {strides = array<i32>} : memref<208x64xf32, #tpu.memory_space<vmem>>, vector<16xf32>,
      %add3A_2243 = arith.addf %add3A_2238, %get3A_2242 : vector<16xf32>
      %get3A_2244 = arith.constant 89 : i32
      %get3A_2245 = arith.index_cast %get3A_2244 : i32 to index
      %get3A_2246 = arith.constant 16 : index
      %get3A_2247 = tpu.vector_load %arg9[%get3A_2245, %get3A_2246] {strides = array<i32>} : memref<208x64xf32, #tpu.memory_space<vmem>>, vector<16xf32>,
      %add3A_2248 = arith.addf %add3A_2243, %get3A_2247 : vector<16xf32>
      %get3A_2249 = arith.constant 90 : i32
      %get3A_2250 = arith.index_cast %get3A_2249 : i32 to index
      %get3A_2251 = arith.constant 16 : index
      %get3A_2252 = tpu.vector_load %arg9[%get3A_2250, %get3A_2251] {strides = array<i32>} : memref<208x64xf32, #tpu.memory_space<vmem>>, vector<16xf32>,
      %add3A_2253 = arith.addf %add3A_2248, %get3A_2252 : vector<16xf32>
      %get3A_2254 = arith.constant 91 : i32
      %get3A_2255 = arith.index_cast %get3A_2254 : i32 to index
      %get3A_2256 = arith.constant 16 : index
      %get3A_2257 = tpu.vector_load %arg9[%get3A_2255, %get3A_2256] {strides = array<i32>} : memref<208x64xf32, #tpu.memory_space<vmem>>, vector<16xf32>,
      %add3A_2258 = arith.addf %add3A_2253, %get3A_2257 : vector<16xf32>
      %get3A_2259 = arith.constant 92 : i32
      %get3A_2260 = arith.index_cast %get3A_2259 : i32 to index
      %get3A_2261 = arith.constant 16 : index
      %get3A_2262 = tpu.vector_load %arg9[%get3A_2260, %get3A_2261] {strides = array<i32>} : memref<208x64xf32, #tpu.memory_space<vmem>>, vector<16xf32>,
      %add3A_2263 = arith.addf %add3A_2258, %get3A_2262 : vector<16xf32>
      %get3A_2264 = arith.constant 93 : i32
      %get3A_2265 = arith.index_cast %get3A_2264 : i32 to index
      %get3A_2266 = arith.constant 16 : index
      %get3A_2267 = tpu.vector_load %arg9[%get3A_2265, %get3A_2266] {strides = array<i32>} : memref<208x64xf32, #tpu.memory_space<vmem>>, vector<16xf32>,
      %add3A_2268 = arith.addf %add3A_2263, %get3A_2267 : vector<16xf32>
      %get3A_2269 = arith.constant 94 : i32
      %get3A_2270 = arith.index_cast %get3A_2269 : i32 to index
      %get3A_2271 = arith.constant 16 : index
      %get3A_2272 = tpu.vector_load %arg9[%get3A_2270, %get3A_2271] {strides = array<i32>} : memref<208x64xf32, #tpu.memory_space<vmem>>, vector<16xf32>,
      %add3A_2273 = arith.addf %add3A_2268, %get3A_2272 : vector<16xf32>
      %get3A_2274 = arith.constant 95 : i32
      %get3A_2275 = arith.index_cast %get3A_2274 : i32 to index
      %get3A_2276 = arith.constant 16 : index
      %get3A_2277 = tpu.vector_load %arg9[%get3A_2275, %get3A_2276] {strides = array<i32>} : memref<208x64xf32, #tpu.memory_space<vmem>>, vector<16xf32>,
      %add3A_2278 = arith.addf %add3A_2273, %get3A_2277 : vector<16xf32>
      %swap3A_2279 = arith.index_cast %scan3A_15 : i32 to index
      %swap3A_2280 = arith.constant 16 : index
      %swap3A_2281 = tpu.vector_load %arg10[%swap3A_2279, %swap3A_2280] {strides = array<i32>} : memref<128x64xf32, #tpu.memory_space<vmem>>, vector<16xf32>,
      tpu.vector_store %arg10[%swap3A_2279, %swap3A_2280], %add3A_2278 {strides = array<i32>} : memref<128x64xf32, #tpu.memory_space<vmem>>, vector<16xf32>,
      %get3A_2282 = arith.index_cast %scan3A_15 : i32 to index
      %get3A_2283 = arith.constant 32 : index
      %get3A_2284 = tpu.vector_load %arg10[%get3A_2282, %get3A_2283] {strides = array<i32>} : memref<128x64xf32, #tpu.memory_space<vmem>>, vector<16xf32>,
      %get3A_2285 = arith.constant 80 : i32
      %get3A_2286 = arith.index_cast %get3A_2285 : i32 to index
      %get3A_2287 = arith.constant 32 : index
      %get3A_2288 = tpu.vector_load %arg9[%get3A_2286, %get3A_2287] {strides = array<i32>} : memref<208x64xf32, #tpu.memory_space<vmem>>, vector<16xf32>,
      %add3A_2289 = arith.addf %get3A_2284, %get3A_2288 : vector<16xf32>
      %get3A_2290 = arith.constant 81 : i32
      %get3A_2291 = arith.index_cast %get3A_2290 : i32 to index
      %get3A_2292 = arith.constant 32 : index
      %get3A_2293 = tpu.vector_load %arg9[%get3A_2291, %get3A_2292] {strides = array<i32>} : memref<208x64xf32, #tpu.memory_space<vmem>>, vector<16xf32>,
      %add3A_2294 = arith.addf %add3A_2289, %get3A_2293 : vector<16xf32>
      %get3A_2295 = arith.constant 82 : i32
      %get3A_2296 = arith.index_cast %get3A_2295 : i32 to index
      %get3A_2297 = arith.constant 32 : index
      %get3A_2298 = tpu.vector_load %arg9[%get3A_2296, %get3A_2297] {strides = array<i32>} : memref<208x64xf32, #tpu.memory_space<vmem>>, vector<16xf32>,
      %add3A_2299 = arith.addf %add3A_2294, %get3A_2298 : vector<16xf32>
      %get3A_2300 = arith.constant 83 : i32
      %get3A_2301 = arith.index_cast %get3A_2300 : i32 to index
      %get3A_2302 = arith.constant 32 : index
      %get3A_2303 = tpu.vector_load %arg9[%get3A_2301, %get3A_2302] {strides = array<i32>} : memref<208x64xf32, #tpu.memory_space<vmem>>, vector<16xf32>,
      %add3A_2304 = arith.addf %add3A_2299, %get3A_2303 : vector<16xf32>
      %get3A_2305 = arith.constant 84 : i32
      %get3A_2306 = arith.index_cast %get3A_2305 : i32 to index
      %get3A_2307 = arith.constant 32 : index
      %get3A_2308 = tpu.vector_load %arg9[%get3A_2306, %get3A_2307] {strides = array<i32>} : memref<208x64xf32, #tpu.memory_space<vmem>>, vector<16xf32>,
      %add3A_2309 = arith.addf %add3A_2304, %get3A_2308 : vector<16xf32>
      %get3A_2310 = arith.constant 85 : i32
      %get3A_2311 = arith.index_cast %get3A_2310 : i32 to index
      %get3A_2312 = arith.constant 32 : index
      %get3A_2313 = tpu.vector_load %arg9[%get3A_2311, %get3A_2312] {strides = array<i32>} : memref<208x64xf32, #tpu.memory_space<vmem>>, vector<16xf32>,
      %add3A_2314 = arith.addf %add3A_2309, %get3A_2313 : vector<16xf32>
      %get3A_2315 = arith.constant 86 : i32
      %get3A_2316 = arith.index_cast %get3A_2315 : i32 to index
      %get3A_2317 = arith.constant 32 : index
      %get3A_2318 = tpu.vector_load %arg9[%get3A_2316, %get3A_2317] {strides = array<i32>} : memref<208x64xf32, #tpu.memory_space<vmem>>, vector<16xf32>,
      %add3A_2319 = arith.addf %add3A_2314, %get3A_2318 : vector<16xf32>
      %get3A_2320 = arith.constant 87 : i32
      %get3A_2321 = arith.index_cast %get3A_2320 : i32 to index
      %get3A_2322 = arith.constant 32 : index
      %get3A_2323 = tpu.vector_load %arg9[%get3A_2321, %get3A_2322] {strides = array<i32>} : memref<208x64xf32, #tpu.memory_space<vmem>>, vector<16xf32>,
      %add3A_2324 = arith.addf %add3A_2319, %get3A_2323 : vector<16xf32>
      %get3A_2325 = arith.constant 88 : i32
      %get3A_2326 = arith.index_cast %get3A_2325 : i32 to index
      %get3A_2327 = arith.constant 32 : index
      %get3A_2328 = tpu.vector_load %arg9[%get3A_2326, %get3A_2327] {strides = array<i32>} : memref<208x64xf32, #tpu.memory_space<vmem>>, vector<16xf32>,
      %add3A_2329 = arith.addf %add3A_2324, %get3A_2328 : vector<16xf32>
      %get3A_2330 = arith.constant 89 : i32
      %get3A_2331 = arith.index_cast %get3A_2330 : i32 to index
      %get3A_2332 = arith.constant 32 : index
      %get3A_2333 = tpu.vector_load %arg9[%get3A_2331, %get3A_2332] {strides = array<i32>} : memref<208x64xf32, #tpu.memory_space<vmem>>, vector<16xf32>,
      %add3A_2334 = arith.addf %add3A_2329, %get3A_2333 : vector<16xf32>
      %get3A_2335 = arith.constant 90 : i32
      %get3A_2336 = arith.index_cast %get3A_2335 : i32 to index
      %get3A_2337 = arith.constant 32 : index
      %get3A_2338 = tpu.vector_load %arg9[%get3A_2336, %get3A_2337] {strides = array<i32>} : memref<208x64xf32, #tpu.memory_space<vmem>>, vector<16xf32>,
      %add3A_2339 = arith.addf %add3A_2334, %get3A_2338 : vector<16xf32>
      %get3A_2340 = arith.constant 91 : i32
      %get3A_2341 = arith.index_cast %get3A_2340 : i32 to index
      %get3A_2342 = arith.constant 32 : index
      %get3A_2343 = tpu.vector_load %arg9[%get3A_2341, %get3A_2342] {strides = array<i32>} : memref<208x64xf32, #tpu.memory_space<vmem>>, vector<16xf32>,
      %add3A_2344 = arith.addf %add3A_2339, %get3A_2343 : vector<16xf32>
      %get3A_2345 = arith.constant 92 : i32
      %get3A_2346 = arith.index_cast %get3A_2345 : i32 to index
      %get3A_2347 = arith.constant 32 : index
      %get3A_2348 = tpu.vector_load %arg9[%get3A_2346, %get3A_2347] {strides = array<i32>} : memref<208x64xf32, #tpu.memory_space<vmem>>, vector<16xf32>,
      %add3A_2349 = arith.addf %add3A_2344, %get3A_2348 : vector<16xf32>
      %get3A_2350 = arith.constant 93 : i32
      %get3A_2351 = arith.index_cast %get3A_2350 : i32 to index
      %get3A_2352 = arith.constant 32 : index
      %get3A_2353 = tpu.vector_load %arg9[%get3A_2351, %get3A_2352] {strides = array<i32>} : memref<208x64xf32, #tpu.memory_space<vmem>>, vector<16xf32>,
      %add3A_2354 = arith.addf %add3A_2349, %get3A_2353 : vector<16xf32>
      %get3A_2355 = arith.constant 94 : i32
      %get3A_2356 = arith.index_cast %get3A_2355 : i32 to index
      %get3A_2357 = arith.constant 32 : index
      %get3A_2358 = tpu.vector_load %arg9[%get3A_2356, %get3A_2357] {strides = array<i32>} : memref<208x64xf32, #tpu.memory_space<vmem>>, vector<16xf32>,
      %add3A_2359 = arith.addf %add3A_2354, %get3A_2358 : vector<16xf32>
      %get3A_2360 = arith.constant 95 : i32
      %get3A_2361 = arith.index_cast %get3A_2360 : i32 to index
      %get3A_2362 = arith.constant 32 : index
      %get3A_2363 = tpu.vector_load %arg9[%get3A_2361, %get3A_2362] {strides = array<i32>} : memref<208x64xf32, #tpu.memory_space<vmem>>, vector<16xf32>,
      %add3A_2364 = arith.addf %add3A_2359, %get3A_2363 : vector<16xf32>
      %swap3A_2365 = arith.index_cast %scan3A_15 : i32 to index
      %swap3A_2366 = arith.constant 32 : index
      %swap3A_2367 = tpu.vector_load %arg10[%swap3A_2365, %swap3A_2366] {strides = array<i32>} : memref<128x64xf32, #tpu.memory_space<vmem>>, vector<16xf32>,
      tpu.vector_store %arg10[%swap3A_2365, %swap3A_2366], %add3A_2364 {strides = array<i32>} : memref<128x64xf32, #tpu.memory_space<vmem>>, vector<16xf32>,
      %get3A_2368 = arith.index_cast %scan3A_15 : i32 to index
      %get3A_2369 = arith.constant 48 : index
      %get3A_2370 = tpu.vector_load %arg10[%get3A_2368, %get3A_2369] {strides = array<i32>} : memref<128x64xf32, #tpu.memory_space<vmem>>, vector<16xf32>,
      %get3A_2371 = arith.constant 80 : i32
      %get3A_2372 = arith.index_cast %get3A_2371 : i32 to index
      %get3A_2373 = arith.constant 48 : index
      %get3A_2374 = tpu.vector_load %arg9[%get3A_2372, %get3A_2373] {strides = array<i32>} : memref<208x64xf32, #tpu.memory_space<vmem>>, vector<16xf32>,
      %add3A_2375 = arith.addf %get3A_2370, %get3A_2374 : vector<16xf32>
      %get3A_2376 = arith.constant 81 : i32
      %get3A_2377 = arith.index_cast %get3A_2376 : i32 to index
      %get3A_2378 = arith.constant 48 : index
      %get3A_2379 = tpu.vector_load %arg9[%get3A_2377, %get3A_2378] {strides = array<i32>} : memref<208x64xf32, #tpu.memory_space<vmem>>, vector<16xf32>,
      %add3A_2380 = arith.addf %add3A_2375, %get3A_2379 : vector<16xf32>
      %get3A_2381 = arith.constant 82 : i32
      %get3A_2382 = arith.index_cast %get3A_2381 : i32 to index
      %get3A_2383 = arith.constant 48 : index
      %get3A_2384 = tpu.vector_load %arg9[%get3A_2382, %get3A_2383] {strides = array<i32>} : memref<208x64xf32, #tpu.memory_space<vmem>>, vector<16xf32>,
      %add3A_2385 = arith.addf %add3A_2380, %get3A_2384 : vector<16xf32>
      %get3A_2386 = arith.constant 83 : i32
      %get3A_2387 = arith.index_cast %get3A_2386 : i32 to index
      %get3A_2388 = arith.constant 48 : index
      %get3A_2389 = tpu.vector_load %arg9[%get3A_2387, %get3A_2388] {strides = array<i32>} : memref<208x64xf32, #tpu.memory_space<vmem>>, vector<16xf32>,
      %add3A_2390 = arith.addf %add3A_2385, %get3A_2389 : vector<16xf32>
      %get3A_2391 = arith.constant 84 : i32
      %get3A_2392 = arith.index_cast %get3A_2391 : i32 to index
      %get3A_2393 = arith.constant 48 : index
      %get3A_2394 = tpu.vector_load %arg9[%get3A_2392, %get3A_2393] {strides = array<i32>} : memref<208x64xf32, #tpu.memory_space<vmem>>, vector<16xf32>,
      %add3A_2395 = arith.addf %add3A_2390, %get3A_2394 : vector<16xf32>
      %get3A_2396 = arith.constant 85 : i32
      %get3A_2397 = arith.index_cast %get3A_2396 : i32 to index
      %get3A_2398 = arith.constant 48 : index
      %get3A_2399 = tpu.vector_load %arg9[%get3A_2397, %get3A_2398] {strides = array<i32>} : memref<208x64xf32, #tpu.memory_space<vmem>>, vector<16xf32>,
      %add3A_2400 = arith.addf %add3A_2395, %get3A_2399 : vector<16xf32>
      %get3A_2401 = arith.constant 86 : i32
      %get3A_2402 = arith.index_cast %get3A_2401 : i32 to index
      %get3A_2403 = arith.constant 48 : index
      %get3A_2404 = tpu.vector_load %arg9[%get3A_2402, %get3A_2403] {strides = array<i32>} : memref<208x64xf32, #tpu.memory_space<vmem>>, vector<16xf32>,
      %add3A_2405 = arith.addf %add3A_2400, %get3A_2404 : vector<16xf32>
      %get3A_2406 = arith.constant 87 : i32
      %get3A_2407 = arith.index_cast %get3A_2406 : i32 to index
      %get3A_2408 = arith.constant 48 : index
      %get3A_2409 = tpu.vector_load %arg9[%get3A_2407, %get3A_2408] {strides = array<i32>} : memref<208x64xf32, #tpu.memory_space<vmem>>, vector<16xf32>,
      %add3A_2410 = arith.addf %add3A_2405, %get3A_2409 : vector<16xf32>
      %get3A_2411 = arith.constant 88 : i32
      %get3A_2412 = arith.index_cast %get3A_2411 : i32 to index
      %get3A_2413 = arith.constant 48 : index
      %get3A_2414 = tpu.vector_load %arg9[%get3A_2412, %get3A_2413] {strides = array<i32>} : memref<208x64xf32, #tpu.memory_space<vmem>>, vector<16xf32>,
      %add3A_2415 = arith.addf %add3A_2410, %get3A_2414 : vector<16xf32>
      %get3A_2416 = arith.constant 89 : i32
      %get3A_2417 = arith.index_cast %get3A_2416 : i32 to index
      %get3A_2418 = arith.constant 48 : index
      %get3A_2419 = tpu.vector_load %arg9[%get3A_2417, %get3A_2418] {strides = array<i32>} : memref<208x64xf32, #tpu.memory_space<vmem>>, vector<16xf32>,
      %add3A_2420 = arith.addf %add3A_2415, %get3A_2419 : vector<16xf32>
      %get3A_2421 = arith.constant 90 : i32
      %get3A_2422 = arith.index_cast %get3A_2421 : i32 to index
      %get3A_2423 = arith.constant 48 : index
      %get3A_2424 = tpu.vector_load %arg9[%get3A_2422, %get3A_2423] {strides = array<i32>} : memref<208x64xf32, #tpu.memory_space<vmem>>, vector<16xf32>,
      %add3A_2425 = arith.addf %add3A_2420, %get3A_2424 : vector<16xf32>
      %get3A_2426 = arith.constant 91 : i32
      %get3A_2427 = arith.index_cast %get3A_2426 : i32 to index
      %get3A_2428 = arith.constant 48 : index
      %get3A_2429 = tpu.vector_load %arg9[%get3A_2427, %get3A_2428] {strides = array<i32>} : memref<208x64xf32, #tpu.memory_space<vmem>>, vector<16xf32>,
      %add3A_2430 = arith.addf %add3A_2425, %get3A_2429 : vector<16xf32>
      %get3A_2431 = arith.constant 92 : i32
      %get3A_2432 = arith.index_cast %get3A_2431 : i32 to index
      %get3A_2433 = arith.constant 48 : index
      %get3A_2434 = tpu.vector_load %arg9[%get3A_2432, %get3A_2433] {strides = array<i32>} : memref<208x64xf32, #tpu.memory_space<vmem>>, vector<16xf32>,
      %add3A_2435 = arith.addf %add3A_2430, %get3A_2434 : vector<16xf32>
      %get3A_2436 = arith.constant 93 : i32
      %get3A_2437 = arith.index_cast %get3A_2436 : i32 to index
      %get3A_2438 = arith.constant 48 : index
      %get3A_2439 = tpu.vector_load %arg9[%get3A_2437, %get3A_2438] {strides = array<i32>} : memref<208x64xf32, #tpu.memory_space<vmem>>, vector<16xf32>,
      %add3A_2440 = arith.addf %add3A_2435, %get3A_2439 : vector<16xf32>
      %get3A_2441 = arith.constant 94 : i32
      %get3A_2442 = arith.index_cast %get3A_2441 : i32 to index
      %get3A_2443 = arith.constant 48 : index
      %get3A_2444 = tpu.vector_load %arg9[%get3A_2442, %get3A_2443] {strides = array<i32>} : memref<208x64xf32, #tpu.memory_space<vmem>>, vector<16xf32>,
      %add3A_2445 = arith.addf %add3A_2440, %get3A_2444 : vector<16xf32>
      %get3A_2446 = arith.constant 95 : i32
      %get3A_2447 = arith.index_cast %get3A_2446 : i32 to index
      %get3A_2448 = arith.constant 48 : index
      %get3A_2449 = tpu.vector_load %arg9[%get3A_2447, %get3A_2448] {strides = array<i32>} : memref<208x64xf32, #tpu.memory_space<vmem>>, vector<16xf32>,
      %add3A_2450 = arith.addf %add3A_2445, %get3A_2449 : vector<16xf32>
      %swap3A_2451 = arith.index_cast %scan3A_15 : i32 to index
      %swap3A_2452 = arith.constant 48 : index
      %swap3A_2453 = tpu.vector_load %arg10[%swap3A_2451, %swap3A_2452] {strides = array<i32>} : memref<128x64xf32, #tpu.memory_space<vmem>>, vector<16xf32>,
      tpu.vector_store %arg10[%swap3A_2451, %swap3A_2452], %add3A_2450 {strides = array<i32>} : memref<128x64xf32, #tpu.memory_space<vmem>>, vector<16xf32>,
      %get3A_2454 = arith.index_cast %scan3A_15 : i32 to index
      %get3A_2455 = arith.constant 0 : index
      %get3A_2456 = tpu.vector_load %arg10[%get3A_2454, %get3A_2455] {strides = array<i32>} : memref<128x64xf32, #tpu.memory_space<vmem>>, vector<16xf32>,
      %get3A_2457 = arith.constant 96 : i32
      %get3A_2458 = arith.index_cast %get3A_2457 : i32 to index
      %get3A_2459 = arith.constant 0 : index
      %get3A_2460 = tpu.vector_load %arg9[%get3A_2458, %get3A_2459] {strides = array<i32>} : memref<208x64xf32, #tpu.memory_space<vmem>>, vector<16xf32>,
      %add3A_2461 = arith.addf %get3A_2456, %get3A_2460 : vector<16xf32>
      %get3A_2462 = arith.constant 97 : i32
      %get3A_2463 = arith.index_cast %get3A_2462 : i32 to index
      %get3A_2464 = arith.constant 0 : index
      %get3A_2465 = tpu.vector_load %arg9[%get3A_2463, %get3A_2464] {strides = array<i32>} : memref<208x64xf32, #tpu.memory_space<vmem>>, vector<16xf32>,
      %add3A_2466 = arith.addf %add3A_2461, %get3A_2465 : vector<16xf32>
      %get3A_2467 = arith.constant 98 : i32
      %get3A_2468 = arith.index_cast %get3A_2467 : i32 to index
      %get3A_2469 = arith.constant 0 : index
      %get3A_2470 = tpu.vector_load %arg9[%get3A_2468, %get3A_2469] {strides = array<i32>} : memref<208x64xf32, #tpu.memory_space<vmem>>, vector<16xf32>,
      %add3A_2471 = arith.addf %add3A_2466, %get3A_2470 : vector<16xf32>
      %get3A_2472 = arith.constant 99 : i32
      %get3A_2473 = arith.index_cast %get3A_2472 : i32 to index
      %get3A_2474 = arith.constant 0 : index
      %get3A_2475 = tpu.vector_load %arg9[%get3A_2473, %get3A_2474] {strides = array<i32>} : memref<208x64xf32, #tpu.memory_space<vmem>>, vector<16xf32>,
      %add3A_2476 = arith.addf %add3A_2471, %get3A_2475 : vector<16xf32>
      %get3A_2477 = arith.constant 100 : i32
      %get3A_2478 = arith.index_cast %get3A_2477 : i32 to index
      %get3A_2479 = arith.constant 0 : index
      %get3A_2480 = tpu.vector_load %arg9[%get3A_2478, %get3A_2479] {strides = array<i32>} : memref<208x64xf32, #tpu.memory_space<vmem>>, vector<16xf32>,
      %add3A_2481 = arith.addf %add3A_2476, %get3A_2480 : vector<16xf32>
      %get3A_2482 = arith.constant 101 : i32
      %get3A_2483 = arith.index_cast %get3A_2482 : i32 to index
      %get3A_2484 = arith.constant 0 : index
      %get3A_2485 = tpu.vector_load %arg9[%get3A_2483, %get3A_2484] {strides = array<i32>} : memref<208x64xf32, #tpu.memory_space<vmem>>, vector<16xf32>,
      %add3A_2486 = arith.addf %add3A_2481, %get3A_2485 : vector<16xf32>
      %get3A_2487 = arith.constant 102 : i32
      %get3A_2488 = arith.index_cast %get3A_2487 : i32 to index
      %get3A_2489 = arith.constant 0 : index
      %get3A_2490 = tpu.vector_load %arg9[%get3A_2488, %get3A_2489] {strides = array<i32>} : memref<208x64xf32, #tpu.memory_space<vmem>>, vector<16xf32>,
      %add3A_2491 = arith.addf %add3A_2486, %get3A_2490 : vector<16xf32>
      %get3A_2492 = arith.constant 103 : i32
      %get3A_2493 = arith.index_cast %get3A_2492 : i32 to index
      %get3A_2494 = arith.constant 0 : index
      %get3A_2495 = tpu.vector_load %arg9[%get3A_2493, %get3A_2494] {strides = array<i32>} : memref<208x64xf32, #tpu.memory_space<vmem>>, vector<16xf32>,
      %add3A_2496 = arith.addf %add3A_2491, %get3A_2495 : vector<16xf32>
      %get3A_2497 = arith.constant 104 : i32
      %get3A_2498 = arith.index_cast %get3A_2497 : i32 to index
      %get3A_2499 = arith.constant 0 : index
      %get3A_2500 = tpu.vector_load %arg9[%get3A_2498, %get3A_2499] {strides = array<i32>} : memref<208x64xf32, #tpu.memory_space<vmem>>, vector<16xf32>,
      %add3A_2501 = arith.addf %add3A_2496, %get3A_2500 : vector<16xf32>
      %get3A_2502 = arith.constant 105 : i32
      %get3A_2503 = arith.index_cast %get3A_2502 : i32 to index
      %get3A_2504 = arith.constant 0 : index
      %get3A_2505 = tpu.vector_load %arg9[%get3A_2503, %get3A_2504] {strides = array<i32>} : memref<208x64xf32, #tpu.memory_space<vmem>>, vector<16xf32>,
      %add3A_2506 = arith.addf %add3A_2501, %get3A_2505 : vector<16xf32>
      %get3A_2507 = arith.constant 106 : i32
      %get3A_2508 = arith.index_cast %get3A_2507 : i32 to index
      %get3A_2509 = arith.constant 0 : index
      %get3A_2510 = tpu.vector_load %arg9[%get3A_2508, %get3A_2509] {strides = array<i32>} : memref<208x64xf32, #tpu.memory_space<vmem>>, vector<16xf32>,
      %add3A_2511 = arith.addf %add3A_2506, %get3A_2510 : vector<16xf32>
      %get3A_2512 = arith.constant 107 : i32
      %get3A_2513 = arith.index_cast %get3A_2512 : i32 to index
      %get3A_2514 = arith.constant 0 : index
      %get3A_2515 = tpu.vector_load %arg9[%get3A_2513, %get3A_2514] {strides = array<i32>} : memref<208x64xf32, #tpu.memory_space<vmem>>, vector<16xf32>,
      %add3A_2516 = arith.addf %add3A_2511, %get3A_2515 : vector<16xf32>
      %get3A_2517 = arith.constant 108 : i32
      %get3A_2518 = arith.index_cast %get3A_2517 : i32 to index
      %get3A_2519 = arith.constant 0 : index
      %get3A_2520 = tpu.vector_load %arg9[%get3A_2518, %get3A_2519] {strides = array<i32>} : memref<208x64xf32, #tpu.memory_space<vmem>>, vector<16xf32>,
      %add3A_2521 = arith.addf %add3A_2516, %get3A_2520 : vector<16xf32>
      %get3A_2522 = arith.constant 109 : i32
      %get3A_2523 = arith.index_cast %get3A_2522 : i32 to index
      %get3A_2524 = arith.constant 0 : index
      %get3A_2525 = tpu.vector_load %arg9[%get3A_2523, %get3A_2524] {strides = array<i32>} : memref<208x64xf32, #tpu.memory_space<vmem>>, vector<16xf32>,
      %add3A_2526 = arith.addf %add3A_2521, %get3A_2525 : vector<16xf32>
      %get3A_2527 = arith.constant 110 : i32
      %get3A_2528 = arith.index_cast %get3A_2527 : i32 to index
      %get3A_2529 = arith.constant 0 : index
      %get3A_2530 = tpu.vector_load %arg9[%get3A_2528, %get3A_2529] {strides = array<i32>} : memref<208x64xf32, #tpu.memory_space<vmem>>, vector<16xf32>,
      %add3A_2531 = arith.addf %add3A_2526, %get3A_2530 : vector<16xf32>
      %get3A_2532 = arith.constant 111 : i32
      %get3A_2533 = arith.index_cast %get3A_2532 : i32 to index
      %get3A_2534 = arith.constant 0 : index
      %get3A_2535 = tpu.vector_load %arg9[%get3A_2533, %get3A_2534] {strides = array<i32>} : memref<208x64xf32, #tpu.memory_space<vmem>>, vector<16xf32>,
      %add3A_2536 = arith.addf %add3A_2531, %get3A_2535 : vector<16xf32>
      %swap3A_2537 = arith.index_cast %scan3A_15 : i32 to index
      %swap3A_2538 = arith.constant 0 : index
      %swap3A_2539 = tpu.vector_load %arg10[%swap3A_2537, %swap3A_2538] {strides = array<i32>} : memref<128x64xf32, #tpu.memory_space<vmem>>, vector<16xf32>,
      tpu.vector_store %arg10[%swap3A_2537, %swap3A_2538], %add3A_2536 {strides = array<i32>} : memref<128x64xf32, #tpu.memory_space<vmem>>, vector<16xf32>,
      %get3A_2540 = arith.index_cast %scan3A_15 : i32 to index
      %get3A_2541 = arith.constant 16 : index
      %get3A_2542 = tpu.vector_load %arg10[%get3A_2540, %get3A_2541] {strides = array<i32>} : memref<128x64xf32, #tpu.memory_space<vmem>>, vector<16xf32>,
      %get3A_2543 = arith.constant 96 : i32
      %get3A_2544 = arith.index_cast %get3A_2543 : i32 to index
      %get3A_2545 = arith.constant 16 : index
      %get3A_2546 = tpu.vector_load %arg9[%get3A_2544, %get3A_2545] {strides = array<i32>} : memref<208x64xf32, #tpu.memory_space<vmem>>, vector<16xf32>,
      %add3A_2547 = arith.addf %get3A_2542, %get3A_2546 : vector<16xf32>
      %get3A_2548 = arith.constant 97 : i32
      %get3A_2549 = arith.index_cast %get3A_2548 : i32 to index
      %get3A_2550 = arith.constant 16 : index
      %get3A_2551 = tpu.vector_load %arg9[%get3A_2549, %get3A_2550] {strides = array<i32>} : memref<208x64xf32, #tpu.memory_space<vmem>>, vector<16xf32>,
      %add3A_2552 = arith.addf %add3A_2547, %get3A_2551 : vector<16xf32>
      %get3A_2553 = arith.constant 98 : i32
      %get3A_2554 = arith.index_cast %get3A_2553 : i32 to index
      %get3A_2555 = arith.constant 16 : index
      %get3A_2556 = tpu.vector_load %arg9[%get3A_2554, %get3A_2555] {strides = array<i32>} : memref<208x64xf32, #tpu.memory_space<vmem>>, vector<16xf32>,
      %add3A_2557 = arith.addf %add3A_2552, %get3A_2556 : vector<16xf32>
      %get3A_2558 = arith.constant 99 : i32
      %get3A_2559 = arith.index_cast %get3A_2558 : i32 to index
      %get3A_2560 = arith.constant 16 : index
      %get3A_2561 = tpu.vector_load %arg9[%get3A_2559, %get3A_2560] {strides = array<i32>} : memref<208x64xf32, #tpu.memory_space<vmem>>, vector<16xf32>,
      %add3A_2562 = arith.addf %add3A_2557, %get3A_2561 : vector<16xf32>
      %get3A_2563 = arith.constant 100 : i32
      %get3A_2564 = arith.index_cast %get3A_2563 : i32 to index
      %get3A_2565 = arith.constant 16 : index
      %get3A_2566 = tpu.vector_load %arg9[%get3A_2564, %get3A_2565] {strides = array<i32>} : memref<208x64xf32, #tpu.memory_space<vmem>>, vector<16xf32>,
      %add3A_2567 = arith.addf %add3A_2562, %get3A_2566 : vector<16xf32>
      %get3A_2568 = arith.constant 101 : i32
      %get3A_2569 = arith.index_cast %get3A_2568 : i32 to index
      %get3A_2570 = arith.constant 16 : index
      %get3A_2571 = tpu.vector_load %arg9[%get3A_2569, %get3A_2570] {strides = array<i32>} : memref<208x64xf32, #tpu.memory_space<vmem>>, vector<16xf32>,
      %add3A_2572 = arith.addf %add3A_2567, %get3A_2571 : vector<16xf32>
      %get3A_2573 = arith.constant 102 : i32
      %get3A_2574 = arith.index_cast %get3A_2573 : i32 to index
      %get3A_2575 = arith.constant 16 : index
      %get3A_2576 = tpu.vector_load %arg9[%get3A_2574, %get3A_2575] {strides = array<i32>} : memref<208x64xf32, #tpu.memory_space<vmem>>, vector<16xf32>,
      %add3A_2577 = arith.addf %add3A_2572, %get3A_2576 : vector<16xf32>
      %get3A_2578 = arith.constant 103 : i32
      %get3A_2579 = arith.index_cast %get3A_2578 : i32 to index
      %get3A_2580 = arith.constant 16 : index
      %get3A_2581 = tpu.vector_load %arg9[%get3A_2579, %get3A_2580] {strides = array<i32>} : memref<208x64xf32, #tpu.memory_space<vmem>>, vector<16xf32>,
      %add3A_2582 = arith.addf %add3A_2577, %get3A_2581 : vector<16xf32>
      %get3A_2583 = arith.constant 104 : i32
      %get3A_2584 = arith.index_cast %get3A_2583 : i32 to index
      %get3A_2585 = arith.constant 16 : index
      %get3A_2586 = tpu.vector_load %arg9[%get3A_2584, %get3A_2585] {strides = array<i32>} : memref<208x64xf32, #tpu.memory_space<vmem>>, vector<16xf32>,
      %add3A_2587 = arith.addf %add3A_2582, %get3A_2586 : vector<16xf32>
      %get3A_2588 = arith.constant 105 : i32
      %get3A_2589 = arith.index_cast %get3A_2588 : i32 to index
      %get3A_2590 = arith.constant 16 : index
      %get3A_2591 = tpu.vector_load %arg9[%get3A_2589, %get3A_2590] {strides = array<i32>} : memref<208x64xf32, #tpu.memory_space<vmem>>, vector<16xf32>,
      %add3A_2592 = arith.addf %add3A_2587, %get3A_2591 : vector<16xf32>
      %get3A_2593 = arith.constant 106 : i32
      %get3A_2594 = arith.index_cast %get3A_2593 : i32 to index
      %get3A_2595 = arith.constant 16 : index
      %get3A_2596 = tpu.vector_load %arg9[%get3A_2594, %get3A_2595] {strides = array<i32>} : memref<208x64xf32, #tpu.memory_space<vmem>>, vector<16xf32>,
      %add3A_2597 = arith.addf %add3A_2592, %get3A_2596 : vector<16xf32>
      %get3A_2598 = arith.constant 107 : i32
      %get3A_2599 = arith.index_cast %get3A_2598 : i32 to index
      %get3A_2600 = arith.constant 16 : index
      %get3A_2601 = tpu.vector_load %arg9[%get3A_2599, %get3A_2600] {strides = array<i32>} : memref<208x64xf32, #tpu.memory_space<vmem>>, vector<16xf32>,
      %add3A_2602 = arith.addf %add3A_2597, %get3A_2601 : vector<16xf32>
      %get3A_2603 = arith.constant 108 : i32
      %get3A_2604 = arith.index_cast %get3A_2603 : i32 to index
      %get3A_2605 = arith.constant 16 : index
      %get3A_2606 = tpu.vector_load %arg9[%get3A_2604, %get3A_2605] {strides = array<i32>} : memref<208x64xf32, #tpu.memory_space<vmem>>, vector<16xf32>,
      %add3A_2607 = arith.addf %add3A_2602, %get3A_2606 : vector<16xf32>
      %get3A_2608 = arith.constant 109 : i32
      %get3A_2609 = arith.index_cast %get3A_2608 : i32 to index
      %get3A_2610 = arith.constant 16 : index
      %get3A_2611 = tpu.vector_load %arg9[%get3A_2609, %get3A_2610] {strides = array<i32>} : memref<208x64xf32, #tpu.memory_space<vmem>>, vector<16xf32>,
      %add3A_2612 = arith.addf %add3A_2607, %get3A_2611 : vector<16xf32>
      %get3A_2613 = arith.constant 110 : i32
      %get3A_2614 = arith.index_cast %get3A_2613 : i32 to index
      %get3A_2615 = arith.constant 16 : index
      %get3A_2616 = tpu.vector_load %arg9[%get3A_2614, %get3A_2615] {strides = array<i32>} : memref<208x64xf32, #tpu.memory_space<vmem>>, vector<16xf32>,
      %add3A_2617 = arith.addf %add3A_2612, %get3A_2616 : vector<16xf32>
      %get3A_2618 = arith.constant 111 : i32
      %get3A_2619 = arith.index_cast %get3A_2618 : i32 to index
      %get3A_2620 = arith.constant 16 : index
      %get3A_2621 = tpu.vector_load %arg9[%get3A_2619, %get3A_2620] {strides = array<i32>} : memref<208x64xf32, #tpu.memory_space<vmem>>, vector<16xf32>,
      %add3A_2622 = arith.addf %add3A_2617, %get3A_2621 : vector<16xf32>
      %swap3A_2623 = arith.index_cast %scan3A_15 : i32 to index
      %swap3A_2624 = arith.constant 16 : index
      %swap3A_2625 = tpu.vector_load %arg10[%swap3A_2623, %swap3A_2624] {strides = array<i32>} : memref<128x64xf32, #tpu.memory_space<vmem>>, vector<16xf32>,
      tpu.vector_store %arg10[%swap3A_2623, %swap3A_2624], %add3A_2622 {strides = array<i32>} : memref<128x64xf32, #tpu.memory_space<vmem>>, vector<16xf32>,
      %get3A_2626 = arith.index_cast %scan3A_15 : i32 to index
      %get3A_2627 = arith.constant 32 : index
      %get3A_2628 = tpu.vector_load %arg10[%get3A_2626, %get3A_2627] {strides = array<i32>} : memref<128x64xf32, #tpu.memory_space<vmem>>, vector<16xf32>,
      %get3A_2629 = arith.constant 96 : i32
      %get3A_2630 = arith.index_cast %get3A_2629 : i32 to index
      %get3A_2631 = arith.constant 32 : index
      %get3A_2632 = tpu.vector_load %arg9[%get3A_2630, %get3A_2631] {strides = array<i32>} : memref<208x64xf32, #tpu.memory_space<vmem>>, vector<16xf32>,
      %add3A_2633 = arith.addf %get3A_2628, %get3A_2632 : vector<16xf32>
      %get3A_2634 = arith.constant 97 : i32
      %get3A_2635 = arith.index_cast %get3A_2634 : i32 to index
      %get3A_2636 = arith.constant 32 : index
      %get3A_2637 = tpu.vector_load %arg9[%get3A_2635, %get3A_2636] {strides = array<i32>} : memref<208x64xf32, #tpu.memory_space<vmem>>, vector<16xf32>,
      %add3A_2638 = arith.addf %add3A_2633, %get3A_2637 : vector<16xf32>
      %get3A_2639 = arith.constant 98 : i32
      %get3A_2640 = arith.index_cast %get3A_2639 : i32 to index
      %get3A_2641 = arith.constant 32 : index
      %get3A_2642 = tpu.vector_load %arg9[%get3A_2640, %get3A_2641] {strides = array<i32>} : memref<208x64xf32, #tpu.memory_space<vmem>>, vector<16xf32>,
      %add3A_2643 = arith.addf %add3A_2638, %get3A_2642 : vector<16xf32>
      %get3A_2644 = arith.constant 99 : i32
      %get3A_2645 = arith.index_cast %get3A_2644 : i32 to index
      %get3A_2646 = arith.constant 32 : index
      %get3A_2647 = tpu.vector_load %arg9[%get3A_2645, %get3A_2646] {strides = array<i32>} : memref<208x64xf32, #tpu.memory_space<vmem>>, vector<16xf32>,
      %add3A_2648 = arith.addf %add3A_2643, %get3A_2647 : vector<16xf32>
      %get3A_2649 = arith.constant 100 : i32
      %get3A_2650 = arith.index_cast %get3A_2649 : i32 to index
      %get3A_2651 = arith.constant 32 : index
      %get3A_2652 = tpu.vector_load %arg9[%get3A_2650, %get3A_2651] {strides = array<i32>} : memref<208x64xf32, #tpu.memory_space<vmem>>, vector<16xf32>,
      %add3A_2653 = arith.addf %add3A_2648, %get3A_2652 : vector<16xf32>
      %get3A_2654 = arith.constant 101 : i32
      %get3A_2655 = arith.index_cast %get3A_2654 : i32 to index
      %get3A_2656 = arith.constant 32 : index
      %get3A_2657 = tpu.vector_load %arg9[%get3A_2655, %get3A_2656] {strides = array<i32>} : memref<208x64xf32, #tpu.memory_space<vmem>>, vector<16xf32>,
      %add3A_2658 = arith.addf %add3A_2653, %get3A_2657 : vector<16xf32>
      %get3A_2659 = arith.constant 102 : i32
      %get3A_2660 = arith.index_cast %get3A_2659 : i32 to index
      %get3A_2661 = arith.constant 32 : index
      %get3A_2662 = tpu.vector_load %arg9[%get3A_2660, %get3A_2661] {strides = array<i32>} : memref<208x64xf32, #tpu.memory_space<vmem>>, vector<16xf32>,
      %add3A_2663 = arith.addf %add3A_2658, %get3A_2662 : vector<16xf32>
      %get3A_2664 = arith.constant 103 : i32
      %get3A_2665 = arith.index_cast %get3A_2664 : i32 to index
      %get3A_2666 = arith.constant 32 : index
      %get3A_2667 = tpu.vector_load %arg9[%get3A_2665, %get3A_2666] {strides = array<i32>} : memref<208x64xf32, #tpu.memory_space<vmem>>, vector<16xf32>,
      %add3A_2668 = arith.addf %add3A_2663, %get3A_2667 : vector<16xf32>
      %get3A_2669 = arith.constant 104 : i32
      %get3A_2670 = arith.index_cast %get3A_2669 : i32 to index
      %get3A_2671 = arith.constant 32 : index
      %get3A_2672 = tpu.vector_load %arg9[%get3A_2670, %get3A_2671] {strides = array<i32>} : memref<208x64xf32, #tpu.memory_space<vmem>>, vector<16xf32>,
      %add3A_2673 = arith.addf %add3A_2668, %get3A_2672 : vector<16xf32>
      %get3A_2674 = arith.constant 105 : i32
      %get3A_2675 = arith.index_cast %get3A_2674 : i32 to index
      %get3A_2676 = arith.constant 32 : index
      %get3A_2677 = tpu.vector_load %arg9[%get3A_2675, %get3A_2676] {strides = array<i32>} : memref<208x64xf32, #tpu.memory_space<vmem>>, vector<16xf32>,
      %add3A_2678 = arith.addf %add3A_2673, %get3A_2677 : vector<16xf32>
      %get3A_2679 = arith.constant 106 : i32
      %get3A_2680 = arith.index_cast %get3A_2679 : i32 to index
      %get3A_2681 = arith.constant 32 : index
      %get3A_2682 = tpu.vector_load %arg9[%get3A_2680, %get3A_2681] {strides = array<i32>} : memref<208x64xf32, #tpu.memory_space<vmem>>, vector<16xf32>,
      %add3A_2683 = arith.addf %add3A_2678, %get3A_2682 : vector<16xf32>
      %get3A_2684 = arith.constant 107 : i32
      %get3A_2685 = arith.index_cast %get3A_2684 : i32 to index
      %get3A_2686 = arith.constant 32 : index
      %get3A_2687 = tpu.vector_load %arg9[%get3A_2685, %get3A_2686] {strides = array<i32>} : memref<208x64xf32, #tpu.memory_space<vmem>>, vector<16xf32>,
      %add3A_2688 = arith.addf %add3A_2683, %get3A_2687 : vector<16xf32>
      %get3A_2689 = arith.constant 108 : i32
      %get3A_2690 = arith.index_cast %get3A_2689 : i32 to index
      %get3A_2691 = arith.constant 32 : index
      %get3A_2692 = tpu.vector_load %arg9[%get3A_2690, %get3A_2691] {strides = array<i32>} : memref<208x64xf32, #tpu.memory_space<vmem>>, vector<16xf32>,
      %add3A_2693 = arith.addf %add3A_2688, %get3A_2692 : vector<16xf32>
      %get3A_2694 = arith.constant 109 : i32
      %get3A_2695 = arith.index_cast %get3A_2694 : i32 to index
      %get3A_2696 = arith.constant 32 : index
      %get3A_2697 = tpu.vector_load %arg9[%get3A_2695, %get3A_2696] {strides = array<i32>} : memref<208x64xf32, #tpu.memory_space<vmem>>, vector<16xf32>,
      %add3A_2698 = arith.addf %add3A_2693, %get3A_2697 : vector<16xf32>
      %get3A_2699 = arith.constant 110 : i32
      %get3A_2700 = arith.index_cast %get3A_2699 : i32 to index
      %get3A_2701 = arith.constant 32 : index
      %get3A_2702 = tpu.vector_load %arg9[%get3A_2700, %get3A_2701] {strides = array<i32>} : memref<208x64xf32, #tpu.memory_space<vmem>>, vector<16xf32>,
      %add3A_2703 = arith.addf %add3A_2698, %get3A_2702 : vector<16xf32>
      %get3A_2704 = arith.constant 111 : i32
      %get3A_2705 = arith.index_cast %get3A_2704 : i32 to index
      %get3A_2706 = arith.constant 32 : index
      %get3A_2707 = tpu.vector_load %arg9[%get3A_2705, %get3A_2706] {strides = array<i32>} : memref<208x64xf32, #tpu.memory_space<vmem>>, vector<16xf32>,
      %add3A_2708 = arith.addf %add3A_2703, %get3A_2707 : vector<16xf32>
      %swap3A_2709 = arith.index_cast %scan3A_15 : i32 to index
      %swap3A_2710 = arith.constant 32 : index
      %swap3A_2711 = tpu.vector_load %arg10[%swap3A_2709, %swap3A_2710] {strides = array<i32>} : memref<128x64xf32, #tpu.memory_space<vmem>>, vector<16xf32>,
      tpu.vector_store %arg10[%swap3A_2709, %swap3A_2710], %add3A_2708 {strides = array<i32>} : memref<128x64xf32, #tpu.memory_space<vmem>>, vector<16xf32>,
      %get3A_2712 = arith.index_cast %scan3A_15 : i32 to index
      %get3A_2713 = arith.constant 48 : index
      %get3A_2714 = tpu.vector_load %arg10[%get3A_2712, %get3A_2713] {strides = array<i32>} : memref<128x64xf32, #tpu.memory_space<vmem>>, vector<16xf32>,
      %get3A_2715 = arith.constant 96 : i32
      %get3A_2716 = arith.index_cast %get3A_2715 : i32 to index
      %get3A_2717 = arith.constant 48 : index
      %get3A_2718 = tpu.vector_load %arg9[%get3A_2716, %get3A_2717] {strides = array<i32>} : memref<208x64xf32, #tpu.memory_space<vmem>>, vector<16xf32>,
      %add3A_2719 = arith.addf %get3A_2714, %get3A_2718 : vector<16xf32>
      %get3A_2720 = arith.constant 97 : i32
      %get3A_2721 = arith.index_cast %get3A_2720 : i32 to index
      %get3A_2722 = arith.constant 48 : index
      %get3A_2723 = tpu.vector_load %arg9[%get3A_2721, %get3A_2722] {strides = array<i32>} : memref<208x64xf32, #tpu.memory_space<vmem>>, vector<16xf32>,
      %add3A_2724 = arith.addf %add3A_2719, %get3A_2723 : vector<16xf32>
      %get3A_2725 = arith.constant 98 : i32
      %get3A_2726 = arith.index_cast %get3A_2725 : i32 to index
      %get3A_2727 = arith.constant 48 : index
      %get3A_2728 = tpu.vector_load %arg9[%get3A_2726, %get3A_2727] {strides = array<i32>} : memref<208x64xf32, #tpu.memory_space<vmem>>, vector<16xf32>,
      %add3A_2729 = arith.addf %add3A_2724, %get3A_2728 : vector<16xf32>
      %get3A_2730 = arith.constant 99 : i32
      %get3A_2731 = arith.index_cast %get3A_2730 : i32 to index
      %get3A_2732 = arith.constant 48 : index
      %get3A_2733 = tpu.vector_load %arg9[%get3A_2731, %get3A_2732] {strides = array<i32>} : memref<208x64xf32, #tpu.memory_space<vmem>>, vector<16xf32>,
      %add3A_2734 = arith.addf %add3A_2729, %get3A_2733 : vector<16xf32>
      %get3A_2735 = arith.constant 100 : i32
      %get3A_2736 = arith.index_cast %get3A_2735 : i32 to index
      %get3A_2737 = arith.constant 48 : index
      %get3A_2738 = tpu.vector_load %arg9[%get3A_2736, %get3A_2737] {strides = array<i32>} : memref<208x64xf32, #tpu.memory_space<vmem>>, vector<16xf32>,
      %add3A_2739 = arith.addf %add3A_2734, %get3A_2738 : vector<16xf32>
      %get3A_2740 = arith.constant 101 : i32
      %get3A_2741 = arith.index_cast %get3A_2740 : i32 to index
      %get3A_2742 = arith.constant 48 : index
      %get3A_2743 = tpu.vector_load %arg9[%get3A_2741, %get3A_2742] {strides = array<i32>} : memref<208x64xf32, #tpu.memory_space<vmem>>, vector<16xf32>,
      %add3A_2744 = arith.addf %add3A_2739, %get3A_2743 : vector<16xf32>
      %get3A_2745 = arith.constant 102 : i32
      %get3A_2746 = arith.index_cast %get3A_2745 : i32 to index
      %get3A_2747 = arith.constant 48 : index
      %get3A_2748 = tpu.vector_load %arg9[%get3A_2746, %get3A_2747] {strides = array<i32>} : memref<208x64xf32, #tpu.memory_space<vmem>>, vector<16xf32>,
      %add3A_2749 = arith.addf %add3A_2744, %get3A_2748 : vector<16xf32>
      %get3A_2750 = arith.constant 103 : i32
      %get3A_2751 = arith.index_cast %get3A_2750 : i32 to index
      %get3A_2752 = arith.constant 48 : index
      %get3A_2753 = tpu.vector_load %arg9[%get3A_2751, %get3A_2752] {strides = array<i32>} : memref<208x64xf32, #tpu.memory_space<vmem>>, vector<16xf32>,
      %add3A_2754 = arith.addf %add3A_2749, %get3A_2753 : vector<16xf32>
      %get3A_2755 = arith.constant 104 : i32
      %get3A_2756 = arith.index_cast %get3A_2755 : i32 to index
      %get3A_2757 = arith.constant 48 : index
      %get3A_2758 = tpu.vector_load %arg9[%get3A_2756, %get3A_2757] {strides = array<i32>} : memref<208x64xf32, #tpu.memory_space<vmem>>, vector<16xf32>,
      %add3A_2759 = arith.addf %add3A_2754, %get3A_2758 : vector<16xf32>
      %get3A_2760 = arith.constant 105 : i32
      %get3A_2761 = arith.index_cast %get3A_2760 : i32 to index
      %get3A_2762 = arith.constant 48 : index
      %get3A_2763 = tpu.vector_load %arg9[%get3A_2761, %get3A_2762] {strides = array<i32>} : memref<208x64xf32, #tpu.memory_space<vmem>>, vector<16xf32>,
      %add3A_2764 = arith.addf %add3A_2759, %get3A_2763 : vector<16xf32>
      %get3A_2765 = arith.constant 106 : i32
      %get3A_2766 = arith.index_cast %get3A_2765 : i32 to index
      %get3A_2767 = arith.constant 48 : index
      %get3A_2768 = tpu.vector_load %arg9[%get3A_2766, %get3A_2767] {strides = array<i32>} : memref<208x64xf32, #tpu.memory_space<vmem>>, vector<16xf32>,
      %add3A_2769 = arith.addf %add3A_2764, %get3A_2768 : vector<16xf32>
      %get3A_2770 = arith.constant 107 : i32
      %get3A_2771 = arith.index_cast %get3A_2770 : i32 to index
      %get3A_2772 = arith.constant 48 : index
      %get3A_2773 = tpu.vector_load %arg9[%get3A_2771, %get3A_2772] {strides = array<i32>} : memref<208x64xf32, #tpu.memory_space<vmem>>, vector<16xf32>,
      %add3A_2774 = arith.addf %add3A_2769, %get3A_2773 : vector<16xf32>
      %get3A_2775 = arith.constant 108 : i32
      %get3A_2776 = arith.index_cast %get3A_2775 : i32 to index
      %get3A_2777 = arith.constant 48 : index
      %get3A_2778 = tpu.vector_load %arg9[%get3A_2776, %get3A_2777] {strides = array<i32>} : memref<208x64xf32, #tpu.memory_space<vmem>>, vector<16xf32>,
      %add3A_2779 = arith.addf %add3A_2774, %get3A_2778 : vector<16xf32>
      %get3A_2780 = arith.constant 109 : i32
      %get3A_2781 = arith.index_cast %get3A_2780 : i32 to index
      %get3A_2782 = arith.constant 48 : index
      %get3A_2783 = tpu.vector_load %arg9[%get3A_2781, %get3A_2782] {strides = array<i32>} : memref<208x64xf32, #tpu.memory_space<vmem>>, vector<16xf32>,
      %add3A_2784 = arith.addf %add3A_2779, %get3A_2783 : vector<16xf32>
      %get3A_2785 = arith.constant 110 : i32
      %get3A_2786 = arith.index_cast %get3A_2785 : i32 to index
      %get3A_2787 = arith.constant 48 : index
      %get3A_2788 = tpu.vector_load %arg9[%get3A_2786, %get3A_2787] {strides = array<i32>} : memref<208x64xf32, #tpu.memory_space<vmem>>, vector<16xf32>,
      %add3A_2789 = arith.addf %add3A_2784, %get3A_2788 : vector<16xf32>
      %get3A_2790 = arith.constant 111 : i32
      %get3A_2791 = arith.index_cast %get3A_2790 : i32 to index
      %get3A_2792 = arith.constant 48 : index
      %get3A_2793 = tpu.vector_load %arg9[%get3A_2791, %get3A_2792] {strides = array<i32>} : memref<208x64xf32, #tpu.memory_space<vmem>>, vector<16xf32>,
      %add3A_2794 = arith.addf %add3A_2789, %get3A_2793 : vector<16xf32>
      %swap3A_2795 = arith.index_cast %scan3A_15 : i32 to index
      %swap3A_2796 = arith.constant 48 : index
      %swap3A_2797 = tpu.vector_load %arg10[%swap3A_2795, %swap3A_2796] {strides = array<i32>} : memref<128x64xf32, #tpu.memory_space<vmem>>, vector<16xf32>,
      tpu.vector_store %arg10[%swap3A_2795, %swap3A_2796], %add3A_2794 {strides = array<i32>} : memref<128x64xf32, #tpu.memory_space<vmem>>, vector<16xf32>,
      %get3A_2798 = arith.index_cast %scan3A_15 : i32 to index
      %get3A_2799 = arith.constant 0 : index
      %get3A_2800 = tpu.vector_load %arg10[%get3A_2798, %get3A_2799] {strides = array<i32>} : memref<128x64xf32, #tpu.memory_space<vmem>>, vector<16xf32>,
      %get3A_2801 = arith.constant 112 : i32
      %get3A_2802 = arith.index_cast %get3A_2801 : i32 to index
      %get3A_2803 = arith.constant 0 : index
      %get3A_2804 = tpu.vector_load %arg9[%get3A_2802, %get3A_2803] {strides = array<i32>} : memref<208x64xf32, #tpu.memory_space<vmem>>, vector<16xf32>,
      %add3A_2805 = arith.addf %get3A_2800, %get3A_2804 : vector<16xf32>
      %get3A_2806 = arith.constant 113 : i32
      %get3A_2807 = arith.index_cast %get3A_2806 : i32 to index
      %get3A_2808 = arith.constant 0 : index
      %get3A_2809 = tpu.vector_load %arg9[%get3A_2807, %get3A_2808] {strides = array<i32>} : memref<208x64xf32, #tpu.memory_space<vmem>>, vector<16xf32>,
      %add3A_2810 = arith.addf %add3A_2805, %get3A_2809 : vector<16xf32>
      %get3A_2811 = arith.constant 114 : i32
      %get3A_2812 = arith.index_cast %get3A_2811 : i32 to index
      %get3A_2813 = arith.constant 0 : index
      %get3A_2814 = tpu.vector_load %arg9[%get3A_2812, %get3A_2813] {strides = array<i32>} : memref<208x64xf32, #tpu.memory_space<vmem>>, vector<16xf32>,
      %add3A_2815 = arith.addf %add3A_2810, %get3A_2814 : vector<16xf32>
      %get3A_2816 = arith.constant 115 : i32
      %get3A_2817 = arith.index_cast %get3A_2816 : i32 to index
      %get3A_2818 = arith.constant 0 : index
      %get3A_2819 = tpu.vector_load %arg9[%get3A_2817, %get3A_2818] {strides = array<i32>} : memref<208x64xf32, #tpu.memory_space<vmem>>, vector<16xf32>,
      %add3A_2820 = arith.addf %add3A_2815, %get3A_2819 : vector<16xf32>
      %get3A_2821 = arith.constant 116 : i32
      %get3A_2822 = arith.index_cast %get3A_2821 : i32 to index
      %get3A_2823 = arith.constant 0 : index
      %get3A_2824 = tpu.vector_load %arg9[%get3A_2822, %get3A_2823] {strides = array<i32>} : memref<208x64xf32, #tpu.memory_space<vmem>>, vector<16xf32>,
      %add3A_2825 = arith.addf %add3A_2820, %get3A_2824 : vector<16xf32>
      %get3A_2826 = arith.constant 117 : i32
      %get3A_2827 = arith.index_cast %get3A_2826 : i32 to index
      %get3A_2828 = arith.constant 0 : index
      %get3A_2829 = tpu.vector_load %arg9[%get3A_2827, %get3A_2828] {strides = array<i32>} : memref<208x64xf32, #tpu.memory_space<vmem>>, vector<16xf32>,
      %add3A_2830 = arith.addf %add3A_2825, %get3A_2829 : vector<16xf32>
      %get3A_2831 = arith.constant 118 : i32
      %get3A_2832 = arith.index_cast %get3A_2831 : i32 to index
      %get3A_2833 = arith.constant 0 : index
      %get3A_2834 = tpu.vector_load %arg9[%get3A_2832, %get3A_2833] {strides = array<i32>} : memref<208x64xf32, #tpu.memory_space<vmem>>, vector<16xf32>,
      %add3A_2835 = arith.addf %add3A_2830, %get3A_2834 : vector<16xf32>
      %get3A_2836 = arith.constant 119 : i32
      %get3A_2837 = arith.index_cast %get3A_2836 : i32 to index
      %get3A_2838 = arith.constant 0 : index
      %get3A_2839 = tpu.vector_load %arg9[%get3A_2837, %get3A_2838] {strides = array<i32>} : memref<208x64xf32, #tpu.memory_space<vmem>>, vector<16xf32>,
      %add3A_2840 = arith.addf %add3A_2835, %get3A_2839 : vector<16xf32>
      %get3A_2841 = arith.constant 120 : i32
      %get3A_2842 = arith.index_cast %get3A_2841 : i32 to index
      %get3A_2843 = arith.constant 0 : index
      %get3A_2844 = tpu.vector_load %arg9[%get3A_2842, %get3A_2843] {strides = array<i32>} : memref<208x64xf32, #tpu.memory_space<vmem>>, vector<16xf32>,
      %add3A_2845 = arith.addf %add3A_2840, %get3A_2844 : vector<16xf32>
      %get3A_2846 = arith.constant 121 : i32
      %get3A_2847 = arith.index_cast %get3A_2846 : i32 to index
      %get3A_2848 = arith.constant 0 : index
      %get3A_2849 = tpu.vector_load %arg9[%get3A_2847, %get3A_2848] {strides = array<i32>} : memref<208x64xf32, #tpu.memory_space<vmem>>, vector<16xf32>,
      %add3A_2850 = arith.addf %add3A_2845, %get3A_2849 : vector<16xf32>
      %get3A_2851 = arith.constant 122 : i32
      %get3A_2852 = arith.index_cast %get3A_2851 : i32 to index
      %get3A_2853 = arith.constant 0 : index
      %get3A_2854 = tpu.vector_load %arg9[%get3A_2852, %get3A_2853] {strides = array<i32>} : memref<208x64xf32, #tpu.memory_space<vmem>>, vector<16xf32>,
      %add3A_2855 = arith.addf %add3A_2850, %get3A_2854 : vector<16xf32>
      %get3A_2856 = arith.constant 123 : i32
      %get3A_2857 = arith.index_cast %get3A_2856 : i32 to index
      %get3A_2858 = arith.constant 0 : index
      %get3A_2859 = tpu.vector_load %arg9[%get3A_2857, %get3A_2858] {strides = array<i32>} : memref<208x64xf32, #tpu.memory_space<vmem>>, vector<16xf32>,
      %add3A_2860 = arith.addf %add3A_2855, %get3A_2859 : vector<16xf32>
      %get3A_2861 = arith.constant 124 : i32
      %get3A_2862 = arith.index_cast %get3A_2861 : i32 to index
      %get3A_2863 = arith.constant 0 : index
      %get3A_2864 = tpu.vector_load %arg9[%get3A_2862, %get3A_2863] {strides = array<i32>} : memref<208x64xf32, #tpu.memory_space<vmem>>, vector<16xf32>,
      %add3A_2865 = arith.addf %add3A_2860, %get3A_2864 : vector<16xf32>
      %get3A_2866 = arith.constant 125 : i32
      %get3A_2867 = arith.index_cast %get3A_2866 : i32 to index
      %get3A_2868 = arith.constant 0 : index
      %get3A_2869 = tpu.vector_load %arg9[%get3A_2867, %get3A_2868] {strides = array<i32>} : memref<208x64xf32, #tpu.memory_space<vmem>>, vector<16xf32>,
      %add3A_2870 = arith.addf %add3A_2865, %get3A_2869 : vector<16xf32>
      %get3A_2871 = arith.constant 126 : i32
      %get3A_2872 = arith.index_cast %get3A_2871 : i32 to index
      %get3A_2873 = arith.constant 0 : index
      %get3A_2874 = tpu.vector_load %arg9[%get3A_2872, %get3A_2873] {strides = array<i32>} : memref<208x64xf32, #tpu.memory_space<vmem>>, vector<16xf32>,
      %add3A_2875 = arith.addf %add3A_2870, %get3A_2874 : vector<16xf32>
      %get3A_2876 = arith.constant 127 : i32
      %get3A_2877 = arith.index_cast %get3A_2876 : i32 to index
      %get3A_2878 = arith.constant 0 : index
      %get3A_2879 = tpu.vector_load %arg9[%get3A_2877, %get3A_2878] {strides = array<i32>} : memref<208x64xf32, #tpu.memory_space<vmem>>, vector<16xf32>,
      %add3A_2880 = arith.addf %add3A_2875, %get3A_2879 : vector<16xf32>
      %swap3A_2881 = arith.index_cast %scan3A_15 : i32 to index
      %swap3A_2882 = arith.constant 0 : index
      %swap3A_2883 = tpu.vector_load %arg10[%swap3A_2881, %swap3A_2882] {strides = array<i32>} : memref<128x64xf32, #tpu.memory_space<vmem>>, vector<16xf32>,
      tpu.vector_store %arg10[%swap3A_2881, %swap3A_2882], %add3A_2880 {strides = array<i32>} : memref<128x64xf32, #tpu.memory_space<vmem>>, vector<16xf32>,
      %get3A_2884 = arith.index_cast %scan3A_15 : i32 to index
      %get3A_2885 = arith.constant 16 : index
      %get3A_2886 = tpu.vector_load %arg10[%get3A_2884, %get3A_2885] {strides = array<i32>} : memref<128x64xf32, #tpu.memory_space<vmem>>, vector<16xf32>,
      %get3A_2887 = arith.constant 112 : i32
      %get3A_2888 = arith.index_cast %get3A_2887 : i32 to index
      %get3A_2889 = arith.constant 16 : index
      %get3A_2890 = tpu.vector_load %arg9[%get3A_2888, %get3A_2889] {strides = array<i32>} : memref<208x64xf32, #tpu.memory_space<vmem>>, vector<16xf32>,
      %add3A_2891 = arith.addf %get3A_2886, %get3A_2890 : vector<16xf32>
      %get3A_2892 = arith.constant 113 : i32
      %get3A_2893 = arith.index_cast %get3A_2892 : i32 to index
      %get3A_2894 = arith.constant 16 : index
      %get3A_2895 = tpu.vector_load %arg9[%get3A_2893, %get3A_2894] {strides = array<i32>} : memref<208x64xf32, #tpu.memory_space<vmem>>, vector<16xf32>,
      %add3A_2896 = arith.addf %add3A_2891, %get3A_2895 : vector<16xf32>
      %get3A_2897 = arith.constant 114 : i32
      %get3A_2898 = arith.index_cast %get3A_2897 : i32 to index
      %get3A_2899 = arith.constant 16 : index
      %get3A_2900 = tpu.vector_load %arg9[%get3A_2898, %get3A_2899] {strides = array<i32>} : memref<208x64xf32, #tpu.memory_space<vmem>>, vector<16xf32>,
      %add3A_2901 = arith.addf %add3A_2896, %get3A_2900 : vector<16xf32>
      %get3A_2902 = arith.constant 115 : i32
      %get3A_2903 = arith.index_cast %get3A_2902 : i32 to index
      %get3A_2904 = arith.constant 16 : index
      %get3A_2905 = tpu.vector_load %arg9[%get3A_2903, %get3A_2904] {strides = array<i32>} : memref<208x64xf32, #tpu.memory_space<vmem>>, vector<16xf32>,
      %add3A_2906 = arith.addf %add3A_2901, %get3A_2905 : vector<16xf32>
      %get3A_2907 = arith.constant 116 : i32
      %get3A_2908 = arith.index_cast %get3A_2907 : i32 to index
      %get3A_2909 = arith.constant 16 : index
      %get3A_2910 = tpu.vector_load %arg9[%get3A_2908, %get3A_2909] {strides = array<i32>} : memref<208x64xf32, #tpu.memory_space<vmem>>, vector<16xf32>,
      %add3A_2911 = arith.addf %add3A_2906, %get3A_2910 : vector<16xf32>
      %get3A_2912 = arith.constant 117 : i32
      %get3A_2913 = arith.index_cast %get3A_2912 : i32 to index
      %get3A_2914 = arith.constant 16 : index
      %get3A_2915 = tpu.vector_load %arg9[%get3A_2913, %get3A_2914] {strides = array<i32>} : memref<208x64xf32, #tpu.memory_space<vmem>>, vector<16xf32>,
      %add3A_2916 = arith.addf %add3A_2911, %get3A_2915 : vector<16xf32>
      %get3A_2917 = arith.constant 118 : i32
      %get3A_2918 = arith.index_cast %get3A_2917 : i32 to index
      %get3A_2919 = arith.constant 16 : index
      %get3A_2920 = tpu.vector_load %arg9[%get3A_2918, %get3A_2919] {strides = array<i32>} : memref<208x64xf32, #tpu.memory_space<vmem>>, vector<16xf32>,
      %add3A_2921 = arith.addf %add3A_2916, %get3A_2920 : vector<16xf32>
      %get3A_2922 = arith.constant 119 : i32
      %get3A_2923 = arith.index_cast %get3A_2922 : i32 to index
      %get3A_2924 = arith.constant 16 : index
      %get3A_2925 = tpu.vector_load %arg9[%get3A_2923, %get3A_2924] {strides = array<i32>} : memref<208x64xf32, #tpu.memory_space<vmem>>, vector<16xf32>,
      %add3A_2926 = arith.addf %add3A_2921, %get3A_2925 : vector<16xf32>
      %get3A_2927 = arith.constant 120 : i32
      %get3A_2928 = arith.index_cast %get3A_2927 : i32 to index
      %get3A_2929 = arith.constant 16 : index
      %get3A_2930 = tpu.vector_load %arg9[%get3A_2928, %get3A_2929] {strides = array<i32>} : memref<208x64xf32, #tpu.memory_space<vmem>>, vector<16xf32>,
      %add3A_2931 = arith.addf %add3A_2926, %get3A_2930 : vector<16xf32>
      %get3A_2932 = arith.constant 121 : i32
      %get3A_2933 = arith.index_cast %get3A_2932 : i32 to index
      %get3A_2934 = arith.constant 16 : index
      %get3A_2935 = tpu.vector_load %arg9[%get3A_2933, %get3A_2934] {strides = array<i32>} : memref<208x64xf32, #tpu.memory_space<vmem>>, vector<16xf32>,
      %add3A_2936 = arith.addf %add3A_2931, %get3A_2935 : vector<16xf32>
      %get3A_2937 = arith.constant 122 : i32
      %get3A_2938 = arith.index_cast %get3A_2937 : i32 to index
      %get3A_2939 = arith.constant 16 : index
      %get3A_2940 = tpu.vector_load %arg9[%get3A_2938, %get3A_2939] {strides = array<i32>} : memref<208x64xf32, #tpu.memory_space<vmem>>, vector<16xf32>,
      %add3A_2941 = arith.addf %add3A_2936, %get3A_2940 : vector<16xf32>
      %get3A_2942 = arith.constant 123 : i32
      %get3A_2943 = arith.index_cast %get3A_2942 : i32 to index
      %get3A_2944 = arith.constant 16 : index
      %get3A_2945 = tpu.vector_load %arg9[%get3A_2943, %get3A_2944] {strides = array<i32>} : memref<208x64xf32, #tpu.memory_space<vmem>>, vector<16xf32>,
      %add3A_2946 = arith.addf %add3A_2941, %get3A_2945 : vector<16xf32>
      %get3A_2947 = arith.constant 124 : i32
      %get3A_2948 = arith.index_cast %get3A_2947 : i32 to index
      %get3A_2949 = arith.constant 16 : index
      %get3A_2950 = tpu.vector_load %arg9[%get3A_2948, %get3A_2949] {strides = array<i32>} : memref<208x64xf32, #tpu.memory_space<vmem>>, vector<16xf32>,
      %add3A_2951 = arith.addf %add3A_2946, %get3A_2950 : vector<16xf32>
      %get3A_2952 = arith.constant 125 : i32
      %get3A_2953 = arith.index_cast %get3A_2952 : i32 to index
      %get3A_2954 = arith.constant 16 : index
      %get3A_2955 = tpu.vector_load %arg9[%get3A_2953, %get3A_2954] {strides = array<i32>} : memref<208x64xf32, #tpu.memory_space<vmem>>, vector<16xf32>,
      %add3A_2956 = arith.addf %add3A_2951, %get3A_2955 : vector<16xf32>
      %get3A_2957 = arith.constant 126 : i32
      %get3A_2958 = arith.index_cast %get3A_2957 : i32 to index
      %get3A_2959 = arith.constant 16 : index
      %get3A_2960 = tpu.vector_load %arg9[%get3A_2958, %get3A_2959] {strides = array<i32>} : memref<208x64xf32, #tpu.memory_space<vmem>>, vector<16xf32>,
      %add3A_2961 = arith.addf %add3A_2956, %get3A_2960 : vector<16xf32>
      %get3A_2962 = arith.constant 127 : i32
      %get3A_2963 = arith.index_cast %get3A_2962 : i32 to index
      %get3A_2964 = arith.constant 16 : index
      %get3A_2965 = tpu.vector_load %arg9[%get3A_2963, %get3A_2964] {strides = array<i32>} : memref<208x64xf32, #tpu.memory_space<vmem>>, vector<16xf32>,
      %add3A_2966 = arith.addf %add3A_2961, %get3A_2965 : vector<16xf32>
      %swap3A_2967 = arith.index_cast %scan3A_15 : i32 to index
      %swap3A_2968 = arith.constant 16 : index
      %swap3A_2969 = tpu.vector_load %arg10[%swap3A_2967, %swap3A_2968] {strides = array<i32>} : memref<128x64xf32, #tpu.memory_space<vmem>>, vector<16xf32>,
      tpu.vector_store %arg10[%swap3A_2967, %swap3A_2968], %add3A_2966 {strides = array<i32>} : memref<128x64xf32, #tpu.memory_space<vmem>>, vector<16xf32>,
      %get3A_2970 = arith.index_cast %scan3A_15 : i32 to index
      %get3A_2971 = arith.constant 32 : index
      %get3A_2972 = tpu.vector_load %arg10[%get3A_2970, %get3A_2971] {strides = array<i32>} : memref<128x64xf32, #tpu.memory_space<vmem>>, vector<16xf32>,
      %get3A_2973 = arith.constant 112 : i32
      %get3A_2974 = arith.index_cast %get3A_2973 : i32 to index
      %get3A_2975 = arith.constant 32 : index
      %get3A_2976 = tpu.vector_load %arg9[%get3A_2974, %get3A_2975] {strides = array<i32>} : memref<208x64xf32, #tpu.memory_space<vmem>>, vector<16xf32>,
      %add3A_2977 = arith.addf %get3A_2972, %get3A_2976 : vector<16xf32>
      %get3A_2978 = arith.constant 113 : i32
      %get3A_2979 = arith.index_cast %get3A_2978 : i32 to index
      %get3A_2980 = arith.constant 32 : index
      %get3A_2981 = tpu.vector_load %arg9[%get3A_2979, %get3A_2980] {strides = array<i32>} : memref<208x64xf32, #tpu.memory_space<vmem>>, vector<16xf32>,
      %add3A_2982 = arith.addf %add3A_2977, %get3A_2981 : vector<16xf32>
      %get3A_2983 = arith.constant 114 : i32
      %get3A_2984 = arith.index_cast %get3A_2983 : i32 to index
      %get3A_2985 = arith.constant 32 : index
      %get3A_2986 = tpu.vector_load %arg9[%get3A_2984, %get3A_2985] {strides = array<i32>} : memref<208x64xf32, #tpu.memory_space<vmem>>, vector<16xf32>,
      %add3A_2987 = arith.addf %add3A_2982, %get3A_2986 : vector<16xf32>
      %get3A_2988 = arith.constant 115 : i32
      %get3A_2989 = arith.index_cast %get3A_2988 : i32 to index
      %get3A_2990 = arith.constant 32 : index
      %get3A_2991 = tpu.vector_load %arg9[%get3A_2989, %get3A_2990] {strides = array<i32>} : memref<208x64xf32, #tpu.memory_space<vmem>>, vector<16xf32>,
      %add3A_2992 = arith.addf %add3A_2987, %get3A_2991 : vector<16xf32>
      %get3A_2993 = arith.constant 116 : i32
      %get3A_2994 = arith.index_cast %get3A_2993 : i32 to index
      %get3A_2995 = arith.constant 32 : index
      %get3A_2996 = tpu.vector_load %arg9[%get3A_2994, %get3A_2995] {strides = array<i32>} : memref<208x64xf32, #tpu.memory_space<vmem>>, vector<16xf32>,
      %add3A_2997 = arith.addf %add3A_2992, %get3A_2996 : vector<16xf32>
      %get3A_2998 = arith.constant 117 : i32
      %get3A_2999 = arith.index_cast %get3A_2998 : i32 to index
      %get3A_3000 = arith.constant 32 : index
      %get3A_3001 = tpu.vector_load %arg9[%get3A_2999, %get3A_3000] {strides = array<i32>} : memref<208x64xf32, #tpu.memory_space<vmem>>, vector<16xf32>,
      %add3A_3002 = arith.addf %add3A_2997, %get3A_3001 : vector<16xf32>
      %get3A_3003 = arith.constant 118 : i32
      %get3A_3004 = arith.index_cast %get3A_3003 : i32 to index
      %get3A_3005 = arith.constant 32 : index
      %get3A_3006 = tpu.vector_load %arg9[%get3A_3004, %get3A_3005] {strides = array<i32>} : memref<208x64xf32, #tpu.memory_space<vmem>>, vector<16xf32>,
      %add3A_3007 = arith.addf %add3A_3002, %get3A_3006 : vector<16xf32>
      %get3A_3008 = arith.constant 119 : i32
      %get3A_3009 = arith.index_cast %get3A_3008 : i32 to index
      %get3A_3010 = arith.constant 32 : index
      %get3A_3011 = tpu.vector_load %arg9[%get3A_3009, %get3A_3010] {strides = array<i32>} : memref<208x64xf32, #tpu.memory_space<vmem>>, vector<16xf32>,
      %add3A_3012 = arith.addf %add3A_3007, %get3A_3011 : vector<16xf32>
      %get3A_3013 = arith.constant 120 : i32
      %get3A_3014 = arith.index_cast %get3A_3013 : i32 to index
      %get3A_3015 = arith.constant 32 : index
      %get3A_3016 = tpu.vector_load %arg9[%get3A_3014, %get3A_3015] {strides = array<i32>} : memref<208x64xf32, #tpu.memory_space<vmem>>, vector<16xf32>,
      %add3A_3017 = arith.addf %add3A_3012, %get3A_3016 : vector<16xf32>
      %get3A_3018 = arith.constant 121 : i32
      %get3A_3019 = arith.index_cast %get3A_3018 : i32 to index
      %get3A_3020 = arith.constant 32 : index
      %get3A_3021 = tpu.vector_load %arg9[%get3A_3019, %get3A_3020] {strides = array<i32>} : memref<208x64xf32, #tpu.memory_space<vmem>>, vector<16xf32>,
      %add3A_3022 = arith.addf %add3A_3017, %get3A_3021 : vector<16xf32>
      %get3A_3023 = arith.constant 122 : i32
      %get3A_3024 = arith.index_cast %get3A_3023 : i32 to index
      %get3A_3025 = arith.constant 32 : index
      %get3A_3026 = tpu.vector_load %arg9[%get3A_3024, %get3A_3025] {strides = array<i32>} : memref<208x64xf32, #tpu.memory_space<vmem>>, vector<16xf32>,
      %add3A_3027 = arith.addf %add3A_3022, %get3A_3026 : vector<16xf32>
      %get3A_3028 = arith.constant 123 : i32
      %get3A_3029 = arith.index_cast %get3A_3028 : i32 to index
      %get3A_3030 = arith.constant 32 : index
      %get3A_3031 = tpu.vector_load %arg9[%get3A_3029, %get3A_3030] {strides = array<i32>} : memref<208x64xf32, #tpu.memory_space<vmem>>, vector<16xf32>,
      %add3A_3032 = arith.addf %add3A_3027, %get3A_3031 : vector<16xf32>
      %get3A_3033 = arith.constant 124 : i32
      %get3A_3034 = arith.index_cast %get3A_3033 : i32 to index
      %get3A_3035 = arith.constant 32 : index
      %get3A_3036 = tpu.vector_load %arg9[%get3A_3034, %get3A_3035] {strides = array<i32>} : memref<208x64xf32, #tpu.memory_space<vmem>>, vector<16xf32>,
      %add3A_3037 = arith.addf %add3A_3032, %get3A_3036 : vector<16xf32>
      %get3A_3038 = arith.constant 125 : i32
      %get3A_3039 = arith.index_cast %get3A_3038 : i32 to index
      %get3A_3040 = arith.constant 32 : index
      %get3A_3041 = tpu.vector_load %arg9[%get3A_3039, %get3A_3040] {strides = array<i32>} : memref<208x64xf32, #tpu.memory_space<vmem>>, vector<16xf32>,
      %add3A_3042 = arith.addf %add3A_3037, %get3A_3041 : vector<16xf32>
      %get3A_3043 = arith.constant 126 : i32
      %get3A_3044 = arith.index_cast %get3A_3043 : i32 to index
      %get3A_3045 = arith.constant 32 : index
      %get3A_3046 = tpu.vector_load %arg9[%get3A_3044, %get3A_3045] {strides = array<i32>} : memref<208x64xf32, #tpu.memory_space<vmem>>, vector<16xf32>,
      %add3A_3047 = arith.addf %add3A_3042, %get3A_3046 : vector<16xf32>
      %get3A_3048 = arith.constant 127 : i32
      %get3A_3049 = arith.index_cast %get3A_3048 : i32 to index
      %get3A_3050 = arith.constant 32 : index
      %get3A_3051 = tpu.vector_load %arg9[%get3A_3049, %get3A_3050] {strides = array<i32>} : memref<208x64xf32, #tpu.memory_space<vmem>>, vector<16xf32>,
      %add3A_3052 = arith.addf %add3A_3047, %get3A_3051 : vector<16xf32>
      %swap3A_3053 = arith.index_cast %scan3A_15 : i32 to index
      %swap3A_3054 = arith.constant 32 : index
      %swap3A_3055 = tpu.vector_load %arg10[%swap3A_3053, %swap3A_3054] {strides = array<i32>} : memref<128x64xf32, #tpu.memory_space<vmem>>, vector<16xf32>,
      tpu.vector_store %arg10[%swap3A_3053, %swap3A_3054], %add3A_3052 {strides = array<i32>} : memref<128x64xf32, #tpu.memory_space<vmem>>, vector<16xf32>,
      %get3A_3056 = arith.index_cast %scan3A_15 : i32 to index
      %get3A_3057 = arith.constant 48 : index
      %get3A_3058 = tpu.vector_load %arg10[%get3A_3056, %get3A_3057] {strides = array<i32>} : memref<128x64xf32, #tpu.memory_space<vmem>>, vector<16xf32>,
      %get3A_3059 = arith.constant 112 : i32
      %get3A_3060 = arith.index_cast %get3A_3059 : i32 to index
      %get3A_3061 = arith.constant 48 : index
      %get3A_3062 = tpu.vector_load %arg9[%get3A_3060, %get3A_3061] {strides = array<i32>} : memref<208x64xf32, #tpu.memory_space<vmem>>, vector<16xf32>,
      %add3A_3063 = arith.addf %get3A_3058, %get3A_3062 : vector<16xf32>
      %get3A_3064 = arith.constant 113 : i32
      %get3A_3065 = arith.index_cast %get3A_3064 : i32 to index
      %get3A_3066 = arith.constant 48 : index
      %get3A_3067 = tpu.vector_load %arg9[%get3A_3065, %get3A_3066] {strides = array<i32>} : memref<208x64xf32, #tpu.memory_space<vmem>>, vector<16xf32>,
      %add3A_3068 = arith.addf %add3A_3063, %get3A_3067 : vector<16xf32>
      %get3A_3069 = arith.constant 114 : i32
      %get3A_3070 = arith.index_cast %get3A_3069 : i32 to index
      %get3A_3071 = arith.constant 48 : index
      %get3A_3072 = tpu.vector_load %arg9[%get3A_3070, %get3A_3071] {strides = array<i32>} : memref<208x64xf32, #tpu.memory_space<vmem>>, vector<16xf32>,
      %add3A_3073 = arith.addf %add3A_3068, %get3A_3072 : vector<16xf32>
      %get3A_3074 = arith.constant 115 : i32
      %get3A_3075 = arith.index_cast %get3A_3074 : i32 to index
      %get3A_3076 = arith.constant 48 : index
      %get3A_3077 = tpu.vector_load %arg9[%get3A_3075, %get3A_3076] {strides = array<i32>} : memref<208x64xf32, #tpu.memory_space<vmem>>, vector<16xf32>,
      %add3A_3078 = arith.addf %add3A_3073, %get3A_3077 : vector<16xf32>
      %get3A_3079 = arith.constant 116 : i32
      %get3A_3080 = arith.index_cast %get3A_3079 : i32 to index
      %get3A_3081 = arith.constant 48 : index
      %get3A_3082 = tpu.vector_load %arg9[%get3A_3080, %get3A_3081] {strides = array<i32>} : memref<208x64xf32, #tpu.memory_space<vmem>>, vector<16xf32>,
      %add3A_3083 = arith.addf %add3A_3078, %get3A_3082 : vector<16xf32>
      %get3A_3084 = arith.constant 117 : i32
      %get3A_3085 = arith.index_cast %get3A_3084 : i32 to index
      %get3A_3086 = arith.constant 48 : index
      %get3A_3087 = tpu.vector_load %arg9[%get3A_3085, %get3A_3086] {strides = array<i32>} : memref<208x64xf32, #tpu.memory_space<vmem>>, vector<16xf32>,
      %add3A_3088 = arith.addf %add3A_3083, %get3A_3087 : vector<16xf32>
      %get3A_3089 = arith.constant 118 : i32
      %get3A_3090 = arith.index_cast %get3A_3089 : i32 to index
      %get3A_3091 = arith.constant 48 : index
      %get3A_3092 = tpu.vector_load %arg9[%get3A_3090, %get3A_3091] {strides = array<i32>} : memref<208x64xf32, #tpu.memory_space<vmem>>, vector<16xf32>,
      %add3A_3093 = arith.addf %add3A_3088, %get3A_3092 : vector<16xf32>
      %get3A_3094 = arith.constant 119 : i32
      %get3A_3095 = arith.index_cast %get3A_3094 : i32 to index
      %get3A_3096 = arith.constant 48 : index
      %get3A_3097 = tpu.vector_load %arg9[%get3A_3095, %get3A_3096] {strides = array<i32>} : memref<208x64xf32, #tpu.memory_space<vmem>>, vector<16xf32>,
      %add3A_3098 = arith.addf %add3A_3093, %get3A_3097 : vector<16xf32>
      %get3A_3099 = arith.constant 120 : i32
      %get3A_3100 = arith.index_cast %get3A_3099 : i32 to index
      %get3A_3101 = arith.constant 48 : index
      %get3A_3102 = tpu.vector_load %arg9[%get3A_3100, %get3A_3101] {strides = array<i32>} : memref<208x64xf32, #tpu.memory_space<vmem>>, vector<16xf32>,
      %add3A_3103 = arith.addf %add3A_3098, %get3A_3102 : vector<16xf32>
      %get3A_3104 = arith.constant 121 : i32
      %get3A_3105 = arith.index_cast %get3A_3104 : i32 to index
      %get3A_3106 = arith.constant 48 : index
      %get3A_3107 = tpu.vector_load %arg9[%get3A_3105, %get3A_3106] {strides = array<i32>} : memref<208x64xf32, #tpu.memory_space<vmem>>, vector<16xf32>,
      %add3A_3108 = arith.addf %add3A_3103, %get3A_3107 : vector<16xf32>
      %get3A_3109 = arith.constant 122 : i32
      %get3A_3110 = arith.index_cast %get3A_3109 : i32 to index
      %get3A_3111 = arith.constant 48 : index
      %get3A_3112 = tpu.vector_load %arg9[%get3A_3110, %get3A_3111] {strides = array<i32>} : memref<208x64xf32, #tpu.memory_space<vmem>>, vector<16xf32>,
      %add3A_3113 = arith.addf %add3A_3108, %get3A_3112 : vector<16xf32>
      %get3A_3114 = arith.constant 123 : i32
      %get3A_3115 = arith.index_cast %get3A_3114 : i32 to index
      %get3A_3116 = arith.constant 48 : index
      %get3A_3117 = tpu.vector_load %arg9[%get3A_3115, %get3A_3116] {strides = array<i32>} : memref<208x64xf32, #tpu.memory_space<vmem>>, vector<16xf32>,
      %add3A_3118 = arith.addf %add3A_3113, %get3A_3117 : vector<16xf32>
      %get3A_3119 = arith.constant 124 : i32
      %get3A_3120 = arith.index_cast %get3A_3119 : i32 to index
      %get3A_3121 = arith.constant 48 : index
      %get3A_3122 = tpu.vector_load %arg9[%get3A_3120, %get3A_3121] {strides = array<i32>} : memref<208x64xf32, #tpu.memory_space<vmem>>, vector<16xf32>,
      %add3A_3123 = arith.addf %add3A_3118, %get3A_3122 : vector<16xf32>
      %get3A_3124 = arith.constant 125 : i32
      %get3A_3125 = arith.index_cast %get3A_3124 : i32 to index
      %get3A_3126 = arith.constant 48 : index
      %get3A_3127 = tpu.vector_load %arg9[%get3A_3125, %get3A_3126] {strides = array<i32>} : memref<208x64xf32, #tpu.memory_space<vmem>>, vector<16xf32>,
      %add3A_3128 = arith.addf %add3A_3123, %get3A_3127 : vector<16xf32>
      %get3A_3129 = arith.constant 126 : i32
      %get3A_3130 = arith.index_cast %get3A_3129 : i32 to index
      %get3A_3131 = arith.constant 48 : index
      %get3A_3132 = tpu.vector_load %arg9[%get3A_3130, %get3A_3131] {strides = array<i32>} : memref<208x64xf32, #tpu.memory_space<vmem>>, vector<16xf32>,
      %add3A_3133 = arith.addf %add3A_3128, %get3A_3132 : vector<16xf32>
      %get3A_3134 = arith.constant 127 : i32
      %get3A_3135 = arith.index_cast %get3A_3134 : i32 to index
      %get3A_3136 = arith.constant 48 : index
      %get3A_3137 = tpu.vector_load %arg9[%get3A_3135, %get3A_3136] {strides = array<i32>} : memref<208x64xf32, #tpu.memory_space<vmem>>, vector<16xf32>,
      %add3A_3138 = arith.addf %add3A_3133, %get3A_3137 : vector<16xf32>
      %swap3A_3139 = arith.index_cast %scan3A_15 : i32 to index
      %swap3A_3140 = arith.constant 48 : index
      %swap3A_3141 = tpu.vector_load %arg10[%swap3A_3139, %swap3A_3140] {strides = array<i32>} : memref<128x64xf32, #tpu.memory_space<vmem>>, vector<16xf32>,
      tpu.vector_store %arg10[%swap3A_3139, %swap3A_3140], %add3A_3138 {strides = array<i32>} : memref<128x64xf32, #tpu.memory_space<vmem>>, vector<16xf32>,
      %get3A_3142 = arith.index_cast %scan3A_15 : i32 to index
      %get3A_3143 = arith.constant 0 : index
      %get3A_3144 = tpu.vector_load %arg10[%get3A_3142, %get3A_3143] {strides = array<i32>} : memref<128x64xf32, #tpu.memory_space<vmem>>, vector<16xf32>,
      %get3A_3145 = arith.constant 128 : i32
      %get3A_3146 = arith.index_cast %get3A_3145 : i32 to index
      %get3A_3147 = arith.constant 0 : index
      %get3A_3148 = tpu.vector_load %arg9[%get3A_3146, %get3A_3147] {strides = array<i32>} : memref<208x64xf32, #tpu.memory_space<vmem>>, vector<16xf32>,
      %add3A_3149 = arith.addf %get3A_3144, %get3A_3148 : vector<16xf32>
      %get3A_3150 = arith.constant 129 : i32
      %get3A_3151 = arith.index_cast %get3A_3150 : i32 to index
      %get3A_3152 = arith.constant 0 : index
      %get3A_3153 = tpu.vector_load %arg9[%get3A_3151, %get3A_3152] {strides = array<i32>} : memref<208x64xf32, #tpu.memory_space<vmem>>, vector<16xf32>,
      %add3A_3154 = arith.addf %add3A_3149, %get3A_3153 : vector<16xf32>
      %get3A_3155 = arith.constant 130 : i32
      %get3A_3156 = arith.index_cast %get3A_3155 : i32 to index
      %get3A_3157 = arith.constant 0 : index
      %get3A_3158 = tpu.vector_load %arg9[%get3A_3156, %get3A_3157] {strides = array<i32>} : memref<208x64xf32, #tpu.memory_space<vmem>>, vector<16xf32>,
      %add3A_3159 = arith.addf %add3A_3154, %get3A_3158 : vector<16xf32>
      %get3A_3160 = arith.constant 131 : i32
      %get3A_3161 = arith.index_cast %get3A_3160 : i32 to index
      %get3A_3162 = arith.constant 0 : index
      %get3A_3163 = tpu.vector_load %arg9[%get3A_3161, %get3A_3162] {strides = array<i32>} : memref<208x64xf32, #tpu.memory_space<vmem>>, vector<16xf32>,
      %add3A_3164 = arith.addf %add3A_3159, %get3A_3163 : vector<16xf32>
      %get3A_3165 = arith.constant 132 : i32
      %get3A_3166 = arith.index_cast %get3A_3165 : i32 to index
      %get3A_3167 = arith.constant 0 : index
      %get3A_3168 = tpu.vector_load %arg9[%get3A_3166, %get3A_3167] {strides = array<i32>} : memref<208x64xf32, #tpu.memory_space<vmem>>, vector<16xf32>,
      %add3A_3169 = arith.addf %add3A_3164, %get3A_3168 : vector<16xf32>
      %get3A_3170 = arith.constant 133 : i32
      %get3A_3171 = arith.index_cast %get3A_3170 : i32 to index
      %get3A_3172 = arith.constant 0 : index
      %get3A_3173 = tpu.vector_load %arg9[%get3A_3171, %get3A_3172] {strides = array<i32>} : memref<208x64xf32, #tpu.memory_space<vmem>>, vector<16xf32>,
      %add3A_3174 = arith.addf %add3A_3169, %get3A_3173 : vector<16xf32>
      %get3A_3175 = arith.constant 134 : i32
      %get3A_3176 = arith.index_cast %get3A_3175 : i32 to index
      %get3A_3177 = arith.constant 0 : index
      %get3A_3178 = tpu.vector_load %arg9[%get3A_3176, %get3A_3177] {strides = array<i32>} : memref<208x64xf32, #tpu.memory_space<vmem>>, vector<16xf32>,
      %add3A_3179 = arith.addf %add3A_3174, %get3A_3178 : vector<16xf32>
      %get3A_3180 = arith.constant 135 : i32
      %get3A_3181 = arith.index_cast %get3A_3180 : i32 to index
      %get3A_3182 = arith.constant 0 : index
      %get3A_3183 = tpu.vector_load %arg9[%get3A_3181, %get3A_3182] {strides = array<i32>} : memref<208x64xf32, #tpu.memory_space<vmem>>, vector<16xf32>,
      %add3A_3184 = arith.addf %add3A_3179, %get3A_3183 : vector<16xf32>
      %get3A_3185 = arith.constant 136 : i32
      %get3A_3186 = arith.index_cast %get3A_3185 : i32 to index
      %get3A_3187 = arith.constant 0 : index
      %get3A_3188 = tpu.vector_load %arg9[%get3A_3186, %get3A_3187] {strides = array<i32>} : memref<208x64xf32, #tpu.memory_space<vmem>>, vector<16xf32>,
      %add3A_3189 = arith.addf %add3A_3184, %get3A_3188 : vector<16xf32>
      %get3A_3190 = arith.constant 137 : i32
      %get3A_3191 = arith.index_cast %get3A_3190 : i32 to index
      %get3A_3192 = arith.constant 0 : index
      %get3A_3193 = tpu.vector_load %arg9[%get3A_3191, %get3A_3192] {strides = array<i32>} : memref<208x64xf32, #tpu.memory_space<vmem>>, vector<16xf32>,
      %add3A_3194 = arith.addf %add3A_3189, %get3A_3193 : vector<16xf32>
      %get3A_3195 = arith.constant 138 : i32
      %get3A_3196 = arith.index_cast %get3A_3195 : i32 to index
      %get3A_3197 = arith.constant 0 : index
      %get3A_3198 = tpu.vector_load %arg9[%get3A_3196, %get3A_3197] {strides = array<i32>} : memref<208x64xf32, #tpu.memory_space<vmem>>, vector<16xf32>,
      %add3A_3199 = arith.addf %add3A_3194, %get3A_3198 : vector<16xf32>
      %get3A_3200 = arith.constant 139 : i32
      %get3A_3201 = arith.index_cast %get3A_3200 : i32 to index
      %get3A_3202 = arith.constant 0 : index
      %get3A_3203 = tpu.vector_load %arg9[%get3A_3201, %get3A_3202] {strides = array<i32>} : memref<208x64xf32, #tpu.memory_space<vmem>>, vector<16xf32>,
      %add3A_3204 = arith.addf %add3A_3199, %get3A_3203 : vector<16xf32>
      %get3A_3205 = arith.constant 140 : i32
      %get3A_3206 = arith.index_cast %get3A_3205 : i32 to index
      %get3A_3207 = arith.constant 0 : index
      %get3A_3208 = tpu.vector_load %arg9[%get3A_3206, %get3A_3207] {strides = array<i32>} : memref<208x64xf32, #tpu.memory_space<vmem>>, vector<16xf32>,
      %add3A_3209 = arith.addf %add3A_3204, %get3A_3208 : vector<16xf32>
      %get3A_3210 = arith.constant 141 : i32
      %get3A_3211 = arith.index_cast %get3A_3210 : i32 to index
      %get3A_3212 = arith.constant 0 : index
      %get3A_3213 = tpu.vector_load %arg9[%get3A_3211, %get3A_3212] {strides = array<i32>} : memref<208x64xf32, #tpu.memory_space<vmem>>, vector<16xf32>,
      %add3A_3214 = arith.addf %add3A_3209, %get3A_3213 : vector<16xf32>
      %get3A_3215 = arith.constant 142 : i32
      %get3A_3216 = arith.index_cast %get3A_3215 : i32 to index
      %get3A_3217 = arith.constant 0 : index
      %get3A_3218 = tpu.vector_load %arg9[%get3A_3216, %get3A_3217] {strides = array<i32>} : memref<208x64xf32, #tpu.memory_space<vmem>>, vector<16xf32>,
      %add3A_3219 = arith.addf %add3A_3214, %get3A_3218 : vector<16xf32>
      %get3A_3220 = arith.constant 143 : i32
      %get3A_3221 = arith.index_cast %get3A_3220 : i32 to index
      %get3A_3222 = arith.constant 0 : index
      %get3A_3223 = tpu.vector_load %arg9[%get3A_3221, %get3A_3222] {strides = array<i32>} : memref<208x64xf32, #tpu.memory_space<vmem>>, vector<16xf32>,
      %add3A_3224 = arith.addf %add3A_3219, %get3A_3223 : vector<16xf32>
      %swap3A_3225 = arith.index_cast %scan3A_15 : i32 to index
      %swap3A_3226 = arith.constant 0 : index
      %swap3A_3227 = tpu.vector_load %arg10[%swap3A_3225, %swap3A_3226] {strides = array<i32>} : memref<128x64xf32, #tpu.memory_space<vmem>>, vector<16xf32>,
      tpu.vector_store %arg10[%swap3A_3225, %swap3A_3226], %add3A_3224 {strides = array<i32>} : memref<128x64xf32, #tpu.memory_space<vmem>>, vector<16xf32>,
      %get3A_3228 = arith.index_cast %scan3A_15 : i32 to index
      %get3A_3229 = arith.constant 16 : index
      %get3A_3230 = tpu.vector_load %arg10[%get3A_3228, %get3A_3229] {strides = array<i32>} : memref<128x64xf32, #tpu.memory_space<vmem>>, vector<16xf32>,
      %get3A_3231 = arith.constant 128 : i32
      %get3A_3232 = arith.index_cast %get3A_3231 : i32 to index
      %get3A_3233 = arith.constant 16 : index
      %get3A_3234 = tpu.vector_load %arg9[%get3A_3232, %get3A_3233] {strides = array<i32>} : memref<208x64xf32, #tpu.memory_space<vmem>>, vector<16xf32>,
      %add3A_3235 = arith.addf %get3A_3230, %get3A_3234 : vector<16xf32>
      %get3A_3236 = arith.constant 129 : i32
      %get3A_3237 = arith.index_cast %get3A_3236 : i32 to index
      %get3A_3238 = arith.constant 16 : index
      %get3A_3239 = tpu.vector_load %arg9[%get3A_3237, %get3A_3238] {strides = array<i32>} : memref<208x64xf32, #tpu.memory_space<vmem>>, vector<16xf32>,
      %add3A_3240 = arith.addf %add3A_3235, %get3A_3239 : vector<16xf32>
      %get3A_3241 = arith.constant 130 : i32
      %get3A_3242 = arith.index_cast %get3A_3241 : i32 to index
      %get3A_3243 = arith.constant 16 : index
      %get3A_3244 = tpu.vector_load %arg9[%get3A_3242, %get3A_3243] {strides = array<i32>} : memref<208x64xf32, #tpu.memory_space<vmem>>, vector<16xf32>,
      %add3A_3245 = arith.addf %add3A_3240, %get3A_3244 : vector<16xf32>
      %get3A_3246 = arith.constant 131 : i32
      %get3A_3247 = arith.index_cast %get3A_3246 : i32 to index
      %get3A_3248 = arith.constant 16 : index
      %get3A_3249 = tpu.vector_load %arg9[%get3A_3247, %get3A_3248] {strides = array<i32>} : memref<208x64xf32, #tpu.memory_space<vmem>>, vector<16xf32>,
      %add3A_3250 = arith.addf %add3A_3245, %get3A_3249 : vector<16xf32>
      %get3A_3251 = arith.constant 132 : i32
      %get3A_3252 = arith.index_cast %get3A_3251 : i32 to index
      %get3A_3253 = arith.constant 16 : index
      %get3A_3254 = tpu.vector_load %arg9[%get3A_3252, %get3A_3253] {strides = array<i32>} : memref<208x64xf32, #tpu.memory_space<vmem>>, vector<16xf32>,
      %add3A_3255 = arith.addf %add3A_3250, %get3A_3254 : vector<16xf32>
      %get3A_3256 = arith.constant 133 : i32
      %get3A_3257 = arith.index_cast %get3A_3256 : i32 to index
      %get3A_3258 = arith.constant 16 : index
      %get3A_3259 = tpu.vector_load %arg9[%get3A_3257, %get3A_3258] {strides = array<i32>} : memref<208x64xf32, #tpu.memory_space<vmem>>, vector<16xf32>,
      %add3A_3260 = arith.addf %add3A_3255, %get3A_3259 : vector<16xf32>
      %get3A_3261 = arith.constant 134 : i32
      %get3A_3262 = arith.index_cast %get3A_3261 : i32 to index
      %get3A_3263 = arith.constant 16 : index
      %get3A_3264 = tpu.vector_load %arg9[%get3A_3262, %get3A_3263] {strides = array<i32>} : memref<208x64xf32, #tpu.memory_space<vmem>>, vector<16xf32>,
      %add3A_3265 = arith.addf %add3A_3260, %get3A_3264 : vector<16xf32>
      %get3A_3266 = arith.constant 135 : i32
      %get3A_3267 = arith.index_cast %get3A_3266 : i32 to index
      %get3A_3268 = arith.constant 16 : index
      %get3A_3269 = tpu.vector_load %arg9[%get3A_3267, %get3A_3268] {strides = array<i32>} : memref<208x64xf32, #tpu.memory_space<vmem>>, vector<16xf32>,
      %add3A_3270 = arith.addf %add3A_3265, %get3A_3269 : vector<16xf32>
      %get3A_3271 = arith.constant 136 : i32
      %get3A_3272 = arith.index_cast %get3A_3271 : i32 to index
      %get3A_3273 = arith.constant 16 : index
      %get3A_3274 = tpu.vector_load %arg9[%get3A_3272, %get3A_3273] {strides = array<i32>} : memref<208x64xf32, #tpu.memory_space<vmem>>, vector<16xf32>,
      %add3A_3275 = arith.addf %add3A_3270, %get3A_3274 : vector<16xf32>
      %get3A_3276 = arith.constant 137 : i32
      %get3A_3277 = arith.index_cast %get3A_3276 : i32 to index
      %get3A_3278 = arith.constant 16 : index
      %get3A_3279 = tpu.vector_load %arg9[%get3A_3277, %get3A_3278] {strides = array<i32>} : memref<208x64xf32, #tpu.memory_space<vmem>>, vector<16xf32>,
      %add3A_3280 = arith.addf %add3A_3275, %get3A_3279 : vector<16xf32>
      %get3A_3281 = arith.constant 138 : i32
      %get3A_3282 = arith.index_cast %get3A_3281 : i32 to index
      %get3A_3283 = arith.constant 16 : index
      %get3A_3284 = tpu.vector_load %arg9[%get3A_3282, %get3A_3283] {strides = array<i32>} : memref<208x64xf32, #tpu.memory_space<vmem>>, vector<16xf32>,
      %add3A_3285 = arith.addf %add3A_3280, %get3A_3284 : vector<16xf32>
      %get3A_3286 = arith.constant 139 : i32
      %get3A_3287 = arith.index_cast %get3A_3286 : i32 to index
      %get3A_3288 = arith.constant 16 : index
      %get3A_3289 = tpu.vector_load %arg9[%get3A_3287, %get3A_3288] {strides = array<i32>} : memref<208x64xf32, #tpu.memory_space<vmem>>, vector<16xf32>,
      %add3A_3290 = arith.addf %add3A_3285, %get3A_3289 : vector<16xf32>
      %get3A_3291 = arith.constant 140 : i32
      %get3A_3292 = arith.index_cast %get3A_3291 : i32 to index
      %get3A_3293 = arith.constant 16 : index
      %get3A_3294 = tpu.vector_load %arg9[%get3A_3292, %get3A_3293] {strides = array<i32>} : memref<208x64xf32, #tpu.memory_space<vmem>>, vector<16xf32>,
      %add3A_3295 = arith.addf %add3A_3290, %get3A_3294 : vector<16xf32>
      %get3A_3296 = arith.constant 141 : i32
      %get3A_3297 = arith.index_cast %get3A_3296 : i32 to index
      %get3A_3298 = arith.constant 16 : index
      %get3A_3299 = tpu.vector_load %arg9[%get3A_3297, %get3A_3298] {strides = array<i32>} : memref<208x64xf32, #tpu.memory_space<vmem>>, vector<16xf32>,
      %add3A_3300 = arith.addf %add3A_3295, %get3A_3299 : vector<16xf32>
      %get3A_3301 = arith.constant 142 : i32
      %get3A_3302 = arith.index_cast %get3A_3301 : i32 to index
      %get3A_3303 = arith.constant 16 : index
      %get3A_3304 = tpu.vector_load %arg9[%get3A_3302, %get3A_3303] {strides = array<i32>} : memref<208x64xf32, #tpu.memory_space<vmem>>, vector<16xf32>,
      %add3A_3305 = arith.addf %add3A_3300, %get3A_3304 : vector<16xf32>
      %get3A_3306 = arith.constant 143 : i32
      %get3A_3307 = arith.index_cast %get3A_3306 : i32 to index
      %get3A_3308 = arith.constant 16 : index
      %get3A_3309 = tpu.vector_load %arg9[%get3A_3307, %get3A_3308] {strides = array<i32>} : memref<208x64xf32, #tpu.memory_space<vmem>>, vector<16xf32>,
      %add3A_3310 = arith.addf %add3A_3305, %get3A_3309 : vector<16xf32>
      %swap3A_3311 = arith.index_cast %scan3A_15 : i32 to index
      %swap3A_3312 = arith.constant 16 : index
      %swap3A_3313 = tpu.vector_load %arg10[%swap3A_3311, %swap3A_3312] {strides = array<i32>} : memref<128x64xf32, #tpu.memory_space<vmem>>, vector<16xf32>,
      tpu.vector_store %arg10[%swap3A_3311, %swap3A_3312], %add3A_3310 {strides = array<i32>} : memref<128x64xf32, #tpu.memory_space<vmem>>, vector<16xf32>,
      %get3A_3314 = arith.index_cast %scan3A_15 : i32 to index
      %get3A_3315 = arith.constant 32 : index
      %get3A_3316 = tpu.vector_load %arg10[%get3A_3314, %get3A_3315] {strides = array<i32>} : memref<128x64xf32, #tpu.memory_space<vmem>>, vector<16xf32>,
      %get3A_3317 = arith.constant 128 : i32
      %get3A_3318 = arith.index_cast %get3A_3317 : i32 to index
      %get3A_3319 = arith.constant 32 : index
      %get3A_3320 = tpu.vector_load %arg9[%get3A_3318, %get3A_3319] {strides = array<i32>} : memref<208x64xf32, #tpu.memory_space<vmem>>, vector<16xf32>,
      %add3A_3321 = arith.addf %get3A_3316, %get3A_3320 : vector<16xf32>
      %get3A_3322 = arith.constant 129 : i32
      %get3A_3323 = arith.index_cast %get3A_3322 : i32 to index
      %get3A_3324 = arith.constant 32 : index
      %get3A_3325 = tpu.vector_load %arg9[%get3A_3323, %get3A_3324] {strides = array<i32>} : memref<208x64xf32, #tpu.memory_space<vmem>>, vector<16xf32>,
      %add3A_3326 = arith.addf %add3A_3321, %get3A_3325 : vector<16xf32>
      %get3A_3327 = arith.constant 130 : i32
      %get3A_3328 = arith.index_cast %get3A_3327 : i32 to index
      %get3A_3329 = arith.constant 32 : index
      %get3A_3330 = tpu.vector_load %arg9[%get3A_3328, %get3A_3329] {strides = array<i32>} : memref<208x64xf32, #tpu.memory_space<vmem>>, vector<16xf32>,
      %add3A_3331 = arith.addf %add3A_3326, %get3A_3330 : vector<16xf32>
      %get3A_3332 = arith.constant 131 : i32
      %get3A_3333 = arith.index_cast %get3A_3332 : i32 to index
      %get3A_3334 = arith.constant 32 : index
      %get3A_3335 = tpu.vector_load %arg9[%get3A_3333, %get3A_3334] {strides = array<i32>} : memref<208x64xf32, #tpu.memory_space<vmem>>, vector<16xf32>,
      %add3A_3336 = arith.addf %add3A_3331, %get3A_3335 : vector<16xf32>
      %get3A_3337 = arith.constant 132 : i32
      %get3A_3338 = arith.index_cast %get3A_3337 : i32 to index
      %get3A_3339 = arith.constant 32 : index
      %get3A_3340 = tpu.vector_load %arg9[%get3A_3338, %get3A_3339] {strides = array<i32>} : memref<208x64xf32, #tpu.memory_space<vmem>>, vector<16xf32>,
      %add3A_3341 = arith.addf %add3A_3336, %get3A_3340 : vector<16xf32>
      %get3A_3342 = arith.constant 133 : i32
      %get3A_3343 = arith.index_cast %get3A_3342 : i32 to index
      %get3A_3344 = arith.constant 32 : index
      %get3A_3345 = tpu.vector_load %arg9[%get3A_3343, %get3A_3344] {strides = array<i32>} : memref<208x64xf32, #tpu.memory_space<vmem>>, vector<16xf32>,
      %add3A_3346 = arith.addf %add3A_3341, %get3A_3345 : vector<16xf32>
      %get3A_3347 = arith.constant 134 : i32
      %get3A_3348 = arith.index_cast %get3A_3347 : i32 to index
      %get3A_3349 = arith.constant 32 : index
      %get3A_3350 = tpu.vector_load %arg9[%get3A_3348, %get3A_3349] {strides = array<i32>} : memref<208x64xf32, #tpu.memory_space<vmem>>, vector<16xf32>,
      %add3A_3351 = arith.addf %add3A_3346, %get3A_3350 : vector<16xf32>
      %get3A_3352 = arith.constant 135 : i32
      %get3A_3353 = arith.index_cast %get3A_3352 : i32 to index
      %get3A_3354 = arith.constant 32 : index
      %get3A_3355 = tpu.vector_load %arg9[%get3A_3353, %get3A_3354] {strides = array<i32>} : memref<208x64xf32, #tpu.memory_space<vmem>>, vector<16xf32>,
      %add3A_3356 = arith.addf %add3A_3351, %get3A_3355 : vector<16xf32>
      %get3A_3357 = arith.constant 136 : i32
      %get3A_3358 = arith.index_cast %get3A_3357 : i32 to index
      %get3A_3359 = arith.constant 32 : index
      %get3A_3360 = tpu.vector_load %arg9[%get3A_3358, %get3A_3359] {strides = array<i32>} : memref<208x64xf32, #tpu.memory_space<vmem>>, vector<16xf32>,
      %add3A_3361 = arith.addf %add3A_3356, %get3A_3360 : vector<16xf32>
      %get3A_3362 = arith.constant 137 : i32
      %get3A_3363 = arith.index_cast %get3A_3362 : i32 to index
      %get3A_3364 = arith.constant 32 : index
      %get3A_3365 = tpu.vector_load %arg9[%get3A_3363, %get3A_3364] {strides = array<i32>} : memref<208x64xf32, #tpu.memory_space<vmem>>, vector<16xf32>,
      %add3A_3366 = arith.addf %add3A_3361, %get3A_3365 : vector<16xf32>
      %get3A_3367 = arith.constant 138 : i32
      %get3A_3368 = arith.index_cast %get3A_3367 : i32 to index
      %get3A_3369 = arith.constant 32 : index
      %get3A_3370 = tpu.vector_load %arg9[%get3A_3368, %get3A_3369] {strides = array<i32>} : memref<208x64xf32, #tpu.memory_space<vmem>>, vector<16xf32>,
      %add3A_3371 = arith.addf %add3A_3366, %get3A_3370 : vector<16xf32>
      %get3A_3372 = arith.constant 139 : i32
      %get3A_3373 = arith.index_cast %get3A_3372 : i32 to index
      %get3A_3374 = arith.constant 32 : index
      %get3A_3375 = tpu.vector_load %arg9[%get3A_3373, %get3A_3374] {strides = array<i32>} : memref<208x64xf32, #tpu.memory_space<vmem>>, vector<16xf32>,
      %add3A_3376 = arith.addf %add3A_3371, %get3A_3375 : vector<16xf32>
      %get3A_3377 = arith.constant 140 : i32
      %get3A_3378 = arith.index_cast %get3A_3377 : i32 to index
      %get3A_3379 = arith.constant 32 : index
      %get3A_3380 = tpu.vector_load %arg9[%get3A_3378, %get3A_3379] {strides = array<i32>} : memref<208x64xf32, #tpu.memory_space<vmem>>, vector<16xf32>,
      %add3A_3381 = arith.addf %add3A_3376, %get3A_3380 : vector<16xf32>
      %get3A_3382 = arith.constant 141 : i32
      %get3A_3383 = arith.index_cast %get3A_3382 : i32 to index
      %get3A_3384 = arith.constant 32 : index
      %get3A_3385 = tpu.vector_load %arg9[%get3A_3383, %get3A_3384] {strides = array<i32>} : memref<208x64xf32, #tpu.memory_space<vmem>>, vector<16xf32>,
      %add3A_3386 = arith.addf %add3A_3381, %get3A_3385 : vector<16xf32>
      %get3A_3387 = arith.constant 142 : i32
      %get3A_3388 = arith.index_cast %get3A_3387 : i32 to index
      %get3A_3389 = arith.constant 32 : index
      %get3A_3390 = tpu.vector_load %arg9[%get3A_3388, %get3A_3389] {strides = array<i32>} : memref<208x64xf32, #tpu.memory_space<vmem>>, vector<16xf32>,
      %add3A_3391 = arith.addf %add3A_3386, %get3A_3390 : vector<16xf32>
      %get3A_3392 = arith.constant 143 : i32
      %get3A_3393 = arith.index_cast %get3A_3392 : i32 to index
      %get3A_3394 = arith.constant 32 : index
      %get3A_3395 = tpu.vector_load %arg9[%get3A_3393, %get3A_3394] {strides = array<i32>} : memref<208x64xf32, #tpu.memory_space<vmem>>, vector<16xf32>,
      %add3A_3396 = arith.addf %add3A_3391, %get3A_3395 : vector<16xf32>
      %swap3A_3397 = arith.index_cast %scan3A_15 : i32 to index
      %swap3A_3398 = arith.constant 32 : index
      %swap3A_3399 = tpu.vector_load %arg10[%swap3A_3397, %swap3A_3398] {strides = array<i32>} : memref<128x64xf32, #tpu.memory_space<vmem>>, vector<16xf32>,
      tpu.vector_store %arg10[%swap3A_3397, %swap3A_3398], %add3A_3396 {strides = array<i32>} : memref<128x64xf32, #tpu.memory_space<vmem>>, vector<16xf32>,
      %get3A_3400 = arith.index_cast %scan3A_15 : i32 to index
      %get3A_3401 = arith.constant 48 : index
      %get3A_3402 = tpu.vector_load %arg10[%get3A_3400, %get3A_3401] {strides = array<i32>} : memref<128x64xf32, #tpu.memory_space<vmem>>, vector<16xf32>,
      %get3A_3403 = arith.constant 128 : i32
      %get3A_3404 = arith.index_cast %get3A_3403 : i32 to index
      %get3A_3405 = arith.constant 48 : index
      %get3A_3406 = tpu.vector_load %arg9[%get3A_3404, %get3A_3405] {strides = array<i32>} : memref<208x64xf32, #tpu.memory_space<vmem>>, vector<16xf32>,
      %add3A_3407 = arith.addf %get3A_3402, %get3A_3406 : vector<16xf32>
      %get3A_3408 = arith.constant 129 : i32
      %get3A_3409 = arith.index_cast %get3A_3408 : i32 to index
      %get3A_3410 = arith.constant 48 : index
      %get3A_3411 = tpu.vector_load %arg9[%get3A_3409, %get3A_3410] {strides = array<i32>} : memref<208x64xf32, #tpu.memory_space<vmem>>, vector<16xf32>,
      %add3A_3412 = arith.addf %add3A_3407, %get3A_3411 : vector<16xf32>
      %get3A_3413 = arith.constant 130 : i32
      %get3A_3414 = arith.index_cast %get3A_3413 : i32 to index
      %get3A_3415 = arith.constant 48 : index
      %get3A_3416 = tpu.vector_load %arg9[%get3A_3414, %get3A_3415] {strides = array<i32>} : memref<208x64xf32, #tpu.memory_space<vmem>>, vector<16xf32>,
      %add3A_3417 = arith.addf %add3A_3412, %get3A_3416 : vector<16xf32>
      %get3A_3418 = arith.constant 131 : i32
      %get3A_3419 = arith.index_cast %get3A_3418 : i32 to index
      %get3A_3420 = arith.constant 48 : index
      %get3A_3421 = tpu.vector_load %arg9[%get3A_3419, %get3A_3420] {strides = array<i32>} : memref<208x64xf32, #tpu.memory_space<vmem>>, vector<16xf32>,
      %add3A_3422 = arith.addf %add3A_3417, %get3A_3421 : vector<16xf32>
      %get3A_3423 = arith.constant 132 : i32
      %get3A_3424 = arith.index_cast %get3A_3423 : i32 to index
      %get3A_3425 = arith.constant 48 : index
      %get3A_3426 = tpu.vector_load %arg9[%get3A_3424, %get3A_3425] {strides = array<i32>} : memref<208x64xf32, #tpu.memory_space<vmem>>, vector<16xf32>,
      %add3A_3427 = arith.addf %add3A_3422, %get3A_3426 : vector<16xf32>
      %get3A_3428 = arith.constant 133 : i32
      %get3A_3429 = arith.index_cast %get3A_3428 : i32 to index
      %get3A_3430 = arith.constant 48 : index
      %get3A_3431 = tpu.vector_load %arg9[%get3A_3429, %get3A_3430] {strides = array<i32>} : memref<208x64xf32, #tpu.memory_space<vmem>>, vector<16xf32>,
      %add3A_3432 = arith.addf %add3A_3427, %get3A_3431 : vector<16xf32>
      %get3A_3433 = arith.constant 134 : i32
      %get3A_3434 = arith.index_cast %get3A_3433 : i32 to index
      %get3A_3435 = arith.constant 48 : index
      %get3A_3436 = tpu.vector_load %arg9[%get3A_3434, %get3A_3435] {strides = array<i32>} : memref<208x64xf32, #tpu.memory_space<vmem>>, vector<16xf32>,
      %add3A_3437 = arith.addf %add3A_3432, %get3A_3436 : vector<16xf32>
      %get3A_3438 = arith.constant 135 : i32
      %get3A_3439 = arith.index_cast %get3A_3438 : i32 to index
      %get3A_3440 = arith.constant 48 : index
      %get3A_3441 = tpu.vector_load %arg9[%get3A_3439, %get3A_3440] {strides = array<i32>} : memref<208x64xf32, #tpu.memory_space<vmem>>, vector<16xf32>,
      %add3A_3442 = arith.addf %add3A_3437, %get3A_3441 : vector<16xf32>
      %get3A_3443 = arith.constant 136 : i32
      %get3A_3444 = arith.index_cast %get3A_3443 : i32 to index
      %get3A_3445 = arith.constant 48 : index
      %get3A_3446 = tpu.vector_load %arg9[%get3A_3444, %get3A_3445] {strides = array<i32>} : memref<208x64xf32, #tpu.memory_space<vmem>>, vector<16xf32>,
      %add3A_3447 = arith.addf %add3A_3442, %get3A_3446 : vector<16xf32>
      %get3A_3448 = arith.constant 137 : i32
      %get3A_3449 = arith.index_cast %get3A_3448 : i32 to index
      %get3A_3450 = arith.constant 48 : index
      %get3A_3451 = tpu.vector_load %arg9[%get3A_3449, %get3A_3450] {strides = array<i32>} : memref<208x64xf32, #tpu.memory_space<vmem>>, vector<16xf32>,
      %add3A_3452 = arith.addf %add3A_3447, %get3A_3451 : vector<16xf32>
      %get3A_3453 = arith.constant 138 : i32
      %get3A_3454 = arith.index_cast %get3A_3453 : i32 to index
      %get3A_3455 = arith.constant 48 : index
      %get3A_3456 = tpu.vector_load %arg9[%get3A_3454, %get3A_3455] {strides = array<i32>} : memref<208x64xf32, #tpu.memory_space<vmem>>, vector<16xf32>,
      %add3A_3457 = arith.addf %add3A_3452, %get3A_3456 : vector<16xf32>
      %get3A_3458 = arith.constant 139 : i32
      %get3A_3459 = arith.index_cast %get3A_3458 : i32 to index
      %get3A_3460 = arith.constant 48 : index
      %get3A_3461 = tpu.vector_load %arg9[%get3A_3459, %get3A_3460] {strides = array<i32>} : memref<208x64xf32, #tpu.memory_space<vmem>>, vector<16xf32>,
      %add3A_3462 = arith.addf %add3A_3457, %get3A_3461 : vector<16xf32>
      %get3A_3463 = arith.constant 140 : i32
      %get3A_3464 = arith.index_cast %get3A_3463 : i32 to index
      %get3A_3465 = arith.constant 48 : index
      %get3A_3466 = tpu.vector_load %arg9[%get3A_3464, %get3A_3465] {strides = array<i32>} : memref<208x64xf32, #tpu.memory_space<vmem>>, vector<16xf32>,
      %add3A_3467 = arith.addf %add3A_3462, %get3A_3466 : vector<16xf32>
      %get3A_3468 = arith.constant 141 : i32
      %get3A_3469 = arith.index_cast %get3A_3468 : i32 to index
      %get3A_3470 = arith.constant 48 : index
      %get3A_3471 = tpu.vector_load %arg9[%get3A_3469, %get3A_3470] {strides = array<i32>} : memref<208x64xf32, #tpu.memory_space<vmem>>, vector<16xf32>,
      %add3A_3472 = arith.addf %add3A_3467, %get3A_3471 : vector<16xf32>
      %get3A_3473 = arith.constant 142 : i32
      %get3A_3474 = arith.index_cast %get3A_3473 : i32 to index
      %get3A_3475 = arith.constant 48 : index
      %get3A_3476 = tpu.vector_load %arg9[%get3A_3474, %get3A_3475] {strides = array<i32>} : memref<208x64xf32, #tpu.memory_space<vmem>>, vector<16xf32>,
      %add3A_3477 = arith.addf %add3A_3472, %get3A_3476 : vector<16xf32>
      %get3A_3478 = arith.constant 143 : i32
      %get3A_3479 = arith.index_cast %get3A_3478 : i32 to index
      %get3A_3480 = arith.constant 48 : index
      %get3A_3481 = tpu.vector_load %arg9[%get3A_3479, %get3A_3480] {strides = array<i32>} : memref<208x64xf32, #tpu.memory_space<vmem>>, vector<16xf32>,
      %add3A_3482 = arith.addf %add3A_3477, %get3A_3481 : vector<16xf32>
      %swap3A_3483 = arith.index_cast %scan3A_15 : i32 to index
      %swap3A_3484 = arith.constant 48 : index
      %swap3A_3485 = tpu.vector_load %arg10[%swap3A_3483, %swap3A_3484] {strides = array<i32>} : memref<128x64xf32, #tpu.memory_space<vmem>>, vector<16xf32>,
      tpu.vector_store %arg10[%swap3A_3483, %swap3A_3484], %add3A_3482 {strides = array<i32>} : memref<128x64xf32, #tpu.memory_space<vmem>>, vector<16xf32>,
      %get3A_3486 = arith.index_cast %scan3A_15 : i32 to index
      %get3A_3487 = arith.constant 0 : index
      %get3A_3488 = tpu.vector_load %arg10[%get3A_3486, %get3A_3487] {strides = array<i32>} : memref<128x64xf32, #tpu.memory_space<vmem>>, vector<16xf32>,
      %get3A_3489 = arith.constant 144 : i32
      %get3A_3490 = arith.index_cast %get3A_3489 : i32 to index
      %get3A_3491 = arith.constant 0 : index
      %get3A_3492 = tpu.vector_load %arg9[%get3A_3490, %get3A_3491] {strides = array<i32>} : memref<208x64xf32, #tpu.memory_space<vmem>>, vector<16xf32>,
      %add3A_3493 = arith.addf %get3A_3488, %get3A_3492 : vector<16xf32>
      %get3A_3494 = arith.constant 145 : i32
      %get3A_3495 = arith.index_cast %get3A_3494 : i32 to index
      %get3A_3496 = arith.constant 0 : index
      %get3A_3497 = tpu.vector_load %arg9[%get3A_3495, %get3A_3496] {strides = array<i32>} : memref<208x64xf32, #tpu.memory_space<vmem>>, vector<16xf32>,
      %add3A_3498 = arith.addf %add3A_3493, %get3A_3497 : vector<16xf32>
      %get3A_3499 = arith.constant 146 : i32
      %get3A_3500 = arith.index_cast %get3A_3499 : i32 to index
      %get3A_3501 = arith.constant 0 : index
      %get3A_3502 = tpu.vector_load %arg9[%get3A_3500, %get3A_3501] {strides = array<i32>} : memref<208x64xf32, #tpu.memory_space<vmem>>, vector<16xf32>,
      %add3A_3503 = arith.addf %add3A_3498, %get3A_3502 : vector<16xf32>
      %get3A_3504 = arith.constant 147 : i32
      %get3A_3505 = arith.index_cast %get3A_3504 : i32 to index
      %get3A_3506 = arith.constant 0 : index
      %get3A_3507 = tpu.vector_load %arg9[%get3A_3505, %get3A_3506] {strides = array<i32>} : memref<208x64xf32, #tpu.memory_space<vmem>>, vector<16xf32>,
      %add3A_3508 = arith.addf %add3A_3503, %get3A_3507 : vector<16xf32>
      %get3A_3509 = arith.constant 148 : i32
      %get3A_3510 = arith.index_cast %get3A_3509 : i32 to index
      %get3A_3511 = arith.constant 0 : index
      %get3A_3512 = tpu.vector_load %arg9[%get3A_3510, %get3A_3511] {strides = array<i32>} : memref<208x64xf32, #tpu.memory_space<vmem>>, vector<16xf32>,
      %add3A_3513 = arith.addf %add3A_3508, %get3A_3512 : vector<16xf32>
      %get3A_3514 = arith.constant 149 : i32
      %get3A_3515 = arith.index_cast %get3A_3514 : i32 to index
      %get3A_3516 = arith.constant 0 : index
      %get3A_3517 = tpu.vector_load %arg9[%get3A_3515, %get3A_3516] {strides = array<i32>} : memref<208x64xf32, #tpu.memory_space<vmem>>, vector<16xf32>,
      %add3A_3518 = arith.addf %add3A_3513, %get3A_3517 : vector<16xf32>
      %get3A_3519 = arith.constant 150 : i32
      %get3A_3520 = arith.index_cast %get3A_3519 : i32 to index
      %get3A_3521 = arith.constant 0 : index
      %get3A_3522 = tpu.vector_load %arg9[%get3A_3520, %get3A_3521] {strides = array<i32>} : memref<208x64xf32, #tpu.memory_space<vmem>>, vector<16xf32>,
      %add3A_3523 = arith.addf %add3A_3518, %get3A_3522 : vector<16xf32>
      %get3A_3524 = arith.constant 151 : i32
      %get3A_3525 = arith.index_cast %get3A_3524 : i32 to index
      %get3A_3526 = arith.constant 0 : index
      %get3A_3527 = tpu.vector_load %arg9[%get3A_3525, %get3A_3526] {strides = array<i32>} : memref<208x64xf32, #tpu.memory_space<vmem>>, vector<16xf32>,
      %add3A_3528 = arith.addf %add3A_3523, %get3A_3527 : vector<16xf32>
      %get3A_3529 = arith.constant 152 : i32
      %get3A_3530 = arith.index_cast %get3A_3529 : i32 to index
      %get3A_3531 = arith.constant 0 : index
      %get3A_3532 = tpu.vector_load %arg9[%get3A_3530, %get3A_3531] {strides = array<i32>} : memref<208x64xf32, #tpu.memory_space<vmem>>, vector<16xf32>,
      %add3A_3533 = arith.addf %add3A_3528, %get3A_3532 : vector<16xf32>
      %get3A_3534 = arith.constant 153 : i32
      %get3A_3535 = arith.index_cast %get3A_3534 : i32 to index
      %get3A_3536 = arith.constant 0 : index
      %get3A_3537 = tpu.vector_load %arg9[%get3A_3535, %get3A_3536] {strides = array<i32>} : memref<208x64xf32, #tpu.memory_space<vmem>>, vector<16xf32>,
      %add3A_3538 = arith.addf %add3A_3533, %get3A_3537 : vector<16xf32>
      %get3A_3539 = arith.constant 154 : i32
      %get3A_3540 = arith.index_cast %get3A_3539 : i32 to index
      %get3A_3541 = arith.constant 0 : index
      %get3A_3542 = tpu.vector_load %arg9[%get3A_3540, %get3A_3541] {strides = array<i32>} : memref<208x64xf32, #tpu.memory_space<vmem>>, vector<16xf32>,
      %add3A_3543 = arith.addf %add3A_3538, %get3A_3542 : vector<16xf32>
      %get3A_3544 = arith.constant 155 : i32
      %get3A_3545 = arith.index_cast %get3A_3544 : i32 to index
      %get3A_3546 = arith.constant 0 : index
      %get3A_3547 = tpu.vector_load %arg9[%get3A_3545, %get3A_3546] {strides = array<i32>} : memref<208x64xf32, #tpu.memory_space<vmem>>, vector<16xf32>,
      %add3A_3548 = arith.addf %add3A_3543, %get3A_3547 : vector<16xf32>
      %get3A_3549 = arith.constant 156 : i32
      %get3A_3550 = arith.index_cast %get3A_3549 : i32 to index
      %get3A_3551 = arith.constant 0 : index
      %get3A_3552 = tpu.vector_load %arg9[%get3A_3550, %get3A_3551] {strides = array<i32>} : memref<208x64xf32, #tpu.memory_space<vmem>>, vector<16xf32>,
      %add3A_3553 = arith.addf %add3A_3548, %get3A_3552 : vector<16xf32>
      %get3A_3554 = arith.constant 157 : i32
      %get3A_3555 = arith.index_cast %get3A_3554 : i32 to index
      %get3A_3556 = arith.constant 0 : index
      %get3A_3557 = tpu.vector_load %arg9[%get3A_3555, %get3A_3556] {strides = array<i32>} : memref<208x64xf32, #tpu.memory_space<vmem>>, vector<16xf32>,
      %add3A_3558 = arith.addf %add3A_3553, %get3A_3557 : vector<16xf32>
      %get3A_3559 = arith.constant 158 : i32
      %get3A_3560 = arith.index_cast %get3A_3559 : i32 to index
      %get3A_3561 = arith.constant 0 : index
      %get3A_3562 = tpu.vector_load %arg9[%get3A_3560, %get3A_3561] {strides = array<i32>} : memref<208x64xf32, #tpu.memory_space<vmem>>, vector<16xf32>,
      %add3A_3563 = arith.addf %add3A_3558, %get3A_3562 : vector<16xf32>
      %get3A_3564 = arith.constant 159 : i32
      %get3A_3565 = arith.index_cast %get3A_3564 : i32 to index
      %get3A_3566 = arith.constant 0 : index
      %get3A_3567 = tpu.vector_load %arg9[%get3A_3565, %get3A_3566] {strides = array<i32>} : memref<208x64xf32, #tpu.memory_space<vmem>>, vector<16xf32>,
      %add3A_3568 = arith.addf %add3A_3563, %get3A_3567 : vector<16xf32>
      %swap3A_3569 = arith.index_cast %scan3A_15 : i32 to index
      %swap3A_3570 = arith.constant 0 : index
      %swap3A_3571 = tpu.vector_load %arg10[%swap3A_3569, %swap3A_3570] {strides = array<i32>} : memref<128x64xf32, #tpu.memory_space<vmem>>, vector<16xf32>,
      tpu.vector_store %arg10[%swap3A_3569, %swap3A_3570], %add3A_3568 {strides = array<i32>} : memref<128x64xf32, #tpu.memory_space<vmem>>, vector<16xf32>,
      %get3A_3572 = arith.index_cast %scan3A_15 : i32 to index
      %get3A_3573 = arith.constant 16 : index
      %get3A_3574 = tpu.vector_load %arg10[%get3A_3572, %get3A_3573] {strides = array<i32>} : memref<128x64xf32, #tpu.memory_space<vmem>>, vector<16xf32>,
      %get3A_3575 = arith.constant 144 : i32
      %get3A_3576 = arith.index_cast %get3A_3575 : i32 to index
      %get3A_3577 = arith.constant 16 : index
      %get3A_3578 = tpu.vector_load %arg9[%get3A_3576, %get3A_3577] {strides = array<i32>} : memref<208x64xf32, #tpu.memory_space<vmem>>, vector<16xf32>,
      %add3A_3579 = arith.addf %get3A_3574, %get3A_3578 : vector<16xf32>
      %get3A_3580 = arith.constant 145 : i32
      %get3A_3581 = arith.index_cast %get3A_3580 : i32 to index
      %get3A_3582 = arith.constant 16 : index
      %get3A_3583 = tpu.vector_load %arg9[%get3A_3581, %get3A_3582] {strides = array<i32>} : memref<208x64xf32, #tpu.memory_space<vmem>>, vector<16xf32>,
      %add3A_3584 = arith.addf %add3A_3579, %get3A_3583 : vector<16xf32>
      %get3A_3585 = arith.constant 146 : i32
      %get3A_3586 = arith.index_cast %get3A_3585 : i32 to index
      %get3A_3587 = arith.constant 16 : index
      %get3A_3588 = tpu.vector_load %arg9[%get3A_3586, %get3A_3587] {strides = array<i32>} : memref<208x64xf32, #tpu.memory_space<vmem>>, vector<16xf32>,
      %add3A_3589 = arith.addf %add3A_3584, %get3A_3588 : vector<16xf32>
      %get3A_3590 = arith.constant 147 : i32
      %get3A_3591 = arith.index_cast %get3A_3590 : i32 to index
      %get3A_3592 = arith.constant 16 : index
      %get3A_3593 = tpu.vector_load %arg9[%get3A_3591, %get3A_3592] {strides = array<i32>} : memref<208x64xf32, #tpu.memory_space<vmem>>, vector<16xf32>,
      %add3A_3594 = arith.addf %add3A_3589, %get3A_3593 : vector<16xf32>
      %get3A_3595 = arith.constant 148 : i32
      %get3A_3596 = arith.index_cast %get3A_3595 : i32 to index
      %get3A_3597 = arith.constant 16 : index
      %get3A_3598 = tpu.vector_load %arg9[%get3A_3596, %get3A_3597] {strides = array<i32>} : memref<208x64xf32, #tpu.memory_space<vmem>>, vector<16xf32>,
      %add3A_3599 = arith.addf %add3A_3594, %get3A_3598 : vector<16xf32>
      %get3A_3600 = arith.constant 149 : i32
      %get3A_3601 = arith.index_cast %get3A_3600 : i32 to index
      %get3A_3602 = arith.constant 16 : index
      %get3A_3603 = tpu.vector_load %arg9[%get3A_3601, %get3A_3602] {strides = array<i32>} : memref<208x64xf32, #tpu.memory_space<vmem>>, vector<16xf32>,
      %add3A_3604 = arith.addf %add3A_3599, %get3A_3603 : vector<16xf32>
      %get3A_3605 = arith.constant 150 : i32
      %get3A_3606 = arith.index_cast %get3A_3605 : i32 to index
      %get3A_3607 = arith.constant 16 : index
      %get3A_3608 = tpu.vector_load %arg9[%get3A_3606, %get3A_3607] {strides = array<i32>} : memref<208x64xf32, #tpu.memory_space<vmem>>, vector<16xf32>,
      %add3A_3609 = arith.addf %add3A_3604, %get3A_3608 : vector<16xf32>
      %get3A_3610 = arith.constant 151 : i32
      %get3A_3611 = arith.index_cast %get3A_3610 : i32 to index
      %get3A_3612 = arith.constant 16 : index
      %get3A_3613 = tpu.vector_load %arg9[%get3A_3611, %get3A_3612] {strides = array<i32>} : memref<208x64xf32, #tpu.memory_space<vmem>>, vector<16xf32>,
      %add3A_3614 = arith.addf %add3A_3609, %get3A_3613 : vector<16xf32>
      %get3A_3615 = arith.constant 152 : i32
      %get3A_3616 = arith.index_cast %get3A_3615 : i32 to index
      %get3A_3617 = arith.constant 16 : index
      %get3A_3618 = tpu.vector_load %arg9[%get3A_3616, %get3A_3617] {strides = array<i32>} : memref<208x64xf32, #tpu.memory_space<vmem>>, vector<16xf32>,
      %add3A_3619 = arith.addf %add3A_3614, %get3A_3618 : vector<16xf32>
      %get3A_3620 = arith.constant 153 : i32
      %get3A_3621 = arith.index_cast %get3A_3620 : i32 to index
      %get3A_3622 = arith.constant 16 : index
      %get3A_3623 = tpu.vector_load %arg9[%get3A_3621, %get3A_3622] {strides = array<i32>} : memref<208x64xf32, #tpu.memory_space<vmem>>, vector<16xf32>,
      %add3A_3624 = arith.addf %add3A_3619, %get3A_3623 : vector<16xf32>
      %get3A_3625 = arith.constant 154 : i32
      %get3A_3626 = arith.index_cast %get3A_3625 : i32 to index
      %get3A_3627 = arith.constant 16 : index
      %get3A_3628 = tpu.vector_load %arg9[%get3A_3626, %get3A_3627] {strides = array<i32>} : memref<208x64xf32, #tpu.memory_space<vmem>>, vector<16xf32>,
      %add3A_3629 = arith.addf %add3A_3624, %get3A_3628 : vector<16xf32>
      %get3A_3630 = arith.constant 155 : i32
      %get3A_3631 = arith.index_cast %get3A_3630 : i32 to index
      %get3A_3632 = arith.constant 16 : index
      %get3A_3633 = tpu.vector_load %arg9[%get3A_3631, %get3A_3632] {strides = array<i32>} : memref<208x64xf32, #tpu.memory_space<vmem>>, vector<16xf32>,
      %add3A_3634 = arith.addf %add3A_3629, %get3A_3633 : vector<16xf32>
      %get3A_3635 = arith.constant 156 : i32
      %get3A_3636 = arith.index_cast %get3A_3635 : i32 to index
      %get3A_3637 = arith.constant 16 : index
      %get3A_3638 = tpu.vector_load %arg9[%get3A_3636, %get3A_3637] {strides = array<i32>} : memref<208x64xf32, #tpu.memory_space<vmem>>, vector<16xf32>,
      %add3A_3639 = arith.addf %add3A_3634, %get3A_3638 : vector<16xf32>
      %get3A_3640 = arith.constant 157 : i32
      %get3A_3641 = arith.index_cast %get3A_3640 : i32 to index
      %get3A_3642 = arith.constant 16 : index
      %get3A_3643 = tpu.vector_load %arg9[%get3A_3641, %get3A_3642] {strides = array<i32>} : memref<208x64xf32, #tpu.memory_space<vmem>>, vector<16xf32>,
      %add3A_3644 = arith.addf %add3A_3639, %get3A_3643 : vector<16xf32>
      %get3A_3645 = arith.constant 158 : i32
      %get3A_3646 = arith.index_cast %get3A_3645 : i32 to index
      %get3A_3647 = arith.constant 16 : index
      %get3A_3648 = tpu.vector_load %arg9[%get3A_3646, %get3A_3647] {strides = array<i32>} : memref<208x64xf32, #tpu.memory_space<vmem>>, vector<16xf32>,
      %add3A_3649 = arith.addf %add3A_3644, %get3A_3648 : vector<16xf32>
      %get3A_3650 = arith.constant 159 : i32
      %get3A_3651 = arith.index_cast %get3A_3650 : i32 to index
      %get3A_3652 = arith.constant 16 : index
      %get3A_3653 = tpu.vector_load %arg9[%get3A_3651, %get3A_3652] {strides = array<i32>} : memref<208x64xf32, #tpu.memory_space<vmem>>, vector<16xf32>,
      %add3A_3654 = arith.addf %add3A_3649, %get3A_3653 : vector<16xf32>
      %swap3A_3655 = arith.index_cast %scan3A_15 : i32 to index
      %swap3A_3656 = arith.constant 16 : index
      %swap3A_3657 = tpu.vector_load %arg10[%swap3A_3655, %swap3A_3656] {strides = array<i32>} : memref<128x64xf32, #tpu.memory_space<vmem>>, vector<16xf32>,
      tpu.vector_store %arg10[%swap3A_3655, %swap3A_3656], %add3A_3654 {strides = array<i32>} : memref<128x64xf32, #tpu.memory_space<vmem>>, vector<16xf32>,
      %get3A_3658 = arith.index_cast %scan3A_15 : i32 to index
      %get3A_3659 = arith.constant 32 : index
      %get3A_3660 = tpu.vector_load %arg10[%get3A_3658, %get3A_3659] {strides = array<i32>} : memref<128x64xf32, #tpu.memory_space<vmem>>, vector<16xf32>,
      %get3A_3661 = arith.constant 144 : i32
      %get3A_3662 = arith.index_cast %get3A_3661 : i32 to index
      %get3A_3663 = arith.constant 32 : index
      %get3A_3664 = tpu.vector_load %arg9[%get3A_3662, %get3A_3663] {strides = array<i32>} : memref<208x64xf32, #tpu.memory_space<vmem>>, vector<16xf32>,
      %add3A_3665 = arith.addf %get3A_3660, %get3A_3664 : vector<16xf32>
      %get3A_3666 = arith.constant 145 : i32
      %get3A_3667 = arith.index_cast %get3A_3666 : i32 to index
      %get3A_3668 = arith.constant 32 : index
      %get3A_3669 = tpu.vector_load %arg9[%get3A_3667, %get3A_3668] {strides = array<i32>} : memref<208x64xf32, #tpu.memory_space<vmem>>, vector<16xf32>,
      %add3A_3670 = arith.addf %add3A_3665, %get3A_3669 : vector<16xf32>
      %get3A_3671 = arith.constant 146 : i32
      %get3A_3672 = arith.index_cast %get3A_3671 : i32 to index
      %get3A_3673 = arith.constant 32 : index
      %get3A_3674 = tpu.vector_load %arg9[%get3A_3672, %get3A_3673] {strides = array<i32>} : memref<208x64xf32, #tpu.memory_space<vmem>>, vector<16xf32>,
      %add3A_3675 = arith.addf %add3A_3670, %get3A_3674 : vector<16xf32>
      %get3A_3676 = arith.constant 147 : i32
      %get3A_3677 = arith.index_cast %get3A_3676 : i32 to index
      %get3A_3678 = arith.constant 32 : index
      %get3A_3679 = tpu.vector_load %arg9[%get3A_3677, %get3A_3678] {strides = array<i32>} : memref<208x64xf32, #tpu.memory_space<vmem>>, vector<16xf32>,
      %add3A_3680 = arith.addf %add3A_3675, %get3A_3679 : vector<16xf32>
      %get3A_3681 = arith.constant 148 : i32
      %get3A_3682 = arith.index_cast %get3A_3681 : i32 to index
      %get3A_3683 = arith.constant 32 : index
      %get3A_3684 = tpu.vector_load %arg9[%get3A_3682, %get3A_3683] {strides = array<i32>} : memref<208x64xf32, #tpu.memory_space<vmem>>, vector<16xf32>,
      %add3A_3685 = arith.addf %add3A_3680, %get3A_3684 : vector<16xf32>
      %get3A_3686 = arith.constant 149 : i32
      %get3A_3687 = arith.index_cast %get3A_3686 : i32 to index
      %get3A_3688 = arith.constant 32 : index
      %get3A_3689 = tpu.vector_load %arg9[%get3A_3687, %get3A_3688] {strides = array<i32>} : memref<208x64xf32, #tpu.memory_space<vmem>>, vector<16xf32>,
      %add3A_3690 = arith.addf %add3A_3685, %get3A_3689 : vector<16xf32>
      %get3A_3691 = arith.constant 150 : i32
      %get3A_3692 = arith.index_cast %get3A_3691 : i32 to index
      %get3A_3693 = arith.constant 32 : index
      %get3A_3694 = tpu.vector_load %arg9[%get3A_3692, %get3A_3693] {strides = array<i32>} : memref<208x64xf32, #tpu.memory_space<vmem>>, vector<16xf32>,
      %add3A_3695 = arith.addf %add3A_3690, %get3A_3694 : vector<16xf32>
      %get3A_3696 = arith.constant 151 : i32
      %get3A_3697 = arith.index_cast %get3A_3696 : i32 to index
      %get3A_3698 = arith.constant 32 : index
      %get3A_3699 = tpu.vector_load %arg9[%get3A_3697, %get3A_3698] {strides = array<i32>} : memref<208x64xf32, #tpu.memory_space<vmem>>, vector<16xf32>,
      %add3A_3700 = arith.addf %add3A_3695, %get3A_3699 : vector<16xf32>
      %get3A_3701 = arith.constant 152 : i32
      %get3A_3702 = arith.index_cast %get3A_3701 : i32 to index
      %get3A_3703 = arith.constant 32 : index
      %get3A_3704 = tpu.vector_load %arg9[%get3A_3702, %get3A_3703] {strides = array<i32>} : memref<208x64xf32, #tpu.memory_space<vmem>>, vector<16xf32>,
      %add3A_3705 = arith.addf %add3A_3700, %get3A_3704 : vector<16xf32>
      %get3A_3706 = arith.constant 153 : i32
      %get3A_3707 = arith.index_cast %get3A_3706 : i32 to index
      %get3A_3708 = arith.constant 32 : index
      %get3A_3709 = tpu.vector_load %arg9[%get3A_3707, %get3A_3708] {strides = array<i32>} : memref<208x64xf32, #tpu.memory_space<vmem>>, vector<16xf32>,
      %add3A_3710 = arith.addf %add3A_3705, %get3A_3709 : vector<16xf32>
      %get3A_3711 = arith.constant 154 : i32
      %get3A_3712 = arith.index_cast %get3A_3711 : i32 to index
      %get3A_3713 = arith.constant 32 : index
      %get3A_3714 = tpu.vector_load %arg9[%get3A_3712, %get3A_3713] {strides = array<i32>} : memref<208x64xf32, #tpu.memory_space<vmem>>, vector<16xf32>,
      %add3A_3715 = arith.addf %add3A_3710, %get3A_3714 : vector<16xf32>
      %get3A_3716 = arith.constant 155 : i32
      %get3A_3717 = arith.index_cast %get3A_3716 : i32 to index
      %get3A_3718 = arith.constant 32 : index
      %get3A_3719 = tpu.vector_load %arg9[%get3A_3717, %get3A_3718] {strides = array<i32>} : memref<208x64xf32, #tpu.memory_space<vmem>>, vector<16xf32>,
      %add3A_3720 = arith.addf %add3A_3715, %get3A_3719 : vector<16xf32>
      %get3A_3721 = arith.constant 156 : i32
      %get3A_3722 = arith.index_cast %get3A_3721 : i32 to index
      %get3A_3723 = arith.constant 32 : index
      %get3A_3724 = tpu.vector_load %arg9[%get3A_3722, %get3A_3723] {strides = array<i32>} : memref<208x64xf32, #tpu.memory_space<vmem>>, vector<16xf32>,
      %add3A_3725 = arith.addf %add3A_3720, %get3A_3724 : vector<16xf32>
      %get3A_3726 = arith.constant 157 : i32
      %get3A_3727 = arith.index_cast %get3A_3726 : i32 to index
      %get3A_3728 = arith.constant 32 : index
      %get3A_3729 = tpu.vector_load %arg9[%get3A_3727, %get3A_3728] {strides = array<i32>} : memref<208x64xf32, #tpu.memory_space<vmem>>, vector<16xf32>,
      %add3A_3730 = arith.addf %add3A_3725, %get3A_3729 : vector<16xf32>
      %get3A_3731 = arith.constant 158 : i32
      %get3A_3732 = arith.index_cast %get3A_3731 : i32 to index
      %get3A_3733 = arith.constant 32 : index
      %get3A_3734 = tpu.vector_load %arg9[%get3A_3732, %get3A_3733] {strides = array<i32>} : memref<208x64xf32, #tpu.memory_space<vmem>>, vector<16xf32>,
      %add3A_3735 = arith.addf %add3A_3730, %get3A_3734 : vector<16xf32>
      %get3A_3736 = arith.constant 159 : i32
      %get3A_3737 = arith.index_cast %get3A_3736 : i32 to index
      %get3A_3738 = arith.constant 32 : index
      %get3A_3739 = tpu.vector_load %arg9[%get3A_3737, %get3A_3738] {strides = array<i32>} : memref<208x64xf32, #tpu.memory_space<vmem>>, vector<16xf32>,
      %add3A_3740 = arith.addf %add3A_3735, %get3A_3739 : vector<16xf32>
      %swap3A_3741 = arith.index_cast %scan3A_15 : i32 to index
      %swap3A_3742 = arith.constant 32 : index
      %swap3A_3743 = tpu.vector_load %arg10[%swap3A_3741, %swap3A_3742] {strides = array<i32>} : memref<128x64xf32, #tpu.memory_space<vmem>>, vector<16xf32>,
      tpu.vector_store %arg10[%swap3A_3741, %swap3A_3742], %add3A_3740 {strides = array<i32>} : memref<128x64xf32, #tpu.memory_space<vmem>>, vector<16xf32>,
      %get3A_3744 = arith.index_cast %scan3A_15 : i32 to index
      %get3A_3745 = arith.constant 48 : index
      %get3A_3746 = tpu.vector_load %arg10[%get3A_3744, %get3A_3745] {strides = array<i32>} : memref<128x64xf32, #tpu.memory_space<vmem>>, vector<16xf32>,
      %get3A_3747 = arith.constant 144 : i32
      %get3A_3748 = arith.index_cast %get3A_3747 : i32 to index
      %get3A_3749 = arith.constant 48 : index
      %get3A_3750 = tpu.vector_load %arg9[%get3A_3748, %get3A_3749] {strides = array<i32>} : memref<208x64xf32, #tpu.memory_space<vmem>>, vector<16xf32>,
      %add3A_3751 = arith.addf %get3A_3746, %get3A_3750 : vector<16xf32>
      %get3A_3752 = arith.constant 145 : i32
      %get3A_3753 = arith.index_cast %get3A_3752 : i32 to index
      %get3A_3754 = arith.constant 48 : index
      %get3A_3755 = tpu.vector_load %arg9[%get3A_3753, %get3A_3754] {strides = array<i32>} : memref<208x64xf32, #tpu.memory_space<vmem>>, vector<16xf32>,
      %add3A_3756 = arith.addf %add3A_3751, %get3A_3755 : vector<16xf32>
      %get3A_3757 = arith.constant 146 : i32
      %get3A_3758 = arith.index_cast %get3A_3757 : i32 to index
      %get3A_3759 = arith.constant 48 : index
      %get3A_3760 = tpu.vector_load %arg9[%get3A_3758, %get3A_3759] {strides = array<i32>} : memref<208x64xf32, #tpu.memory_space<vmem>>, vector<16xf32>,
      %add3A_3761 = arith.addf %add3A_3756, %get3A_3760 : vector<16xf32>
      %get3A_3762 = arith.constant 147 : i32
      %get3A_3763 = arith.index_cast %get3A_3762 : i32 to index
      %get3A_3764 = arith.constant 48 : index
      %get3A_3765 = tpu.vector_load %arg9[%get3A_3763, %get3A_3764] {strides = array<i32>} : memref<208x64xf32, #tpu.memory_space<vmem>>, vector<16xf32>,
      %add3A_3766 = arith.addf %add3A_3761, %get3A_3765 : vector<16xf32>
      %get3A_3767 = arith.constant 148 : i32
      %get3A_3768 = arith.index_cast %get3A_3767 : i32 to index
      %get3A_3769 = arith.constant 48 : index
      %get3A_3770 = tpu.vector_load %arg9[%get3A_3768, %get3A_3769] {strides = array<i32>} : memref<208x64xf32, #tpu.memory_space<vmem>>, vector<16xf32>,
      %add3A_3771 = arith.addf %add3A_3766, %get3A_3770 : vector<16xf32>
      %get3A_3772 = arith.constant 149 : i32
      %get3A_3773 = arith.index_cast %get3A_3772 : i32 to index
      %get3A_3774 = arith.constant 48 : index
      %get3A_3775 = tpu.vector_load %arg9[%get3A_3773, %get3A_3774] {strides = array<i32>} : memref<208x64xf32, #tpu.memory_space<vmem>>, vector<16xf32>,
      %add3A_3776 = arith.addf %add3A_3771, %get3A_3775 : vector<16xf32>
      %get3A_3777 = arith.constant 150 : i32
      %get3A_3778 = arith.index_cast %get3A_3777 : i32 to index
      %get3A_3779 = arith.constant 48 : index
      %get3A_3780 = tpu.vector_load %arg9[%get3A_3778, %get3A_3779] {strides = array<i32>} : memref<208x64xf32, #tpu.memory_space<vmem>>, vector<16xf32>,
      %add3A_3781 = arith.addf %add3A_3776, %get3A_3780 : vector<16xf32>
      %get3A_3782 = arith.constant 151 : i32
      %get3A_3783 = arith.index_cast %get3A_3782 : i32 to index
      %get3A_3784 = arith.constant 48 : index
      %get3A_3785 = tpu.vector_load %arg9[%get3A_3783, %get3A_3784] {strides = array<i32>} : memref<208x64xf32, #tpu.memory_space<vmem>>, vector<16xf32>,
      %add3A_3786 = arith.addf %add3A_3781, %get3A_3785 : vector<16xf32>
      %get3A_3787 = arith.constant 152 : i32
      %get3A_3788 = arith.index_cast %get3A_3787 : i32 to index
      %get3A_3789 = arith.constant 48 : index
      %get3A_3790 = tpu.vector_load %arg9[%get3A_3788, %get3A_3789] {strides = array<i32>} : memref<208x64xf32, #tpu.memory_space<vmem>>, vector<16xf32>,
      %add3A_3791 = arith.addf %add3A_3786, %get3A_3790 : vector<16xf32>
      %get3A_3792 = arith.constant 153 : i32
      %get3A_3793 = arith.index_cast %get3A_3792 : i32 to index
      %get3A_3794 = arith.constant 48 : index
      %get3A_3795 = tpu.vector_load %arg9[%get3A_3793, %get3A_3794] {strides = array<i32>} : memref<208x64xf32, #tpu.memory_space<vmem>>, vector<16xf32>,
      %add3A_3796 = arith.addf %add3A_3791, %get3A_3795 : vector<16xf32>
      %get3A_3797 = arith.constant 154 : i32
      %get3A_3798 = arith.index_cast %get3A_3797 : i32 to index
      %get3A_3799 = arith.constant 48 : index
      %get3A_3800 = tpu.vector_load %arg9[%get3A_3798, %get3A_3799] {strides = array<i32>} : memref<208x64xf32, #tpu.memory_space<vmem>>, vector<16xf32>,
      %add3A_3801 = arith.addf %add3A_3796, %get3A_3800 : vector<16xf32>
      %get3A_3802 = arith.constant 155 : i32
      %get3A_3803 = arith.index_cast %get3A_3802 : i32 to index
      %get3A_3804 = arith.constant 48 : index
      %get3A_3805 = tpu.vector_load %arg9[%get3A_3803, %get3A_3804] {strides = array<i32>} : memref<208x64xf32, #tpu.memory_space<vmem>>, vector<16xf32>,
      %add3A_3806 = arith.addf %add3A_3801, %get3A_3805 : vector<16xf32>
      %get3A_3807 = arith.constant 156 : i32
      %get3A_3808 = arith.index_cast %get3A_3807 : i32 to index
      %get3A_3809 = arith.constant 48 : index
      %get3A_3810 = tpu.vector_load %arg9[%get3A_3808, %get3A_3809] {strides = array<i32>} : memref<208x64xf32, #tpu.memory_space<vmem>>, vector<16xf32>,
      %add3A_3811 = arith.addf %add3A_3806, %get3A_3810 : vector<16xf32>
      %get3A_3812 = arith.constant 157 : i32
      %get3A_3813 = arith.index_cast %get3A_3812 : i32 to index
      %get3A_3814 = arith.constant 48 : index
      %get3A_3815 = tpu.vector_load %arg9[%get3A_3813, %get3A_3814] {strides = array<i32>} : memref<208x64xf32, #tpu.memory_space<vmem>>, vector<16xf32>,
      %add3A_3816 = arith.addf %add3A_3811, %get3A_3815 : vector<16xf32>
      %get3A_3817 = arith.constant 158 : i32
      %get3A_3818 = arith.index_cast %get3A_3817 : i32 to index
      %get3A_3819 = arith.constant 48 : index
      %get3A_3820 = tpu.vector_load %arg9[%get3A_3818, %get3A_3819] {strides = array<i32>} : memref<208x64xf32, #tpu.memory_space<vmem>>, vector<16xf32>,
      %add3A_3821 = arith.addf %add3A_3816, %get3A_3820 : vector<16xf32>
      %get3A_3822 = arith.constant 159 : i32
      %get3A_3823 = arith.index_cast %get3A_3822 : i32 to index
      %get3A_3824 = arith.constant 48 : index
      %get3A_3825 = tpu.vector_load %arg9[%get3A_3823, %get3A_3824] {strides = array<i32>} : memref<208x64xf32, #tpu.memory_space<vmem>>, vector<16xf32>,
      %add3A_3826 = arith.addf %add3A_3821, %get3A_3825 : vector<16xf32>
      %swap3A_3827 = arith.index_cast %scan3A_15 : i32 to index
      %swap3A_3828 = arith.constant 48 : index
      %swap3A_3829 = tpu.vector_load %arg10[%swap3A_3827, %swap3A_3828] {strides = array<i32>} : memref<128x64xf32, #tpu.memory_space<vmem>>, vector<16xf32>,
      tpu.vector_store %arg10[%swap3A_3827, %swap3A_3828], %add3A_3826 {strides = array<i32>} : memref<128x64xf32, #tpu.memory_space<vmem>>, vector<16xf32>,
      %get3A_3830 = arith.index_cast %scan3A_15 : i32 to index
      %get3A_3831 = arith.constant 0 : index
      %get3A_3832 = tpu.vector_load %arg10[%get3A_3830, %get3A_3831] {strides = array<i32>} : memref<128x64xf32, #tpu.memory_space<vmem>>, vector<16xf32>,
      %get3A_3833 = arith.constant 160 : i32
      %get3A_3834 = arith.index_cast %get3A_3833 : i32 to index
      %get3A_3835 = arith.constant 0 : index
      %get3A_3836 = tpu.vector_load %arg9[%get3A_3834, %get3A_3835] {strides = array<i32>} : memref<208x64xf32, #tpu.memory_space<vmem>>, vector<16xf32>,
      %add3A_3837 = arith.addf %get3A_3832, %get3A_3836 : vector<16xf32>
      %get3A_3838 = arith.constant 161 : i32
      %get3A_3839 = arith.index_cast %get3A_3838 : i32 to index
      %get3A_3840 = arith.constant 0 : index
      %get3A_3841 = tpu.vector_load %arg9[%get3A_3839, %get3A_3840] {strides = array<i32>} : memref<208x64xf32, #tpu.memory_space<vmem>>, vector<16xf32>,
      %add3A_3842 = arith.addf %add3A_3837, %get3A_3841 : vector<16xf32>
      %get3A_3843 = arith.constant 162 : i32
      %get3A_3844 = arith.index_cast %get3A_3843 : i32 to index
      %get3A_3845 = arith.constant 0 : index
      %get3A_3846 = tpu.vector_load %arg9[%get3A_3844, %get3A_3845] {strides = array<i32>} : memref<208x64xf32, #tpu.memory_space<vmem>>, vector<16xf32>,
      %add3A_3847 = arith.addf %add3A_3842, %get3A_3846 : vector<16xf32>
      %get3A_3848 = arith.constant 163 : i32
      %get3A_3849 = arith.index_cast %get3A_3848 : i32 to index
      %get3A_3850 = arith.constant 0 : index
      %get3A_3851 = tpu.vector_load %arg9[%get3A_3849, %get3A_3850] {strides = array<i32>} : memref<208x64xf32, #tpu.memory_space<vmem>>, vector<16xf32>,
      %add3A_3852 = arith.addf %add3A_3847, %get3A_3851 : vector<16xf32>
      %get3A_3853 = arith.constant 164 : i32
      %get3A_3854 = arith.index_cast %get3A_3853 : i32 to index
      %get3A_3855 = arith.constant 0 : index
      %get3A_3856 = tpu.vector_load %arg9[%get3A_3854, %get3A_3855] {strides = array<i32>} : memref<208x64xf32, #tpu.memory_space<vmem>>, vector<16xf32>,
      %add3A_3857 = arith.addf %add3A_3852, %get3A_3856 : vector<16xf32>
      %get3A_3858 = arith.constant 165 : i32
      %get3A_3859 = arith.index_cast %get3A_3858 : i32 to index
      %get3A_3860 = arith.constant 0 : index
      %get3A_3861 = tpu.vector_load %arg9[%get3A_3859, %get3A_3860] {strides = array<i32>} : memref<208x64xf32, #tpu.memory_space<vmem>>, vector<16xf32>,
      %add3A_3862 = arith.addf %add3A_3857, %get3A_3861 : vector<16xf32>
      %get3A_3863 = arith.constant 166 : i32
      %get3A_3864 = arith.index_cast %get3A_3863 : i32 to index
      %get3A_3865 = arith.constant 0 : index
      %get3A_3866 = tpu.vector_load %arg9[%get3A_3864, %get3A_3865] {strides = array<i32>} : memref<208x64xf32, #tpu.memory_space<vmem>>, vector<16xf32>,
      %add3A_3867 = arith.addf %add3A_3862, %get3A_3866 : vector<16xf32>
      %get3A_3868 = arith.constant 167 : i32
      %get3A_3869 = arith.index_cast %get3A_3868 : i32 to index
      %get3A_3870 = arith.constant 0 : index
      %get3A_3871 = tpu.vector_load %arg9[%get3A_3869, %get3A_3870] {strides = array<i32>} : memref<208x64xf32, #tpu.memory_space<vmem>>, vector<16xf32>,
      %add3A_3872 = arith.addf %add3A_3867, %get3A_3871 : vector<16xf32>
      %get3A_3873 = arith.constant 168 : i32
      %get3A_3874 = arith.index_cast %get3A_3873 : i32 to index
      %get3A_3875 = arith.constant 0 : index
      %get3A_3876 = tpu.vector_load %arg9[%get3A_3874, %get3A_3875] {strides = array<i32>} : memref<208x64xf32, #tpu.memory_space<vmem>>, vector<16xf32>,
      %add3A_3877 = arith.addf %add3A_3872, %get3A_3876 : vector<16xf32>
      %get3A_3878 = arith.constant 169 : i32
      %get3A_3879 = arith.index_cast %get3A_3878 : i32 to index
      %get3A_3880 = arith.constant 0 : index
      %get3A_3881 = tpu.vector_load %arg9[%get3A_3879, %get3A_3880] {strides = array<i32>} : memref<208x64xf32, #tpu.memory_space<vmem>>, vector<16xf32>,
      %add3A_3882 = arith.addf %add3A_3877, %get3A_3881 : vector<16xf32>
      %get3A_3883 = arith.constant 170 : i32
      %get3A_3884 = arith.index_cast %get3A_3883 : i32 to index
      %get3A_3885 = arith.constant 0 : index
      %get3A_3886 = tpu.vector_load %arg9[%get3A_3884, %get3A_3885] {strides = array<i32>} : memref<208x64xf32, #tpu.memory_space<vmem>>, vector<16xf32>,
      %add3A_3887 = arith.addf %add3A_3882, %get3A_3886 : vector<16xf32>
      %get3A_3888 = arith.constant 171 : i32
      %get3A_3889 = arith.index_cast %get3A_3888 : i32 to index
      %get3A_3890 = arith.constant 0 : index
      %get3A_3891 = tpu.vector_load %arg9[%get3A_3889, %get3A_3890] {strides = array<i32>} : memref<208x64xf32, #tpu.memory_space<vmem>>, vector<16xf32>,
      %add3A_3892 = arith.addf %add3A_3887, %get3A_3891 : vector<16xf32>
      %get3A_3893 = arith.constant 172 : i32
      %get3A_3894 = arith.index_cast %get3A_3893 : i32 to index
      %get3A_3895 = arith.constant 0 : index
      %get3A_3896 = tpu.vector_load %arg9[%get3A_3894, %get3A_3895] {strides = array<i32>} : memref<208x64xf32, #tpu.memory_space<vmem>>, vector<16xf32>,
      %add3A_3897 = arith.addf %add3A_3892, %get3A_3896 : vector<16xf32>
      %get3A_3898 = arith.constant 173 : i32
      %get3A_3899 = arith.index_cast %get3A_3898 : i32 to index
      %get3A_3900 = arith.constant 0 : index
      %get3A_3901 = tpu.vector_load %arg9[%get3A_3899, %get3A_3900] {strides = array<i32>} : memref<208x64xf32, #tpu.memory_space<vmem>>, vector<16xf32>,
      %add3A_3902 = arith.addf %add3A_3897, %get3A_3901 : vector<16xf32>
      %get3A_3903 = arith.constant 174 : i32
      %get3A_3904 = arith.index_cast %get3A_3903 : i32 to index
      %get3A_3905 = arith.constant 0 : index
      %get3A_3906 = tpu.vector_load %arg9[%get3A_3904, %get3A_3905] {strides = array<i32>} : memref<208x64xf32, #tpu.memory_space<vmem>>, vector<16xf32>,
      %add3A_3907 = arith.addf %add3A_3902, %get3A_3906 : vector<16xf32>
      %get3A_3908 = arith.constant 175 : i32
      %get3A_3909 = arith.index_cast %get3A_3908 : i32 to index
      %get3A_3910 = arith.constant 0 : index
      %get3A_3911 = tpu.vector_load %arg9[%get3A_3909, %get3A_3910] {strides = array<i32>} : memref<208x64xf32, #tpu.memory_space<vmem>>, vector<16xf32>,
      %add3A_3912 = arith.addf %add3A_3907, %get3A_3911 : vector<16xf32>
      %swap3A_3913 = arith.index_cast %scan3A_15 : i32 to index
      %swap3A_3914 = arith.constant 0 : index
      %swap3A_3915 = tpu.vector_load %arg10[%swap3A_3913, %swap3A_3914] {strides = array<i32>} : memref<128x64xf32, #tpu.memory_space<vmem>>, vector<16xf32>,
      tpu.vector_store %arg10[%swap3A_3913, %swap3A_3914], %add3A_3912 {strides = array<i32>} : memref<128x64xf32, #tpu.memory_space<vmem>>, vector<16xf32>,
      %get3A_3916 = arith.index_cast %scan3A_15 : i32 to index
      %get3A_3917 = arith.constant 16 : index
      %get3A_3918 = tpu.vector_load %arg10[%get3A_3916, %get3A_3917] {strides = array<i32>} : memref<128x64xf32, #tpu.memory_space<vmem>>, vector<16xf32>,
      %get3A_3919 = arith.constant 160 : i32
      %get3A_3920 = arith.index_cast %get3A_3919 : i32 to index
      %get3A_3921 = arith.constant 16 : index
      %get3A_3922 = tpu.vector_load %arg9[%get3A_3920, %get3A_3921] {strides = array<i32>} : memref<208x64xf32, #tpu.memory_space<vmem>>, vector<16xf32>,
      %add3A_3923 = arith.addf %get3A_3918, %get3A_3922 : vector<16xf32>
      %get3A_3924 = arith.constant 161 : i32
      %get3A_3925 = arith.index_cast %get3A_3924 : i32 to index
      %get3A_3926 = arith.constant 16 : index
      %get3A_3927 = tpu.vector_load %arg9[%get3A_3925, %get3A_3926] {strides = array<i32>} : memref<208x64xf32, #tpu.memory_space<vmem>>, vector<16xf32>,
      %add3A_3928 = arith.addf %add3A_3923, %get3A_3927 : vector<16xf32>
      %get3A_3929 = arith.constant 162 : i32
      %get3A_3930 = arith.index_cast %get3A_3929 : i32 to index
      %get3A_3931 = arith.constant 16 : index
      %get3A_3932 = tpu.vector_load %arg9[%get3A_3930, %get3A_3931] {strides = array<i32>} : memref<208x64xf32, #tpu.memory_space<vmem>>, vector<16xf32>,
      %add3A_3933 = arith.addf %add3A_3928, %get3A_3932 : vector<16xf32>
      %get3A_3934 = arith.constant 163 : i32
      %get3A_3935 = arith.index_cast %get3A_3934 : i32 to index
      %get3A_3936 = arith.constant 16 : index
      %get3A_3937 = tpu.vector_load %arg9[%get3A_3935, %get3A_3936] {strides = array<i32>} : memref<208x64xf32, #tpu.memory_space<vmem>>, vector<16xf32>,
      %add3A_3938 = arith.addf %add3A_3933, %get3A_3937 : vector<16xf32>
      %get3A_3939 = arith.constant 164 : i32
      %get3A_3940 = arith.index_cast %get3A_3939 : i32 to index
      %get3A_3941 = arith.constant 16 : index
      %get3A_3942 = tpu.vector_load %arg9[%get3A_3940, %get3A_3941] {strides = array<i32>} : memref<208x64xf32, #tpu.memory_space<vmem>>, vector<16xf32>,
      %add3A_3943 = arith.addf %add3A_3938, %get3A_3942 : vector<16xf32>
      %get3A_3944 = arith.constant 165 : i32
      %get3A_3945 = arith.index_cast %get3A_3944 : i32 to index
      %get3A_3946 = arith.constant 16 : index
      %get3A_3947 = tpu.vector_load %arg9[%get3A_3945, %get3A_3946] {strides = array<i32>} : memref<208x64xf32, #tpu.memory_space<vmem>>, vector<16xf32>,
      %add3A_3948 = arith.addf %add3A_3943, %get3A_3947 : vector<16xf32>
      %get3A_3949 = arith.constant 166 : i32
      %get3A_3950 = arith.index_cast %get3A_3949 : i32 to index
      %get3A_3951 = arith.constant 16 : index
      %get3A_3952 = tpu.vector_load %arg9[%get3A_3950, %get3A_3951] {strides = array<i32>} : memref<208x64xf32, #tpu.memory_space<vmem>>, vector<16xf32>,
      %add3A_3953 = arith.addf %add3A_3948, %get3A_3952 : vector<16xf32>
      %get3A_3954 = arith.constant 167 : i32
      %get3A_3955 = arith.index_cast %get3A_3954 : i32 to index
      %get3A_3956 = arith.constant 16 : index
      %get3A_3957 = tpu.vector_load %arg9[%get3A_3955, %get3A_3956] {strides = array<i32>} : memref<208x64xf32, #tpu.memory_space<vmem>>, vector<16xf32>,
      %add3A_3958 = arith.addf %add3A_3953, %get3A_3957 : vector<16xf32>
      %get3A_3959 = arith.constant 168 : i32
      %get3A_3960 = arith.index_cast %get3A_3959 : i32 to index
      %get3A_3961 = arith.constant 16 : index
      %get3A_3962 = tpu.vector_load %arg9[%get3A_3960, %get3A_3961] {strides = array<i32>} : memref<208x64xf32, #tpu.memory_space<vmem>>, vector<16xf32>,
      %add3A_3963 = arith.addf %add3A_3958, %get3A_3962 : vector<16xf32>
      %get3A_3964 = arith.constant 169 : i32
      %get3A_3965 = arith.index_cast %get3A_3964 : i32 to index
      %get3A_3966 = arith.constant 16 : index
      %get3A_3967 = tpu.vector_load %arg9[%get3A_3965, %get3A_3966] {strides = array<i32>} : memref<208x64xf32, #tpu.memory_space<vmem>>, vector<16xf32>,
      %add3A_3968 = arith.addf %add3A_3963, %get3A_3967 : vector<16xf32>
      %get3A_3969 = arith.constant 170 : i32
      %get3A_3970 = arith.index_cast %get3A_3969 : i32 to index
      %get3A_3971 = arith.constant 16 : index
      %get3A_3972 = tpu.vector_load %arg9[%get3A_3970, %get3A_3971] {strides = array<i32>} : memref<208x64xf32, #tpu.memory_space<vmem>>, vector<16xf32>,
      %add3A_3973 = arith.addf %add3A_3968, %get3A_3972 : vector<16xf32>
      %get3A_3974 = arith.constant 171 : i32
      %get3A_3975 = arith.index_cast %get3A_3974 : i32 to index
      %get3A_3976 = arith.constant 16 : index
      %get3A_3977 = tpu.vector_load %arg9[%get3A_3975, %get3A_3976] {strides = array<i32>} : memref<208x64xf32, #tpu.memory_space<vmem>>, vector<16xf32>,
      %add3A_3978 = arith.addf %add3A_3973, %get3A_3977 : vector<16xf32>
      %get3A_3979 = arith.constant 172 : i32
      %get3A_3980 = arith.index_cast %get3A_3979 : i32 to index
      %get3A_3981 = arith.constant 16 : index
      %get3A_3982 = tpu.vector_load %arg9[%get3A_3980, %get3A_3981] {strides = array<i32>} : memref<208x64xf32, #tpu.memory_space<vmem>>, vector<16xf32>,
      %add3A_3983 = arith.addf %add3A_3978, %get3A_3982 : vector<16xf32>
      %get3A_3984 = arith.constant 173 : i32
      %get3A_3985 = arith.index_cast %get3A_3984 : i32 to index
      %get3A_3986 = arith.constant 16 : index
      %get3A_3987 = tpu.vector_load %arg9[%get3A_3985, %get3A_3986] {strides = array<i32>} : memref<208x64xf32, #tpu.memory_space<vmem>>, vector<16xf32>,
      %add3A_3988 = arith.addf %add3A_3983, %get3A_3987 : vector<16xf32>
      %get3A_3989 = arith.constant 174 : i32
      %get3A_3990 = arith.index_cast %get3A_3989 : i32 to index
      %get3A_3991 = arith.constant 16 : index
      %get3A_3992 = tpu.vector_load %arg9[%get3A_3990, %get3A_3991] {strides = array<i32>} : memref<208x64xf32, #tpu.memory_space<vmem>>, vector<16xf32>,
      %add3A_3993 = arith.addf %add3A_3988, %get3A_3992 : vector<16xf32>
      %get3A_3994 = arith.constant 175 : i32
      %get3A_3995 = arith.index_cast %get3A_3994 : i32 to index
      %get3A_3996 = arith.constant 16 : index
      %get3A_3997 = tpu.vector_load %arg9[%get3A_3995, %get3A_3996] {strides = array<i32>} : memref<208x64xf32, #tpu.memory_space<vmem>>, vector<16xf32>,
      %add3A_3998 = arith.addf %add3A_3993, %get3A_3997 : vector<16xf32>
      %swap3A_3999 = arith.index_cast %scan3A_15 : i32 to index
      %swap3A_4000 = arith.constant 16 : index
      %swap3A_4001 = tpu.vector_load %arg10[%swap3A_3999, %swap3A_4000] {strides = array<i32>} : memref<128x64xf32, #tpu.memory_space<vmem>>, vector<16xf32>,
      tpu.vector_store %arg10[%swap3A_3999, %swap3A_4000], %add3A_3998 {strides = array<i32>} : memref<128x64xf32, #tpu.memory_space<vmem>>, vector<16xf32>,
      %get3A_4002 = arith.index_cast %scan3A_15 : i32 to index
      %get3A_4003 = arith.constant 32 : index
      %get3A_4004 = tpu.vector_load %arg10[%get3A_4002, %get3A_4003] {strides = array<i32>} : memref<128x64xf32, #tpu.memory_space<vmem>>, vector<16xf32>,
      %get3A_4005 = arith.constant 160 : i32
      %get3A_4006 = arith.index_cast %get3A_4005 : i32 to index
      %get3A_4007 = arith.constant 32 : index
      %get3A_4008 = tpu.vector_load %arg9[%get3A_4006, %get3A_4007] {strides = array<i32>} : memref<208x64xf32, #tpu.memory_space<vmem>>, vector<16xf32>,
      %add3A_4009 = arith.addf %get3A_4004, %get3A_4008 : vector<16xf32>
      %get3A_4010 = arith.constant 161 : i32
      %get3A_4011 = arith.index_cast %get3A_4010 : i32 to index
      %get3A_4012 = arith.constant 32 : index
      %get3A_4013 = tpu.vector_load %arg9[%get3A_4011, %get3A_4012] {strides = array<i32>} : memref<208x64xf32, #tpu.memory_space<vmem>>, vector<16xf32>,
      %add3A_4014 = arith.addf %add3A_4009, %get3A_4013 : vector<16xf32>
      %get3A_4015 = arith.constant 162 : i32
      %get3A_4016 = arith.index_cast %get3A_4015 : i32 to index
      %get3A_4017 = arith.constant 32 : index
      %get3A_4018 = tpu.vector_load %arg9[%get3A_4016, %get3A_4017] {strides = array<i32>} : memref<208x64xf32, #tpu.memory_space<vmem>>, vector<16xf32>,
      %add3A_4019 = arith.addf %add3A_4014, %get3A_4018 : vector<16xf32>
      %get3A_4020 = arith.constant 163 : i32
      %get3A_4021 = arith.index_cast %get3A_4020 : i32 to index
      %get3A_4022 = arith.constant 32 : index
      %get3A_4023 = tpu.vector_load %arg9[%get3A_4021, %get3A_4022] {strides = array<i32>} : memref<208x64xf32, #tpu.memory_space<vmem>>, vector<16xf32>,
      %add3A_4024 = arith.addf %add3A_4019, %get3A_4023 : vector<16xf32>
      %get3A_4025 = arith.constant 164 : i32
      %get3A_4026 = arith.index_cast %get3A_4025 : i32 to index
      %get3A_4027 = arith.constant 32 : index
      %get3A_4028 = tpu.vector_load %arg9[%get3A_4026, %get3A_4027] {strides = array<i32>} : memref<208x64xf32, #tpu.memory_space<vmem>>, vector<16xf32>,
      %add3A_4029 = arith.addf %add3A_4024, %get3A_4028 : vector<16xf32>
      %get3A_4030 = arith.constant 165 : i32
      %get3A_4031 = arith.index_cast %get3A_4030 : i32 to index
      %get3A_4032 = arith.constant 32 : index
      %get3A_4033 = tpu.vector_load %arg9[%get3A_4031, %get3A_4032] {strides = array<i32>} : memref<208x64xf32, #tpu.memory_space<vmem>>, vector<16xf32>,
      %add3A_4034 = arith.addf %add3A_4029, %get3A_4033 : vector<16xf32>
      %get3A_4035 = arith.constant 166 : i32
      %get3A_4036 = arith.index_cast %get3A_4035 : i32 to index
      %get3A_4037 = arith.constant 32 : index
      %get3A_4038 = tpu.vector_load %arg9[%get3A_4036, %get3A_4037] {strides = array<i32>} : memref<208x64xf32, #tpu.memory_space<vmem>>, vector<16xf32>,
      %add3A_4039 = arith.addf %add3A_4034, %get3A_4038 : vector<16xf32>
      %get3A_4040 = arith.constant 167 : i32
      %get3A_4041 = arith.index_cast %get3A_4040 : i32 to index
      %get3A_4042 = arith.constant 32 : index
      %get3A_4043 = tpu.vector_load %arg9[%get3A_4041, %get3A_4042] {strides = array<i32>} : memref<208x64xf32, #tpu.memory_space<vmem>>, vector<16xf32>,
      %add3A_4044 = arith.addf %add3A_4039, %get3A_4043 : vector<16xf32>
      %get3A_4045 = arith.constant 168 : i32
      %get3A_4046 = arith.index_cast %get3A_4045 : i32 to index
      %get3A_4047 = arith.constant 32 : index
      %get3A_4048 = tpu.vector_load %arg9[%get3A_4046, %get3A_4047] {strides = array<i32>} : memref<208x64xf32, #tpu.memory_space<vmem>>, vector<16xf32>,
      %add3A_4049 = arith.addf %add3A_4044, %get3A_4048 : vector<16xf32>
      %get3A_4050 = arith.constant 169 : i32
      %get3A_4051 = arith.index_cast %get3A_4050 : i32 to index
      %get3A_4052 = arith.constant 32 : index
      %get3A_4053 = tpu.vector_load %arg9[%get3A_4051, %get3A_4052] {strides = array<i32>} : memref<208x64xf32, #tpu.memory_space<vmem>>, vector<16xf32>,
      %add3A_4054 = arith.addf %add3A_4049, %get3A_4053 : vector<16xf32>
      %get3A_4055 = arith.constant 170 : i32
      %get3A_4056 = arith.index_cast %get3A_4055 : i32 to index
      %get3A_4057 = arith.constant 32 : index
      %get3A_4058 = tpu.vector_load %arg9[%get3A_4056, %get3A_4057] {strides = array<i32>} : memref<208x64xf32, #tpu.memory_space<vmem>>, vector<16xf32>,
      %add3A_4059 = arith.addf %add3A_4054, %get3A_4058 : vector<16xf32>
      %get3A_4060 = arith.constant 171 : i32
      %get3A_4061 = arith.index_cast %get3A_4060 : i32 to index
      %get3A_4062 = arith.constant 32 : index
      %get3A_4063 = tpu.vector_load %arg9[%get3A_4061, %get3A_4062] {strides = array<i32>} : memref<208x64xf32, #tpu.memory_space<vmem>>, vector<16xf32>,
      %add3A_4064 = arith.addf %add3A_4059, %get3A_4063 : vector<16xf32>
      %get3A_4065 = arith.constant 172 : i32
      %get3A_4066 = arith.index_cast %get3A_4065 : i32 to index
      %get3A_4067 = arith.constant 32 : index
      %get3A_4068 = tpu.vector_load %arg9[%get3A_4066, %get3A_4067] {strides = array<i32>} : memref<208x64xf32, #tpu.memory_space<vmem>>, vector<16xf32>,
      %add3A_4069 = arith.addf %add3A_4064, %get3A_4068 : vector<16xf32>
      %get3A_4070 = arith.constant 173 : i32
      %get3A_4071 = arith.index_cast %get3A_4070 : i32 to index
      %get3A_4072 = arith.constant 32 : index
      %get3A_4073 = tpu.vector_load %arg9[%get3A_4071, %get3A_4072] {strides = array<i32>} : memref<208x64xf32, #tpu.memory_space<vmem>>, vector<16xf32>,
      %add3A_4074 = arith.addf %add3A_4069, %get3A_4073 : vector<16xf32>
      %get3A_4075 = arith.constant 174 : i32
      %get3A_4076 = arith.index_cast %get3A_4075 : i32 to index
      %get3A_4077 = arith.constant 32 : index
      %get3A_4078 = tpu.vector_load %arg9[%get3A_4076, %get3A_4077] {strides = array<i32>} : memref<208x64xf32, #tpu.memory_space<vmem>>, vector<16xf32>,
      %add3A_4079 = arith.addf %add3A_4074, %get3A_4078 : vector<16xf32>
      %get3A_4080 = arith.constant 175 : i32
      %get3A_4081 = arith.index_cast %get3A_4080 : i32 to index
      %get3A_4082 = arith.constant 32 : index
      %get3A_4083 = tpu.vector_load %arg9[%get3A_4081, %get3A_4082] {strides = array<i32>} : memref<208x64xf32, #tpu.memory_space<vmem>>, vector<16xf32>,
      %add3A_4084 = arith.addf %add3A_4079, %get3A_4083 : vector<16xf32>
      %swap3A_4085 = arith.index_cast %scan3A_15 : i32 to index
      %swap3A_4086 = arith.constant 32 : index
      %swap3A_4087 = tpu.vector_load %arg10[%swap3A_4085, %swap3A_4086] {strides = array<i32>} : memref<128x64xf32, #tpu.memory_space<vmem>>, vector<16xf32>,
      tpu.vector_store %arg10[%swap3A_4085, %swap3A_4086], %add3A_4084 {strides = array<i32>} : memref<128x64xf32, #tpu.memory_space<vmem>>, vector<16xf32>,
      %get3A_4088 = arith.index_cast %scan3A_15 : i32 to index
      %get3A_4089 = arith.constant 48 : index
      %get3A_4090 = tpu.vector_load %arg10[%get3A_4088, %get3A_4089] {strides = array<i32>} : memref<128x64xf32, #tpu.memory_space<vmem>>, vector<16xf32>,
      %get3A_4091 = arith.constant 160 : i32
      %get3A_4092 = arith.index_cast %get3A_4091 : i32 to index
      %get3A_4093 = arith.constant 48 : index
      %get3A_4094 = tpu.vector_load %arg9[%get3A_4092, %get3A_4093] {strides = array<i32>} : memref<208x64xf32, #tpu.memory_space<vmem>>, vector<16xf32>,
      %add3A_4095 = arith.addf %get3A_4090, %get3A_4094 : vector<16xf32>
      %get3A_4096 = arith.constant 161 : i32
      %get3A_4097 = arith.index_cast %get3A_4096 : i32 to index
      %get3A_4098 = arith.constant 48 : index
      %get3A_4099 = tpu.vector_load %arg9[%get3A_4097, %get3A_4098] {strides = array<i32>} : memref<208x64xf32, #tpu.memory_space<vmem>>, vector<16xf32>,
      %add3A_4100 = arith.addf %add3A_4095, %get3A_4099 : vector<16xf32>
      %get3A_4101 = arith.constant 162 : i32
      %get3A_4102 = arith.index_cast %get3A_4101 : i32 to index
      %get3A_4103 = arith.constant 48 : index
      %get3A_4104 = tpu.vector_load %arg9[%get3A_4102, %get3A_4103] {strides = array<i32>} : memref<208x64xf32, #tpu.memory_space<vmem>>, vector<16xf32>,
      %add3A_4105 = arith.addf %add3A_4100, %get3A_4104 : vector<16xf32>
      %get3A_4106 = arith.constant 163 : i32
      %get3A_4107 = arith.index_cast %get3A_4106 : i32 to index
      %get3A_4108 = arith.constant 48 : index
      %get3A_4109 = tpu.vector_load %arg9[%get3A_4107, %get3A_4108] {strides = array<i32>} : memref<208x64xf32, #tpu.memory_space<vmem>>, vector<16xf32>,
      %add3A_4110 = arith.addf %add3A_4105, %get3A_4109 : vector<16xf32>
      %get3A_4111 = arith.constant 164 : i32
      %get3A_4112 = arith.index_cast %get3A_4111 : i32 to index
      %get3A_4113 = arith.constant 48 : index
      %get3A_4114 = tpu.vector_load %arg9[%get3A_4112, %get3A_4113] {strides = array<i32>} : memref<208x64xf32, #tpu.memory_space<vmem>>, vector<16xf32>,
      %add3A_4115 = arith.addf %add3A_4110, %get3A_4114 : vector<16xf32>
      %get3A_4116 = arith.constant 165 : i32
      %get3A_4117 = arith.index_cast %get3A_4116 : i32 to index
      %get3A_4118 = arith.constant 48 : index
      %get3A_4119 = tpu.vector_load %arg9[%get3A_4117, %get3A_4118] {strides = array<i32>} : memref<208x64xf32, #tpu.memory_space<vmem>>, vector<16xf32>,
      %add3A_4120 = arith.addf %add3A_4115, %get3A_4119 : vector<16xf32>
      %get3A_4121 = arith.constant 166 : i32
      %get3A_4122 = arith.index_cast %get3A_4121 : i32 to index
      %get3A_4123 = arith.constant 48 : index
      %get3A_4124 = tpu.vector_load %arg9[%get3A_4122, %get3A_4123] {strides = array<i32>} : memref<208x64xf32, #tpu.memory_space<vmem>>, vector<16xf32>,
      %add3A_4125 = arith.addf %add3A_4120, %get3A_4124 : vector<16xf32>
      %get3A_4126 = arith.constant 167 : i32
      %get3A_4127 = arith.index_cast %get3A_4126 : i32 to index
      %get3A_4128 = arith.constant 48 : index
      %get3A_4129 = tpu.vector_load %arg9[%get3A_4127, %get3A_4128] {strides = array<i32>} : memref<208x64xf32, #tpu.memory_space<vmem>>, vector<16xf32>,
      %add3A_4130 = arith.addf %add3A_4125, %get3A_4129 : vector<16xf32>
      %get3A_4131 = arith.constant 168 : i32
      %get3A_4132 = arith.index_cast %get3A_4131 : i32 to index
      %get3A_4133 = arith.constant 48 : index
      %get3A_4134 = tpu.vector_load %arg9[%get3A_4132, %get3A_4133] {strides = array<i32>} : memref<208x64xf32, #tpu.memory_space<vmem>>, vector<16xf32>,
      %add3A_4135 = arith.addf %add3A_4130, %get3A_4134 : vector<16xf32>
      %get3A_4136 = arith.constant 169 : i32
      %get3A_4137 = arith.index_cast %get3A_4136 : i32 to index
      %get3A_4138 = arith.constant 48 : index
      %get3A_4139 = tpu.vector_load %arg9[%get3A_4137, %get3A_4138] {strides = array<i32>} : memref<208x64xf32, #tpu.memory_space<vmem>>, vector<16xf32>,
      %add3A_4140 = arith.addf %add3A_4135, %get3A_4139 : vector<16xf32>
      %get3A_4141 = arith.constant 170 : i32
      %get3A_4142 = arith.index_cast %get3A_4141 : i32 to index
      %get3A_4143 = arith.constant 48 : index
      %get3A_4144 = tpu.vector_load %arg9[%get3A_4142, %get3A_4143] {strides = array<i32>} : memref<208x64xf32, #tpu.memory_space<vmem>>, vector<16xf32>,
      %add3A_4145 = arith.addf %add3A_4140, %get3A_4144 : vector<16xf32>
      %get3A_4146 = arith.constant 171 : i32
      %get3A_4147 = arith.index_cast %get3A_4146 : i32 to index
      %get3A_4148 = arith.constant 48 : index
      %get3A_4149 = tpu.vector_load %arg9[%get3A_4147, %get3A_4148] {strides = array<i32>} : memref<208x64xf32, #tpu.memory_space<vmem>>, vector<16xf32>,
      %add3A_4150 = arith.addf %add3A_4145, %get3A_4149 : vector<16xf32>
      %get3A_4151 = arith.constant 172 : i32
      %get3A_4152 = arith.index_cast %get3A_4151 : i32 to index
      %get3A_4153 = arith.constant 48 : index
      %get3A_4154 = tpu.vector_load %arg9[%get3A_4152, %get3A_4153] {strides = array<i32>} : memref<208x64xf32, #tpu.memory_space<vmem>>, vector<16xf32>,
      %add3A_4155 = arith.addf %add3A_4150, %get3A_4154 : vector<16xf32>
      %get3A_4156 = arith.constant 173 : i32
      %get3A_4157 = arith.index_cast %get3A_4156 : i32 to index
      %get3A_4158 = arith.constant 48 : index
      %get3A_4159 = tpu.vector_load %arg9[%get3A_4157, %get3A_4158] {strides = array<i32>} : memref<208x64xf32, #tpu.memory_space<vmem>>, vector<16xf32>,
      %add3A_4160 = arith.addf %add3A_4155, %get3A_4159 : vector<16xf32>
      %get3A_4161 = arith.constant 174 : i32
      %get3A_4162 = arith.index_cast %get3A_4161 : i32 to index
      %get3A_4163 = arith.constant 48 : index
      %get3A_4164 = tpu.vector_load %arg9[%get3A_4162, %get3A_4163] {strides = array<i32>} : memref<208x64xf32, #tpu.memory_space<vmem>>, vector<16xf32>,
      %add3A_4165 = arith.addf %add3A_4160, %get3A_4164 : vector<16xf32>
      %get3A_4166 = arith.constant 175 : i32
      %get3A_4167 = arith.index_cast %get3A_4166 : i32 to index
      %get3A_4168 = arith.constant 48 : index
      %get3A_4169 = tpu.vector_load %arg9[%get3A_4167, %get3A_4168] {strides = array<i32>} : memref<208x64xf32, #tpu.memory_space<vmem>>, vector<16xf32>,
      %add3A_4170 = arith.addf %add3A_4165, %get3A_4169 : vector<16xf32>
      %swap3A_4171 = arith.index_cast %scan3A_15 : i32 to index
      %swap3A_4172 = arith.constant 48 : index
      %swap3A_4173 = tpu.vector_load %arg10[%swap3A_4171, %swap3A_4172] {strides = array<i32>} : memref<128x64xf32, #tpu.memory_space<vmem>>, vector<16xf32>,
      tpu.vector_store %arg10[%swap3A_4171, %swap3A_4172], %add3A_4170 {strides = array<i32>} : memref<128x64xf32, #tpu.memory_space<vmem>>, vector<16xf32>,
      %get3A_4174 = arith.index_cast %scan3A_15 : i32 to index
      %get3A_4175 = arith.constant 0 : index
      %get3A_4176 = tpu.vector_load %arg10[%get3A_4174, %get3A_4175] {strides = array<i32>} : memref<128x64xf32, #tpu.memory_space<vmem>>, vector<16xf32>,
      %get3A_4177 = arith.constant 176 : i32
      %get3A_4178 = arith.index_cast %get3A_4177 : i32 to index
      %get3A_4179 = arith.constant 0 : index
      %get3A_4180 = tpu.vector_load %arg9[%get3A_4178, %get3A_4179] {strides = array<i32>} : memref<208x64xf32, #tpu.memory_space<vmem>>, vector<16xf32>,
      %add3A_4181 = arith.addf %get3A_4176, %get3A_4180 : vector<16xf32>
      %get3A_4182 = arith.constant 177 : i32
      %get3A_4183 = arith.index_cast %get3A_4182 : i32 to index
      %get3A_4184 = arith.constant 0 : index
      %get3A_4185 = tpu.vector_load %arg9[%get3A_4183, %get3A_4184] {strides = array<i32>} : memref<208x64xf32, #tpu.memory_space<vmem>>, vector<16xf32>,
      %add3A_4186 = arith.addf %add3A_4181, %get3A_4185 : vector<16xf32>
      %get3A_4187 = arith.constant 178 : i32
      %get3A_4188 = arith.index_cast %get3A_4187 : i32 to index
      %get3A_4189 = arith.constant 0 : index
      %get3A_4190 = tpu.vector_load %arg9[%get3A_4188, %get3A_4189] {strides = array<i32>} : memref<208x64xf32, #tpu.memory_space<vmem>>, vector<16xf32>,
      %add3A_4191 = arith.addf %add3A_4186, %get3A_4190 : vector<16xf32>
      %get3A_4192 = arith.constant 179 : i32
      %get3A_4193 = arith.index_cast %get3A_4192 : i32 to index
      %get3A_4194 = arith.constant 0 : index
      %get3A_4195 = tpu.vector_load %arg9[%get3A_4193, %get3A_4194] {strides = array<i32>} : memref<208x64xf32, #tpu.memory_space<vmem>>, vector<16xf32>,
      %add3A_4196 = arith.addf %add3A_4191, %get3A_4195 : vector<16xf32>
      %get3A_4197 = arith.constant 180 : i32
      %get3A_4198 = arith.index_cast %get3A_4197 : i32 to index
      %get3A_4199 = arith.constant 0 : index
      %get3A_4200 = tpu.vector_load %arg9[%get3A_4198, %get3A_4199] {strides = array<i32>} : memref<208x64xf32, #tpu.memory_space<vmem>>, vector<16xf32>,
      %add3A_4201 = arith.addf %add3A_4196, %get3A_4200 : vector<16xf32>
      %get3A_4202 = arith.constant 181 : i32
      %get3A_4203 = arith.index_cast %get3A_4202 : i32 to index
      %get3A_4204 = arith.constant 0 : index
      %get3A_4205 = tpu.vector_load %arg9[%get3A_4203, %get3A_4204] {strides = array<i32>} : memref<208x64xf32, #tpu.memory_space<vmem>>, vector<16xf32>,
      %add3A_4206 = arith.addf %add3A_4201, %get3A_4205 : vector<16xf32>
      %get3A_4207 = arith.constant 182 : i32
      %get3A_4208 = arith.index_cast %get3A_4207 : i32 to index
      %get3A_4209 = arith.constant 0 : index
      %get3A_4210 = tpu.vector_load %arg9[%get3A_4208, %get3A_4209] {strides = array<i32>} : memref<208x64xf32, #tpu.memory_space<vmem>>, vector<16xf32>,
      %add3A_4211 = arith.addf %add3A_4206, %get3A_4210 : vector<16xf32>
      %get3A_4212 = arith.constant 183 : i32
      %get3A_4213 = arith.index_cast %get3A_4212 : i32 to index
      %get3A_4214 = arith.constant 0 : index
      %get3A_4215 = tpu.vector_load %arg9[%get3A_4213, %get3A_4214] {strides = array<i32>} : memref<208x64xf32, #tpu.memory_space<vmem>>, vector<16xf32>,
      %add3A_4216 = arith.addf %add3A_4211, %get3A_4215 : vector<16xf32>
      %get3A_4217 = arith.constant 184 : i32
      %get3A_4218 = arith.index_cast %get3A_4217 : i32 to index
      %get3A_4219 = arith.constant 0 : index
      %get3A_4220 = tpu.vector_load %arg9[%get3A_4218, %get3A_4219] {strides = array<i32>} : memref<208x64xf32, #tpu.memory_space<vmem>>, vector<16xf32>,
      %add3A_4221 = arith.addf %add3A_4216, %get3A_4220 : vector<16xf32>
      %get3A_4222 = arith.constant 185 : i32
      %get3A_4223 = arith.index_cast %get3A_4222 : i32 to index
      %get3A_4224 = arith.constant 0 : index
      %get3A_4225 = tpu.vector_load %arg9[%get3A_4223, %get3A_4224] {strides = array<i32>} : memref<208x64xf32, #tpu.memory_space<vmem>>, vector<16xf32>,
      %add3A_4226 = arith.addf %add3A_4221, %get3A_4225 : vector<16xf32>
      %get3A_4227 = arith.constant 186 : i32
      %get3A_4228 = arith.index_cast %get3A_4227 : i32 to index
      %get3A_4229 = arith.constant 0 : index
      %get3A_4230 = tpu.vector_load %arg9[%get3A_4228, %get3A_4229] {strides = array<i32>} : memref<208x64xf32, #tpu.memory_space<vmem>>, vector<16xf32>,
      %add3A_4231 = arith.addf %add3A_4226, %get3A_4230 : vector<16xf32>
      %get3A_4232 = arith.constant 187 : i32
      %get3A_4233 = arith.index_cast %get3A_4232 : i32 to index
      %get3A_4234 = arith.constant 0 : index
      %get3A_4235 = tpu.vector_load %arg9[%get3A_4233, %get3A_4234] {strides = array<i32>} : memref<208x64xf32, #tpu.memory_space<vmem>>, vector<16xf32>,
      %add3A_4236 = arith.addf %add3A_4231, %get3A_4235 : vector<16xf32>
      %get3A_4237 = arith.constant 188 : i32
      %get3A_4238 = arith.index_cast %get3A_4237 : i32 to index
      %get3A_4239 = arith.constant 0 : index
      %get3A_4240 = tpu.vector_load %arg9[%get3A_4238, %get3A_4239] {strides = array<i32>} : memref<208x64xf32, #tpu.memory_space<vmem>>, vector<16xf32>,
      %add3A_4241 = arith.addf %add3A_4236, %get3A_4240 : vector<16xf32>
      %get3A_4242 = arith.constant 189 : i32
      %get3A_4243 = arith.index_cast %get3A_4242 : i32 to index
      %get3A_4244 = arith.constant 0 : index
      %get3A_4245 = tpu.vector_load %arg9[%get3A_4243, %get3A_4244] {strides = array<i32>} : memref<208x64xf32, #tpu.memory_space<vmem>>, vector<16xf32>,
      %add3A_4246 = arith.addf %add3A_4241, %get3A_4245 : vector<16xf32>
      %get3A_4247 = arith.constant 190 : i32
      %get3A_4248 = arith.index_cast %get3A_4247 : i32 to index
      %get3A_4249 = arith.constant 0 : index
      %get3A_4250 = tpu.vector_load %arg9[%get3A_4248, %get3A_4249] {strides = array<i32>} : memref<208x64xf32, #tpu.memory_space<vmem>>, vector<16xf32>,
      %add3A_4251 = arith.addf %add3A_4246, %get3A_4250 : vector<16xf32>
      %get3A_4252 = arith.constant 191 : i32
      %get3A_4253 = arith.index_cast %get3A_4252 : i32 to index
      %get3A_4254 = arith.constant 0 : index
      %get3A_4255 = tpu.vector_load %arg9[%get3A_4253, %get3A_4254] {strides = array<i32>} : memref<208x64xf32, #tpu.memory_space<vmem>>, vector<16xf32>,
      %add3A_4256 = arith.addf %add3A_4251, %get3A_4255 : vector<16xf32>
      %swap3A_4257 = arith.index_cast %scan3A_15 : i32 to index
      %swap3A_4258 = arith.constant 0 : index
      %swap3A_4259 = tpu.vector_load %arg10[%swap3A_4257, %swap3A_4258] {strides = array<i32>} : memref<128x64xf32, #tpu.memory_space<vmem>>, vector<16xf32>,
      tpu.vector_store %arg10[%swap3A_4257, %swap3A_4258], %add3A_4256 {strides = array<i32>} : memref<128x64xf32, #tpu.memory_space<vmem>>, vector<16xf32>,
      %get3A_4260 = arith.index_cast %scan3A_15 : i32 to index
      %get3A_4261 = arith.constant 16 : index
      %get3A_4262 = tpu.vector_load %arg10[%get3A_4260, %get3A_4261] {strides = array<i32>} : memref<128x64xf32, #tpu.memory_space<vmem>>, vector<16xf32>,
      %get3A_4263 = arith.constant 176 : i32
      %get3A_4264 = arith.index_cast %get3A_4263 : i32 to index
      %get3A_4265 = arith.constant 16 : index
      %get3A_4266 = tpu.vector_load %arg9[%get3A_4264, %get3A_4265] {strides = array<i32>} : memref<208x64xf32, #tpu.memory_space<vmem>>, vector<16xf32>,
      %add3A_4267 = arith.addf %get3A_4262, %get3A_4266 : vector<16xf32>
      %get3A_4268 = arith.constant 177 : i32
      %get3A_4269 = arith.index_cast %get3A_4268 : i32 to index
      %get3A_4270 = arith.constant 16 : index
      %get3A_4271 = tpu.vector_load %arg9[%get3A_4269, %get3A_4270] {strides = array<i32>} : memref<208x64xf32, #tpu.memory_space<vmem>>, vector<16xf32>,
      %add3A_4272 = arith.addf %add3A_4267, %get3A_4271 : vector<16xf32>
      %get3A_4273 = arith.constant 178 : i32
      %get3A_4274 = arith.index_cast %get3A_4273 : i32 to index
      %get3A_4275 = arith.constant 16 : index
      %get3A_4276 = tpu.vector_load %arg9[%get3A_4274, %get3A_4275] {strides = array<i32>} : memref<208x64xf32, #tpu.memory_space<vmem>>, vector<16xf32>,
      %add3A_4277 = arith.addf %add3A_4272, %get3A_4276 : vector<16xf32>
      %get3A_4278 = arith.constant 179 : i32
      %get3A_4279 = arith.index_cast %get3A_4278 : i32 to index
      %get3A_4280 = arith.constant 16 : index
      %get3A_4281 = tpu.vector_load %arg9[%get3A_4279, %get3A_4280] {strides = array<i32>} : memref<208x64xf32, #tpu.memory_space<vmem>>, vector<16xf32>,
      %add3A_4282 = arith.addf %add3A_4277, %get3A_4281 : vector<16xf32>
      %get3A_4283 = arith.constant 180 : i32
      %get3A_4284 = arith.index_cast %get3A_4283 : i32 to index
      %get3A_4285 = arith.constant 16 : index
      %get3A_4286 = tpu.vector_load %arg9[%get3A_4284, %get3A_4285] {strides = array<i32>} : memref<208x64xf32, #tpu.memory_space<vmem>>, vector<16xf32>,
      %add3A_4287 = arith.addf %add3A_4282, %get3A_4286 : vector<16xf32>
      %get3A_4288 = arith.constant 181 : i32
      %get3A_4289 = arith.index_cast %get3A_4288 : i32 to index
      %get3A_4290 = arith.constant 16 : index
      %get3A_4291 = tpu.vector_load %arg9[%get3A_4289, %get3A_4290] {strides = array<i32>} : memref<208x64xf32, #tpu.memory_space<vmem>>, vector<16xf32>,
      %add3A_4292 = arith.addf %add3A_4287, %get3A_4291 : vector<16xf32>
      %get3A_4293 = arith.constant 182 : i32
      %get3A_4294 = arith.index_cast %get3A_4293 : i32 to index
      %get3A_4295 = arith.constant 16 : index
      %get3A_4296 = tpu.vector_load %arg9[%get3A_4294, %get3A_4295] {strides = array<i32>} : memref<208x64xf32, #tpu.memory_space<vmem>>, vector<16xf32>,
      %add3A_4297 = arith.addf %add3A_4292, %get3A_4296 : vector<16xf32>
      %get3A_4298 = arith.constant 183 : i32
      %get3A_4299 = arith.index_cast %get3A_4298 : i32 to index
      %get3A_4300 = arith.constant 16 : index
      %get3A_4301 = tpu.vector_load %arg9[%get3A_4299, %get3A_4300] {strides = array<i32>} : memref<208x64xf32, #tpu.memory_space<vmem>>, vector<16xf32>,
      %add3A_4302 = arith.addf %add3A_4297, %get3A_4301 : vector<16xf32>
      %get3A_4303 = arith.constant 184 : i32
      %get3A_4304 = arith.index_cast %get3A_4303 : i32 to index
      %get3A_4305 = arith.constant 16 : index
      %get3A_4306 = tpu.vector_load %arg9[%get3A_4304, %get3A_4305] {strides = array<i32>} : memref<208x64xf32, #tpu.memory_space<vmem>>, vector<16xf32>,
      %add3A_4307 = arith.addf %add3A_4302, %get3A_4306 : vector<16xf32>
      %get3A_4308 = arith.constant 185 : i32
      %get3A_4309 = arith.index_cast %get3A_4308 : i32 to index
      %get3A_4310 = arith.constant 16 : index
      %get3A_4311 = tpu.vector_load %arg9[%get3A_4309, %get3A_4310] {strides = array<i32>} : memref<208x64xf32, #tpu.memory_space<vmem>>, vector<16xf32>,
      %add3A_4312 = arith.addf %add3A_4307, %get3A_4311 : vector<16xf32>
      %get3A_4313 = arith.constant 186 : i32
      %get3A_4314 = arith.index_cast %get3A_4313 : i32 to index
      %get3A_4315 = arith.constant 16 : index
      %get3A_4316 = tpu.vector_load %arg9[%get3A_4314, %get3A_4315] {strides = array<i32>} : memref<208x64xf32, #tpu.memory_space<vmem>>, vector<16xf32>,
      %add3A_4317 = arith.addf %add3A_4312, %get3A_4316 : vector<16xf32>
      %get3A_4318 = arith.constant 187 : i32
      %get3A_4319 = arith.index_cast %get3A_4318 : i32 to index
      %get3A_4320 = arith.constant 16 : index
      %get3A_4321 = tpu.vector_load %arg9[%get3A_4319, %get3A_4320] {strides = array<i32>} : memref<208x64xf32, #tpu.memory_space<vmem>>, vector<16xf32>,
      %add3A_4322 = arith.addf %add3A_4317, %get3A_4321 : vector<16xf32>
      %get3A_4323 = arith.constant 188 : i32
      %get3A_4324 = arith.index_cast %get3A_4323 : i32 to index
      %get3A_4325 = arith.constant 16 : index
      %get3A_4326 = tpu.vector_load %arg9[%get3A_4324, %get3A_4325] {strides = array<i32>} : memref<208x64xf32, #tpu.memory_space<vmem>>, vector<16xf32>,
      %add3A_4327 = arith.addf %add3A_4322, %get3A_4326 : vector<16xf32>
      %get3A_4328 = arith.constant 189 : i32
      %get3A_4329 = arith.index_cast %get3A_4328 : i32 to index
      %get3A_4330 = arith.constant 16 : index
      %get3A_4331 = tpu.vector_load %arg9[%get3A_4329, %get3A_4330] {strides = array<i32>} : memref<208x64xf32, #tpu.memory_space<vmem>>, vector<16xf32>,
      %add3A_4332 = arith.addf %add3A_4327, %get3A_4331 : vector<16xf32>
      %get3A_4333 = arith.constant 190 : i32
      %get3A_4334 = arith.index_cast %get3A_4333 : i32 to index
      %get3A_4335 = arith.constant 16 : index
      %get3A_4336 = tpu.vector_load %arg9[%get3A_4334, %get3A_4335] {strides = array<i32>} : memref<208x64xf32, #tpu.memory_space<vmem>>, vector<16xf32>,
      %add3A_4337 = arith.addf %add3A_4332, %get3A_4336 : vector<16xf32>
      %get3A_4338 = arith.constant 191 : i32
      %get3A_4339 = arith.index_cast %get3A_4338 : i32 to index
      %get3A_4340 = arith.constant 16 : index
      %get3A_4341 = tpu.vector_load %arg9[%get3A_4339, %get3A_4340] {strides = array<i32>} : memref<208x64xf32, #tpu.memory_space<vmem>>, vector<16xf32>,
      %add3A_4342 = arith.addf %add3A_4337, %get3A_4341 : vector<16xf32>
      %swap3A_4343 = arith.index_cast %scan3A_15 : i32 to index
      %swap3A_4344 = arith.constant 16 : index
      %swap3A_4345 = tpu.vector_load %arg10[%swap3A_4343, %swap3A_4344] {strides = array<i32>} : memref<128x64xf32, #tpu.memory_space<vmem>>, vector<16xf32>,
      tpu.vector_store %arg10[%swap3A_4343, %swap3A_4344], %add3A_4342 {strides = array<i32>} : memref<128x64xf32, #tpu.memory_space<vmem>>, vector<16xf32>,
      %get3A_4346 = arith.index_cast %scan3A_15 : i32 to index
      %get3A_4347 = arith.constant 32 : index
      %get3A_4348 = tpu.vector_load %arg10[%get3A_4346, %get3A_4347] {strides = array<i32>} : memref<128x64xf32, #tpu.memory_space<vmem>>, vector<16xf32>,
      %get3A_4349 = arith.constant 176 : i32
      %get3A_4350 = arith.index_cast %get3A_4349 : i32 to index
      %get3A_4351 = arith.constant 32 : index
      %get3A_4352 = tpu.vector_load %arg9[%get3A_4350, %get3A_4351] {strides = array<i32>} : memref<208x64xf32, #tpu.memory_space<vmem>>, vector<16xf32>,
      %add3A_4353 = arith.addf %get3A_4348, %get3A_4352 : vector<16xf32>
      %get3A_4354 = arith.constant 177 : i32
      %get3A_4355 = arith.index_cast %get3A_4354 : i32 to index
      %get3A_4356 = arith.constant 32 : index
      %get3A_4357 = tpu.vector_load %arg9[%get3A_4355, %get3A_4356] {strides = array<i32>} : memref<208x64xf32, #tpu.memory_space<vmem>>, vector<16xf32>,
      %add3A_4358 = arith.addf %add3A_4353, %get3A_4357 : vector<16xf32>
      %get3A_4359 = arith.constant 178 : i32
      %get3A_4360 = arith.index_cast %get3A_4359 : i32 to index
      %get3A_4361 = arith.constant 32 : index
      %get3A_4362 = tpu.vector_load %arg9[%get3A_4360, %get3A_4361] {strides = array<i32>} : memref<208x64xf32, #tpu.memory_space<vmem>>, vector<16xf32>,
      %add3A_4363 = arith.addf %add3A_4358, %get3A_4362 : vector<16xf32>
      %get3A_4364 = arith.constant 179 : i32
      %get3A_4365 = arith.index_cast %get3A_4364 : i32 to index
      %get3A_4366 = arith.constant 32 : index
      %get3A_4367 = tpu.vector_load %arg9[%get3A_4365, %get3A_4366] {strides = array<i32>} : memref<208x64xf32, #tpu.memory_space<vmem>>, vector<16xf32>,
      %add3A_4368 = arith.addf %add3A_4363, %get3A_4367 : vector<16xf32>
      %get3A_4369 = arith.constant 180 : i32
      %get3A_4370 = arith.index_cast %get3A_4369 : i32 to index
      %get3A_4371 = arith.constant 32 : index
      %get3A_4372 = tpu.vector_load %arg9[%get3A_4370, %get3A_4371] {strides = array<i32>} : memref<208x64xf32, #tpu.memory_space<vmem>>, vector<16xf32>,
      %add3A_4373 = arith.addf %add3A_4368, %get3A_4372 : vector<16xf32>
      %get3A_4374 = arith.constant 181 : i32
      %get3A_4375 = arith.index_cast %get3A_4374 : i32 to index
      %get3A_4376 = arith.constant 32 : index
      %get3A_4377 = tpu.vector_load %arg9[%get3A_4375, %get3A_4376] {strides = array<i32>} : memref<208x64xf32, #tpu.memory_space<vmem>>, vector<16xf32>,
      %add3A_4378 = arith.addf %add3A_4373, %get3A_4377 : vector<16xf32>
      %get3A_4379 = arith.constant 182 : i32
      %get3A_4380 = arith.index_cast %get3A_4379 : i32 to index
      %get3A_4381 = arith.constant 32 : index
      %get3A_4382 = tpu.vector_load %arg9[%get3A_4380, %get3A_4381] {strides = array<i32>} : memref<208x64xf32, #tpu.memory_space<vmem>>, vector<16xf32>,
      %add3A_4383 = arith.addf %add3A_4378, %get3A_4382 : vector<16xf32>
      %get3A_4384 = arith.constant 183 : i32
      %get3A_4385 = arith.index_cast %get3A_4384 : i32 to index
      %get3A_4386 = arith.constant 32 : index
      %get3A_4387 = tpu.vector_load %arg9[%get3A_4385, %get3A_4386] {strides = array<i32>} : memref<208x64xf32, #tpu.memory_space<vmem>>, vector<16xf32>,
      %add3A_4388 = arith.addf %add3A_4383, %get3A_4387 : vector<16xf32>
      %get3A_4389 = arith.constant 184 : i32
      %get3A_4390 = arith.index_cast %get3A_4389 : i32 to index
      %get3A_4391 = arith.constant 32 : index
      %get3A_4392 = tpu.vector_load %arg9[%get3A_4390, %get3A_4391] {strides = array<i32>} : memref<208x64xf32, #tpu.memory_space<vmem>>, vector<16xf32>,
      %add3A_4393 = arith.addf %add3A_4388, %get3A_4392 : vector<16xf32>
      %get3A_4394 = arith.constant 185 : i32
      %get3A_4395 = arith.index_cast %get3A_4394 : i32 to index
      %get3A_4396 = arith.constant 32 : index
      %get3A_4397 = tpu.vector_load %arg9[%get3A_4395, %get3A_4396] {strides = array<i32>} : memref<208x64xf32, #tpu.memory_space<vmem>>, vector<16xf32>,
      %add3A_4398 = arith.addf %add3A_4393, %get3A_4397 : vector<16xf32>
      %get3A_4399 = arith.constant 186 : i32
      %get3A_4400 = arith.index_cast %get3A_4399 : i32 to index
      %get3A_4401 = arith.constant 32 : index
      %get3A_4402 = tpu.vector_load %arg9[%get3A_4400, %get3A_4401] {strides = array<i32>} : memref<208x64xf32, #tpu.memory_space<vmem>>, vector<16xf32>,
      %add3A_4403 = arith.addf %add3A_4398, %get3A_4402 : vector<16xf32>
      %get3A_4404 = arith.constant 187 : i32
      %get3A_4405 = arith.index_cast %get3A_4404 : i32 to index
      %get3A_4406 = arith.constant 32 : index
      %get3A_4407 = tpu.vector_load %arg9[%get3A_4405, %get3A_4406] {strides = array<i32>} : memref<208x64xf32, #tpu.memory_space<vmem>>, vector<16xf32>,
      %add3A_4408 = arith.addf %add3A_4403, %get3A_4407 : vector<16xf32>
      %get3A_4409 = arith.constant 188 : i32
      %get3A_4410 = arith.index_cast %get3A_4409 : i32 to index
      %get3A_4411 = arith.constant 32 : index
      %get3A_4412 = tpu.vector_load %arg9[%get3A_4410, %get3A_4411] {strides = array<i32>} : memref<208x64xf32, #tpu.memory_space<vmem>>, vector<16xf32>,
      %add3A_4413 = arith.addf %add3A_4408, %get3A_4412 : vector<16xf32>
      %get3A_4414 = arith.constant 189 : i32
      %get3A_4415 = arith.index_cast %get3A_4414 : i32 to index
      %get3A_4416 = arith.constant 32 : index
      %get3A_4417 = tpu.vector_load %arg9[%get3A_4415, %get3A_4416] {strides = array<i32>} : memref<208x64xf32, #tpu.memory_space<vmem>>, vector<16xf32>,
      %add3A_4418 = arith.addf %add3A_4413, %get3A_4417 : vector<16xf32>
      %get3A_4419 = arith.constant 190 : i32
      %get3A_4420 = arith.index_cast %get3A_4419 : i32 to index
      %get3A_4421 = arith.constant 32 : index
      %get3A_4422 = tpu.vector_load %arg9[%get3A_4420, %get3A_4421] {strides = array<i32>} : memref<208x64xf32, #tpu.memory_space<vmem>>, vector<16xf32>,
      %add3A_4423 = arith.addf %add3A_4418, %get3A_4422 : vector<16xf32>
      %get3A_4424 = arith.constant 191 : i32
      %get3A_4425 = arith.index_cast %get3A_4424 : i32 to index
      %get3A_4426 = arith.constant 32 : index
      %get3A_4427 = tpu.vector_load %arg9[%get3A_4425, %get3A_4426] {strides = array<i32>} : memref<208x64xf32, #tpu.memory_space<vmem>>, vector<16xf32>,
      %add3A_4428 = arith.addf %add3A_4423, %get3A_4427 : vector<16xf32>
      %swap3A_4429 = arith.index_cast %scan3A_15 : i32 to index
      %swap3A_4430 = arith.constant 32 : index
      %swap3A_4431 = tpu.vector_load %arg10[%swap3A_4429, %swap3A_4430] {strides = array<i32>} : memref<128x64xf32, #tpu.memory_space<vmem>>, vector<16xf32>,
      tpu.vector_store %arg10[%swap3A_4429, %swap3A_4430], %add3A_4428 {strides = array<i32>} : memref<128x64xf32, #tpu.memory_space<vmem>>, vector<16xf32>,
      %get3A_4432 = arith.index_cast %scan3A_15 : i32 to index
      %get3A_4433 = arith.constant 48 : index
      %get3A_4434 = tpu.vector_load %arg10[%get3A_4432, %get3A_4433] {strides = array<i32>} : memref<128x64xf32, #tpu.memory_space<vmem>>, vector<16xf32>,
      %get3A_4435 = arith.constant 176 : i32
      %get3A_4436 = arith.index_cast %get3A_4435 : i32 to index
      %get3A_4437 = arith.constant 48 : index
      %get3A_4438 = tpu.vector_load %arg9[%get3A_4436, %get3A_4437] {strides = array<i32>} : memref<208x64xf32, #tpu.memory_space<vmem>>, vector<16xf32>,
      %add3A_4439 = arith.addf %get3A_4434, %get3A_4438 : vector<16xf32>
      %get3A_4440 = arith.constant 177 : i32
      %get3A_4441 = arith.index_cast %get3A_4440 : i32 to index
      %get3A_4442 = arith.constant 48 : index
      %get3A_4443 = tpu.vector_load %arg9[%get3A_4441, %get3A_4442] {strides = array<i32>} : memref<208x64xf32, #tpu.memory_space<vmem>>, vector<16xf32>,
      %add3A_4444 = arith.addf %add3A_4439, %get3A_4443 : vector<16xf32>
      %get3A_4445 = arith.constant 178 : i32
      %get3A_4446 = arith.index_cast %get3A_4445 : i32 to index
      %get3A_4447 = arith.constant 48 : index
      %get3A_4448 = tpu.vector_load %arg9[%get3A_4446, %get3A_4447] {strides = array<i32>} : memref<208x64xf32, #tpu.memory_space<vmem>>, vector<16xf32>,
      %add3A_4449 = arith.addf %add3A_4444, %get3A_4448 : vector<16xf32>
      %get3A_4450 = arith.constant 179 : i32
      %get3A_4451 = arith.index_cast %get3A_4450 : i32 to index
      %get3A_4452 = arith.constant 48 : index
      %get3A_4453 = tpu.vector_load %arg9[%get3A_4451, %get3A_4452] {strides = array<i32>} : memref<208x64xf32, #tpu.memory_space<vmem>>, vector<16xf32>,
      %add3A_4454 = arith.addf %add3A_4449, %get3A_4453 : vector<16xf32>
      %get3A_4455 = arith.constant 180 : i32
      %get3A_4456 = arith.index_cast %get3A_4455 : i32 to index
      %get3A_4457 = arith.constant 48 : index
      %get3A_4458 = tpu.vector_load %arg9[%get3A_4456, %get3A_4457] {strides = array<i32>} : memref<208x64xf32, #tpu.memory_space<vmem>>, vector<16xf32>,
      %add3A_4459 = arith.addf %add3A_4454, %get3A_4458 : vector<16xf32>
      %get3A_4460 = arith.constant 181 : i32
      %get3A_4461 = arith.index_cast %get3A_4460 : i32 to index
      %get3A_4462 = arith.constant 48 : index
      %get3A_4463 = tpu.vector_load %arg9[%get3A_4461, %get3A_4462] {strides = array<i32>} : memref<208x64xf32, #tpu.memory_space<vmem>>, vector<16xf32>,
      %add3A_4464 = arith.addf %add3A_4459, %get3A_4463 : vector<16xf32>
      %get3A_4465 = arith.constant 182 : i32
      %get3A_4466 = arith.index_cast %get3A_4465 : i32 to index
      %get3A_4467 = arith.constant 48 : index
      %get3A_4468 = tpu.vector_load %arg9[%get3A_4466, %get3A_4467] {strides = array<i32>} : memref<208x64xf32, #tpu.memory_space<vmem>>, vector<16xf32>,
      %add3A_4469 = arith.addf %add3A_4464, %get3A_4468 : vector<16xf32>
      %get3A_4470 = arith.constant 183 : i32
      %get3A_4471 = arith.index_cast %get3A_4470 : i32 to index
      %get3A_4472 = arith.constant 48 : index
      %get3A_4473 = tpu.vector_load %arg9[%get3A_4471, %get3A_4472] {strides = array<i32>} : memref<208x64xf32, #tpu.memory_space<vmem>>, vector<16xf32>,
      %add3A_4474 = arith.addf %add3A_4469, %get3A_4473 : vector<16xf32>
      %get3A_4475 = arith.constant 184 : i32
      %get3A_4476 = arith.index_cast %get3A_4475 : i32 to index
      %get3A_4477 = arith.constant 48 : index
      %get3A_4478 = tpu.vector_load %arg9[%get3A_4476, %get3A_4477] {strides = array<i32>} : memref<208x64xf32, #tpu.memory_space<vmem>>, vector<16xf32>,
      %add3A_4479 = arith.addf %add3A_4474, %get3A_4478 : vector<16xf32>
      %get3A_4480 = arith.constant 185 : i32
      %get3A_4481 = arith.index_cast %get3A_4480 : i32 to index
      %get3A_4482 = arith.constant 48 : index
      %get3A_4483 = tpu.vector_load %arg9[%get3A_4481, %get3A_4482] {strides = array<i32>} : memref<208x64xf32, #tpu.memory_space<vmem>>, vector<16xf32>,
      %add3A_4484 = arith.addf %add3A_4479, %get3A_4483 : vector<16xf32>
      %get3A_4485 = arith.constant 186 : i32
      %get3A_4486 = arith.index_cast %get3A_4485 : i32 to index
      %get3A_4487 = arith.constant 48 : index
      %get3A_4488 = tpu.vector_load %arg9[%get3A_4486, %get3A_4487] {strides = array<i32>} : memref<208x64xf32, #tpu.memory_space<vmem>>, vector<16xf32>,
      %add3A_4489 = arith.addf %add3A_4484, %get3A_4488 : vector<16xf32>
      %get3A_4490 = arith.constant 187 : i32
      %get3A_4491 = arith.index_cast %get3A_4490 : i32 to index
      %get3A_4492 = arith.constant 48 : index
      %get3A_4493 = tpu.vector_load %arg9[%get3A_4491, %get3A_4492] {strides = array<i32>} : memref<208x64xf32, #tpu.memory_space<vmem>>, vector<16xf32>,
      %add3A_4494 = arith.addf %add3A_4489, %get3A_4493 : vector<16xf32>
      %get3A_4495 = arith.constant 188 : i32
      %get3A_4496 = arith.index_cast %get3A_4495 : i32 to index
      %get3A_4497 = arith.constant 48 : index
      %get3A_4498 = tpu.vector_load %arg9[%get3A_4496, %get3A_4497] {strides = array<i32>} : memref<208x64xf32, #tpu.memory_space<vmem>>, vector<16xf32>,
      %add3A_4499 = arith.addf %add3A_4494, %get3A_4498 : vector<16xf32>
      %get3A_4500 = arith.constant 189 : i32
      %get3A_4501 = arith.index_cast %get3A_4500 : i32 to index
      %get3A_4502 = arith.constant 48 : index
      %get3A_4503 = tpu.vector_load %arg9[%get3A_4501, %get3A_4502] {strides = array<i32>} : memref<208x64xf32, #tpu.memory_space<vmem>>, vector<16xf32>,
      %add3A_4504 = arith.addf %add3A_4499, %get3A_4503 : vector<16xf32>
      %get3A_4505 = arith.constant 190 : i32
      %get3A_4506 = arith.index_cast %get3A_4505 : i32 to index
      %get3A_4507 = arith.constant 48 : index
      %get3A_4508 = tpu.vector_load %arg9[%get3A_4506, %get3A_4507] {strides = array<i32>} : memref<208x64xf32, #tpu.memory_space<vmem>>, vector<16xf32>,
      %add3A_4509 = arith.addf %add3A_4504, %get3A_4508 : vector<16xf32>
      %get3A_4510 = arith.constant 191 : i32
      %get3A_4511 = arith.index_cast %get3A_4510 : i32 to index
      %get3A_4512 = arith.constant 48 : index
      %get3A_4513 = tpu.vector_load %arg9[%get3A_4511, %get3A_4512] {strides = array<i32>} : memref<208x64xf32, #tpu.memory_space<vmem>>, vector<16xf32>,
      %add3A_4514 = arith.addf %add3A_4509, %get3A_4513 : vector<16xf32>
      %swap3A_4515 = arith.index_cast %scan3A_15 : i32 to index
      %swap3A_4516 = arith.constant 48 : index
      %swap3A_4517 = tpu.vector_load %arg10[%swap3A_4515, %swap3A_4516] {strides = array<i32>} : memref<128x64xf32, #tpu.memory_space<vmem>>, vector<16xf32>,
      tpu.vector_store %arg10[%swap3A_4515, %swap3A_4516], %add3A_4514 {strides = array<i32>} : memref<128x64xf32, #tpu.memory_space<vmem>>, vector<16xf32>,
      %get3A_4518 = arith.index_cast %scan3A_15 : i32 to index
      %get3A_4519 = arith.constant 0 : index
      %get3A_4520 = tpu.vector_load %arg10[%get3A_4518, %get3A_4519] {strides = array<i32>} : memref<128x64xf32, #tpu.memory_space<vmem>>, vector<16xf32>,
      %get3A_4521 = arith.constant 192 : i32
      %get3A_4522 = arith.index_cast %get3A_4521 : i32 to index
      %get3A_4523 = arith.constant 0 : index
      %get3A_4524 = tpu.vector_load %arg9[%get3A_4522, %get3A_4523] {strides = array<i32>} : memref<208x64xf32, #tpu.memory_space<vmem>>, vector<16xf32>,
      %add3A_4525 = arith.addf %get3A_4520, %get3A_4524 : vector<16xf32>
      %get3A_4526 = arith.constant 193 : i32
      %get3A_4527 = arith.index_cast %get3A_4526 : i32 to index
      %get3A_4528 = arith.constant 0 : index
      %get3A_4529 = tpu.vector_load %arg9[%get3A_4527, %get3A_4528] {strides = array<i32>} : memref<208x64xf32, #tpu.memory_space<vmem>>, vector<16xf32>,
      %add3A_4530 = arith.addf %add3A_4525, %get3A_4529 : vector<16xf32>
      %get3A_4531 = arith.constant 194 : i32
      %get3A_4532 = arith.index_cast %get3A_4531 : i32 to index
      %get3A_4533 = arith.constant 0 : index
      %get3A_4534 = tpu.vector_load %arg9[%get3A_4532, %get3A_4533] {strides = array<i32>} : memref<208x64xf32, #tpu.memory_space<vmem>>, vector<16xf32>,
      %add3A_4535 = arith.addf %add3A_4530, %get3A_4534 : vector<16xf32>
      %get3A_4536 = arith.constant 195 : i32
      %get3A_4537 = arith.index_cast %get3A_4536 : i32 to index
      %get3A_4538 = arith.constant 0 : index
      %get3A_4539 = tpu.vector_load %arg9[%get3A_4537, %get3A_4538] {strides = array<i32>} : memref<208x64xf32, #tpu.memory_space<vmem>>, vector<16xf32>,
      %add3A_4540 = arith.addf %add3A_4535, %get3A_4539 : vector<16xf32>
      %get3A_4541 = arith.constant 196 : i32
      %get3A_4542 = arith.index_cast %get3A_4541 : i32 to index
      %get3A_4543 = arith.constant 0 : index
      %get3A_4544 = tpu.vector_load %arg9[%get3A_4542, %get3A_4543] {strides = array<i32>} : memref<208x64xf32, #tpu.memory_space<vmem>>, vector<16xf32>,
      %add3A_4545 = arith.addf %add3A_4540, %get3A_4544 : vector<16xf32>
      %get3A_4546 = arith.constant 197 : i32
      %get3A_4547 = arith.index_cast %get3A_4546 : i32 to index
      %get3A_4548 = arith.constant 0 : index
      %get3A_4549 = tpu.vector_load %arg9[%get3A_4547, %get3A_4548] {strides = array<i32>} : memref<208x64xf32, #tpu.memory_space<vmem>>, vector<16xf32>,
      %add3A_4550 = arith.addf %add3A_4545, %get3A_4549 : vector<16xf32>
      %get3A_4551 = arith.constant 198 : i32
      %get3A_4552 = arith.index_cast %get3A_4551 : i32 to index
      %get3A_4553 = arith.constant 0 : index
      %get3A_4554 = tpu.vector_load %arg9[%get3A_4552, %get3A_4553] {strides = array<i32>} : memref<208x64xf32, #tpu.memory_space<vmem>>, vector<16xf32>,
      %add3A_4555 = arith.addf %add3A_4550, %get3A_4554 : vector<16xf32>
      %get3A_4556 = arith.constant 199 : i32
      %get3A_4557 = arith.index_cast %get3A_4556 : i32 to index
      %get3A_4558 = arith.constant 0 : index
      %get3A_4559 = tpu.vector_load %arg9[%get3A_4557, %get3A_4558] {strides = array<i32>} : memref<208x64xf32, #tpu.memory_space<vmem>>, vector<16xf32>,
      %add3A_4560 = arith.addf %add3A_4555, %get3A_4559 : vector<16xf32>
      %get3A_4561 = arith.constant 200 : i32
      %get3A_4562 = arith.index_cast %get3A_4561 : i32 to index
      %get3A_4563 = arith.constant 0 : index
      %get3A_4564 = tpu.vector_load %arg9[%get3A_4562, %get3A_4563] {strides = array<i32>} : memref<208x64xf32, #tpu.memory_space<vmem>>, vector<16xf32>,
      %add3A_4565 = arith.addf %add3A_4560, %get3A_4564 : vector<16xf32>
      %get3A_4566 = arith.constant 201 : i32
      %get3A_4567 = arith.index_cast %get3A_4566 : i32 to index
      %get3A_4568 = arith.constant 0 : index
      %get3A_4569 = tpu.vector_load %arg9[%get3A_4567, %get3A_4568] {strides = array<i32>} : memref<208x64xf32, #tpu.memory_space<vmem>>, vector<16xf32>,
      %add3A_4570 = arith.addf %add3A_4565, %get3A_4569 : vector<16xf32>
      %get3A_4571 = arith.constant 202 : i32
      %get3A_4572 = arith.index_cast %get3A_4571 : i32 to index
      %get3A_4573 = arith.constant 0 : index
      %get3A_4574 = tpu.vector_load %arg9[%get3A_4572, %get3A_4573] {strides = array<i32>} : memref<208x64xf32, #tpu.memory_space<vmem>>, vector<16xf32>,
      %add3A_4575 = arith.addf %add3A_4570, %get3A_4574 : vector<16xf32>
      %get3A_4576 = arith.constant 203 : i32
      %get3A_4577 = arith.index_cast %get3A_4576 : i32 to index
      %get3A_4578 = arith.constant 0 : index
      %get3A_4579 = tpu.vector_load %arg9[%get3A_4577, %get3A_4578] {strides = array<i32>} : memref<208x64xf32, #tpu.memory_space<vmem>>, vector<16xf32>,
      %add3A_4580 = arith.addf %add3A_4575, %get3A_4579 : vector<16xf32>
      %get3A_4581 = arith.constant 204 : i32
      %get3A_4582 = arith.index_cast %get3A_4581 : i32 to index
      %get3A_4583 = arith.constant 0 : index
      %get3A_4584 = tpu.vector_load %arg9[%get3A_4582, %get3A_4583] {strides = array<i32>} : memref<208x64xf32, #tpu.memory_space<vmem>>, vector<16xf32>,
      %add3A_4585 = arith.addf %add3A_4580, %get3A_4584 : vector<16xf32>
      %get3A_4586 = arith.constant 205 : i32
      %get3A_4587 = arith.index_cast %get3A_4586 : i32 to index
      %get3A_4588 = arith.constant 0 : index
      %get3A_4589 = tpu.vector_load %arg9[%get3A_4587, %get3A_4588] {strides = array<i32>} : memref<208x64xf32, #tpu.memory_space<vmem>>, vector<16xf32>,
      %add3A_4590 = arith.addf %add3A_4585, %get3A_4589 : vector<16xf32>
      %get3A_4591 = arith.constant 206 : i32
      %get3A_4592 = arith.index_cast %get3A_4591 : i32 to index
      %get3A_4593 = arith.constant 0 : index
      %get3A_4594 = tpu.vector_load %arg9[%get3A_4592, %get3A_4593] {strides = array<i32>} : memref<208x64xf32, #tpu.memory_space<vmem>>, vector<16xf32>,
      %add3A_4595 = arith.addf %add3A_4590, %get3A_4594 : vector<16xf32>
      %get3A_4596 = arith.constant 207 : i32
      %get3A_4597 = arith.index_cast %get3A_4596 : i32 to index
      %get3A_4598 = arith.constant 0 : index
      %get3A_4599 = tpu.vector_load %arg9[%get3A_4597, %get3A_4598] {strides = array<i32>} : memref<208x64xf32, #tpu.memory_space<vmem>>, vector<16xf32>,
      %add3A_4600 = arith.addf %add3A_4595, %get3A_4599 : vector<16xf32>
      %swap3A_4601 = arith.index_cast %scan3A_15 : i32 to index
      %swap3A_4602 = arith.constant 0 : index
      %swap3A_4603 = tpu.vector_load %arg10[%swap3A_4601, %swap3A_4602] {strides = array<i32>} : memref<128x64xf32, #tpu.memory_space<vmem>>, vector<16xf32>,
      tpu.vector_store %arg10[%swap3A_4601, %swap3A_4602], %add3A_4600 {strides = array<i32>} : memref<128x64xf32, #tpu.memory_space<vmem>>, vector<16xf32>,
      %get3A_4604 = arith.index_cast %scan3A_15 : i32 to index
      %get3A_4605 = arith.constant 16 : index
      %get3A_4606 = tpu.vector_load %arg10[%get3A_4604, %get3A_4605] {strides = array<i32>} : memref<128x64xf32, #tpu.memory_space<vmem>>, vector<16xf32>,
      %get3A_4607 = arith.constant 192 : i32
      %get3A_4608 = arith.index_cast %get3A_4607 : i32 to index
      %get3A_4609 = arith.constant 16 : index
      %get3A_4610 = tpu.vector_load %arg9[%get3A_4608, %get3A_4609] {strides = array<i32>} : memref<208x64xf32, #tpu.memory_space<vmem>>, vector<16xf32>,
      %add3A_4611 = arith.addf %get3A_4606, %get3A_4610 : vector<16xf32>
      %get3A_4612 = arith.constant 193 : i32
      %get3A_4613 = arith.index_cast %get3A_4612 : i32 to index
      %get3A_4614 = arith.constant 16 : index
      %get3A_4615 = tpu.vector_load %arg9[%get3A_4613, %get3A_4614] {strides = array<i32>} : memref<208x64xf32, #tpu.memory_space<vmem>>, vector<16xf32>,
      %add3A_4616 = arith.addf %add3A_4611, %get3A_4615 : vector<16xf32>
      %get3A_4617 = arith.constant 194 : i32
      %get3A_4618 = arith.index_cast %get3A_4617 : i32 to index
      %get3A_4619 = arith.constant 16 : index
      %get3A_4620 = tpu.vector_load %arg9[%get3A_4618, %get3A_4619] {strides = array<i32>} : memref<208x64xf32, #tpu.memory_space<vmem>>, vector<16xf32>,
      %add3A_4621 = arith.addf %add3A_4616, %get3A_4620 : vector<16xf32>
      %get3A_4622 = arith.constant 195 : i32
      %get3A_4623 = arith.index_cast %get3A_4622 : i32 to index
      %get3A_4624 = arith.constant 16 : index
      %get3A_4625 = tpu.vector_load %arg9[%get3A_4623, %get3A_4624] {strides = array<i32>} : memref<208x64xf32, #tpu.memory_space<vmem>>, vector<16xf32>,
      %add3A_4626 = arith.addf %add3A_4621, %get3A_4625 : vector<16xf32>
      %get3A_4627 = arith.constant 196 : i32
      %get3A_4628 = arith.index_cast %get3A_4627 : i32 to index
      %get3A_4629 = arith.constant 16 : index
      %get3A_4630 = tpu.vector_load %arg9[%get3A_4628, %get3A_4629] {strides = array<i32>} : memref<208x64xf32, #tpu.memory_space<vmem>>, vector<16xf32>,
      %add3A_4631 = arith.addf %add3A_4626, %get3A_4630 : vector<16xf32>
      %get3A_4632 = arith.constant 197 : i32
      %get3A_4633 = arith.index_cast %get3A_4632 : i32 to index
      %get3A_4634 = arith.constant 16 : index
      %get3A_4635 = tpu.vector_load %arg9[%get3A_4633, %get3A_4634] {strides = array<i32>} : memref<208x64xf32, #tpu.memory_space<vmem>>, vector<16xf32>,
      %add3A_4636 = arith.addf %add3A_4631, %get3A_4635 : vector<16xf32>
      %get3A_4637 = arith.constant 198 : i32
      %get3A_4638 = arith.index_cast %get3A_4637 : i32 to index
      %get3A_4639 = arith.constant 16 : index
      %get3A_4640 = tpu.vector_load %arg9[%get3A_4638, %get3A_4639] {strides = array<i32>} : memref<208x64xf32, #tpu.memory_space<vmem>>, vector<16xf32>,
      %add3A_4641 = arith.addf %add3A_4636, %get3A_4640 : vector<16xf32>
      %get3A_4642 = arith.constant 199 : i32
      %get3A_4643 = arith.index_cast %get3A_4642 : i32 to index
      %get3A_4644 = arith.constant 16 : index
      %get3A_4645 = tpu.vector_load %arg9[%get3A_4643, %get3A_4644] {strides = array<i32>} : memref<208x64xf32, #tpu.memory_space<vmem>>, vector<16xf32>,
      %add3A_4646 = arith.addf %add3A_4641, %get3A_4645 : vector<16xf32>
      %get3A_4647 = arith.constant 200 : i32
      %get3A_4648 = arith.index_cast %get3A_4647 : i32 to index
      %get3A_4649 = arith.constant 16 : index
      %get3A_4650 = tpu.vector_load %arg9[%get3A_4648, %get3A_4649] {strides = array<i32>} : memref<208x64xf32, #tpu.memory_space<vmem>>, vector<16xf32>,
      %add3A_4651 = arith.addf %add3A_4646, %get3A_4650 : vector<16xf32>
      %get3A_4652 = arith.constant 201 : i32
      %get3A_4653 = arith.index_cast %get3A_4652 : i32 to index
      %get3A_4654 = arith.constant 16 : index
      %get3A_4655 = tpu.vector_load %arg9[%get3A_4653, %get3A_4654] {strides = array<i32>} : memref<208x64xf32, #tpu.memory_space<vmem>>, vector<16xf32>,
      %add3A_4656 = arith.addf %add3A_4651, %get3A_4655 : vector<16xf32>
      %get3A_4657 = arith.constant 202 : i32
      %get3A_4658 = arith.index_cast %get3A_4657 : i32 to index
      %get3A_4659 = arith.constant 16 : index
      %get3A_4660 = tpu.vector_load %arg9[%get3A_4658, %get3A_4659] {strides = array<i32>} : memref<208x64xf32, #tpu.memory_space<vmem>>, vector<16xf32>,
      %add3A_4661 = arith.addf %add3A_4656, %get3A_4660 : vector<16xf32>
      %get3A_4662 = arith.constant 203 : i32
      %get3A_4663 = arith.index_cast %get3A_4662 : i32 to index
      %get3A_4664 = arith.constant 16 : index
      %get3A_4665 = tpu.vector_load %arg9[%get3A_4663, %get3A_4664] {strides = array<i32>} : memref<208x64xf32, #tpu.memory_space<vmem>>, vector<16xf32>,
      %add3A_4666 = arith.addf %add3A_4661, %get3A_4665 : vector<16xf32>
      %get3A_4667 = arith.constant 204 : i32
      %get3A_4668 = arith.index_cast %get3A_4667 : i32 to index
      %get3A_4669 = arith.constant 16 : index
      %get3A_4670 = tpu.vector_load %arg9[%get3A_4668, %get3A_4669] {strides = array<i32>} : memref<208x64xf32, #tpu.memory_space<vmem>>, vector<16xf32>,
      %add3A_4671 = arith.addf %add3A_4666, %get3A_4670 : vector<16xf32>
      %get3A_4672 = arith.constant 205 : i32
      %get3A_4673 = arith.index_cast %get3A_4672 : i32 to index
      %get3A_4674 = arith.constant 16 : index
      %get3A_4675 = tpu.vector_load %arg9[%get3A_4673, %get3A_4674] {strides = array<i32>} : memref<208x64xf32, #tpu.memory_space<vmem>>, vector<16xf32>,
      %add3A_4676 = arith.addf %add3A_4671, %get3A_4675 : vector<16xf32>
      %get3A_4677 = arith.constant 206 : i32
      %get3A_4678 = arith.index_cast %get3A_4677 : i32 to index
      %get3A_4679 = arith.constant 16 : index
      %get3A_4680 = tpu.vector_load %arg9[%get3A_4678, %get3A_4679] {strides = array<i32>} : memref<208x64xf32, #tpu.memory_space<vmem>>, vector<16xf32>,
      %add3A_4681 = arith.addf %add3A_4676, %get3A_4680 : vector<16xf32>
      %get3A_4682 = arith.constant 207 : i32
      %get3A_4683 = arith.index_cast %get3A_4682 : i32 to index
      %get3A_4684 = arith.constant 16 : index
      %get3A_4685 = tpu.vector_load %arg9[%get3A_4683, %get3A_4684] {strides = array<i32>} : memref<208x64xf32, #tpu.memory_space<vmem>>, vector<16xf32>,
      %add3A_4686 = arith.addf %add3A_4681, %get3A_4685 : vector<16xf32>
      %swap3A_4687 = arith.index_cast %scan3A_15 : i32 to index
      %swap3A_4688 = arith.constant 16 : index
      %swap3A_4689 = tpu.vector_load %arg10[%swap3A_4687, %swap3A_4688] {strides = array<i32>} : memref<128x64xf32, #tpu.memory_space<vmem>>, vector<16xf32>,
      tpu.vector_store %arg10[%swap3A_4687, %swap3A_4688], %add3A_4686 {strides = array<i32>} : memref<128x64xf32, #tpu.memory_space<vmem>>, vector<16xf32>,
      %get3A_4690 = arith.index_cast %scan3A_15 : i32 to index
      %get3A_4691 = arith.constant 32 : index
      %get3A_4692 = tpu.vector_load %arg10[%get3A_4690, %get3A_4691] {strides = array<i32>} : memref<128x64xf32, #tpu.memory_space<vmem>>, vector<16xf32>,
      %get3A_4693 = arith.constant 192 : i32
      %get3A_4694 = arith.index_cast %get3A_4693 : i32 to index
      %get3A_4695 = arith.constant 32 : index
      %get3A_4696 = tpu.vector_load %arg9[%get3A_4694, %get3A_4695] {strides = array<i32>} : memref<208x64xf32, #tpu.memory_space<vmem>>, vector<16xf32>,
      %add3A_4697 = arith.addf %get3A_4692, %get3A_4696 : vector<16xf32>
      %get3A_4698 = arith.constant 193 : i32
      %get3A_4699 = arith.index_cast %get3A_4698 : i32 to index
      %get3A_4700 = arith.constant 32 : index
      %get3A_4701 = tpu.vector_load %arg9[%get3A_4699, %get3A_4700] {strides = array<i32>} : memref<208x64xf32, #tpu.memory_space<vmem>>, vector<16xf32>,
      %add3A_4702 = arith.addf %add3A_4697, %get3A_4701 : vector<16xf32>
      %get3A_4703 = arith.constant 194 : i32
      %get3A_4704 = arith.index_cast %get3A_4703 : i32 to index
      %get3A_4705 = arith.constant 32 : index
      %get3A_4706 = tpu.vector_load %arg9[%get3A_4704, %get3A_4705] {strides = array<i32>} : memref<208x64xf32, #tpu.memory_space<vmem>>, vector<16xf32>,
      %add3A_4707 = arith.addf %add3A_4702, %get3A_4706 : vector<16xf32>
      %get3A_4708 = arith.constant 195 : i32
      %get3A_4709 = arith.index_cast %get3A_4708 : i32 to index
      %get3A_4710 = arith.constant 32 : index
      %get3A_4711 = tpu.vector_load %arg9[%get3A_4709, %get3A_4710] {strides = array<i32>} : memref<208x64xf32, #tpu.memory_space<vmem>>, vector<16xf32>,
      %add3A_4712 = arith.addf %add3A_4707, %get3A_4711 : vector<16xf32>
      %get3A_4713 = arith.constant 196 : i32
      %get3A_4714 = arith.index_cast %get3A_4713 : i32 to index
      %get3A_4715 = arith.constant 32 : index
      %get3A_4716 = tpu.vector_load %arg9[%get3A_4714, %get3A_4715] {strides = array<i32>} : memref<208x64xf32, #tpu.memory_space<vmem>>, vector<16xf32>,
      %add3A_4717 = arith.addf %add3A_4712, %get3A_4716 : vector<16xf32>
      %get3A_4718 = arith.constant 197 : i32
      %get3A_4719 = arith.index_cast %get3A_4718 : i32 to index
      %get3A_4720 = arith.constant 32 : index
      %get3A_4721 = tpu.vector_load %arg9[%get3A_4719, %get3A_4720] {strides = array<i32>} : memref<208x64xf32, #tpu.memory_space<vmem>>, vector<16xf32>,
      %add3A_4722 = arith.addf %add3A_4717, %get3A_4721 : vector<16xf32>
      %get3A_4723 = arith.constant 198 : i32
      %get3A_4724 = arith.index_cast %get3A_4723 : i32 to index
      %get3A_4725 = arith.constant 32 : index
      %get3A_4726 = tpu.vector_load %arg9[%get3A_4724, %get3A_4725] {strides = array<i32>} : memref<208x64xf32, #tpu.memory_space<vmem>>, vector<16xf32>,
      %add3A_4727 = arith.addf %add3A_4722, %get3A_4726 : vector<16xf32>
      %get3A_4728 = arith.constant 199 : i32
      %get3A_4729 = arith.index_cast %get3A_4728 : i32 to index
      %get3A_4730 = arith.constant 32 : index
      %get3A_4731 = tpu.vector_load %arg9[%get3A_4729, %get3A_4730] {strides = array<i32>} : memref<208x64xf32, #tpu.memory_space<vmem>>, vector<16xf32>,
      %add3A_4732 = arith.addf %add3A_4727, %get3A_4731 : vector<16xf32>
      %get3A_4733 = arith.constant 200 : i32
      %get3A_4734 = arith.index_cast %get3A_4733 : i32 to index
      %get3A_4735 = arith.constant 32 : index
      %get3A_4736 = tpu.vector_load %arg9[%get3A_4734, %get3A_4735] {strides = array<i32>} : memref<208x64xf32, #tpu.memory_space<vmem>>, vector<16xf32>,
      %add3A_4737 = arith.addf %add3A_4732, %get3A_4736 : vector<16xf32>
      %get3A_4738 = arith.constant 201 : i32
      %get3A_4739 = arith.index_cast %get3A_4738 : i32 to index
      %get3A_4740 = arith.constant 32 : index
      %get3A_4741 = tpu.vector_load %arg9[%get3A_4739, %get3A_4740] {strides = array<i32>} : memref<208x64xf32, #tpu.memory_space<vmem>>, vector<16xf32>,
      %add3A_4742 = arith.addf %add3A_4737, %get3A_4741 : vector<16xf32>
      %get3A_4743 = arith.constant 202 : i32
      %get3A_4744 = arith.index_cast %get3A_4743 : i32 to index
      %get3A_4745 = arith.constant 32 : index
      %get3A_4746 = tpu.vector_load %arg9[%get3A_4744, %get3A_4745] {strides = array<i32>} : memref<208x64xf32, #tpu.memory_space<vmem>>, vector<16xf32>,
      %add3A_4747 = arith.addf %add3A_4742, %get3A_4746 : vector<16xf32>
      %get3A_4748 = arith.constant 203 : i32
      %get3A_4749 = arith.index_cast %get3A_4748 : i32 to index
      %get3A_4750 = arith.constant 32 : index
      %get3A_4751 = tpu.vector_load %arg9[%get3A_4749, %get3A_4750] {strides = array<i32>} : memref<208x64xf32, #tpu.memory_space<vmem>>, vector<16xf32>,
      %add3A_4752 = arith.addf %add3A_4747, %get3A_4751 : vector<16xf32>
      %get3A_4753 = arith.constant 204 : i32
      %get3A_4754 = arith.index_cast %get3A_4753 : i32 to index
      %get3A_4755 = arith.constant 32 : index
      %get3A_4756 = tpu.vector_load %arg9[%get3A_4754, %get3A_4755] {strides = array<i32>} : memref<208x64xf32, #tpu.memory_space<vmem>>, vector<16xf32>,
      %add3A_4757 = arith.addf %add3A_4752, %get3A_4756 : vector<16xf32>
      %get3A_4758 = arith.constant 205 : i32
      %get3A_4759 = arith.index_cast %get3A_4758 : i32 to index
      %get3A_4760 = arith.constant 32 : index
      %get3A_4761 = tpu.vector_load %arg9[%get3A_4759, %get3A_4760] {strides = array<i32>} : memref<208x64xf32, #tpu.memory_space<vmem>>, vector<16xf32>,
      %add3A_4762 = arith.addf %add3A_4757, %get3A_4761 : vector<16xf32>
      %get3A_4763 = arith.constant 206 : i32
      %get3A_4764 = arith.index_cast %get3A_4763 : i32 to index
      %get3A_4765 = arith.constant 32 : index
      %get3A_4766 = tpu.vector_load %arg9[%get3A_4764, %get3A_4765] {strides = array<i32>} : memref<208x64xf32, #tpu.memory_space<vmem>>, vector<16xf32>,
      %add3A_4767 = arith.addf %add3A_4762, %get3A_4766 : vector<16xf32>
      %get3A_4768 = arith.constant 207 : i32
      %get3A_4769 = arith.index_cast %get3A_4768 : i32 to index
      %get3A_4770 = arith.constant 32 : index
      %get3A_4771 = tpu.vector_load %arg9[%get3A_4769, %get3A_4770] {strides = array<i32>} : memref<208x64xf32, #tpu.memory_space<vmem>>, vector<16xf32>,
      %add3A_4772 = arith.addf %add3A_4767, %get3A_4771 : vector<16xf32>
      %swap3A_4773 = arith.index_cast %scan3A_15 : i32 to index
      %swap3A_4774 = arith.constant 32 : index
      %swap3A_4775 = tpu.vector_load %arg10[%swap3A_4773, %swap3A_4774] {strides = array<i32>} : memref<128x64xf32, #tpu.memory_space<vmem>>, vector<16xf32>,
      tpu.vector_store %arg10[%swap3A_4773, %swap3A_4774], %add3A_4772 {strides = array<i32>} : memref<128x64xf32, #tpu.memory_space<vmem>>, vector<16xf32>,
      %get3A_4776 = arith.index_cast %scan3A_15 : i32 to index
      %get3A_4777 = arith.constant 48 : index
      %get3A_4778 = tpu.vector_load %arg10[%get3A_4776, %get3A_4777] {strides = array<i32>} : memref<128x64xf32, #tpu.memory_space<vmem>>, vector<16xf32>,
      %get3A_4779 = arith.constant 192 : i32
      %get3A_4780 = arith.index_cast %get3A_4779 : i32 to index
      %get3A_4781 = arith.constant 48 : index
      %get3A_4782 = tpu.vector_load %arg9[%get3A_4780, %get3A_4781] {strides = array<i32>} : memref<208x64xf32, #tpu.memory_space<vmem>>, vector<16xf32>,
      %add3A_4783 = arith.addf %get3A_4778, %get3A_4782 : vector<16xf32>
      %get3A_4784 = arith.constant 193 : i32
      %get3A_4785 = arith.index_cast %get3A_4784 : i32 to index
      %get3A_4786 = arith.constant 48 : index
      %get3A_4787 = tpu.vector_load %arg9[%get3A_4785, %get3A_4786] {strides = array<i32>} : memref<208x64xf32, #tpu.memory_space<vmem>>, vector<16xf32>,
      %add3A_4788 = arith.addf %add3A_4783, %get3A_4787 : vector<16xf32>
      %get3A_4789 = arith.constant 194 : i32
      %get3A_4790 = arith.index_cast %get3A_4789 : i32 to index
      %get3A_4791 = arith.constant 48 : index
      %get3A_4792 = tpu.vector_load %arg9[%get3A_4790, %get3A_4791] {strides = array<i32>} : memref<208x64xf32, #tpu.memory_space<vmem>>, vector<16xf32>,
      %add3A_4793 = arith.addf %add3A_4788, %get3A_4792 : vector<16xf32>
      %get3A_4794 = arith.constant 195 : i32
      %get3A_4795 = arith.index_cast %get3A_4794 : i32 to index
      %get3A_4796 = arith.constant 48 : index
      %get3A_4797 = tpu.vector_load %arg9[%get3A_4795, %get3A_4796] {strides = array<i32>} : memref<208x64xf32, #tpu.memory_space<vmem>>, vector<16xf32>,
      %add3A_4798 = arith.addf %add3A_4793, %get3A_4797 : vector<16xf32>
      %get3A_4799 = arith.constant 196 : i32
      %get3A_4800 = arith.index_cast %get3A_4799 : i32 to index
      %get3A_4801 = arith.constant 48 : index
      %get3A_4802 = tpu.vector_load %arg9[%get3A_4800, %get3A_4801] {strides = array<i32>} : memref<208x64xf32, #tpu.memory_space<vmem>>, vector<16xf32>,
      %add3A_4803 = arith.addf %add3A_4798, %get3A_4802 : vector<16xf32>
      %get3A_4804 = arith.constant 197 : i32
      %get3A_4805 = arith.index_cast %get3A_4804 : i32 to index
      %get3A_4806 = arith.constant 48 : index
      %get3A_4807 = tpu.vector_load %arg9[%get3A_4805, %get3A_4806] {strides = array<i32>} : memref<208x64xf32, #tpu.memory_space<vmem>>, vector<16xf32>,
      %add3A_4808 = arith.addf %add3A_4803, %get3A_4807 : vector<16xf32>
      %get3A_4809 = arith.constant 198 : i32
      %get3A_4810 = arith.index_cast %get3A_4809 : i32 to index
      %get3A_4811 = arith.constant 48 : index
      %get3A_4812 = tpu.vector_load %arg9[%get3A_4810, %get3A_4811] {strides = array<i32>} : memref<208x64xf32, #tpu.memory_space<vmem>>, vector<16xf32>,
      %add3A_4813 = arith.addf %add3A_4808, %get3A_4812 : vector<16xf32>
      %get3A_4814 = arith.constant 199 : i32
      %get3A_4815 = arith.index_cast %get3A_4814 : i32 to index
      %get3A_4816 = arith.constant 48 : index
      %get3A_4817 = tpu.vector_load %arg9[%get3A_4815, %get3A_4816] {strides = array<i32>} : memref<208x64xf32, #tpu.memory_space<vmem>>, vector<16xf32>,
      %add3A_4818 = arith.addf %add3A_4813, %get3A_4817 : vector<16xf32>
      %get3A_4819 = arith.constant 200 : i32
      %get3A_4820 = arith.index_cast %get3A_4819 : i32 to index
      %get3A_4821 = arith.constant 48 : index
      %get3A_4822 = tpu.vector_load %arg9[%get3A_4820, %get3A_4821] {strides = array<i32>} : memref<208x64xf32, #tpu.memory_space<vmem>>, vector<16xf32>,
      %add3A_4823 = arith.addf %add3A_4818, %get3A_4822 : vector<16xf32>
      %get3A_4824 = arith.constant 201 : i32
      %get3A_4825 = arith.index_cast %get3A_4824 : i32 to index
      %get3A_4826 = arith.constant 48 : index
      %get3A_4827 = tpu.vector_load %arg9[%get3A_4825, %get3A_4826] {strides = array<i32>} : memref<208x64xf32, #tpu.memory_space<vmem>>, vector<16xf32>,
      %add3A_4828 = arith.addf %add3A_4823, %get3A_4827 : vector<16xf32>
      %get3A_4829 = arith.constant 202 : i32
      %get3A_4830 = arith.index_cast %get3A_4829 : i32 to index
      %get3A_4831 = arith.constant 48 : index
      %get3A_4832 = tpu.vector_load %arg9[%get3A_4830, %get3A_4831] {strides = array<i32>} : memref<208x64xf32, #tpu.memory_space<vmem>>, vector<16xf32>,
      %add3A_4833 = arith.addf %add3A_4828, %get3A_4832 : vector<16xf32>
      %get3A_4834 = arith.constant 203 : i32
      %get3A_4835 = arith.index_cast %get3A_4834 : i32 to index
      %get3A_4836 = arith.constant 48 : index
      %get3A_4837 = tpu.vector_load %arg9[%get3A_4835, %get3A_4836] {strides = array<i32>} : memref<208x64xf32, #tpu.memory_space<vmem>>, vector<16xf32>,
      %add3A_4838 = arith.addf %add3A_4833, %get3A_4837 : vector<16xf32>
      %get3A_4839 = arith.constant 204 : i32
      %get3A_4840 = arith.index_cast %get3A_4839 : i32 to index
      %get3A_4841 = arith.constant 48 : index
      %get3A_4842 = tpu.vector_load %arg9[%get3A_4840, %get3A_4841] {strides = array<i32>} : memref<208x64xf32, #tpu.memory_space<vmem>>, vector<16xf32>,
      %add3A_4843 = arith.addf %add3A_4838, %get3A_4842 : vector<16xf32>
      %get3A_4844 = arith.constant 205 : i32
      %get3A_4845 = arith.index_cast %get3A_4844 : i32 to index
      %get3A_4846 = arith.constant 48 : index
      %get3A_4847 = tpu.vector_load %arg9[%get3A_4845, %get3A_4846] {strides = array<i32>} : memref<208x64xf32, #tpu.memory_space<vmem>>, vector<16xf32>,
      %add3A_4848 = arith.addf %add3A_4843, %get3A_4847 : vector<16xf32>
      %get3A_4849 = arith.constant 206 : i32
      %get3A_4850 = arith.index_cast %get3A_4849 : i32 to index
      %get3A_4851 = arith.constant 48 : index
      %get3A_4852 = tpu.vector_load %arg9[%get3A_4850, %get3A_4851] {strides = array<i32>} : memref<208x64xf32, #tpu.memory_space<vmem>>, vector<16xf32>,
      %add3A_4853 = arith.addf %add3A_4848, %get3A_4852 : vector<16xf32>
      %get3A_4854 = arith.constant 207 : i32
      %get3A_4855 = arith.index_cast %get3A_4854 : i32 to index
      %get3A_4856 = arith.constant 48 : index
      %get3A_4857 = tpu.vector_load %arg9[%get3A_4855, %get3A_4856] {strides = array<i32>} : memref<208x64xf32, #tpu.memory_space<vmem>>, vector<16xf32>,
      %add3A_4858 = arith.addf %add3A_4853, %get3A_4857 : vector<16xf32>
      %swap3A_4859 = arith.index_cast %scan3A_15 : i32 to index
      %swap3A_4860 = arith.constant 48 : index
      %swap3A_4861 = tpu.vector_load %arg10[%swap3A_4859, %swap3A_4860] {strides = array<i32>} : memref<128x64xf32, #tpu.memory_space<vmem>>, vector<16xf32>,
      tpu.vector_store %arg10[%swap3A_4859, %swap3A_4860], %add3A_4858 {strides = array<i32>} : memref<128x64xf32, #tpu.memory_space<vmem>>, vector<16xf32>,
    }
    %scan3A_14 = arith.constant 128 : i32
    "tpu.region"() ({
      %run_scoped3A = tpu.sem_alloc : memref<!tpu.dma_semaphore, #tpu.memory_space<semaphore_mem>>
      %dma_start3A = arith.constant 0 : i32
      %dma_start3A_15 = tpu.memref_slice %arg5[%mul3A_2, %dma_start3A] : memref<4096x64xf32, #tpu.memory_space<hbm>> -> memref<128x64xf32, #tpu.memory_space<hbm>>
      %dma_start3A_16 = arith.constant 0 : i32
      %dma_start3A_17 = tpu.memref_slice %arg5[%mul3A_2, %dma_start3A_16] : memref<4096x64xf32, #tpu.memory_space<hbm>> -> memref<128x64xf32, #tpu.memory_space<hbm>>
      tpu.enqueue_dma source(%arg10 : memref<128x64xf32, #tpu.memory_space<vmem>>) target(%dma_start3A_17 : memref<128x64xf32, #tpu.memory_space<hbm>>) target_semaphore(%run_scoped3A : memref<!tpu.dma_semaphore, #tpu.memory_space<semaphore_mem>>)
      %dma_wait3A = arith.constant 0 : i32
      %dma_wait3A_18 = tpu.memref_slice %arg5[%mul3A_2, %dma_wait3A] : memref<4096x64xf32, #tpu.memory_space<hbm>> -> memref<128x64xf32, #tpu.memory_space<hbm>>
      %dma_wait3A_19 = arith.constant 0 : i32
      %dma_wait3A_20 = tpu.memref_slice %arg5[%mul3A_2, %dma_wait3A_19] : memref<4096x64xf32, #tpu.memory_space<hbm>> -> memref<128x64xf32, #tpu.memory_space<hbm>>
      tpu.wait_dma2 semaphore(%run_scoped3A : memref<!tpu.dma_semaphore, #tpu.memory_space<semaphore_mem>>) src(%arg10 : memref<128x64xf32, #tpu.memory_space<vmem>>) dst(%dma_wait3A_20 : memref<128x64xf32, #tpu.memory_space<hbm>>)
      tpu.yield
    }) : () -> ()
    return
  }
}

module attributes {stable_mosaic.version = 14 : i64} {
  func.func @_tc_body(%arg0: memref<4096x64xf32, #tpu.memory_space<vmem>>, %arg1: memref<4096x200xi32, #tpu.memory_space<vmem>>, %arg2: memref<64x2xf32, #tpu.memory_space<vmem>>, %arg3: memref<1x2xf32, #tpu.memory_space<vmem>>, %arg4: memref<4096x2xf32, #tpu.memory_space<vmem>>) attributes {dimension_semantics = [], scalar_prefetch = 0 : i64, scratch_operands = 0 : i64, tpu.core_type = #tpu.core_type<tc>} {
    %get3A = arith.constant 0 : index
    %get3A_0 = arith.constant 0 : index
    %get3A_1 = vector.load %arg1[%get3A, %get3A_0] : memref<4096x200xi32, #tpu.memory_space<vmem>>, vector<4096x200xi32>
    %convert_element_type3A = arith.sitofp %get3A_1 : vector<4096x200xi32> to vector<4096x200xf32>
    %reduce_sum3A = arith.constant dense<0.000000e+00> : vector<4096xf32>
    %reduce_sum3A_2 = vector.multi_reduction <add>, %convert_element_type3A, %reduce_sum3A [1] : vector<4096x200xf32> to vector<4096xf32>
    %broadcast_in_dim3A = vector.shape_cast %reduce_sum3A_2 : vector<4096xf32> to vector<4096x1xf32>
    %get3A_3 = arith.constant 0 : index
    %get3A_4 = arith.constant 0 : index
    %get3A_5 = vector.load %arg0[%get3A_3, %get3A_4] : memref<4096x64xf32, #tpu.memory_space<vmem>>, vector<4096x64xf32>
    %div3A = vector.broadcast %broadcast_in_dim3A : vector<4096x1xf32> to vector<4096x64xf32>
    %div3A_6 = arith.divf %get3A_5, %div3A : vector<4096x64xf32>
    %get3A_7 = arith.constant 0 : index
    %get3A_8 = arith.constant 0 : index
    %get3A_9 = vector.load %arg2[%get3A_7, %get3A_8] : memref<64x2xf32, #tpu.memory_space<vmem>>, vector<64x2xf32>
    %dot_general3A = arith.constant dense<0.000000e+00> : vector<4096x2xf32>
    %dot_general3A_10 = tpu.matmul %div3A_6, %get3A_9, %dot_general3A {dimension_numbers = #tpu.dot_dimension_numbers<[1], [0], [0], [1], [0, 0, 1, 1], [], []>, transpose_lhs_hint = false} : vector<4096x64xf32>, vector<64x2xf32>, vector<4096x2xf32> -> vector<4096x2xf32>
    %get3A_11 = arith.constant 0 : index
    %get3A_12 = arith.constant 0 : index
    %get3A_13 = vector.load %arg3[%get3A_11, %get3A_12] : memref<1x2xf32, #tpu.memory_space<vmem>>, vector<1x2xf32>
    %add3A = vector.broadcast %get3A_13 : vector<1x2xf32> to vector<4096x2xf32>
    %add3A_14 = arith.addf %dot_general3A_10, %add3A : vector<4096x2xf32>
    %swap3A = arith.constant 0 : index
    %swap3A_15 = arith.constant 0 : index
    %swap3A_16 = vector.load %arg4[%swap3A, %swap3A_15] : memref<4096x2xf32, #tpu.memory_space<vmem>>, vector<4096x2xf32>
    tpu.vector_store %arg4[%swap3A, %swap3A_15], %add3A_14 {strides = array<i32>} : memref<4096x2xf32, #tpu.memory_space<vmem>>, vector<4096x2xf32>,
    return
  }
}

</mosaic_0001>

<sc_bundles>
// kernel: kernel.4.cloned.1.call-start
scs
__scs_entry_jumppad:
0x0: {  	(pc) =	sbr.rel $0x88, $3  }
0x1: {  	(tag) =	ssettag $0x0;
	lr =	simm.s32 $0x1  }
0x2: {  	[smem:$0x3F9C] =	sst lr;
	_ =	strace $0xD0000000  }
0x3: {  	_ = 	snop  }
0x4: {  	_ = 	snop  }
0x5: {  	_ = 	snop  }
0x6: {  	_ = 	snop  }
0x7: {  	_ = 	snop  }
__scs_overlays_trampoline_lowered:
0x8: {  	[smem:$0x3FAB] =	sst s0  }
0x9: {  	[smem:$0x3FAC] =	sst s1  }
0xa: {  	[smem:$0x3FAD] =	sst s2  }
0xb: {  	[smem:$0x3FAE] =	sst s3  }
0xc: {  	[smem:$0x3FAF] =	sst s4  }
0xd: {  	[smem:$0x3FB0] =	sst s5  }
0xe: {  	[smem:$0x3FB1] =	sst s6  }
0xf: {  	[smem:$0x3FB2] =	sst s7  }
0x10: {  	[smem:$0x3FB3] =	sst s8  }
0x11: {  	[smem:$0x3FB4] =	sst s9;
	s0 =	simm.s32 @!p0 $0x0  }
0x12: {  	s1 =	sld [smem:$0x3F9A];
	s0 =	simm.s32 @p0 $0x1  }
0x13: {  	[smem:$0x3FB5] =	sst s0;
	s0 =	simm.s32 @!p1 $0x0  }
0x14: {  	s2 =	sld [smem:$0x3F99];
	s0 =	simm.s32 @p1 $0x1  }
0x15: {  	[smem:$0x3FB6] =	sst s0;
	s0 =	simm.s32 @!p2 $0x0  }
0x16: {  	s3 =	sld [smem:$0x3FDB];
	s0 =	simm.s32 @p2 $0x1  }
0x17: {  	s4 =	simm.s32 $0x1BF5;
	[smem:$0x3FB8] =	sst s0  }
0x18: {  	s0 =	sld [smem:$0x3F9B];
	_ =	swait.ge [sflag:s4], $0x0  }
0x19: {  	s7 =	sld [smem:$0x3F9C]  }
0x1a: {  	s8 =	sadd.s32 $0xFFFFE003, lr  }
0x1b: {  	s9 =	sadd.s32 $0xFFFFFEF7, lr;
	s5 =	simm.s32 $0xFFFFFFFF;
	p2 =	slt.u32 s8, $0xFFFFF086  }
0x1c: {  	p1 =	slt.u32 s9, $0xF7A;
	s5 =	simm.s32 @!p2 $0x0  }
0x1d: {  	s5 =	simm.s32 @p1 $0x1;
	p0 =	seq.s32 s7, s2  }
0x1e: {  	s7 =	smul.u32 @!p0 $0xF7A, s2;
	p2 =	seq.s32 @!p0 s5, $0x0  }
0x1f: {  	s9 =	smul.u32 $0xF7A, s1;
	s8 =	simm.s32 @!p0 $0x1BF5;
	p2 =	por !p2, p0  }
0x20: {  	[sflag:s8] =	ssyncset.s32 @!p0 $0xFFFFF086;
	s6 =	sadd.s32 @!p0 s3, s7;
	s7 =	simm.s32 @!p0 $0x108  }
0x21: {  	s3 =	sadd.s32 s3, s9;
	s6 =	sadd.s32 @!p0 $0x88, s6;
	s7 =	simm.s32 @p2 $0x1082  }
0x22: {  	[simem:s7], [sflag:s8] =	dma.local @!p0 [hbm:s6], $0xF7A  }
0x23: {  	s9 =	sor.u32 $0xD0000000, s2;
	s6 =	simm.s32 $0x108;
	_ =	swait.ge @!p0 [sflag:s8], $0x0  }
0x24: {  	s3 =	sadd.s32 $0x88, s3;
	s6 =	simm.s32 @!p1 $0x1082;
	[sflag:s4] =	ssyncset.s32 $0xFFFFF086  }
0x25: {  	[simem:s6], [sflag:s4] =	dma.local [hbm:s3], $0xF7A  }
0x26: {  	[smem:$0x3F9C] =	sst s1;
	(tag) =	ssettag s2;
	_ =	strace s9  }
0x27: {  	s1 =	sld [smem:$0x3FAC]  }
0x28: {  	s2 =	sld [smem:$0x3FAD]  }
0x29: {  	s4 =	sld [smem:$0x3FAF]  }
0x2a: {  	p0 =	seq.s32 s5, $0x0;
	s5 =	sld [smem:$0x3FB0]  }
0x2b: {  	s6 =	sld [smem:$0x3FB1]  }
0x2c: {  	s7 =	sld [smem:$0x3FB2]  }
0x2d: {  	s3 =	simm.s32 $0x108;
	s8 =	sld [smem:$0x3FB3]  }
0x2e: {  	s3 =	simm.s32 @!p0 $0x1082;
	s9 =	sld [smem:$0x3FB4]  }
0x2f: {  	lr =	sadd.s32 s0, s3;
	s0 =	sld [smem:$0x3FAB]  }
0x30: {  	s3 =	sld [smem:$0x3FAE]  }
0x31: {  	[smem:$0x3FB7] =	sst s10  }
0x32: {  	s10 =	sld [smem:$0x3FB5];
	_ =	sdelay $0x3  }
0x33: {  	p0 =	seq.s32 s10, $0x1;
	s10 =	sld [smem:$0x3FB7];
	_ =	sdelay $0x3  }
0x34: {  	[smem:$0x3FB7] =	sst s10  }
0x35: {  	s10 =	sld [smem:$0x3FB6];
	_ =	sdelay $0x3  }
0x36: {  	p1 =	seq.s32 s10, $0x1;
	s10 =	sld [smem:$0x3FB7];
	_ =	sdelay $0x3  }
0x37: {  	[smem:$0x3FB7] =	sst s10  }
0x38: {  	s10 =	sld [smem:$0x3FB8]  }
0x39: {  	_ = 	snop;
	(pc) =	sbr.ind lr, $3  }
0x3a: {  	_ = 	snop  }
0x3b: {  	_ = 	snop  }
0x3c: {  	p2 =	seq.s32 s10, $0x1;
	s10 =	sld [smem:$0x3FB7]  }
0x3d: {  	_ =	shalt  }
0x3e: {  	_ =	shalt  }
0x3f: {  	_ =	shalt  }
0x40: {  	_ =	shalt  }
0x41: {  	_ =	shalt  }
0x42: {  	_ =	shalt  }
0x43: {  	_ =	shalt  }
0x44: {  	_ =	shalt  }
0x45: {  	_ =	shalt  }
0x46: {  	_ =	shalt  }
0x47: {  	_ =	shalt  }
0x48: {  	_ =	shalt  }
0x49: {  	_ =	shalt  }
0x4a: {  	_ =	shalt  }
0x4b: {  	_ =	shalt  }
0x4c: {  	_ =	shalt  }
0x4d: {  	_ =	shalt  }
0x4e: {  	_ =	shalt  }
0x4f: {  	_ =	shalt  }
0x50: {  	_ =	shalt  }
0x51: {  	_ =	shalt  }
0x52: {  	_ =	shalt  }
0x53: {  	_ =	shalt  }
0x54: {  	_ =	shalt  }
0x55: {  	_ =	shalt  }
0x56: {  	_ =	shalt  }
0x57: {  	_ =	shalt  }
0x58: {  	_ =	shalt  }
0x59: {  	_ =	shalt  }
0x5a: {  	_ =	shalt  }
0x5b: {  	_ =	shalt  }
0x5c: {  	_ =	shalt  }
0x5d: {  	_ =	shalt  }
0x5e: {  	_ =	shalt  }
0x5f: {  	_ =	shalt  }
0x60: {  	_ =	shalt  }
0x61: {  	_ =	shalt  }
0x62: {  	_ =	shalt  }
0x63: {  	_ =	shalt  }
0x64: {  	_ =	shalt  }
0x65: {  	_ =	shalt  }
0x66: {  	_ =	shalt  }
0x67: {  	_ =	shalt  }
0x68: {  	_ =	shalt  }
0x69: {  	_ =	shalt  }
0x6a: {  	_ =	shalt  }
0x6b: {  	_ =	shalt  }
0x6c: {  	_ =	shalt  }
0x6d: {  	_ =	shalt  }
0x6e: {  	_ =	shalt  }
0x6f: {  	_ =	shalt  }
0x70: {  	_ =	shalt  }
0x71: {  	_ =	shalt  }
0x72: {  	_ =	shalt  }
0x73: {  	_ =	shalt  }
0x74: {  	_ =	shalt  }
0x75: {  	_ =	shalt  }
0x76: {  	_ =	shalt  }
0x77: {  	_ =	shalt  }
0x78: {  	_ =	shalt  }
0x79: {  	_ =	shalt  }
0x7a: {  	_ =	shalt  }
0x7b: {  	_ =	shalt  }
0x7c: {  	_ =	shalt  }
0x7d: {  	_ =	shalt  }
0x7e: {  	_ =	shalt  }
0x7f: {  	_ =	shalt  }
0x80: {  	_ =	shalt  }
0x81: {  	_ =	shalt  }
0x82: {  	_ =	shalt  }
0x83: {  	_ =	shalt  }
0x84: {  	_ =	shalt  }
0x85: {  	_ =	shalt  }
0x86: {  	_ =	shalt  }
0x87: {  	_ =	shalt  }
.Lfunc_end0:
.L_simem_size_0:
called_computation_lowered:
.L_overlay_start_0:
0x88: {  	s2 =	sld [smem:$0x3FD9]  }
0x89: {  	s3 =	sld [smem:$0x3FFE];
	_ =	sdelay $0x1  }
0x8a: {  	s1 =	srdreg.scid  }
0x8b: {  	s0 =	sand.u32 $0x1, s1  }
0x8c: {  	s16 =	sshll.u32 s0, $0xA;
	s2 =	sadd.s32 s3, s2  }
0x8d: {  	s2 =	sadd.s32 s2, s16  }
0x8e: {  	[smem:$0x3FC3] =	sst s2  }
0x8f: {  	_ = 	snop  }
0x90: {  	(tm) =	ssettm $0x1  }
0x91: {  	s17 =	sld [smem:$0x3FFB];
	_ =	sdelay $0x3  }
0x92: {  	_ =	strace s17  }
0x93: {  	s2 =	sld [smem:$0x3FFC];
	_ =	sdelay $0x3  }
0x94: {  	_ =	strace s2  }
0x95: {  	s2 =	sld [smem:$0x3FFD];
	_ =	sdelay $0x3  }
0x96: {  	_ =	strace s2  }
0x97: {  	_ =	strace $0x8FFFFFFF  }
0x98: {  	s18 =	sld [smem:$0x3FDB];
	_ =	sdelay $0x1  }
0x99: {  	s19 =	simm.s32 $_scs_section_size  }
0x9a: {  	s4 =	simm.s32 $_size__tile_overlayer_lowered;
	s5 =	simm.s32 $_tile_overlayer_lowered  }
0x9b: {  	s22 =	simm.s32 $0x1BFF;
	s21 =	sshll.u32 s5, $0x1;
	s2 =	sadd.s32 s19, s18  }
0x9c: {  	s6 =	simm.s32 $0x0;
	s20 =	sshll.u32 s4, $0x1;
	s4 =	sadd.s32 s21, s2  }
0x9d: {  	[timem:s6], [sflag:s22] =	dma.local [hbm:s4], s20  }
0x9e: {  	_ =	swait.ge [sflag:s22], s20  }
0x9f: {  	s3 =	ssub.s32 $0x0, s20;
	[sflag:s22] =	ssyncset.done $0x0  }
0xa0: {  	[sflag:s22] =	ssyncadd.s32 s3;
	_ =	sdelay $0x1  }
0xa1: {  	s23 =	simm.s32 $0x1B8B  }
0xa2: {  	_ =	swait.ge [sflag:s23], $0x1  }
0xa3: {  	[sflag:s23] =	ssyncset.done $0x0  }
0xa4: {  	s25 =	simm.s32 $0x1B8E;
	s24 =	sld [smem:$0x3FFE];
	[sflag:s23] =	ssyncadd.s32 $0xFFFFFFFF  }
0xa5: {  	s26 =	simm.s32 $execute0_lowered;
	[smem:$0x3FD2] =	sst s25  }
0xa6: {  	s4 =	sshll.u32 s26, $0x1;
	_ =	strace $0x80000046;
	[dreg:$0x1] =	wrdreg $0xFFFFFFFF  }
0xa7: {  	s28 =	simm.s32 $_size_execute0_lowered;
	s2 =	sadd.s32 s2, s4;
	[dreg:$0x0] =	wrdreg $0x0  }
0xa8: {  	s4 =	sshll.u32 s28, $0x1;
	[dreg:$0x2] =	wrdreg s2  }
0xa9: {  	[dreg:$0x3] =	wrdreg s4  }
0xaa: {  	[dreg:$0x4] =	wrdreg $0xC0  }
0xab: {  	_ =	task [dreg:s6], $0x5FFFF  }
0xac: {  	[dreg:$0x1] =	wrdreg $0xFFFFFFFF  }
0xad: {  	[dreg:$0x0] =	wrdreg $0x60  }
0xae: {  	[dreg:$0x2] =	wrdreg s24  }
0xaf: {  	[dreg:$0x3] =	wrdreg $0x9  }
0xb0: {  	_ =	task.clear_ibuf [dreg:s6], $0x4FFFF;
	_ =	strace $0x90000046  }
0xb1: {  	s29 =	simm.s32 $0x9;
	_ =	strace $0x80000048  }
0xb2: {  	_ =	swait.ge [sflag:s29], $0x1  }
0xb3: {  	[sflag:s29] =	ssyncadd.s32 $0xFFFFFFFF  }
0xb4: {  	_ =	strace $0x90000048  }
0xb5: {  	_ =	sfence  }
0xb6: {  	s30 =	sld [smem:$0x0];
	_ =	sdelay $0x2  }
0xb7: {  	s31 =	sshll.u32 s1, $0xD;
	s1 =	sshrl.u32 s1, $0x2  }
0xb8: {  	s3 =	sand.u32 $0x4000, s31;
	s1 =	sadd.s32 s1, s30  }
0xb9: {  	s0 =	sor.u32 s3, s0;
	s1 =	sshll.u32 s1, $0x11  }
0xba: {  	s0 =	sor.u32 s1, s0  }
0xbb: {  	s0 =	sadd.s32 $0x8F2B, s0  }
0xbc: {  	[sflag:s0] =	ssyncadd.remote.s32 $0x1  }
0xbd: {  	_ =	sfence.sel $0xFFFF  }
0xbe: {  	[dreg:$0x0] =	wrdreg $0xFFFFFFFF;
	(pc) =	sbr.abs _section_cstart, $3  }
0xbf: {  	[dreg:$0x1] =	wrdreg $0xFFFFFFFF  }
0xc0: {  	_ =	task.clear_ibuf [dreg:s6], $0x2FFFF;
	_ =	strace $0x9FFFFFFF  }
0xc1: {  	(tm) =	ssettm $0x7FFFFFFF  }
tec
execute0_lowered:
.L_overlay_start_1:
0x0: {  	(tag) =	ssettag $0x1  }
0x1: {  	s1 =	srdreg.scid  }
0x2: {  	s0 =	stileid.u32;
	s4 =	rddreg [dreg:$0x0]  }
0x3: {  	s2 =	simm.s32 $0x0;
	s10 =	simm.s32 $0xC800;
	s11 =	simm.s32 $0xD0  }
0x4: {  	s12 =	simm.s32 $0xC8E0;
	s13 =	simm.s32 $0x1;
	s14 =	simm.s32 $0xFCE0  }
0x5: {  	s3 =	sand.u32 $0x1, s1;
	s5 =	sshll.u32 s0, $0x1;
	s1 =	rddreg [dreg:$0x1]  }
0x6: {  	s15 =	simm.s32 $0x0;
	[smem:$0x7FF] =	sst s2;
	s5 =	sor.u32 s3, s5  }
0x7: {  	_ =	strace $0x80000047;
	s7 =	ssub.s32 $0x2, s3;
	s6 =	smul.u32 $0xC80, s5  }
0x8: {  	s3 =	sadd.s32 $0xF7C200, s4;
	s5 =	sshll.u32 s5, $0xA;
	s8 =	sshrl.u32 s7, $0x1  }
0x9: {  	s9 =	sadd.s32 s5, s4;
	s7 =	ssub.s32 s7, s8;
	s6 =	sadd.s32 s6, s4  }
0xa: {  	v0 =	vimm.s32 $0x1;
	s8 =	simm.s32 $0x2;
	s7 =	smax.u32 s7, $0x1;
	s4 =	sadd.s32 $0x39E00, s6  }
0xb: {  	v1 =	vimm.s32 $0x0;
	vm0 =	vmmov $0xff;
	v2 =	vimm.f32 $0.0e+00;
	s5 =	sadd.s32 $0x20E00, s6;
	s6 =	sadd.s32 $0x52E00, s9;
	s9 =	simm.s32 $0x6400  }
.LBB2_1:
0xc: {  	[tilespmem:s2], [sflag:$0x2] =	stream.linear.gather [hbm4b:s4+s2], $0x6400, $0x38;
	[tilespmem:$0x11CE0] =	vst v63  }
0xd: {  	_ =	swait.ge [sflag:s8], $0x6400  }
0xe: {  	[sflag:s8] =	ssyncset.done $0x0  }
0xf: {  	[sflag:s8] =	ssyncadd.s32 $0xFFFF9C00  }
0x10: {  	[tilespmem:s9], [sflag:$0x2] =	stream.linear.gather [hbm4b:s5+s2], $0x6400, $0x38;
	[tilespmem:$0x11CE0] =	vst v63  }
0x11: {  	_ =	swait.ge [sflag:s8], $0x6400  }
0x12: {  	[sflag:s8] =	ssyncset.done $0x0  }
0x13: {  	s16 =	simm.s32 $0x2E0;
	s17 =	simm.s32 $0xFD00;
	[sflag:s8] =	ssyncadd.s32 $0xFFFF9C00  }
.LBB2_2:
0x14: {  	[tilespmem:$0xC800] =	vst v0  }
0x15: {  	[tilespmem:$0xC810] =	vst v0  }
0x16: {  	[tilespmem:$0xC820] =	vst v0  }
0x17: {  	[tilespmem:$0xC830] =	vst v0  }
0x18: {  	[tilespmem:$0xC840] =	vst v0  }
0x19: {  	[tilespmem:$0xC850] =	vst v0  }
0x1a: {  	[tilespmem:$0xC860] =	vst v0  }
0x1b: {  	[tilespmem:$0xC870] =	vst v0  }
0x1c: {  	[tilespmem:$0xC880] =	vst v0  }
0x1d: {  	[tilespmem:$0xC890] =	vst v0  }
0x1e: {  	[tilespmem:$0xC8A0] =	vst v0  }
0x1f: {  	[tilespmem:$0xC8B0] =	vst v0  }
0x20: {  	[tilespmem:$0xC8C0] =	vst v0  }
0x21: {  	[tilespmem:$0xC8D0] =	vst v0;
	s18 =	sshra.s32 s16, $0x2  }
0x22: {  	v3 =	vld [tilespmem:s18+$0x6348];
	_ =	sdelay $0x4  }
0x23: {  	vm1 =	vne.s32 v3, $0x0  }
0x24: {  	v3 =	vsel vm1, $0x1, v1  }
0x25: {  	(xrf0) =	vadd.scan.msk.s32 $0xffff, v3;
	_ =	sdelay $0x5  }
0x26: {  	v3, _, _ =	vpop (xrf0)  }
0x27: {  	v4 =	vld [tilespmem:s18+$0xFFFFFF48];
	v3 =	vadd.s32 $0xFFFFFFFF, v3;
	_ =	sdelay $0x4  }
0x28: {  	[tilespmem:v3+s10+$0x0] =	vst.idx.msk vm1, v4  }
0x29: {  	v3 =	vld [tilespmem:s18+$0x6358];
	_ =	sdelay $0x4  }
0x2a: {  	vm2 =	vne.s32 v3, $0x0  }
0x2b: {  	v3 =	vsel vm2, $0x1, v1  }
0x2c: {  	(xrf0) =	vadd.scan.msk.s32 $0xffff, v3;
	_ =	sdelay $0x3  }
0x2d: {  	v3 =	vmpcnt.ones.xlane vm1;
	_ =	sdelay $0x1  }
0x2e: {  	v3 =	vadd.s32 $0xFFFFFFFF, v3;
	v42, _, _ =	vpop (xrf0)  }
0x2f: {  	v5 =	vld [tilespmem:s18+$0xFFFFFF58];
	v4 =	vadd.s32 v42, v3;
	_ =	sdelay $0x4  }
0x30: {  	[tilespmem:v4+s10+$0x0] =	vst.idx.msk vm2, v5  }
0x31: {  	v4 =	vld [tilespmem:s18+$0x6368];
	_ =	sdelay $0x4  }
0x32: {  	vm1 =	vne.s32 v4, $0x0  }
0x33: {  	v4 =	vsel vm1, $0x1, v1  }
0x34: {  	(xrf0) =	vadd.scan.msk.s32 $0xffff, v4;
	_ =	sdelay $0x3  }
0x35: {  	v43 =	vmpcnt.ones.xlane vm2;
	_ =	sdelay $0x1  }
0x36: {  	v3 =	vadd.s32 v43, v3;
	v44, _, _ =	vpop (xrf0)  }
0x37: {  	v45 =	vld [tilespmem:s18+$0xFFFFFF68];
	v5 =	vadd.s32 v44, v3;
	_ =	sdelay $0x4  }
0x38: {  	[tilespmem:v5+s10+$0x0] =	vst.idx.msk vm1, v45  }
0x39: {  	v4 =	vld [tilespmem:s18+$0x6378];
	_ =	sdelay $0x4  }
0x3a: {  	vm2 =	vne.s32 v4, $0x0  }
0x3b: {  	v4 =	vsel vm2, $0x1, v1  }
0x3c: {  	(xrf0) =	vadd.scan.msk.s32 $0xffff, v4;
	_ =	sdelay $0x3  }
0x3d: {  	v46 =	vmpcnt.ones.xlane vm1;
	_ =	sdelay $0x1  }
0x3e: {  	v3 =	vadd.s32 v46, v3;
	v47, _, _ =	vpop (xrf0)  }
0x3f: {  	v48 =	vld [tilespmem:s18+$0xFFFFFF78];
	v5 =	vadd.s32 v47, v3;
	_ =	sdelay $0x4  }
0x40: {  	[tilespmem:v5+s10+$0x0] =	vst.idx.msk vm2, v48  }
0x41: {  	v4 =	vld [tilespmem:s18+$0x6388];
	_ =	sdelay $0x4  }
0x42: {  	vm1 =	vne.s32 v4, $0x0  }
0x43: {  	v4 =	vsel vm1, $0x1, v1  }
0x44: {  	(xrf0) =	vadd.scan.msk.s32 $0xffff, v4;
	_ =	sdelay $0x3  }
0x45: {  	v49 =	vmpcnt.ones.xlane vm2;
	_ =	sdelay $0x1  }
0x46: {  	v3 =	vadd.s32 v49, v3;
	v50, _, _ =	vpop (xrf0)  }
0x47: {  	v51 =	vld [tilespmem:s18+$0xFFFFFF88];
	v5 =	vadd.s32 v50, v3;
	_ =	sdelay $0x4  }
0x48: {  	[tilespmem:v5+s10+$0x0] =	vst.idx.msk vm1, v51  }
0x49: {  	v4 =	vld [tilespmem:s18+$0x6398];
	_ =	sdelay $0x4  }
0x4a: {  	vm2 =	vne.s32 v4, $0x0  }
0x4b: {  	v4 =	vsel vm2, $0x1, v1  }
0x4c: {  	(xrf0) =	vadd.scan.msk.s32 $0xffff, v4;
	_ =	sdelay $0x3  }
0x4d: {  	v52 =	vmpcnt.ones.xlane vm1;
	_ =	sdelay $0x1  }
0x4e: {  	v3 =	vadd.s32 v52, v3;
	v53, _, _ =	vpop (xrf0)  }
0x4f: {  	v54 =	vld [tilespmem:s18+$0xFFFFFF98];
	v5 =	vadd.s32 v53, v3;
	_ =	sdelay $0x4  }
0x50: {  	[tilespmem:v5+s10+$0x0] =	vst.idx.msk vm2, v54  }
0x51: {  	v4 =	vld [tilespmem:s18+$0x63A8];
	_ =	sdelay $0x4  }
0x52: {  	vm1 =	vne.s32 v4, $0x0  }
0x53: {  	v4 =	vsel vm1, $0x1, v1  }
0x54: {  	(xrf0) =	vadd.scan.msk.s32 $0xffff, v4;
	_ =	sdelay $0x3  }
0x55: {  	v55 =	vmpcnt.ones.xlane vm2;
	_ =	sdelay $0x1  }
0x56: {  	v3 =	vadd.s32 v55, v3;
	v56, _, _ =	vpop (xrf0)  }
0x57: {  	v57 =	vld [tilespmem:s18+$0xFFFFFFA8];
	v5 =	vadd.s32 v56, v3;
	_ =	sdelay $0x4  }
0x58: {  	[tilespmem:v5+s10+$0x0] =	vst.idx.msk vm1, v57  }
0x59: {  	v4 =	vld [tilespmem:s18+$0x63B8];
	_ =	sdelay $0x4  }
0x5a: {  	vm2 =	vne.s32 v4, $0x0  }
0x5b: {  	v4 =	vsel vm2, $0x1, v1  }
0x5c: {  	(xrf0) =	vadd.scan.msk.s32 $0xffff, v4;
	_ =	sdelay $0x3  }
0x5d: {  	v58 =	vmpcnt.ones.xlane vm1;
	_ =	sdelay $0x1  }
0x5e: {  	v3 =	vadd.s32 v58, v3;
	v59, _, _ =	vpop (xrf0)  }
0x5f: {  	v60 =	vld [tilespmem:s18+$0xFFFFFFB8];
	v5 =	vadd.s32 v59, v3;
	_ =	sdelay $0x4  }
0x60: {  	[tilespmem:v5+s10+$0x0] =	vst.idx.msk vm2, v60  }
0x61: {  	v4 =	vld [tilespmem:s18+$0x63C8];
	_ =	sdelay $0x4  }
0x62: {  	vm1 =	vne.s32 v4, $0x0  }
0x63: {  	v4 =	vsel vm1, $0x1, v1  }
0x64: {  	(xrf0) =	vadd.scan.msk.s32 $0xffff, v4;
	_ =	sdelay $0x3  }
0x65: {  	v61 =	vmpcnt.ones.xlane vm2;
	_ =	sdelay $0x1  }
0x66: {  	v3 =	vadd.s32 v61, v3;
	v62, _, _ =	vpop (xrf0)  }
0x67: {  	v63 =	vld [tilespmem:s18+$0xFFFFFFC8];
	v5 =	vadd.s32 v62, v3;
	_ =	sdelay $0x4  }
0x68: {  	[tilespmem:v5+s10+$0x0] =	vst.idx.msk vm1, v63  }
0x69: {  	v4 =	vld [tilespmem:s18+$0x63D8];
	_ =	sdelay $0x4  }
0x6a: {  	vm2 =	vne.s32 v4, $0x0  }
0x6b: {  	v4 =	vsel vm2, $0x1, v1  }
0x6c: {  	(xrf0) =	vadd.scan.msk.s32 $0xffff, v4;
	_ =	sdelay $0x3  }
0x6d: {  	v8 =	vmpcnt.ones.xlane vm1;
	_ =	sdelay $0x1  }
0x6e: {  	v3 =	vadd.s32 v8, v3;
	v9, _, _ =	vpop (xrf0)  }
0x6f: {  	v10 =	vld [tilespmem:s18+$0xFFFFFFD8];
	v5 =	vadd.s32 v9, v3;
	_ =	sdelay $0x4  }
0x70: {  	[tilespmem:v5+s10+$0x0] =	vst.idx.msk vm2, v10  }
0x71: {  	v4 =	vld [tilespmem:s18+$0x63E8];
	_ =	sdelay $0x4  }
0x72: {  	vm1 =	vne.s32 v4, $0x0  }
0x73: {  	v4 =	vsel vm1, $0x1, v1  }
0x74: {  	(xrf0) =	vadd.scan.msk.s32 $0xffff, v4;
	_ =	sdelay $0x3  }
0x75: {  	v11 =	vmpcnt.ones.xlane vm2;
	_ =	sdelay $0x1  }
0x76: {  	v3 =	vadd.s32 v11, v3;
	v12, _, _ =	vpop (xrf0)  }
0x77: {  	v13 =	vld [tilespmem:s18+$0xFFFFFFE8];
	v5 =	vadd.s32 v12, v3;
	_ =	sdelay $0x4  }
0x78: {  	[tilespmem:v5+s10+$0x0] =	vst.idx.msk vm1, v13  }
0x79: {  	v4 =	vld [tilespmem:s18+$0x63F8];
	_ =	sdelay $0x4  }
0x7a: {  	vm2 =	vne.s32 v4, $0x0  }
0x7b: {  	v4 =	vsel vm2, $0x1, v1  }
0x7c: {  	(xrf0) =	vadd.scan.msk.s32 $0xffff, v4;
	_ =	sdelay $0x3  }
0x7d: {  	v14 =	vmpcnt.ones.xlane vm1;
	_ =	sdelay $0x1  }
0x7e: {  	v3 =	vadd.s32 v14, v3;
	v15, _, _ =	vpop (xrf0)  }
0x7f: {  	v16 =	vld [tilespmem:s18+$0xFFFFFFF8];
	v5 =	vadd.s32 v15, v3;
	_ =	sdelay $0x4  }
0x80: {  	[tilespmem:v5+s10+$0x0] =	vst.idx.msk vm2, v16  }
0x81: {  	v4 =	vld [tilespmem:s18+$0x6400];
	_ =	sdelay $0x4  }
0x82: {  	v4 =	vsel vm0, $0x0, v4  }
0x83: {  	vm1 =	vne.s32 v4, $0x0  }
0x84: {  	v4 =	vsel vm1, $0x1, v1  }
0x85: {  	(xrf0) =	vadd.scan.msk.s32 $0xffff, v4;
	_ =	sdelay $0x3  }
0x86: {  	v17 =	vmpcnt.ones.xlane vm2;
	_ =	sdelay $0x1  }
0x87: {  	v3 =	vadd.s32 v17, v3;
	v18, _, _ =	vpop (xrf0)  }
0x88: {  	v19 =	vld [tilespmem:s18+$0x0];
	v3 =	vadd.s32 v18, v3;
	_ =	sdelay $0x4  }
0x89: {  	[tilespmem:v3+s10+$0x0] =	vst.idx.msk vm1, v19  }
0x8a: {  	[tilespmem:s12], [sflag:$0x1] =	stream.indirect.gather [hbm4b:s3+s11], $0x40, s10, s11, $0xb8;
	[tilespmem:$0x11CE0] =	vst v63  }
0x8b: {  	_ =	swait.ge [sflag:s13], $0x3400  }
0x8c: {  	[sflag:s13] =	ssyncset.done $0x0  }
0x8d: {  	[sflag:s13] =	ssyncadd.s32 $0xFFFFCC00  }
0x8e: {  	[tilespmem:s17+$0xFFFFFFE0] =	vst v2  }
0x8f: {  	[tilespmem:s17+$0xFFFFFFF0] =	vst v2  }
0x90: {  	[tilespmem:s17+$0x0] =	vst v2  }
0x91: {  	[tilespmem:s17+$0x10] =	vst v2  }
0x92: {  	v3 =	vld [tilespmem:$0xC8E0];
	_ =	sdelay $0x1  }
0x93: {  	v20 =	vld [tilespmem:$0xC920];
	_ =	sdelay $0x1  }
0x94: {  	v21 =	vld [tilespmem:$0xC960]  }
0x95: {  	v3 =	vadd.f32 $0.0e+00, v3  }
0x96: {  	v6 =	vld [tilespmem:$0xC9A0]  }
0x97: {  	v3 =	vadd.f32 v20, v3  }
0x98: {  	v22 =	vld [tilespmem:$0xC9E0]  }
0x99: {  	v3 =	vadd.f32 v21, v3  }
0x9a: {  	v23 =	vld [tilespmem:$0xCA20]  }
0x9b: {  	v3 =	vadd.f32 v6, v3  }
0x9c: {  	v24 =	vld [tilespmem:$0xCA60]  }
0x9d: {  	v3 =	vadd.f32 v22, v3  }
0x9e: {  	v25 =	vld [tilespmem:$0xCAA0]  }
0x9f: {  	v3 =	vadd.f32 v23, v3  }
0xa0: {  	v26 =	vld [tilespmem:$0xCAE0]  }
0xa1: {  	v3 =	vadd.f32 v24, v3  }
0xa2: {  	v27 =	vld [tilespmem:$0xCB20]  }
0xa3: {  	v3 =	vadd.f32 v25, v3  }
0xa4: {  	v28 =	vld [tilespmem:$0xCB60]  }
0xa5: {  	v3 =	vadd.f32 v26, v3  }
0xa6: {  	v29 =	vld [tilespmem:$0xCBA0]  }
0xa7: {  	v3 =	vadd.f32 v27, v3  }
0xa8: {  	v30 =	vld [tilespmem:$0xCBE0]  }
0xa9: {  	v3 =	vadd.f32 v28, v3  }
0xaa: {  	v31 =	vld [tilespmem:$0xCC20]  }
0xab: {  	v3 =	vadd.f32 v29, v3  }
0xac: {  	v32 =	vld [tilespmem:$0xCC60]  }
0xad: {  	v3 =	vadd.f32 v30, v3  }
0xae: {  	v33 =	vld [tilespmem:$0xCCA0]  }
0xaf: {  	v3 =	vadd.f32 v31, v3;
	_ =	sdelay $0x1  }
0xb0: {  	v3 =	vadd.f32 v32, v3;
	_ =	sdelay $0x1  }
0xb1: {  	v3 =	vadd.f32 v33, v3;
	_ =	sdelay $0x1  }
0xb2: {  	[tilespmem:s17+$0xFFFFFFE0] =	vst v3  }
0xb3: {  	v34 =	vld [tilespmem:$0xC8F0];
	_ =	sdelay $0x1  }
0xb4: {  	v35 =	vld [tilespmem:$0xC930];
	_ =	sdelay $0x1  }
0xb5: {  	v36 =	vld [tilespmem:$0xC970]  }
0xb6: {  	v4 =	vadd.f32 $0.0e+00, v34  }
0xb7: {  	v7 =	vld [tilespmem:$0xC9B0]  }
0xb8: {  	v4 =	vadd.f32 v35, v4  }
0xb9: {  	v37 =	vld [tilespmem:$0xC9F0]  }
0xba: {  	v4 =	vadd.f32 v36, v4  }
0xbb: {  	v38 =	vld [tilespmem:$0xCA30]  }
0xbc: {  	v4 =	vadd.f32 v7, v4  }
0xbd: {  	v39 =	vld [tilespmem:$0xCA70]  }
0xbe: {  	v4 =	vadd.f32 v37, v4  }
0xbf: {  	v40 =	vld [tilespmem:$0xCAB0]  }
0xc0: {  	v4 =	vadd.f32 v38, v4  }
0xc1: {  	v41 =	vld [tilespmem:$0xCAF0]  }
0xc2: {  	v4 =	vadd.f32 v39, v4  }
0xc3: {  	v42 =	vld [tilespmem:$0xCB30]  }
0xc4: {  	v4 =	vadd.f32 v40, v4  }
0xc5: {  	v43 =	vld [tilespmem:$0xCB70]  }
0xc6: {  	v4 =	vadd.f32 v41, v4  }
0xc7: {  	v44 =	vld [tilespmem:$0xCBB0]  }
0xc8: {  	v4 =	vadd.f32 v42, v4  }
0xc9: {  	v45 =	vld [tilespmem:$0xCBF0]  }
0xca: {  	v4 =	vadd.f32 v43, v4  }
0xcb: {  	v46 =	vld [tilespmem:$0xCC30]  }
0xcc: {  	v4 =	vadd.f32 v44, v4  }
0xcd: {  	v47 =	vld [tilespmem:$0xCC70]  }
0xce: {  	v4 =	vadd.f32 v45, v4  }
0xcf: {  	v48 =	vld [tilespmem:$0xCCB0]  }
0xd0: {  	v4 =	vadd.f32 v46, v4;
	_ =	sdelay $0x1  }
0xd1: {  	v4 =	vadd.f32 v47, v4;
	_ =	sdelay $0x1  }
0xd2: {  	v4 =	vadd.f32 v48, v4;
	_ =	sdelay $0x1  }
0xd3: {  	[tilespmem:s17+$0xFFFFFFF0] =	vst v4  }
0xd4: {  	v49 =	vld [tilespmem:$0xC900];
	_ =	sdelay $0x1  }
0xd5: {  	v50 =	vld [tilespmem:$0xC940];
	_ =	sdelay $0x1  }
0xd6: {  	v51 =	vld [tilespmem:$0xC980]  }
0xd7: {  	v5 =	vadd.f32 $0.0e+00, v49  }
0xd8: {  	v8 =	vld [tilespmem:$0xC9C0]  }
0xd9: {  	v5 =	vadd.f32 v50, v5  }
0xda: {  	v52 =	vld [tilespmem:$0xCA00]  }
0xdb: {  	v5 =	vadd.f32 v51, v5  }
0xdc: {  	v53 =	vld [tilespmem:$0xCA40]  }
0xdd: {  	v5 =	vadd.f32 v8, v5  }
0xde: {  	v54 =	vld [tilespmem:$0xCA80]  }
0xdf: {  	v5 =	vadd.f32 v52, v5  }
0xe0: {  	v55 =	vld [tilespmem:$0xCAC0]  }
0xe1: {  	v5 =	vadd.f32 v53, v5  }
0xe2: {  	v56 =	vld [tilespmem:$0xCB00]  }
0xe3: {  	v5 =	vadd.f32 v54, v5  }
0xe4: {  	v57 =	vld [tilespmem:$0xCB40]  }
0xe5: {  	v5 =	vadd.f32 v55, v5  }
0xe6: {  	v58 =	vld [tilespmem:$0xCB80]  }
0xe7: {  	v5 =	vadd.f32 v56, v5  }
0xe8: {  	v59 =	vld [tilespmem:$0xCBC0]  }
0xe9: {  	v5 =	vadd.f32 v57, v5  }
0xea: {  	v60 =	vld [tilespmem:$0xCC00]  }
0xeb: {  	v5 =	vadd.f32 v58, v5  }
0xec: {  	v61 =	vld [tilespmem:$0xCC40]  }
0xed: {  	v5 =	vadd.f32 v59, v5  }
0xee: {  	v62 =	vld [tilespmem:$0xCC80]  }
0xef: {  	v5 =	vadd.f32 v60, v5  }
0xf0: {  	v63 =	vld [tilespmem:$0xCCC0]  }
0xf1: {  	v5 =	vadd.f32 v61, v5;
	_ =	sdelay $0x1  }
0xf2: {  	v5 =	vadd.f32 v62, v5;
	_ =	sdelay $0x1  }
0xf3: {  	v5 =	vadd.f32 v63, v5;
	_ =	sdelay $0x1  }
0xf4: {  	[tilespmem:s17+$0x0] =	vst v5  }
0xf5: {  	v12 =	vld [tilespmem:$0xC910];
	_ =	sdelay $0x1  }
0xf6: {  	v13 =	vld [tilespmem:$0xC950];
	_ =	sdelay $0x1  }
0xf7: {  	v14 =	vld [tilespmem:$0xC990]  }
0xf8: {  	v6 =	vadd.f32 $0.0e+00, v12  }
0xf9: {  	v9 =	vld [tilespmem:$0xC9D0]  }
0xfa: {  	v6 =	vadd.f32 v13, v6  }
0xfb: {  	v15 =	vld [tilespmem:$0xCA10]  }
0xfc: {  	v6 =	vadd.f32 v14, v6  }
0xfd: {  	v16 =	vld [tilespmem:$0xCA50]  }
0xfe: {  	v6 =	vadd.f32 v9, v6  }
0xff: {  	v17 =	vld [tilespmem:$0xCA90]  }
0x100: {  	v6 =	vadd.f32 v15, v6  }
0x101: {  	v18 =	vld [tilespmem:$0xCAD0]  }
0x102: {  	v6 =	vadd.f32 v16, v6  }
0x103: {  	v19 =	vld [tilespmem:$0xCB10]  }
0x104: {  	v6 =	vadd.f32 v17, v6  }
0x105: {  	v20 =	vld [tilespmem:$0xCB50]  }
0x106: {  	v6 =	vadd.f32 v18, v6  }
0x107: {  	v21 =	vld [tilespmem:$0xCB90]  }
0x108: {  	v6 =	vadd.f32 v19, v6  }
0x109: {  	v22 =	vld [tilespmem:$0xCBD0]  }
0x10a: {  	v6 =	vadd.f32 v20, v6  }
0x10b: {  	v23 =	vld [tilespmem:$0xCC10]  }
0x10c: {  	v6 =	vadd.f32 v21, v6  }
0x10d: {  	v24 =	vld [tilespmem:$0xCC50]  }
0x10e: {  	v6 =	vadd.f32 v22, v6  }
0x10f: {  	v25 =	vld [tilespmem:$0xCC90]  }
0x110: {  	v6 =	vadd.f32 v23, v6  }
0x111: {  	v26 =	vld [tilespmem:$0xCCD0]  }
0x112: {  	v6 =	vadd.f32 v24, v6;
	_ =	sdelay $0x1  }
0x113: {  	v6 =	vadd.f32 v25, v6;
	_ =	sdelay $0x1  }
0x114: {  	v6 =	vadd.f32 v26, v6;
	_ =	sdelay $0x1  }
0x115: {  	[tilespmem:s17+$0x10] =	vst v6  }
0x116: {  	v27 =	vld [tilespmem:$0xCCE0];
	_ =	sdelay $0x1  }
0x117: {  	v28 =	vld [tilespmem:$0xCD20];
	_ =	sdelay $0x1  }
0x118: {  	v29 =	vld [tilespmem:$0xCD60]  }
0x119: {  	v3 =	vadd.f32 v27, v3  }
0x11a: {  	v30 =	vld [tilespmem:$0xCDA0]  }
0x11b: {  	v3 =	vadd.f32 v28, v3  }
0x11c: {  	v31 =	vld [tilespmem:$0xCDE0]  }
0x11d: {  	v3 =	vadd.f32 v29, v3  }
0x11e: {  	v32 =	vld [tilespmem:$0xCE20]  }
0x11f: {  	v3 =	vadd.f32 v30, v3  }
0x120: {  	v33 =	vld [tilespmem:$0xCE60]  }
0x121: {  	v3 =	vadd.f32 v31, v3  }
0x122: {  	v34 =	vld [tilespmem:$0xCEA0]  }
0x123: {  	v3 =	vadd.f32 v32, v3  }
0x124: {  	v35 =	vld [tilespmem:$0xCEE0]  }
0x125: {  	v3 =	vadd.f32 v33, v3  }
0x126: {  	v36 =	vld [tilespmem:$0xCF20]  }
0x127: {  	v3 =	vadd.f32 v34, v3  }
0x128: {  	v37 =	vld [tilespmem:$0xCF60]  }
0x129: {  	v3 =	vadd.f32 v35, v3  }
0x12a: {  	v38 =	vld [tilespmem:$0xCFA0]  }
0x12b: {  	v3 =	vadd.f32 v36, v3  }
0x12c: {  	v39 =	vld [tilespmem:$0xCFE0]  }
0x12d: {  	v3 =	vadd.f32 v37, v3  }
0x12e: {  	v40 =	vld [tilespmem:$0xD020]  }
0x12f: {  	v3 =	vadd.f32 v38, v3  }
0x130: {  	v41 =	vld [tilespmem:$0xD060]  }
0x131: {  	v3 =	vadd.f32 v39, v3  }
0x132: {  	v42 =	vld [tilespmem:$0xD0A0]  }
0x133: {  	v3 =	vadd.f32 v40, v3;
	_ =	sdelay $0x1  }
0x134: {  	v3 =	vadd.f32 v41, v3;
	_ =	sdelay $0x1  }
0x135: {  	v3 =	vadd.f32 v42, v3;
	_ =	sdelay $0x1  }
0x136: {  	[tilespmem:s17+$0xFFFFFFE0] =	vst v3  }
0x137: {  	v43 =	vld [tilespmem:$0xCCF0];
	_ =	sdelay $0x1  }
0x138: {  	v44 =	vld [tilespmem:$0xCD30];
	_ =	sdelay $0x1  }
0x139: {  	v45 =	vld [tilespmem:$0xCD70]  }
0x13a: {  	v4 =	vadd.f32 v43, v4  }
0x13b: {  	v46 =	vld [tilespmem:$0xCDB0]  }
0x13c: {  	v4 =	vadd.f32 v44, v4  }
0x13d: {  	v47 =	vld [tilespmem:$0xCDF0]  }
0x13e: {  	v4 =	vadd.f32 v45, v4  }
0x13f: {  	v48 =	vld [tilespmem:$0xCE30]  }
0x140: {  	v4 =	vadd.f32 v46, v4  }
0x141: {  	v49 =	vld [tilespmem:$0xCE70]  }
0x142: {  	v4 =	vadd.f32 v47, v4  }
0x143: {  	v50 =	vld [tilespmem:$0xCEB0]  }
0x144: {  	v4 =	vadd.f32 v48, v4  }
0x145: {  	v51 =	vld [tilespmem:$0xCEF0]  }
0x146: {  	v4 =	vadd.f32 v49, v4  }
0x147: {  	v52 =	vld [tilespmem:$0xCF30]  }
0x148: {  	v4 =	vadd.f32 v50, v4  }
0x149: {  	v53 =	vld [tilespmem:$0xCF70]  }
0x14a: {  	v4 =	vadd.f32 v51, v4  }
0x14b: {  	v54 =	vld [tilespmem:$0xCFB0]  }
0x14c: {  	v4 =	vadd.f32 v52, v4  }
0x14d: {  	v55 =	vld [tilespmem:$0xCFF0]  }
0x14e: {  	v4 =	vadd.f32 v53, v4  }
0x14f: {  	v56 =	vld [tilespmem:$0xD030]  }
0x150: {  	v4 =	vadd.f32 v54, v4  }
0x151: {  	v57 =	vld [tilespmem:$0xD070]  }
0x152: {  	v4 =	vadd.f32 v55, v4  }
0x153: {  	v58 =	vld [tilespmem:$0xD0B0]  }
0x154: {  	v4 =	vadd.f32 v56, v4;
	_ =	sdelay $0x1  }
0x155: {  	v4 =	vadd.f32 v57, v4;
	_ =	sdelay $0x1  }
0x156: {  	v4 =	vadd.f32 v58, v4;
	_ =	sdelay $0x1  }
0x157: {  	[tilespmem:s17+$0xFFFFFFF0] =	vst v4  }
0x158: {  	v59 =	vld [tilespmem:$0xCD00];
	_ =	sdelay $0x1  }
0x159: {  	v60 =	vld [tilespmem:$0xCD40];
	_ =	sdelay $0x1  }
0x15a: {  	v61 =	vld [tilespmem:$0xCD80]  }
0x15b: {  	v5 =	vadd.f32 v59, v5  }
0x15c: {  	v62 =	vld [tilespmem:$0xCDC0]  }
0x15d: {  	v5 =	vadd.f32 v60, v5  }
0x15e: {  	v63 =	vld [tilespmem:$0xCE00]  }
0x15f: {  	v5 =	vadd.f32 v61, v5  }
0x160: {  	v12 =	vld [tilespmem:$0xCE40]  }
0x161: {  	v5 =	vadd.f32 v62, v5  }
0x162: {  	v13 =	vld [tilespmem:$0xCE80]  }
0x163: {  	v5 =	vadd.f32 v63, v5  }
0x164: {  	v14 =	vld [tilespmem:$0xCEC0]  }
0x165: {  	v5 =	vadd.f32 v12, v5  }
0x166: {  	v15 =	vld [tilespmem:$0xCF00]  }
0x167: {  	v5 =	vadd.f32 v13, v5  }
0x168: {  	v16 =	vld [tilespmem:$0xCF40]  }
0x169: {  	v5 =	vadd.f32 v14, v5  }
0x16a: {  	v17 =	vld [tilespmem:$0xCF80]  }
0x16b: {  	v5 =	vadd.f32 v15, v5  }
0x16c: {  	v18 =	vld [tilespmem:$0xCFC0]  }
0x16d: {  	v5 =	vadd.f32 v16, v5  }
0x16e: {  	v19 =	vld [tilespmem:$0xD000]  }
0x16f: {  	v5 =	vadd.f32 v17, v5  }
0x170: {  	v20 =	vld [tilespmem:$0xD040]  }
0x171: {  	v5 =	vadd.f32 v18, v5  }
0x172: {  	v21 =	vld [tilespmem:$0xD080]  }
0x173: {  	v5 =	vadd.f32 v19, v5  }
0x174: {  	v22 =	vld [tilespmem:$0xD0C0]  }
0x175: {  	v5 =	vadd.f32 v20, v5;
	_ =	sdelay $0x1  }
0x176: {  	v5 =	vadd.f32 v21, v5;
	_ =	sdelay $0x1  }
0x177: {  	v5 =	vadd.f32 v22, v5;
	_ =	sdelay $0x1  }
0x178: {  	[tilespmem:s17+$0x0] =	vst v5  }
0x179: {  	v23 =	vld [tilespmem:$0xCD10];
	_ =	sdelay $0x1  }
0x17a: {  	v24 =	vld [tilespmem:$0xCD50];
	_ =	sdelay $0x1  }
0x17b: {  	v25 =	vld [tilespmem:$0xCD90]  }
0x17c: {  	v6 =	vadd.f32 v23, v6  }
0x17d: {  	v26 =	vld [tilespmem:$0xCDD0]  }
0x17e: {  	v6 =	vadd.f32 v24, v6  }
0x17f: {  	v27 =	vld [tilespmem:$0xCE10]  }
0x180: {  	v6 =	vadd.f32 v25, v6  }
0x181: {  	v28 =	vld [tilespmem:$0xCE50]  }
0x182: {  	v6 =	vadd.f32 v26, v6  }
0x183: {  	v29 =	vld [tilespmem:$0xCE90]  }
0x184: {  	v6 =	vadd.f32 v27, v6  }
0x185: {  	v30 =	vld [tilespmem:$0xCED0]  }
0x186: {  	v6 =	vadd.f32 v28, v6  }
0x187: {  	v31 =	vld [tilespmem:$0xCF10]  }
0x188: {  	v6 =	vadd.f32 v29, v6  }
0x189: {  	v32 =	vld [tilespmem:$0xCF50]  }
0x18a: {  	v6 =	vadd.f32 v30, v6  }
0x18b: {  	v33 =	vld [tilespmem:$0xCF90]  }
0x18c: {  	v6 =	vadd.f32 v31, v6  }
0x18d: {  	v34 =	vld [tilespmem:$0xCFD0]  }
0x18e: {  	v6 =	vadd.f32 v32, v6  }
0x18f: {  	v35 =	vld [tilespmem:$0xD010]  }
0x190: {  	v6 =	vadd.f32 v33, v6  }
0x191: {  	v36 =	vld [tilespmem:$0xD050]  }
0x192: {  	v6 =	vadd.f32 v34, v6  }
0x193: {  	v37 =	vld [tilespmem:$0xD090]  }
0x194: {  	v6 =	vadd.f32 v35, v6  }
0x195: {  	v38 =	vld [tilespmem:$0xD0D0]  }
0x196: {  	v6 =	vadd.f32 v36, v6;
	_ =	sdelay $0x1  }
0x197: {  	v6 =	vadd.f32 v37, v6;
	_ =	sdelay $0x1  }
0x198: {  	v6 =	vadd.f32 v38, v6;
	_ =	sdelay $0x1  }
0x199: {  	[tilespmem:s17+$0x10] =	vst v6  }
0x19a: {  	v39 =	vld [tilespmem:$0xD0E0];
	_ =	sdelay $0x1  }
0x19b: {  	v40 =	vld [tilespmem:$0xD120];
	_ =	sdelay $0x1  }
0x19c: {  	v41 =	vld [tilespmem:$0xD160]  }
0x19d: {  	v3 =	vadd.f32 v39, v3  }
0x19e: {  	v42 =	vld [tilespmem:$0xD1A0]  }
0x19f: {  	v3 =	vadd.f32 v40, v3  }
0x1a0: {  	v43 =	vld [tilespmem:$0xD1E0]  }
0x1a1: {  	v3 =	vadd.f32 v41, v3  }
0x1a2: {  	v44 =	vld [tilespmem:$0xD220]  }
0x1a3: {  	v3 =	vadd.f32 v42, v3  }
0x1a4: {  	v45 =	vld [tilespmem:$0xD260]  }
0x1a5: {  	v3 =	vadd.f32 v43, v3  }
0x1a6: {  	v46 =	vld [tilespmem:$0xD2A0]  }
0x1a7: {  	v3 =	vadd.f32 v44, v3  }
0x1a8: {  	v47 =	vld [tilespmem:$0xD2E0]  }
0x1a9: {  	v3 =	vadd.f32 v45, v3  }
0x1aa: {  	v48 =	vld [tilespmem:$0xD320]  }
0x1ab: {  	v3 =	vadd.f32 v46, v3  }
0x1ac: {  	v49 =	vld [tilespmem:$0xD360]  }
0x1ad: {  	v3 =	vadd.f32 v47, v3  }
0x1ae: {  	v50 =	vld [tilespmem:$0xD3A0]  }
0x1af: {  	v3 =	vadd.f32 v48, v3  }
0x1b0: {  	v51 =	vld [tilespmem:$0xD3E0]  }
0x1b1: {  	v3 =	vadd.f32 v49, v3  }
0x1b2: {  	v52 =	vld [tilespmem:$0xD420]  }
0x1b3: {  	v3 =	vadd.f32 v50, v3  }
0x1b4: {  	v53 =	vld [tilespmem:$0xD460]  }
0x1b5: {  	v3 =	vadd.f32 v51, v3  }
0x1b6: {  	v54 =	vld [tilespmem:$0xD4A0]  }
0x1b7: {  	v3 =	vadd.f32 v52, v3;
	_ =	sdelay $0x1  }
0x1b8: {  	v3 =	vadd.f32 v53, v3;
	_ =	sdelay $0x1  }
0x1b9: {  	v3 =	vadd.f32 v54, v3;
	_ =	sdelay $0x1  }
0x1ba: {  	[tilespmem:s17+$0xFFFFFFE0] =	vst v3  }
0x1bb: {  	v55 =	vld [tilespmem:$0xD0F0];
	_ =	sdelay $0x1  }
0x1bc: {  	v56 =	vld [tilespmem:$0xD130];
	_ =	sdelay $0x1  }
0x1bd: {  	v57 =	vld [tilespmem:$0xD170]  }
0x1be: {  	v4 =	vadd.f32 v55, v4  }
0x1bf: {  	v58 =	vld [tilespmem:$0xD1B0]  }
0x1c0: {  	v4 =	vadd.f32 v56, v4  }
0x1c1: {  	v59 =	vld [tilespmem:$0xD1F0]  }
0x1c2: {  	v4 =	vadd.f32 v57, v4  }
0x1c3: {  	v60 =	vld [tilespmem:$0xD230]  }
0x1c4: {  	v4 =	vadd.f32 v58, v4  }
0x1c5: {  	v61 =	vld [tilespmem:$0xD270]  }
0x1c6: {  	v4 =	vadd.f32 v59, v4  }
0x1c7: {  	v62 =	vld [tilespmem:$0xD2B0]  }
0x1c8: {  	v4 =	vadd.f32 v60, v4  }
0x1c9: {  	v63 =	vld [tilespmem:$0xD2F0]  }
0x1ca: {  	v4 =	vadd.f32 v61, v4  }
0x1cb: {  	v12 =	vld [tilespmem:$0xD330]  }
0x1cc: {  	v4 =	vadd.f32 v62, v4  }
0x1cd: {  	v13 =	vld [tilespmem:$0xD370]  }
0x1ce: {  	v4 =	vadd.f32 v63, v4  }
0x1cf: {  	v14 =	vld [tilespmem:$0xD3B0]  }
0x1d0: {  	v4 =	vadd.f32 v12, v4  }
0x1d1: {  	v15 =	vld [tilespmem:$0xD3F0]  }
0x1d2: {  	v4 =	vadd.f32 v13, v4  }
0x1d3: {  	v16 =	vld [tilespmem:$0xD430]  }
0x1d4: {  	v4 =	vadd.f32 v14, v4  }
0x1d5: {  	v17 =	vld [tilespmem:$0xD470]  }
0x1d6: {  	v4 =	vadd.f32 v15, v4  }
0x1d7: {  	v18 =	vld [tilespmem:$0xD4B0]  }
0x1d8: {  	v4 =	vadd.f32 v16, v4;
	_ =	sdelay $0x1  }
0x1d9: {  	v4 =	vadd.f32 v17, v4;
	_ =	sdelay $0x1  }
0x1da: {  	v4 =	vadd.f32 v18, v4;
	_ =	sdelay $0x1  }
0x1db: {  	[tilespmem:s17+$0xFFFFFFF0] =	vst v4  }
0x1dc: {  	v19 =	vld [tilespmem:$0xD100];
	_ =	sdelay $0x1  }
0x1dd: {  	v20 =	vld [tilespmem:$0xD140];
	_ =	sdelay $0x1  }
0x1de: {  	v21 =	vld [tilespmem:$0xD180]  }
0x1df: {  	v5 =	vadd.f32 v19, v5  }
0x1e0: {  	v22 =	vld [tilespmem:$0xD1C0]  }
0x1e1: {  	v5 =	vadd.f32 v20, v5  }
0x1e2: {  	v23 =	vld [tilespmem:$0xD200]  }
0x1e3: {  	v5 =	vadd.f32 v21, v5  }
0x1e4: {  	v24 =	vld [tilespmem:$0xD240]  }
0x1e5: {  	v5 =	vadd.f32 v22, v5  }
0x1e6: {  	v25 =	vld [tilespmem:$0xD280]  }
0x1e7: {  	v5 =	vadd.f32 v23, v5  }
0x1e8: {  	v26 =	vld [tilespmem:$0xD2C0]  }
0x1e9: {  	v5 =	vadd.f32 v24, v5  }
0x1ea: {  	v27 =	vld [tilespmem:$0xD300]  }
0x1eb: {  	v5 =	vadd.f32 v25, v5  }
0x1ec: {  	v28 =	vld [tilespmem:$0xD340]  }
0x1ed: {  	v5 =	vadd.f32 v26, v5  }
0x1ee: {  	v29 =	vld [tilespmem:$0xD380]  }
0x1ef: {  	v5 =	vadd.f32 v27, v5  }
0x1f0: {  	v30 =	vld [tilespmem:$0xD3C0]  }
0x1f1: {  	v5 =	vadd.f32 v28, v5  }
0x1f2: {  	v31 =	vld [tilespmem:$0xD400]  }
0x1f3: {  	v5 =	vadd.f32 v29, v5  }
0x1f4: {  	v32 =	vld [tilespmem:$0xD440]  }
0x1f5: {  	v5 =	vadd.f32 v30, v5  }
0x1f6: {  	v33 =	vld [tilespmem:$0xD480]  }
0x1f7: {  	v5 =	vadd.f32 v31, v5  }
0x1f8: {  	v34 =	vld [tilespmem:$0xD4C0]  }
0x1f9: {  	v5 =	vadd.f32 v32, v5;
	_ =	sdelay $0x1  }
0x1fa: {  	v5 =	vadd.f32 v33, v5;
	_ =	sdelay $0x1  }
0x1fb: {  	v5 =	vadd.f32 v34, v5;
	_ =	sdelay $0x1  }
0x1fc: {  	[tilespmem:s17+$0x0] =	vst v5  }
0x1fd: {  	v35 =	vld [tilespmem:$0xD110];
	_ =	sdelay $0x1  }
0x1fe: {  	v36 =	vld [tilespmem:$0xD150];
	_ =	sdelay $0x1  }
0x1ff: {  	v37 =	vld [tilespmem:$0xD190]  }
0x200: {  	v6 =	vadd.f32 v35, v6  }
0x201: {  	v38 =	vld [tilespmem:$0xD1D0]  }
0x202: {  	v6 =	vadd.f32 v36, v6  }
0x203: {  	v39 =	vld [tilespmem:$0xD210]  }
0x204: {  	v6 =	vadd.f32 v37, v6  }
0x205: {  	v40 =	vld [tilespmem:$0xD250]  }
0x206: {  	v6 =	vadd.f32 v38, v6  }
0x207: {  	v41 =	vld [tilespmem:$0xD290]  }
0x208: {  	v6 =	vadd.f32 v39, v6  }
0x209: {  	v42 =	vld [tilespmem:$0xD2D0]  }
0x20a: {  	v6 =	vadd.f32 v40, v6  }
0x20b: {  	v43 =	vld [tilespmem:$0xD310]  }
0x20c: {  	v6 =	vadd.f32 v41, v6  }
0x20d: {  	v44 =	vld [tilespmem:$0xD350]  }
0x20e: {  	v6 =	vadd.f32 v42, v6  }
0x20f: {  	v45 =	vld [tilespmem:$0xD390]  }
0x210: {  	v6 =	vadd.f32 v43, v6  }
0x211: {  	v46 =	vld [tilespmem:$0xD3D0]  }
0x212: {  	v6 =	vadd.f32 v44, v6  }
0x213: {  	v47 =	vld [tilespmem:$0xD410]  }
0x214: {  	v6 =	vadd.f32 v45, v6  }
0x215: {  	v48 =	vld [tilespmem:$0xD450]  }
0x216: {  	v6 =	vadd.f32 v46, v6  }
0x217: {  	v49 =	vld [tilespmem:$0xD490]  }
0x218: {  	v6 =	vadd.f32 v47, v6  }
0x219: {  	v50 =	vld [tilespmem:$0xD4D0]  }
0x21a: {  	v6 =	vadd.f32 v48, v6;
	_ =	sdelay $0x1  }
0x21b: {  	v6 =	vadd.f32 v49, v6;
	_ =	sdelay $0x1  }
0x21c: {  	v6 =	vadd.f32 v50, v6;
	_ =	sdelay $0x1  }
0x21d: {  	[tilespmem:s17+$0x10] =	vst v6  }
0x21e: {  	v51 =	vld [tilespmem:$0xD4E0];
	_ =	sdelay $0x1  }
0x21f: {  	v52 =	vld [tilespmem:$0xD520];
	_ =	sdelay $0x1  }
0x220: {  	v53 =	vld [tilespmem:$0xD560]  }
0x221: {  	v3 =	vadd.f32 v51, v3  }
0x222: {  	v54 =	vld [tilespmem:$0xD5A0]  }
0x223: {  	v3 =	vadd.f32 v52, v3  }
0x224: {  	v55 =	vld [tilespmem:$0xD5E0]  }
0x225: {  	v3 =	vadd.f32 v53, v3  }
0x226: {  	v56 =	vld [tilespmem:$0xD620]  }
0x227: {  	v3 =	vadd.f32 v54, v3  }
0x228: {  	v57 =	vld [tilespmem:$0xD660]  }
0x229: {  	v3 =	vadd.f32 v55, v3  }
0x22a: {  	v58 =	vld [tilespmem:$0xD6A0]  }
0x22b: {  	v3 =	vadd.f32 v56, v3  }
0x22c: {  	v59 =	vld [tilespmem:$0xD6E0]  }
0x22d: {  	v3 =	vadd.f32 v57, v3  }
0x22e: {  	v60 =	vld [tilespmem:$0xD720]  }
0x22f: {  	v3 =	vadd.f32 v58, v3  }
0x230: {  	v61 =	vld [tilespmem:$0xD760]  }
0x231: {  	v3 =	vadd.f32 v59, v3  }
0x232: {  	v62 =	vld [tilespmem:$0xD7A0]  }
0x233: {  	v3 =	vadd.f32 v60, v3  }
0x234: {  	v63 =	vld [tilespmem:$0xD7E0]  }
0x235: {  	v3 =	vadd.f32 v61, v3  }
0x236: {  	v12 =	vld [tilespmem:$0xD820]  }
0x237: {  	v3 =	vadd.f32 v62, v3  }
0x238: {  	v13 =	vld [tilespmem:$0xD860]  }
0x239: {  	v3 =	vadd.f32 v63, v3  }
0x23a: {  	v14 =	vld [tilespmem:$0xD8A0]  }
0x23b: {  	v3 =	vadd.f32 v12, v3;
	_ =	sdelay $0x1  }
0x23c: {  	v3 =	vadd.f32 v13, v3;
	_ =	sdelay $0x1  }
0x23d: {  	v3 =	vadd.f32 v14, v3;
	_ =	sdelay $0x1  }
0x23e: {  	[tilespmem:s17+$0xFFFFFFE0] =	vst v3  }
0x23f: {  	v15 =	vld [tilespmem:$0xD4F0];
	_ =	sdelay $0x1  }
0x240: {  	v16 =	vld [tilespmem:$0xD530];
	_ =	sdelay $0x1  }
0x241: {  	v17 =	vld [tilespmem:$0xD570]  }
0x242: {  	v4 =	vadd.f32 v15, v4  }
0x243: {  	v18 =	vld [tilespmem:$0xD5B0]  }
0x244: {  	v4 =	vadd.f32 v16, v4  }
0x245: {  	v19 =	vld [tilespmem:$0xD5F0]  }
0x246: {  	v4 =	vadd.f32 v17, v4  }
0x247: {  	v20 =	vld [tilespmem:$0xD630]  }
0x248: {  	v4 =	vadd.f32 v18, v4  }
0x249: {  	v21 =	vld [tilespmem:$0xD670]  }
0x24a: {  	v4 =	vadd.f32 v19, v4  }
0x24b: {  	v22 =	vld [tilespmem:$0xD6B0]  }
0x24c: {  	v4 =	vadd.f32 v20, v4  }
0x24d: {  	v23 =	vld [tilespmem:$0xD6F0]  }
0x24e: {  	v4 =	vadd.f32 v21, v4  }
0x24f: {  	v24 =	vld [tilespmem:$0xD730]  }
0x250: {  	v4 =	vadd.f32 v22, v4  }
0x251: {  	v25 =	vld [tilespmem:$0xD770]  }
0x252: {  	v4 =	vadd.f32 v23, v4  }
0x253: {  	v26 =	vld [tilespmem:$0xD7B0]  }
0x254: {  	v4 =	vadd.f32 v24, v4  }
0x255: {  	v27 =	vld [tilespmem:$0xD7F0]  }
0x256: {  	v4 =	vadd.f32 v25, v4  }
0x257: {  	v28 =	vld [tilespmem:$0xD830]  }
0x258: {  	v4 =	vadd.f32 v26, v4  }
0x259: {  	v29 =	vld [tilespmem:$0xD870]  }
0x25a: {  	v4 =	vadd.f32 v27, v4  }
0x25b: {  	v30 =	vld [tilespmem:$0xD8B0]  }
0x25c: {  	v4 =	vadd.f32 v28, v4;
	_ =	sdelay $0x1  }
0x25d: {  	v4 =	vadd.f32 v29, v4;
	_ =	sdelay $0x1  }
0x25e: {  	v4 =	vadd.f32 v30, v4;
	_ =	sdelay $0x1  }
0x25f: {  	[tilespmem:s17+$0xFFFFFFF0] =	vst v4  }
0x260: {  	v31 =	vld [tilespmem:$0xD500];
	_ =	sdelay $0x1  }
0x261: {  	v32 =	vld [tilespmem:$0xD540];
	_ =	sdelay $0x1  }
0x262: {  	v33 =	vld [tilespmem:$0xD580]  }
0x263: {  	v5 =	vadd.f32 v31, v5  }
0x264: {  	v34 =	vld [tilespmem:$0xD5C0]  }
0x265: {  	v5 =	vadd.f32 v32, v5  }
0x266: {  	v35 =	vld [tilespmem:$0xD600]  }
0x267: {  	v5 =	vadd.f32 v33, v5  }
0x268: {  	v36 =	vld [tilespmem:$0xD640]  }
0x269: {  	v5 =	vadd.f32 v34, v5  }
0x26a: {  	v37 =	vld [tilespmem:$0xD680]  }
0x26b: {  	v5 =	vadd.f32 v35, v5  }
0x26c: {  	v38 =	vld [tilespmem:$0xD6C0]  }
0x26d: {  	v5 =	vadd.f32 v36, v5  }
0x26e: {  	v39 =	vld [tilespmem:$0xD700]  }
0x26f: {  	v5 =	vadd.f32 v37, v5  }
0x270: {  	v40 =	vld [tilespmem:$0xD740]  }
0x271: {  	v5 =	vadd.f32 v38, v5  }
0x272: {  	v41 =	vld [tilespmem:$0xD780]  }
0x273: {  	v5 =	vadd.f32 v39, v5  }
0x274: {  	v42 =	vld [tilespmem:$0xD7C0]  }
0x275: {  	v5 =	vadd.f32 v40, v5  }
0x276: {  	v43 =	vld [tilespmem:$0xD800]  }
0x277: {  	v5 =	vadd.f32 v41, v5  }
0x278: {  	v44 =	vld [tilespmem:$0xD840]  }
0x279: {  	v5 =	vadd.f32 v42, v5  }
0x27a: {  	v45 =	vld [tilespmem:$0xD880]  }
0x27b: {  	v5 =	vadd.f32 v43, v5  }
0x27c: {  	v46 =	vld [tilespmem:$0xD8C0]  }
0x27d: {  	v5 =	vadd.f32 v44, v5;
	_ =	sdelay $0x1  }
0x27e: {  	v5 =	vadd.f32 v45, v5;
	_ =	sdelay $0x1  }
0x27f: {  	v5 =	vadd.f32 v46, v5;
	_ =	sdelay $0x1  }
0x280: {  	[tilespmem:s17+$0x0] =	vst v5  }
0x281: {  	v47 =	vld [tilespmem:$0xD510];
	_ =	sdelay $0x1  }
0x282: {  	v48 =	vld [tilespmem:$0xD550];
	_ =	sdelay $0x1  }
0x283: {  	v49 =	vld [tilespmem:$0xD590]  }
0x284: {  	v6 =	vadd.f32 v47, v6  }
0x285: {  	v50 =	vld [tilespmem:$0xD5D0]  }
0x286: {  	v6 =	vadd.f32 v48, v6  }
0x287: {  	v51 =	vld [tilespmem:$0xD610]  }
0x288: {  	v6 =	vadd.f32 v49, v6  }
0x289: {  	v52 =	vld [tilespmem:$0xD650]  }
0x28a: {  	v6 =	vadd.f32 v50, v6  }
0x28b: {  	v53 =	vld [tilespmem:$0xD690]  }
0x28c: {  	v6 =	vadd.f32 v51, v6  }
0x28d: {  	v54 =	vld [tilespmem:$0xD6D0]  }
0x28e: {  	v6 =	vadd.f32 v52, v6  }
0x28f: {  	v55 =	vld [tilespmem:$0xD710]  }
0x290: {  	v6 =	vadd.f32 v53, v6  }
0x291: {  	v56 =	vld [tilespmem:$0xD750]  }
0x292: {  	v6 =	vadd.f32 v54, v6  }
0x293: {  	v57 =	vld [tilespmem:$0xD790]  }
0x294: {  	v6 =	vadd.f32 v55, v6  }
0x295: {  	v58 =	vld [tilespmem:$0xD7D0]  }
0x296: {  	v6 =	vadd.f32 v56, v6  }
0x297: {  	v59 =	vld [tilespmem:$0xD810]  }
0x298: {  	v6 =	vadd.f32 v57, v6  }
0x299: {  	v60 =	vld [tilespmem:$0xD850]  }
0x29a: {  	v6 =	vadd.f32 v58, v6  }
0x29b: {  	v61 =	vld [tilespmem:$0xD890]  }
0x29c: {  	v6 =	vadd.f32 v59, v6  }
0x29d: {  	v62 =	vld [tilespmem:$0xD8D0]  }
0x29e: {  	v6 =	vadd.f32 v60, v6;
	_ =	sdelay $0x1  }
0x29f: {  	v6 =	vadd.f32 v61, v6;
	_ =	sdelay $0x1  }
0x2a0: {  	v6 =	vadd.f32 v62, v6;
	_ =	sdelay $0x1  }
0x2a1: {  	[tilespmem:s17+$0x10] =	vst v6  }
0x2a2: {  	v63 =	vld [tilespmem:$0xD8E0];
	_ =	sdelay $0x1  }
0x2a3: {  	v12 =	vld [tilespmem:$0xD920];
	_ =	sdelay $0x1  }
0x2a4: {  	v13 =	vld [tilespmem:$0xD960]  }
0x2a5: {  	v3 =	vadd.f32 v63, v3  }
0x2a6: {  	v14 =	vld [tilespmem:$0xD9A0]  }
0x2a7: {  	v3 =	vadd.f32 v12, v3  }
0x2a8: {  	v15 =	vld [tilespmem:$0xD9E0]  }
0x2a9: {  	v3 =	vadd.f32 v13, v3  }
0x2aa: {  	v16 =	vld [tilespmem:$0xDA20]  }
0x2ab: {  	v3 =	vadd.f32 v14, v3  }
0x2ac: {  	v17 =	vld [tilespmem:$0xDA60]  }
0x2ad: {  	v3 =	vadd.f32 v15, v3  }
0x2ae: {  	v18 =	vld [tilespmem:$0xDAA0]  }
0x2af: {  	v3 =	vadd.f32 v16, v3  }
0x2b0: {  	v19 =	vld [tilespmem:$0xDAE0]  }
0x2b1: {  	v3 =	vadd.f32 v17, v3  }
0x2b2: {  	v20 =	vld [tilespmem:$0xDB20]  }
0x2b3: {  	v3 =	vadd.f32 v18, v3  }
0x2b4: {  	v21 =	vld [tilespmem:$0xDB60]  }
0x2b5: {  	v3 =	vadd.f32 v19, v3  }
0x2b6: {  	v22 =	vld [tilespmem:$0xDBA0]  }
0x2b7: {  	v3 =	vadd.f32 v20, v3  }
0x2b8: {  	v23 =	vld [tilespmem:$0xDBE0]  }
0x2b9: {  	v3 =	vadd.f32 v21, v3  }
0x2ba: {  	v24 =	vld [tilespmem:$0xDC20]  }
0x2bb: {  	v3 =	vadd.f32 v22, v3  }
0x2bc: {  	v25 =	vld [tilespmem:$0xDC60]  }
0x2bd: {  	v3 =	vadd.f32 v23, v3  }
0x2be: {  	v26 =	vld [tilespmem:$0xDCA0]  }
0x2bf: {  	v3 =	vadd.f32 v24, v3;
	_ =	sdelay $0x1  }
0x2c0: {  	v3 =	vadd.f32 v25, v3;
	_ =	sdelay $0x1  }
0x2c1: {  	v3 =	vadd.f32 v26, v3;
	_ =	sdelay $0x1  }
0x2c2: {  	[tilespmem:s17+$0xFFFFFFE0] =	vst v3  }
0x2c3: {  	v27 =	vld [tilespmem:$0xD8F0];
	_ =	sdelay $0x1  }
0x2c4: {  	v28 =	vld [tilespmem:$0xD930];
	_ =	sdelay $0x1  }
0x2c5: {  	v29 =	vld [tilespmem:$0xD970]  }
0x2c6: {  	v4 =	vadd.f32 v27, v4  }
0x2c7: {  	v30 =	vld [tilespmem:$0xD9B0]  }
0x2c8: {  	v4 =	vadd.f32 v28, v4  }
0x2c9: {  	v31 =	vld [tilespmem:$0xD9F0]  }
0x2ca: {  	v4 =	vadd.f32 v29, v4  }
0x2cb: {  	v32 =	vld [tilespmem:$0xDA30]  }
0x2cc: {  	v4 =	vadd.f32 v30, v4  }
0x2cd: {  	v33 =	vld [tilespmem:$0xDA70]  }
0x2ce: {  	v4 =	vadd.f32 v31, v4  }
0x2cf: {  	v34 =	vld [tilespmem:$0xDAB0]  }
0x2d0: {  	v4 =	vadd.f32 v32, v4  }
0x2d1: {  	v35 =	vld [tilespmem:$0xDAF0]  }
0x2d2: {  	v4 =	vadd.f32 v33, v4  }
0x2d3: {  	v36 =	vld [tilespmem:$0xDB30]  }
0x2d4: {  	v4 =	vadd.f32 v34, v4  }
0x2d5: {  	v37 =	vld [tilespmem:$0xDB70]  }
0x2d6: {  	v4 =	vadd.f32 v35, v4  }
0x2d7: {  	v38 =	vld [tilespmem:$0xDBB0]  }
0x2d8: {  	v4 =	vadd.f32 v36, v4  }
0x2d9: {  	v39 =	vld [tilespmem:$0xDBF0]  }
0x2da: {  	v4 =	vadd.f32 v37, v4  }
0x2db: {  	v40 =	vld [tilespmem:$0xDC30]  }
0x2dc: {  	v4 =	vadd.f32 v38, v4  }
0x2dd: {  	v41 =	vld [tilespmem:$0xDC70]  }
0x2de: {  	v4 =	vadd.f32 v39, v4  }
0x2df: {  	v42 =	vld [tilespmem:$0xDCB0]  }
0x2e0: {  	v4 =	vadd.f32 v40, v4;
	_ =	sdelay $0x1  }
0x2e1: {  	v4 =	vadd.f32 v41, v4;
	_ =	sdelay $0x1  }
0x2e2: {  	v4 =	vadd.f32 v42, v4;
	_ =	sdelay $0x1  }
0x2e3: {  	[tilespmem:s17+$0xFFFFFFF0] =	vst v4  }
0x2e4: {  	v43 =	vld [tilespmem:$0xD900];
	_ =	sdelay $0x1  }
0x2e5: {  	v44 =	vld [tilespmem:$0xD940];
	_ =	sdelay $0x1  }
0x2e6: {  	v45 =	vld [tilespmem:$0xD980]  }
0x2e7: {  	v5 =	vadd.f32 v43, v5  }
0x2e8: {  	v46 =	vld [tilespmem:$0xD9C0]  }
0x2e9: {  	v5 =	vadd.f32 v44, v5  }
0x2ea: {  	v47 =	vld [tilespmem:$0xDA00]  }
0x2eb: {  	v5 =	vadd.f32 v45, v5  }
0x2ec: {  	v48 =	vld [tilespmem:$0xDA40]  }
0x2ed: {  	v5 =	vadd.f32 v46, v5  }
0x2ee: {  	v49 =	vld [tilespmem:$0xDA80]  }
0x2ef: {  	v5 =	vadd.f32 v47, v5  }
0x2f0: {  	v50 =	vld [tilespmem:$0xDAC0]  }
0x2f1: {  	v5 =	vadd.f32 v48, v5  }
0x2f2: {  	v51 =	vld [tilespmem:$0xDB00]  }
0x2f3: {  	v5 =	vadd.f32 v49, v5  }
0x2f4: {  	v52 =	vld [tilespmem:$0xDB40]  }
0x2f5: {  	v5 =	vadd.f32 v50, v5  }
0x2f6: {  	v53 =	vld [tilespmem:$0xDB80]  }
0x2f7: {  	v5 =	vadd.f32 v51, v5  }
0x2f8: {  	v54 =	vld [tilespmem:$0xDBC0]  }
0x2f9: {  	v5 =	vadd.f32 v52, v5  }
0x2fa: {  	v55 =	vld [tilespmem:$0xDC00]  }
0x2fb: {  	v5 =	vadd.f32 v53, v5  }
0x2fc: {  	v56 =	vld [tilespmem:$0xDC40]  }
0x2fd: {  	v5 =	vadd.f32 v54, v5  }
0x2fe: {  	v57 =	vld [tilespmem:$0xDC80]  }
0x2ff: {  	v5 =	vadd.f32 v55, v5  }
0x300: {  	v58 =	vld [tilespmem:$0xDCC0]  }
0x301: {  	v5 =	vadd.f32 v56, v5;
	_ =	sdelay $0x1  }
0x302: {  	v5 =	vadd.f32 v57, v5;
	_ =	sdelay $0x1  }
0x303: {  	v5 =	vadd.f32 v58, v5;
	_ =	sdelay $0x1  }
0x304: {  	[tilespmem:s17+$0x0] =	vst v5  }
0x305: {  	v59 =	vld [tilespmem:$0xD910];
	_ =	sdelay $0x1  }
0x306: {  	v60 =	vld [tilespmem:$0xD950];
	_ =	sdelay $0x1  }
0x307: {  	v61 =	vld [tilespmem:$0xD990]  }
0x308: {  	v6 =	vadd.f32 v59, v6  }
0x309: {  	v62 =	vld [tilespmem:$0xD9D0]  }
0x30a: {  	v6 =	vadd.f32 v60, v6  }
0x30b: {  	v63 =	vld [tilespmem:$0xDA10]  }
0x30c: {  	v6 =	vadd.f32 v61, v6  }
0x30d: {  	v12 =	vld [tilespmem:$0xDA50]  }
0x30e: {  	v6 =	vadd.f32 v62, v6  }
0x30f: {  	v13 =	vld [tilespmem:$0xDA90]  }
0x310: {  	v6 =	vadd.f32 v63, v6  }
0x311: {  	v14 =	vld [tilespmem:$0xDAD0]  }
0x312: {  	v6 =	vadd.f32 v12, v6  }
0x313: {  	v15 =	vld [tilespmem:$0xDB10]  }
0x314: {  	v6 =	vadd.f32 v13, v6  }
0x315: {  	v16 =	vld [tilespmem:$0xDB50]  }
0x316: {  	v6 =	vadd.f32 v14, v6  }
0x317: {  	v17 =	vld [tilespmem:$0xDB90]  }
0x318: {  	v6 =	vadd.f32 v15, v6  }
0x319: {  	v18 =	vld [tilespmem:$0xDBD0]  }
0x31a: {  	v6 =	vadd.f32 v16, v6  }
0x31b: {  	v19 =	vld [tilespmem:$0xDC10]  }
0x31c: {  	v6 =	vadd.f32 v17, v6  }
0x31d: {  	v20 =	vld [tilespmem:$0xDC50]  }
0x31e: {  	v6 =	vadd.f32 v18, v6  }
0x31f: {  	v21 =	vld [tilespmem:$0xDC90]  }
0x320: {  	v6 =	vadd.f32 v19, v6  }
0x321: {  	v22 =	vld [tilespmem:$0xDCD0]  }
0x322: {  	v6 =	vadd.f32 v20, v6;
	_ =	sdelay $0x1  }
0x323: {  	v6 =	vadd.f32 v21, v6;
	_ =	sdelay $0x1  }
0x324: {  	v6 =	vadd.f32 v22, v6;
	_ =	sdelay $0x1  }
0x325: {  	[tilespmem:s17+$0x10] =	vst v6  }
0x326: {  	v23 =	vld [tilespmem:$0xDCE0];
	_ =	sdelay $0x1  }
0x327: {  	v24 =	vld [tilespmem:$0xDD20];
	_ =	sdelay $0x1  }
0x328: {  	v25 =	vld [tilespmem:$0xDD60]  }
0x329: {  	v3 =	vadd.f32 v23, v3  }
0x32a: {  	v26 =	vld [tilespmem:$0xDDA0]  }
0x32b: {  	v3 =	vadd.f32 v24, v3  }
0x32c: {  	v27 =	vld [tilespmem:$0xDDE0]  }
0x32d: {  	v3 =	vadd.f32 v25, v3  }
0x32e: {  	v28 =	vld [tilespmem:$0xDE20]  }
0x32f: {  	v3 =	vadd.f32 v26, v3  }
0x330: {  	v29 =	vld [tilespmem:$0xDE60]  }
0x331: {  	v3 =	vadd.f32 v27, v3  }
0x332: {  	v30 =	vld [tilespmem:$0xDEA0]  }
0x333: {  	v3 =	vadd.f32 v28, v3  }
0x334: {  	v31 =	vld [tilespmem:$0xDEE0]  }
0x335: {  	v3 =	vadd.f32 v29, v3  }
0x336: {  	v32 =	vld [tilespmem:$0xDF20]  }
0x337: {  	v3 =	vadd.f32 v30, v3  }
0x338: {  	v33 =	vld [tilespmem:$0xDF60]  }
0x339: {  	v3 =	vadd.f32 v31, v3  }
0x33a: {  	v34 =	vld [tilespmem:$0xDFA0]  }
0x33b: {  	v3 =	vadd.f32 v32, v3  }
0x33c: {  	v35 =	vld [tilespmem:$0xDFE0]  }
0x33d: {  	v3 =	vadd.f32 v33, v3  }
0x33e: {  	v36 =	vld [tilespmem:$0xE020]  }
0x33f: {  	v3 =	vadd.f32 v34, v3  }
0x340: {  	v37 =	vld [tilespmem:$0xE060]  }
0x341: {  	v3 =	vadd.f32 v35, v3  }
0x342: {  	v38 =	vld [tilespmem:$0xE0A0]  }
0x343: {  	v3 =	vadd.f32 v36, v3;
	_ =	sdelay $0x1  }
0x344: {  	v3 =	vadd.f32 v37, v3;
	_ =	sdelay $0x1  }
0x345: {  	v3 =	vadd.f32 v38, v3;
	_ =	sdelay $0x1  }
0x346: {  	[tilespmem:s17+$0xFFFFFFE0] =	vst v3  }
0x347: {  	v39 =	vld [tilespmem:$0xDCF0];
	_ =	sdelay $0x1  }
0x348: {  	v40 =	vld [tilespmem:$0xDD30];
	_ =	sdelay $0x1  }
0x349: {  	v41 =	vld [tilespmem:$0xDD70]  }
0x34a: {  	v4 =	vadd.f32 v39, v4  }
0x34b: {  	v42 =	vld [tilespmem:$0xDDB0]  }
0x34c: {  	v4 =	vadd.f32 v40, v4  }
0x34d: {  	v43 =	vld [tilespmem:$0xDDF0]  }
0x34e: {  	v4 =	vadd.f32 v41, v4  }
0x34f: {  	v44 =	vld [tilespmem:$0xDE30]  }
0x350: {  	v4 =	vadd.f32 v42, v4  }
0x351: {  	v45 =	vld [tilespmem:$0xDE70]  }
0x352: {  	v4 =	vadd.f32 v43, v4  }
0x353: {  	v46 =	vld [tilespmem:$0xDEB0]  }
0x354: {  	v4 =	vadd.f32 v44, v4  }
0x355: {  	v47 =	vld [tilespmem:$0xDEF0]  }
0x356: {  	v4 =	vadd.f32 v45, v4  }
0x357: {  	v48 =	vld [tilespmem:$0xDF30]  }
0x358: {  	v4 =	vadd.f32 v46, v4  }
0x359: {  	v49 =	vld [tilespmem:$0xDF70]  }
0x35a: {  	v4 =	vadd.f32 v47, v4  }
0x35b: {  	v50 =	vld [tilespmem:$0xDFB0]  }
0x35c: {  	v4 =	vadd.f32 v48, v4  }
0x35d: {  	v51 =	vld [tilespmem:$0xDFF0]  }
0x35e: {  	v4 =	vadd.f32 v49, v4  }
0x35f: {  	v52 =	vld [tilespmem:$0xE030]  }
0x360: {  	v4 =	vadd.f32 v50, v4  }
0x361: {  	v53 =	vld [tilespmem:$0xE070]  }
0x362: {  	v4 =	vadd.f32 v51, v4  }
0x363: {  	v54 =	vld [tilespmem:$0xE0B0]  }
0x364: {  	v4 =	vadd.f32 v52, v4;
	_ =	sdelay $0x1  }
0x365: {  	v4 =	vadd.f32 v53, v4;
	_ =	sdelay $0x1  }
0x366: {  	v4 =	vadd.f32 v54, v4;
	_ =	sdelay $0x1  }
0x367: {  	[tilespmem:s17+$0xFFFFFFF0] =	vst v4  }
0x368: {  	v55 =	vld [tilespmem:$0xDD00];
	_ =	sdelay $0x1  }
0x369: {  	v56 =	vld [tilespmem:$0xDD40];
	_ =	sdelay $0x1  }
0x36a: {  	v57 =	vld [tilespmem:$0xDD80]  }
0x36b: {  	v5 =	vadd.f32 v55, v5  }
0x36c: {  	v58 =	vld [tilespmem:$0xDDC0]  }
0x36d: {  	v5 =	vadd.f32 v56, v5  }
0x36e: {  	v59 =	vld [tilespmem:$0xDE00]  }
0x36f: {  	v5 =	vadd.f32 v57, v5  }
0x370: {  	v60 =	vld [tilespmem:$0xDE40]  }
0x371: {  	v5 =	vadd.f32 v58, v5  }
0x372: {  	v61 =	vld [tilespmem:$0xDE80]  }
0x373: {  	v5 =	vadd.f32 v59, v5  }
0x374: {  	v62 =	vld [tilespmem:$0xDEC0]  }
0x375: {  	v5 =	vadd.f32 v60, v5  }
0x376: {  	v63 =	vld [tilespmem:$0xDF00]  }
0x377: {  	v5 =	vadd.f32 v61, v5  }
0x378: {  	v12 =	vld [tilespmem:$0xDF40]  }
0x379: {  	v5 =	vadd.f32 v62, v5  }
0x37a: {  	v13 =	vld [tilespmem:$0xDF80]  }
0x37b: {  	v5 =	vadd.f32 v63, v5  }
0x37c: {  	v14 =	vld [tilespmem:$0xDFC0]  }
0x37d: {  	v5 =	vadd.f32 v12, v5  }
0x37e: {  	v15 =	vld [tilespmem:$0xE000]  }
0x37f: {  	v5 =	vadd.f32 v13, v5  }
0x380: {  	v16 =	vld [tilespmem:$0xE040]  }
0x381: {  	v5 =	vadd.f32 v14, v5  }
0x382: {  	v17 =	vld [tilespmem:$0xE080]  }
0x383: {  	v5 =	vadd.f32 v15, v5  }
0x384: {  	v18 =	vld [tilespmem:$0xE0C0]  }
0x385: {  	v5 =	vadd.f32 v16, v5;
	_ =	sdelay $0x1  }
0x386: {  	v5 =	vadd.f32 v17, v5;
	_ =	sdelay $0x1  }
0x387: {  	v5 =	vadd.f32 v18, v5;
	_ =	sdelay $0x1  }
0x388: {  	[tilespmem:s17+$0x0] =	vst v5  }
0x389: {  	v19 =	vld [tilespmem:$0xDD10];
	_ =	sdelay $0x1  }
0x38a: {  	v20 =	vld [tilespmem:$0xDD50];
	_ =	sdelay $0x1  }
0x38b: {  	v21 =	vld [tilespmem:$0xDD90]  }
0x38c: {  	v6 =	vadd.f32 v19, v6  }
0x38d: {  	v22 =	vld [tilespmem:$0xDDD0]  }
0x38e: {  	v6 =	vadd.f32 v20, v6  }
0x38f: {  	v23 =	vld [tilespmem:$0xDE10]  }
0x390: {  	v6 =	vadd.f32 v21, v6  }
0x391: {  	v24 =	vld [tilespmem:$0xDE50]  }
0x392: {  	v6 =	vadd.f32 v22, v6  }
0x393: {  	v25 =	vld [tilespmem:$0xDE90]  }
0x394: {  	v6 =	vadd.f32 v23, v6  }
0x395: {  	v26 =	vld [tilespmem:$0xDED0]  }
0x396: {  	v6 =	vadd.f32 v24, v6  }
0x397: {  	v27 =	vld [tilespmem:$0xDF10]  }
0x398: {  	v6 =	vadd.f32 v25, v6  }
0x399: {  	v28 =	vld [tilespmem:$0xDF50]  }
0x39a: {  	v6 =	vadd.f32 v26, v6  }
0x39b: {  	v29 =	vld [tilespmem:$0xDF90]  }
0x39c: {  	v6 =	vadd.f32 v27, v6  }
0x39d: {  	v30 =	vld [tilespmem:$0xDFD0]  }
0x39e: {  	v6 =	vadd.f32 v28, v6  }
0x39f: {  	v31 =	vld [tilespmem:$0xE010]  }
0x3a0: {  	v6 =	vadd.f32 v29, v6  }
0x3a1: {  	v32 =	vld [tilespmem:$0xE050]  }
0x3a2: {  	v6 =	vadd.f32 v30, v6  }
0x3a3: {  	v33 =	vld [tilespmem:$0xE090]  }
0x3a4: {  	v6 =	vadd.f32 v31, v6  }
0x3a5: {  	v34 =	vld [tilespmem:$0xE0D0]  }
0x3a6: {  	v6 =	vadd.f32 v32, v6;
	_ =	sdelay $0x1  }
0x3a7: {  	v6 =	vadd.f32 v33, v6;
	_ =	sdelay $0x1  }
0x3a8: {  	v6 =	vadd.f32 v34, v6;
	_ =	sdelay $0x1  }
0x3a9: {  	[tilespmem:s17+$0x10] =	vst v6  }
0x3aa: {  	v35 =	vld [tilespmem:$0xE0E0];
	_ =	sdelay $0x1  }
0x3ab: {  	v36 =	vld [tilespmem:$0xE120];
	_ =	sdelay $0x1  }
0x3ac: {  	v37 =	vld [tilespmem:$0xE160]  }
0x3ad: {  	v3 =	vadd.f32 v35, v3  }
0x3ae: {  	v38 =	vld [tilespmem:$0xE1A0]  }
0x3af: {  	v3 =	vadd.f32 v36, v3  }
0x3b0: {  	v39 =	vld [tilespmem:$0xE1E0]  }
0x3b1: {  	v3 =	vadd.f32 v37, v3  }
0x3b2: {  	v40 =	vld [tilespmem:$0xE220]  }
0x3b3: {  	v3 =	vadd.f32 v38, v3  }
0x3b4: {  	v41 =	vld [tilespmem:$0xE260]  }
0x3b5: {  	v3 =	vadd.f32 v39, v3  }
0x3b6: {  	v42 =	vld [tilespmem:$0xE2A0]  }
0x3b7: {  	v3 =	vadd.f32 v40, v3  }
0x3b8: {  	v43 =	vld [tilespmem:$0xE2E0]  }
0x3b9: {  	v3 =	vadd.f32 v41, v3  }
0x3ba: {  	v44 =	vld [tilespmem:$0xE320]  }
0x3bb: {  	v3 =	vadd.f32 v42, v3  }
0x3bc: {  	v45 =	vld [tilespmem:$0xE360]  }
0x3bd: {  	v3 =	vadd.f32 v43, v3  }
0x3be: {  	v46 =	vld [tilespmem:$0xE3A0]  }
0x3bf: {  	v3 =	vadd.f32 v44, v3  }
0x3c0: {  	v47 =	vld [tilespmem:$0xE3E0]  }
0x3c1: {  	v3 =	vadd.f32 v45, v3  }
0x3c2: {  	v48 =	vld [tilespmem:$0xE420]  }
0x3c3: {  	v3 =	vadd.f32 v46, v3  }
0x3c4: {  	v49 =	vld [tilespmem:$0xE460]  }
0x3c5: {  	v3 =	vadd.f32 v47, v3  }
0x3c6: {  	v50 =	vld [tilespmem:$0xE4A0]  }
0x3c7: {  	v3 =	vadd.f32 v48, v3;
	_ =	sdelay $0x1  }
0x3c8: {  	v3 =	vadd.f32 v49, v3;
	_ =	sdelay $0x1  }
0x3c9: {  	v3 =	vadd.f32 v50, v3;
	_ =	sdelay $0x1  }
0x3ca: {  	[tilespmem:s17+$0xFFFFFFE0] =	vst v3  }
0x3cb: {  	v51 =	vld [tilespmem:$0xE0F0];
	_ =	sdelay $0x1  }
0x3cc: {  	v52 =	vld [tilespmem:$0xE130];
	_ =	sdelay $0x1  }
0x3cd: {  	v53 =	vld [tilespmem:$0xE170]  }
0x3ce: {  	v4 =	vadd.f32 v51, v4  }
0x3cf: {  	v54 =	vld [tilespmem:$0xE1B0]  }
0x3d0: {  	v4 =	vadd.f32 v52, v4  }
0x3d1: {  	v55 =	vld [tilespmem:$0xE1F0]  }
0x3d2: {  	v4 =	vadd.f32 v53, v4  }
0x3d3: {  	v56 =	vld [tilespmem:$0xE230]  }
0x3d4: {  	v4 =	vadd.f32 v54, v4  }
0x3d5: {  	v57 =	vld [tilespmem:$0xE270]  }
0x3d6: {  	v4 =	vadd.f32 v55, v4  }
0x3d7: {  	v58 =	vld [tilespmem:$0xE2B0]  }
0x3d8: {  	v4 =	vadd.f32 v56, v4  }
0x3d9: {  	v59 =	vld [tilespmem:$0xE2F0]  }
0x3da: {  	v4 =	vadd.f32 v57, v4  }
0x3db: {  	v60 =	vld [tilespmem:$0xE330]  }
0x3dc: {  	v4 =	vadd.f32 v58, v4  }
0x3dd: {  	v61 =	vld [tilespmem:$0xE370]  }
0x3de: {  	v4 =	vadd.f32 v59, v4  }
0x3df: {  	v62 =	vld [tilespmem:$0xE3B0]  }
0x3e0: {  	v4 =	vadd.f32 v60, v4  }
0x3e1: {  	v63 =	vld [tilespmem:$0xE3F0]  }
0x3e2: {  	v4 =	vadd.f32 v61, v4  }
0x3e3: {  	v12 =	vld [tilespmem:$0xE430]  }
0x3e4: {  	v4 =	vadd.f32 v62, v4  }
0x3e5: {  	v13 =	vld [tilespmem:$0xE470]  }
0x3e6: {  	v4 =	vadd.f32 v63, v4  }
0x3e7: {  	v14 =	vld [tilespmem:$0xE4B0]  }
0x3e8: {  	v4 =	vadd.f32 v12, v4;
	_ =	sdelay $0x1  }
0x3e9: {  	v4 =	vadd.f32 v13, v4;
	_ =	sdelay $0x1  }
0x3ea: {  	v4 =	vadd.f32 v14, v4;
	_ =	sdelay $0x1  }
0x3eb: {  	[tilespmem:s17+$0xFFFFFFF0] =	vst v4  }
0x3ec: {  	v15 =	vld [tilespmem:$0xE100];
	_ =	sdelay $0x1  }
0x3ed: {  	v16 =	vld [tilespmem:$0xE140];
	_ =	sdelay $0x1  }
0x3ee: {  	v17 =	vld [tilespmem:$0xE180]  }
0x3ef: {  	v5 =	vadd.f32 v15, v5  }
0x3f0: {  	v18 =	vld [tilespmem:$0xE1C0]  }
0x3f1: {  	v5 =	vadd.f32 v16, v5  }
0x3f2: {  	v19 =	vld [tilespmem:$0xE200]  }
0x3f3: {  	v5 =	vadd.f32 v17, v5  }
0x3f4: {  	v20 =	vld [tilespmem:$0xE240]  }
0x3f5: {  	v5 =	vadd.f32 v18, v5  }
0x3f6: {  	v21 =	vld [tilespmem:$0xE280]  }
0x3f7: {  	v5 =	vadd.f32 v19, v5  }
0x3f8: {  	v22 =	vld [tilespmem:$0xE2C0]  }
0x3f9: {  	v5 =	vadd.f32 v20, v5  }
0x3fa: {  	v23 =	vld [tilespmem:$0xE300]  }
0x3fb: {  	v5 =	vadd.f32 v21, v5  }
0x3fc: {  	v24 =	vld [tilespmem:$0xE340]  }
0x3fd: {  	v5 =	vadd.f32 v22, v5  }
0x3fe: {  	v25 =	vld [tilespmem:$0xE380]  }
0x3ff: {  	v5 =	vadd.f32 v23, v5  }
0x400: {  	v26 =	vld [tilespmem:$0xE3C0]  }
0x401: {  	v5 =	vadd.f32 v24, v5  }
0x402: {  	v27 =	vld [tilespmem:$0xE400]  }
0x403: {  	v5 =	vadd.f32 v25, v5  }
0x404: {  	v28 =	vld [tilespmem:$0xE440]  }
0x405: {  	v5 =	vadd.f32 v26, v5  }
0x406: {  	v29 =	vld [tilespmem:$0xE480]  }
0x407: {  	v5 =	vadd.f32 v27, v5  }
0x408: {  	v30 =	vld [tilespmem:$0xE4C0]  }
0x409: {  	v5 =	vadd.f32 v28, v5;
	_ =	sdelay $0x1  }
0x40a: {  	v5 =	vadd.f32 v29, v5;
	_ =	sdelay $0x1  }
0x40b: {  	v5 =	vadd.f32 v30, v5;
	_ =	sdelay $0x1  }
0x40c: {  	[tilespmem:s17+$0x0] =	vst v5  }
0x40d: {  	v31 =	vld [tilespmem:$0xE110];
	_ =	sdelay $0x1  }
0x40e: {  	v32 =	vld [tilespmem:$0xE150];
	_ =	sdelay $0x1  }
0x40f: {  	v33 =	vld [tilespmem:$0xE190]  }
0x410: {  	v6 =	vadd.f32 v31, v6  }
0x411: {  	v34 =	vld [tilespmem:$0xE1D0]  }
0x412: {  	v6 =	vadd.f32 v32, v6  }
0x413: {  	v35 =	vld [tilespmem:$0xE210]  }
0x414: {  	v6 =	vadd.f32 v33, v6  }
0x415: {  	v36 =	vld [tilespmem:$0xE250]  }
0x416: {  	v6 =	vadd.f32 v34, v6  }
0x417: {  	v37 =	vld [tilespmem:$0xE290]  }
0x418: {  	v6 =	vadd.f32 v35, v6  }
0x419: {  	v38 =	vld [tilespmem:$0xE2D0]  }
0x41a: {  	v6 =	vadd.f32 v36, v6  }
0x41b: {  	v39 =	vld [tilespmem:$0xE310]  }
0x41c: {  	v6 =	vadd.f32 v37, v6  }
0x41d: {  	v40 =	vld [tilespmem:$0xE350]  }
0x41e: {  	v6 =	vadd.f32 v38, v6  }
0x41f: {  	v41 =	vld [tilespmem:$0xE390]  }
0x420: {  	v6 =	vadd.f32 v39, v6  }
0x421: {  	v42 =	vld [tilespmem:$0xE3D0]  }
0x422: {  	v6 =	vadd.f32 v40, v6  }
0x423: {  	v43 =	vld [tilespmem:$0xE410]  }
0x424: {  	v6 =	vadd.f32 v41, v6  }
0x425: {  	v44 =	vld [tilespmem:$0xE450]  }
0x426: {  	v6 =	vadd.f32 v42, v6  }
0x427: {  	v45 =	vld [tilespmem:$0xE490]  }
0x428: {  	v6 =	vadd.f32 v43, v6  }
0x429: {  	v46 =	vld [tilespmem:$0xE4D0]  }
0x42a: {  	v6 =	vadd.f32 v44, v6;
	_ =	sdelay $0x1  }
0x42b: {  	v6 =	vadd.f32 v45, v6;
	_ =	sdelay $0x1  }
0x42c: {  	v6 =	vadd.f32 v46, v6;
	_ =	sdelay $0x1  }
0x42d: {  	[tilespmem:s17+$0x10] =	vst v6  }
0x42e: {  	v47 =	vld [tilespmem:$0xE4E0];
	_ =	sdelay $0x1  }
0x42f: {  	v48 =	vld [tilespmem:$0xE520];
	_ =	sdelay $0x1  }
0x430: {  	v49 =	vld [tilespmem:$0xE560]  }
0x431: {  	v3 =	vadd.f32 v47, v3  }
0x432: {  	v50 =	vld [tilespmem:$0xE5A0]  }
0x433: {  	v3 =	vadd.f32 v48, v3  }
0x434: {  	v51 =	vld [tilespmem:$0xE5E0]  }
0x435: {  	v3 =	vadd.f32 v49, v3  }
0x436: {  	v52 =	vld [tilespmem:$0xE620]  }
0x437: {  	v3 =	vadd.f32 v50, v3  }
0x438: {  	v53 =	vld [tilespmem:$0xE660]  }
0x439: {  	v3 =	vadd.f32 v51, v3  }
0x43a: {  	v54 =	vld [tilespmem:$0xE6A0]  }
0x43b: {  	v3 =	vadd.f32 v52, v3  }
0x43c: {  	v55 =	vld [tilespmem:$0xE6E0]  }
0x43d: {  	v3 =	vadd.f32 v53, v3  }
0x43e: {  	v56 =	vld [tilespmem:$0xE720]  }
0x43f: {  	v3 =	vadd.f32 v54, v3  }
0x440: {  	v57 =	vld [tilespmem:$0xE760]  }
0x441: {  	v3 =	vadd.f32 v55, v3  }
0x442: {  	v58 =	vld [tilespmem:$0xE7A0]  }
0x443: {  	v3 =	vadd.f32 v56, v3  }
0x444: {  	v59 =	vld [tilespmem:$0xE7E0]  }
0x445: {  	v3 =	vadd.f32 v57, v3  }
0x446: {  	v60 =	vld [tilespmem:$0xE820]  }
0x447: {  	v3 =	vadd.f32 v58, v3  }
0x448: {  	v61 =	vld [tilespmem:$0xE860]  }
0x449: {  	v3 =	vadd.f32 v59, v3  }
0x44a: {  	v62 =	vld [tilespmem:$0xE8A0]  }
0x44b: {  	v3 =	vadd.f32 v60, v3;
	_ =	sdelay $0x1  }
0x44c: {  	v3 =	vadd.f32 v61, v3;
	_ =	sdelay $0x1  }
0x44d: {  	v3 =	vadd.f32 v62, v3;
	_ =	sdelay $0x1  }
0x44e: {  	[tilespmem:s17+$0xFFFFFFE0] =	vst v3  }
0x44f: {  	v63 =	vld [tilespmem:$0xE4F0];
	_ =	sdelay $0x1  }
0x450: {  	v12 =	vld [tilespmem:$0xE530];
	_ =	sdelay $0x1  }
0x451: {  	v13 =	vld [tilespmem:$0xE570]  }
0x452: {  	v4 =	vadd.f32 v63, v4  }
0x453: {  	v14 =	vld [tilespmem:$0xE5B0]  }
0x454: {  	v4 =	vadd.f32 v12, v4  }
0x455: {  	v15 =	vld [tilespmem:$0xE5F0]  }
0x456: {  	v4 =	vadd.f32 v13, v4  }
0x457: {  	v16 =	vld [tilespmem:$0xE630]  }
0x458: {  	v4 =	vadd.f32 v14, v4  }
0x459: {  	v17 =	vld [tilespmem:$0xE670]  }
0x45a: {  	v4 =	vadd.f32 v15, v4  }
0x45b: {  	v18 =	vld [tilespmem:$0xE6B0]  }
0x45c: {  	v4 =	vadd.f32 v16, v4  }
0x45d: {  	v19 =	vld [tilespmem:$0xE6F0]  }
0x45e: {  	v4 =	vadd.f32 v17, v4  }
0x45f: {  	v20 =	vld [tilespmem:$0xE730]  }
0x460: {  	v4 =	vadd.f32 v18, v4  }
0x461: {  	v21 =	vld [tilespmem:$0xE770]  }
0x462: {  	v4 =	vadd.f32 v19, v4  }
0x463: {  	v22 =	vld [tilespmem:$0xE7B0]  }
0x464: {  	v4 =	vadd.f32 v20, v4  }
0x465: {  	v23 =	vld [tilespmem:$0xE7F0]  }
0x466: {  	v4 =	vadd.f32 v21, v4  }
0x467: {  	v24 =	vld [tilespmem:$0xE830]  }
0x468: {  	v4 =	vadd.f32 v22, v4  }
0x469: {  	v25 =	vld [tilespmem:$0xE870]  }
0x46a: {  	v4 =	vadd.f32 v23, v4  }
0x46b: {  	v26 =	vld [tilespmem:$0xE8B0]  }
0x46c: {  	v4 =	vadd.f32 v24, v4;
	_ =	sdelay $0x1  }
0x46d: {  	v4 =	vadd.f32 v25, v4;
	_ =	sdelay $0x1  }
0x46e: {  	v4 =	vadd.f32 v26, v4;
	_ =	sdelay $0x1  }
0x46f: {  	[tilespmem:s17+$0xFFFFFFF0] =	vst v4  }
0x470: {  	v27 =	vld [tilespmem:$0xE500];
	_ =	sdelay $0x1  }
0x471: {  	v28 =	vld [tilespmem:$0xE540];
	_ =	sdelay $0x1  }
0x472: {  	v29 =	vld [tilespmem:$0xE580]  }
0x473: {  	v5 =	vadd.f32 v27, v5  }
0x474: {  	v30 =	vld [tilespmem:$0xE5C0]  }
0x475: {  	v5 =	vadd.f32 v28, v5  }
0x476: {  	v31 =	vld [tilespmem:$0xE600]  }
0x477: {  	v5 =	vadd.f32 v29, v5  }
0x478: {  	v32 =	vld [tilespmem:$0xE640]  }
0x479: {  	v5 =	vadd.f32 v30, v5  }
0x47a: {  	v33 =	vld [tilespmem:$0xE680]  }
0x47b: {  	v5 =	vadd.f32 v31, v5  }
0x47c: {  	v34 =	vld [tilespmem:$0xE6C0]  }
0x47d: {  	v5 =	vadd.f32 v32, v5  }
0x47e: {  	v35 =	vld [tilespmem:$0xE700]  }
0x47f: {  	v5 =	vadd.f32 v33, v5  }
0x480: {  	v36 =	vld [tilespmem:$0xE740]  }
0x481: {  	v5 =	vadd.f32 v34, v5  }
0x482: {  	v37 =	vld [tilespmem:$0xE780]  }
0x483: {  	v5 =	vadd.f32 v35, v5  }
0x484: {  	v38 =	vld [tilespmem:$0xE7C0]  }
0x485: {  	v5 =	vadd.f32 v36, v5  }
0x486: {  	v39 =	vld [tilespmem:$0xE800]  }
0x487: {  	v5 =	vadd.f32 v37, v5  }
0x488: {  	v40 =	vld [tilespmem:$0xE840]  }
0x489: {  	v5 =	vadd.f32 v38, v5  }
0x48a: {  	v41 =	vld [tilespmem:$0xE880]  }
0x48b: {  	v5 =	vadd.f32 v39, v5  }
0x48c: {  	v42 =	vld [tilespmem:$0xE8C0]  }
0x48d: {  	v5 =	vadd.f32 v40, v5;
	_ =	sdelay $0x1  }
0x48e: {  	v5 =	vadd.f32 v41, v5;
	_ =	sdelay $0x1  }
0x48f: {  	v5 =	vadd.f32 v42, v5;
	_ =	sdelay $0x1  }
0x490: {  	[tilespmem:s17+$0x0] =	vst v5  }
0x491: {  	v43 =	vld [tilespmem:$0xE510];
	_ =	sdelay $0x1  }
0x492: {  	v44 =	vld [tilespmem:$0xE550];
	_ =	sdelay $0x1  }
0x493: {  	v45 =	vld [tilespmem:$0xE590]  }
0x494: {  	v6 =	vadd.f32 v43, v6  }
0x495: {  	v46 =	vld [tilespmem:$0xE5D0]  }
0x496: {  	v6 =	vadd.f32 v44, v6  }
0x497: {  	v47 =	vld [tilespmem:$0xE610]  }
0x498: {  	v6 =	vadd.f32 v45, v6  }
0x499: {  	v48 =	vld [tilespmem:$0xE650]  }
0x49a: {  	v6 =	vadd.f32 v46, v6  }
0x49b: {  	v49 =	vld [tilespmem:$0xE690]  }
0x49c: {  	v6 =	vadd.f32 v47, v6  }
0x49d: {  	v50 =	vld [tilespmem:$0xE6D0]  }
0x49e: {  	v6 =	vadd.f32 v48, v6  }
0x49f: {  	v51 =	vld [tilespmem:$0xE710]  }
0x4a0: {  	v6 =	vadd.f32 v49, v6  }
0x4a1: {  	v52 =	vld [tilespmem:$0xE750]  }
0x4a2: {  	v6 =	vadd.f32 v50, v6  }
0x4a3: {  	v53 =	vld [tilespmem:$0xE790]  }
0x4a4: {  	v6 =	vadd.f32 v51, v6  }
0x4a5: {  	v54 =	vld [tilespmem:$0xE7D0]  }
0x4a6: {  	v6 =	vadd.f32 v52, v6  }
0x4a7: {  	v55 =	vld [tilespmem:$0xE810]  }
0x4a8: {  	v6 =	vadd.f32 v53, v6  }
0x4a9: {  	v56 =	vld [tilespmem:$0xE850]  }
0x4aa: {  	v6 =	vadd.f32 v54, v6  }
0x4ab: {  	v57 =	vld [tilespmem:$0xE890]  }
0x4ac: {  	v6 =	vadd.f32 v55, v6  }
0x4ad: {  	v58 =	vld [tilespmem:$0xE8D0]  }
0x4ae: {  	v6 =	vadd.f32 v56, v6;
	_ =	sdelay $0x1  }
0x4af: {  	v6 =	vadd.f32 v57, v6;
	_ =	sdelay $0x1  }
0x4b0: {  	v6 =	vadd.f32 v58, v6;
	_ =	sdelay $0x1  }
0x4b1: {  	[tilespmem:s17+$0x10] =	vst v6  }
0x4b2: {  	v59 =	vld [tilespmem:$0xE8E0];
	_ =	sdelay $0x1  }
0x4b3: {  	v60 =	vld [tilespmem:$0xE920];
	_ =	sdelay $0x1  }
0x4b4: {  	v61 =	vld [tilespmem:$0xE960]  }
0x4b5: {  	v3 =	vadd.f32 v59, v3  }
0x4b6: {  	v62 =	vld [tilespmem:$0xE9A0]  }
0x4b7: {  	v3 =	vadd.f32 v60, v3  }
0x4b8: {  	v63 =	vld [tilespmem:$0xE9E0]  }
0x4b9: {  	v3 =	vadd.f32 v61, v3  }
0x4ba: {  	v12 =	vld [tilespmem:$0xEA20]  }
0x4bb: {  	v3 =	vadd.f32 v62, v3  }
0x4bc: {  	v13 =	vld [tilespmem:$0xEA60]  }
0x4bd: {  	v3 =	vadd.f32 v63, v3  }
0x4be: {  	v14 =	vld [tilespmem:$0xEAA0]  }
0x4bf: {  	v3 =	vadd.f32 v12, v3  }
0x4c0: {  	v15 =	vld [tilespmem:$0xEAE0]  }
0x4c1: {  	v3 =	vadd.f32 v13, v3  }
0x4c2: {  	v16 =	vld [tilespmem:$0xEB20]  }
0x4c3: {  	v3 =	vadd.f32 v14, v3  }
0x4c4: {  	v17 =	vld [tilespmem:$0xEB60]  }
0x4c5: {  	v3 =	vadd.f32 v15, v3  }
0x4c6: {  	v18 =	vld [tilespmem:$0xEBA0]  }
0x4c7: {  	v3 =	vadd.f32 v16, v3  }
0x4c8: {  	v19 =	vld [tilespmem:$0xEBE0]  }
0x4c9: {  	v3 =	vadd.f32 v17, v3  }
0x4ca: {  	v20 =	vld [tilespmem:$0xEC20]  }
0x4cb: {  	v3 =	vadd.f32 v18, v3  }
0x4cc: {  	v21 =	vld [tilespmem:$0xEC60]  }
0x4cd: {  	v3 =	vadd.f32 v19, v3  }
0x4ce: {  	v22 =	vld [tilespmem:$0xECA0]  }
0x4cf: {  	v3 =	vadd.f32 v20, v3;
	_ =	sdelay $0x1  }
0x4d0: {  	v3 =	vadd.f32 v21, v3;
	_ =	sdelay $0x1  }
0x4d1: {  	v3 =	vadd.f32 v22, v3;
	_ =	sdelay $0x1  }
0x4d2: {  	[tilespmem:s17+$0xFFFFFFE0] =	vst v3  }
0x4d3: {  	v23 =	vld [tilespmem:$0xE8F0];
	_ =	sdelay $0x1  }
0x4d4: {  	v24 =	vld [tilespmem:$0xE930];
	_ =	sdelay $0x1  }
0x4d5: {  	v25 =	vld [tilespmem:$0xE970]  }
0x4d6: {  	v4 =	vadd.f32 v23, v4  }
0x4d7: {  	v26 =	vld [tilespmem:$0xE9B0]  }
0x4d8: {  	v4 =	vadd.f32 v24, v4  }
0x4d9: {  	v27 =	vld [tilespmem:$0xE9F0]  }
0x4da: {  	v4 =	vadd.f32 v25, v4  }
0x4db: {  	v28 =	vld [tilespmem:$0xEA30]  }
0x4dc: {  	v4 =	vadd.f32 v26, v4  }
0x4dd: {  	v29 =	vld [tilespmem:$0xEA70]  }
0x4de: {  	v4 =	vadd.f32 v27, v4  }
0x4df: {  	v30 =	vld [tilespmem:$0xEAB0]  }
0x4e0: {  	v4 =	vadd.f32 v28, v4  }
0x4e1: {  	v31 =	vld [tilespmem:$0xEAF0]  }
0x4e2: {  	v4 =	vadd.f32 v29, v4  }
0x4e3: {  	v32 =	vld [tilespmem:$0xEB30]  }
0x4e4: {  	v4 =	vadd.f32 v30, v4  }
0x4e5: {  	v33 =	vld [tilespmem:$0xEB70]  }
0x4e6: {  	v4 =	vadd.f32 v31, v4  }
0x4e7: {  	v34 =	vld [tilespmem:$0xEBB0]  }
0x4e8: {  	v4 =	vadd.f32 v32, v4  }
0x4e9: {  	v35 =	vld [tilespmem:$0xEBF0]  }
0x4ea: {  	v4 =	vadd.f32 v33, v4  }
0x4eb: {  	v36 =	vld [tilespmem:$0xEC30]  }
0x4ec: {  	v4 =	vadd.f32 v34, v4  }
0x4ed: {  	v37 =	vld [tilespmem:$0xEC70]  }
0x4ee: {  	v4 =	vadd.f32 v35, v4  }
0x4ef: {  	v38 =	vld [tilespmem:$0xECB0]  }
0x4f0: {  	v4 =	vadd.f32 v36, v4;
	_ =	sdelay $0x1  }
0x4f1: {  	v4 =	vadd.f32 v37, v4;
	_ =	sdelay $0x1  }
0x4f2: {  	v4 =	vadd.f32 v38, v4;
	_ =	sdelay $0x1  }
0x4f3: {  	[tilespmem:s17+$0xFFFFFFF0] =	vst v4  }
0x4f4: {  	v39 =	vld [tilespmem:$0xE900];
	_ =	sdelay $0x1  }
0x4f5: {  	v40 =	vld [tilespmem:$0xE940];
	_ =	sdelay $0x1  }
0x4f6: {  	v41 =	vld [tilespmem:$0xE980]  }
0x4f7: {  	v5 =	vadd.f32 v39, v5  }
0x4f8: {  	v42 =	vld [tilespmem:$0xE9C0]  }
0x4f9: {  	v5 =	vadd.f32 v40, v5  }
0x4fa: {  	v43 =	vld [tilespmem:$0xEA00]  }
0x4fb: {  	v5 =	vadd.f32 v41, v5  }
0x4fc: {  	v44 =	vld [tilespmem:$0xEA40]  }
0x4fd: {  	v5 =	vadd.f32 v42, v5  }
0x4fe: {  	v45 =	vld [tilespmem:$0xEA80]  }
0x4ff: {  	v5 =	vadd.f32 v43, v5  }
0x500: {  	v46 =	vld [tilespmem:$0xEAC0]  }
0x501: {  	v5 =	vadd.f32 v44, v5  }
0x502: {  	v47 =	vld [tilespmem:$0xEB00]  }
0x503: {  	v5 =	vadd.f32 v45, v5  }
0x504: {  	v48 =	vld [tilespmem:$0xEB40]  }
0x505: {  	v5 =	vadd.f32 v46, v5  }
0x506: {  	v49 =	vld [tilespmem:$0xEB80]  }
0x507: {  	v5 =	vadd.f32 v47, v5  }
0x508: {  	v50 =	vld [tilespmem:$0xEBC0]  }
0x509: {  	v5 =	vadd.f32 v48, v5  }
0x50a: {  	v51 =	vld [tilespmem:$0xEC00]  }
0x50b: {  	v5 =	vadd.f32 v49, v5  }
0x50c: {  	v52 =	vld [tilespmem:$0xEC40]  }
0x50d: {  	v5 =	vadd.f32 v50, v5  }
0x50e: {  	v53 =	vld [tilespmem:$0xEC80]  }
0x50f: {  	v5 =	vadd.f32 v51, v5  }
0x510: {  	v54 =	vld [tilespmem:$0xECC0]  }
0x511: {  	v5 =	vadd.f32 v52, v5;
	_ =	sdelay $0x1  }
0x512: {  	v5 =	vadd.f32 v53, v5;
	_ =	sdelay $0x1  }
0x513: {  	v5 =	vadd.f32 v54, v5;
	_ =	sdelay $0x1  }
0x514: {  	[tilespmem:s17+$0x0] =	vst v5  }
0x515: {  	v55 =	vld [tilespmem:$0xE910];
	_ =	sdelay $0x1  }
0x516: {  	v56 =	vld [tilespmem:$0xE950];
	_ =	sdelay $0x1  }
0x517: {  	v57 =	vld [tilespmem:$0xE990]  }
0x518: {  	v6 =	vadd.f32 v55, v6  }
0x519: {  	v58 =	vld [tilespmem:$0xE9D0]  }
0x51a: {  	v6 =	vadd.f32 v56, v6  }
0x51b: {  	v59 =	vld [tilespmem:$0xEA10]  }
0x51c: {  	v6 =	vadd.f32 v57, v6  }
0x51d: {  	v60 =	vld [tilespmem:$0xEA50]  }
0x51e: {  	v6 =	vadd.f32 v58, v6  }
0x51f: {  	v61 =	vld [tilespmem:$0xEA90]  }
0x520: {  	v6 =	vadd.f32 v59, v6  }
0x521: {  	v62 =	vld [tilespmem:$0xEAD0]  }
0x522: {  	v6 =	vadd.f32 v60, v6  }
0x523: {  	v63 =	vld [tilespmem:$0xEB10]  }
0x524: {  	v6 =	vadd.f32 v61, v6  }
0x525: {  	v12 =	vld [tilespmem:$0xEB50]  }
0x526: {  	v6 =	vadd.f32 v62, v6  }
0x527: {  	v13 =	vld [tilespmem:$0xEB90]  }
0x528: {  	v6 =	vadd.f32 v63, v6  }
0x529: {  	v14 =	vld [tilespmem:$0xEBD0]  }
0x52a: {  	v6 =	vadd.f32 v12, v6  }
0x52b: {  	v15 =	vld [tilespmem:$0xEC10]  }
0x52c: {  	v6 =	vadd.f32 v13, v6  }
0x52d: {  	v16 =	vld [tilespmem:$0xEC50]  }
0x52e: {  	v6 =	vadd.f32 v14, v6  }
0x52f: {  	v17 =	vld [tilespmem:$0xEC90]  }
0x530: {  	v6 =	vadd.f32 v15, v6  }
0x531: {  	v18 =	vld [tilespmem:$0xECD0]  }
0x532: {  	v6 =	vadd.f32 v16, v6;
	_ =	sdelay $0x1  }
0x533: {  	v6 =	vadd.f32 v17, v6;
	_ =	sdelay $0x1  }
0x534: {  	v6 =	vadd.f32 v18, v6;
	_ =	sdelay $0x1  }
0x535: {  	[tilespmem:s17+$0x10] =	vst v6  }
0x536: {  	v19 =	vld [tilespmem:$0xECE0];
	_ =	sdelay $0x1  }
0x537: {  	v20 =	vld [tilespmem:$0xED20];
	_ =	sdelay $0x1  }
0x538: {  	v21 =	vld [tilespmem:$0xED60]  }
0x539: {  	v3 =	vadd.f32 v19, v3  }
0x53a: {  	v22 =	vld [tilespmem:$0xEDA0]  }
0x53b: {  	v3 =	vadd.f32 v20, v3  }
0x53c: {  	v23 =	vld [tilespmem:$0xEDE0]  }
0x53d: {  	v3 =	vadd.f32 v21, v3  }
0x53e: {  	v24 =	vld [tilespmem:$0xEE20]  }
0x53f: {  	v3 =	vadd.f32 v22, v3  }
0x540: {  	v25 =	vld [tilespmem:$0xEE60]  }
0x541: {  	v3 =	vadd.f32 v23, v3  }
0x542: {  	v26 =	vld [tilespmem:$0xEEA0]  }
0x543: {  	v3 =	vadd.f32 v24, v3  }
0x544: {  	v27 =	vld [tilespmem:$0xEEE0]  }
0x545: {  	v3 =	vadd.f32 v25, v3  }
0x546: {  	v28 =	vld [tilespmem:$0xEF20]  }
0x547: {  	v3 =	vadd.f32 v26, v3  }
0x548: {  	v29 =	vld [tilespmem:$0xEF60]  }
0x549: {  	v3 =	vadd.f32 v27, v3  }
0x54a: {  	v30 =	vld [tilespmem:$0xEFA0]  }
0x54b: {  	v3 =	vadd.f32 v28, v3  }
0x54c: {  	v31 =	vld [tilespmem:$0xEFE0]  }
0x54d: {  	v3 =	vadd.f32 v29, v3  }
0x54e: {  	v32 =	vld [tilespmem:$0xF020]  }
0x54f: {  	v3 =	vadd.f32 v30, v3  }
0x550: {  	v33 =	vld [tilespmem:$0xF060]  }
0x551: {  	v3 =	vadd.f32 v31, v3  }
0x552: {  	v34 =	vld [tilespmem:$0xF0A0]  }
0x553: {  	v3 =	vadd.f32 v32, v3;
	_ =	sdelay $0x1  }
0x554: {  	v3 =	vadd.f32 v33, v3;
	_ =	sdelay $0x1  }
0x555: {  	v3 =	vadd.f32 v34, v3;
	_ =	sdelay $0x1  }
0x556: {  	[tilespmem:s17+$0xFFFFFFE0] =	vst v3  }
0x557: {  	v35 =	vld [tilespmem:$0xECF0];
	_ =	sdelay $0x1  }
0x558: {  	v36 =	vld [tilespmem:$0xED30];
	_ =	sdelay $0x1  }
0x559: {  	v37 =	vld [tilespmem:$0xED70]  }
0x55a: {  	v4 =	vadd.f32 v35, v4  }
0x55b: {  	v38 =	vld [tilespmem:$0xEDB0]  }
0x55c: {  	v4 =	vadd.f32 v36, v4  }
0x55d: {  	v39 =	vld [tilespmem:$0xEDF0]  }
0x55e: {  	v4 =	vadd.f32 v37, v4  }
0x55f: {  	v40 =	vld [tilespmem:$0xEE30]  }
0x560: {  	v4 =	vadd.f32 v38, v4  }
0x561: {  	v41 =	vld [tilespmem:$0xEE70]  }
0x562: {  	v4 =	vadd.f32 v39, v4  }
0x563: {  	v42 =	vld [tilespmem:$0xEEB0]  }
0x564: {  	v4 =	vadd.f32 v40, v4  }
0x565: {  	v43 =	vld [tilespmem:$0xEEF0]  }
0x566: {  	v4 =	vadd.f32 v41, v4  }
0x567: {  	v44 =	vld [tilespmem:$0xEF30]  }
0x568: {  	v4 =	vadd.f32 v42, v4  }
0x569: {  	v45 =	vld [tilespmem:$0xEF70]  }
0x56a: {  	v4 =	vadd.f32 v43, v4  }
0x56b: {  	v46 =	vld [tilespmem:$0xEFB0]  }
0x56c: {  	v4 =	vadd.f32 v44, v4  }
0x56d: {  	v47 =	vld [tilespmem:$0xEFF0]  }
0x56e: {  	v4 =	vadd.f32 v45, v4  }
0x56f: {  	v48 =	vld [tilespmem:$0xF030]  }
0x570: {  	v4 =	vadd.f32 v46, v4  }
0x571: {  	v49 =	vld [tilespmem:$0xF070]  }
0x572: {  	v4 =	vadd.f32 v47, v4  }
0x573: {  	v50 =	vld [tilespmem:$0xF0B0]  }
0x574: {  	v4 =	vadd.f32 v48, v4;
	_ =	sdelay $0x1  }
0x575: {  	v4 =	vadd.f32 v49, v4;
	_ =	sdelay $0x1  }
0x576: {  	v4 =	vadd.f32 v50, v4;
	_ =	sdelay $0x1  }
0x577: {  	[tilespmem:s17+$0xFFFFFFF0] =	vst v4  }
0x578: {  	v51 =	vld [tilespmem:$0xED00];
	_ =	sdelay $0x1  }
0x579: {  	v52 =	vld [tilespmem:$0xED40];
	_ =	sdelay $0x1  }
0x57a: {  	v53 =	vld [tilespmem:$0xED80]  }
0x57b: {  	v5 =	vadd.f32 v51, v5  }
0x57c: {  	v54 =	vld [tilespmem:$0xEDC0]  }
0x57d: {  	v5 =	vadd.f32 v52, v5  }
0x57e: {  	v55 =	vld [tilespmem:$0xEE00]  }
0x57f: {  	v5 =	vadd.f32 v53, v5  }
0x580: {  	v56 =	vld [tilespmem:$0xEE40]  }
0x581: {  	v5 =	vadd.f32 v54, v5  }
0x582: {  	v57 =	vld [tilespmem:$0xEE80]  }
0x583: {  	v5 =	vadd.f32 v55, v5  }
0x584: {  	v58 =	vld [tilespmem:$0xEEC0]  }
0x585: {  	v5 =	vadd.f32 v56, v5  }
0x586: {  	v59 =	vld [tilespmem:$0xEF00]  }
0x587: {  	v5 =	vadd.f32 v57, v5  }
0x588: {  	v60 =	vld [tilespmem:$0xEF40]  }
0x589: {  	v5 =	vadd.f32 v58, v5  }
0x58a: {  	v61 =	vld [tilespmem:$0xEF80]  }
0x58b: {  	v5 =	vadd.f32 v59, v5  }
0x58c: {  	v62 =	vld [tilespmem:$0xEFC0]  }
0x58d: {  	v5 =	vadd.f32 v60, v5  }
0x58e: {  	v63 =	vld [tilespmem:$0xF000]  }
0x58f: {  	v5 =	vadd.f32 v61, v5  }
0x590: {  	v12 =	vld [tilespmem:$0xF040]  }
0x591: {  	v5 =	vadd.f32 v62, v5  }
0x592: {  	v13 =	vld [tilespmem:$0xF080]  }
0x593: {  	v5 =	vadd.f32 v63, v5  }
0x594: {  	v14 =	vld [tilespmem:$0xF0C0]  }
0x595: {  	v5 =	vadd.f32 v12, v5;
	_ =	sdelay $0x1  }
0x596: {  	v5 =	vadd.f32 v13, v5;
	_ =	sdelay $0x1  }
0x597: {  	v5 =	vadd.f32 v14, v5;
	_ =	sdelay $0x1  }
0x598: {  	[tilespmem:s17+$0x0] =	vst v5  }
0x599: {  	v15 =	vld [tilespmem:$0xED10];
	_ =	sdelay $0x1  }
0x59a: {  	v16 =	vld [tilespmem:$0xED50];
	_ =	sdelay $0x1  }
0x59b: {  	v17 =	vld [tilespmem:$0xED90]  }
0x59c: {  	v6 =	vadd.f32 v15, v6  }
0x59d: {  	v18 =	vld [tilespmem:$0xEDD0]  }
0x59e: {  	v6 =	vadd.f32 v16, v6  }
0x59f: {  	v19 =	vld [tilespmem:$0xEE10]  }
0x5a0: {  	v6 =	vadd.f32 v17, v6  }
0x5a1: {  	v20 =	vld [tilespmem:$0xEE50]  }
0x5a2: {  	v6 =	vadd.f32 v18, v6  }
0x5a3: {  	v21 =	vld [tilespmem:$0xEE90]  }
0x5a4: {  	v6 =	vadd.f32 v19, v6  }
0x5a5: {  	v22 =	vld [tilespmem:$0xEED0]  }
0x5a6: {  	v6 =	vadd.f32 v20, v6  }
0x5a7: {  	v23 =	vld [tilespmem:$0xEF10]  }
0x5a8: {  	v6 =	vadd.f32 v21, v6  }
0x5a9: {  	v24 =	vld [tilespmem:$0xEF50]  }
0x5aa: {  	v6 =	vadd.f32 v22, v6  }
0x5ab: {  	v25 =	vld [tilespmem:$0xEF90]  }
0x5ac: {  	v6 =	vadd.f32 v23, v6  }
0x5ad: {  	v26 =	vld [tilespmem:$0xEFD0]  }
0x5ae: {  	v6 =	vadd.f32 v24, v6  }
0x5af: {  	v27 =	vld [tilespmem:$0xF010]  }
0x5b0: {  	v6 =	vadd.f32 v25, v6  }
0x5b1: {  	v28 =	vld [tilespmem:$0xF050]  }
0x5b2: {  	v6 =	vadd.f32 v26, v6  }
0x5b3: {  	v29 =	vld [tilespmem:$0xF090]  }
0x5b4: {  	v6 =	vadd.f32 v27, v6  }
0x5b5: {  	v30 =	vld [tilespmem:$0xF0D0]  }
0x5b6: {  	v6 =	vadd.f32 v28, v6;
	_ =	sdelay $0x1  }
0x5b7: {  	v6 =	vadd.f32 v29, v6;
	_ =	sdelay $0x1  }
0x5b8: {  	v6 =	vadd.f32 v30, v6;
	_ =	sdelay $0x1  }
0x5b9: {  	[tilespmem:s17+$0x10] =	vst v6  }
0x5ba: {  	v31 =	vld [tilespmem:$0xF0E0];
	_ =	sdelay $0x1  }
0x5bb: {  	v32 =	vld [tilespmem:$0xF120];
	_ =	sdelay $0x1  }
0x5bc: {  	v33 =	vld [tilespmem:$0xF160]  }
0x5bd: {  	v3 =	vadd.f32 v31, v3  }
0x5be: {  	v34 =	vld [tilespmem:$0xF1A0]  }
0x5bf: {  	v3 =	vadd.f32 v32, v3  }
0x5c0: {  	v35 =	vld [tilespmem:$0xF1E0]  }
0x5c1: {  	v3 =	vadd.f32 v33, v3  }
0x5c2: {  	v36 =	vld [tilespmem:$0xF220]  }
0x5c3: {  	v3 =	vadd.f32 v34, v3  }
0x5c4: {  	v37 =	vld [tilespmem:$0xF260]  }
0x5c5: {  	v3 =	vadd.f32 v35, v3  }
0x5c6: {  	v38 =	vld [tilespmem:$0xF2A0]  }
0x5c7: {  	v3 =	vadd.f32 v36, v3  }
0x5c8: {  	v39 =	vld [tilespmem:$0xF2E0]  }
0x5c9: {  	v3 =	vadd.f32 v37, v3  }
0x5ca: {  	v40 =	vld [tilespmem:$0xF320]  }
0x5cb: {  	v3 =	vadd.f32 v38, v3  }
0x5cc: {  	v41 =	vld [tilespmem:$0xF360]  }
0x5cd: {  	v3 =	vadd.f32 v39, v3  }
0x5ce: {  	v42 =	vld [tilespmem:$0xF3A0]  }
0x5cf: {  	v3 =	vadd.f32 v40, v3  }
0x5d0: {  	v43 =	vld [tilespmem:$0xF3E0]  }
0x5d1: {  	v3 =	vadd.f32 v41, v3  }
0x5d2: {  	v44 =	vld [tilespmem:$0xF420]  }
0x5d3: {  	v3 =	vadd.f32 v42, v3  }
0x5d4: {  	v45 =	vld [tilespmem:$0xF460]  }
0x5d5: {  	v3 =	vadd.f32 v43, v3  }
0x5d6: {  	v46 =	vld [tilespmem:$0xF4A0]  }
0x5d7: {  	v3 =	vadd.f32 v44, v3;
	_ =	sdelay $0x1  }
0x5d8: {  	v3 =	vadd.f32 v45, v3;
	_ =	sdelay $0x1  }
0x5d9: {  	v3 =	vadd.f32 v46, v3;
	_ =	sdelay $0x1  }
0x5da: {  	[tilespmem:s17+$0xFFFFFFE0] =	vst v3  }
0x5db: {  	v47 =	vld [tilespmem:$0xF0F0];
	_ =	sdelay $0x1  }
0x5dc: {  	v48 =	vld [tilespmem:$0xF130];
	_ =	sdelay $0x1  }
0x5dd: {  	v49 =	vld [tilespmem:$0xF170]  }
0x5de: {  	v4 =	vadd.f32 v47, v4  }
0x5df: {  	v50 =	vld [tilespmem:$0xF1B0]  }
0x5e0: {  	v4 =	vadd.f32 v48, v4  }
0x5e1: {  	v51 =	vld [tilespmem:$0xF1F0]  }
0x5e2: {  	v4 =	vadd.f32 v49, v4  }
0x5e3: {  	v52 =	vld [tilespmem:$0xF230]  }
0x5e4: {  	v4 =	vadd.f32 v50, v4  }
0x5e5: {  	v53 =	vld [tilespmem:$0xF270]  }
0x5e6: {  	v4 =	vadd.f32 v51, v4  }
0x5e7: {  	v54 =	vld [tilespmem:$0xF2B0]  }
0x5e8: {  	v4 =	vadd.f32 v52, v4  }
0x5e9: {  	v55 =	vld [tilespmem:$0xF2F0]  }
0x5ea: {  	v4 =	vadd.f32 v53, v4  }
0x5eb: {  	v56 =	vld [tilespmem:$0xF330]  }
0x5ec: {  	v4 =	vadd.f32 v54, v4  }
0x5ed: {  	v57 =	vld [tilespmem:$0xF370]  }
0x5ee: {  	v4 =	vadd.f32 v55, v4  }
0x5ef: {  	v58 =	vld [tilespmem:$0xF3B0]  }
0x5f0: {  	v4 =	vadd.f32 v56, v4  }
0x5f1: {  	v59 =	vld [tilespmem:$0xF3F0]  }
0x5f2: {  	v4 =	vadd.f32 v57, v4  }
0x5f3: {  	v60 =	vld [tilespmem:$0xF430]  }
0x5f4: {  	v4 =	vadd.f32 v58, v4  }
0x5f5: {  	v61 =	vld [tilespmem:$0xF470]  }
0x5f6: {  	v4 =	vadd.f32 v59, v4  }
0x5f7: {  	v62 =	vld [tilespmem:$0xF4B0]  }
0x5f8: {  	v4 =	vadd.f32 v60, v4;
	_ =	sdelay $0x1  }
0x5f9: {  	v4 =	vadd.f32 v61, v4;
	_ =	sdelay $0x1  }
0x5fa: {  	v4 =	vadd.f32 v62, v4;
	_ =	sdelay $0x1  }
0x5fb: {  	[tilespmem:s17+$0xFFFFFFF0] =	vst v4  }
0x5fc: {  	v63 =	vld [tilespmem:$0xF100];
	_ =	sdelay $0x1  }
0x5fd: {  	v12 =	vld [tilespmem:$0xF140];
	_ =	sdelay $0x1  }
0x5fe: {  	v13 =	vld [tilespmem:$0xF180]  }
0x5ff: {  	v5 =	vadd.f32 v63, v5  }
0x600: {  	v14 =	vld [tilespmem:$0xF1C0]  }
0x601: {  	v5 =	vadd.f32 v12, v5  }
0x602: {  	v15 =	vld [tilespmem:$0xF200]  }
0x603: {  	v5 =	vadd.f32 v13, v5  }
0x604: {  	v16 =	vld [tilespmem:$0xF240]  }
0x605: {  	v5 =	vadd.f32 v14, v5  }
0x606: {  	v17 =	vld [tilespmem:$0xF280]  }
0x607: {  	v5 =	vadd.f32 v15, v5  }
0x608: {  	v18 =	vld [tilespmem:$0xF2C0]  }
0x609: {  	v5 =	vadd.f32 v16, v5  }
0x60a: {  	v19 =	vld [tilespmem:$0xF300]  }
0x60b: {  	v5 =	vadd.f32 v17, v5  }
0x60c: {  	v20 =	vld [tilespmem:$0xF340]  }
0x60d: {  	v5 =	vadd.f32 v18, v5  }
0x60e: {  	v21 =	vld [tilespmem:$0xF380]  }
0x60f: {  	v5 =	vadd.f32 v19, v5  }
0x610: {  	v22 =	vld [tilespmem:$0xF3C0]  }
0x611: {  	v5 =	vadd.f32 v20, v5  }
0x612: {  	v23 =	vld [tilespmem:$0xF400]  }
0x613: {  	v5 =	vadd.f32 v21, v5  }
0x614: {  	v24 =	vld [tilespmem:$0xF440]  }
0x615: {  	v5 =	vadd.f32 v22, v5  }
0x616: {  	v25 =	vld [tilespmem:$0xF480]  }
0x617: {  	v5 =	vadd.f32 v23, v5  }
0x618: {  	v26 =	vld [tilespmem:$0xF4C0]  }
0x619: {  	v5 =	vadd.f32 v24, v5;
	_ =	sdelay $0x1  }
0x61a: {  	v5 =	vadd.f32 v25, v5;
	_ =	sdelay $0x1  }
0x61b: {  	v5 =	vadd.f32 v26, v5;
	_ =	sdelay $0x1  }
0x61c: {  	[tilespmem:s17+$0x0] =	vst v5  }
0x61d: {  	v27 =	vld [tilespmem:$0xF110];
	_ =	sdelay $0x1  }
0x61e: {  	v28 =	vld [tilespmem:$0xF150];
	_ =	sdelay $0x1  }
0x61f: {  	v29 =	vld [tilespmem:$0xF190]  }
0x620: {  	v6 =	vadd.f32 v27, v6  }
0x621: {  	v30 =	vld [tilespmem:$0xF1D0]  }
0x622: {  	v6 =	vadd.f32 v28, v6  }
0x623: {  	v31 =	vld [tilespmem:$0xF210]  }
0x624: {  	v6 =	vadd.f32 v29, v6  }
0x625: {  	v32 =	vld [tilespmem:$0xF250]  }
0x626: {  	v6 =	vadd.f32 v30, v6  }
0x627: {  	v33 =	vld [tilespmem:$0xF290]  }
0x628: {  	v6 =	vadd.f32 v31, v6  }
0x629: {  	v34 =	vld [tilespmem:$0xF2D0]  }
0x62a: {  	v6 =	vadd.f32 v32, v6  }
0x62b: {  	v35 =	vld [tilespmem:$0xF310]  }
0x62c: {  	v6 =	vadd.f32 v33, v6  }
0x62d: {  	v36 =	vld [tilespmem:$0xF350]  }
0x62e: {  	v6 =	vadd.f32 v34, v6  }
0x62f: {  	v37 =	vld [tilespmem:$0xF390]  }
0x630: {  	v6 =	vadd.f32 v35, v6  }
0x631: {  	v38 =	vld [tilespmem:$0xF3D0]  }
0x632: {  	v6 =	vadd.f32 v36, v6  }
0x633: {  	v39 =	vld [tilespmem:$0xF410]  }
0x634: {  	v6 =	vadd.f32 v37, v6  }
0x635: {  	v40 =	vld [tilespmem:$0xF450]  }
0x636: {  	v6 =	vadd.f32 v38, v6  }
0x637: {  	v41 =	vld [tilespmem:$0xF490]  }
0x638: {  	v6 =	vadd.f32 v39, v6  }
0x639: {  	v42 =	vld [tilespmem:$0xF4D0]  }
0x63a: {  	v6 =	vadd.f32 v40, v6;
	_ =	sdelay $0x1  }
0x63b: {  	v6 =	vadd.f32 v41, v6;
	_ =	sdelay $0x1  }
0x63c: {  	v6 =	vadd.f32 v42, v6;
	_ =	sdelay $0x1  }
0x63d: {  	[tilespmem:s17+$0x10] =	vst v6  }
0x63e: {  	v43 =	vld [tilespmem:$0xF4E0];
	_ =	sdelay $0x1  }
0x63f: {  	v44 =	vld [tilespmem:$0xF520];
	_ =	sdelay $0x1  }
0x640: {  	v45 =	vld [tilespmem:$0xF560]  }
0x641: {  	v3 =	vadd.f32 v43, v3  }
0x642: {  	v46 =	vld [tilespmem:$0xF5A0]  }
0x643: {  	v3 =	vadd.f32 v44, v3  }
0x644: {  	v47 =	vld [tilespmem:$0xF5E0]  }
0x645: {  	v3 =	vadd.f32 v45, v3  }
0x646: {  	v48 =	vld [tilespmem:$0xF620]  }
0x647: {  	v3 =	vadd.f32 v46, v3  }
0x648: {  	v49 =	vld [tilespmem:$0xF660]  }
0x649: {  	v3 =	vadd.f32 v47, v3  }
0x64a: {  	v50 =	vld [tilespmem:$0xF6A0]  }
0x64b: {  	v3 =	vadd.f32 v48, v3  }
0x64c: {  	v51 =	vld [tilespmem:$0xF6E0]  }
0x64d: {  	v3 =	vadd.f32 v49, v3  }
0x64e: {  	v52 =	vld [tilespmem:$0xF720]  }
0x64f: {  	v3 =	vadd.f32 v50, v3  }
0x650: {  	v53 =	vld [tilespmem:$0xF760]  }
0x651: {  	v3 =	vadd.f32 v51, v3  }
0x652: {  	v54 =	vld [tilespmem:$0xF7A0]  }
0x653: {  	v3 =	vadd.f32 v52, v3  }
0x654: {  	v55 =	vld [tilespmem:$0xF7E0]  }
0x655: {  	v3 =	vadd.f32 v53, v3  }
0x656: {  	v56 =	vld [tilespmem:$0xF820]  }
0x657: {  	v3 =	vadd.f32 v54, v3  }
0x658: {  	v57 =	vld [tilespmem:$0xF860]  }
0x659: {  	v3 =	vadd.f32 v55, v3  }
0x65a: {  	v58 =	vld [tilespmem:$0xF8A0]  }
0x65b: {  	v3 =	vadd.f32 v56, v3;
	_ =	sdelay $0x1  }
0x65c: {  	v3 =	vadd.f32 v57, v3;
	_ =	sdelay $0x1  }
0x65d: {  	v3 =	vadd.f32 v58, v3;
	_ =	sdelay $0x1  }
0x65e: {  	[tilespmem:s17+$0xFFFFFFE0] =	vst v3  }
0x65f: {  	v59 =	vld [tilespmem:$0xF4F0];
	_ =	sdelay $0x1  }
0x660: {  	v60 =	vld [tilespmem:$0xF530];
	_ =	sdelay $0x1  }
0x661: {  	v61 =	vld [tilespmem:$0xF570]  }
0x662: {  	v4 =	vadd.f32 v59, v4  }
0x663: {  	v62 =	vld [tilespmem:$0xF5B0]  }
0x664: {  	v4 =	vadd.f32 v60, v4  }
0x665: {  	v63 =	vld [tilespmem:$0xF5F0]  }
0x666: {  	v4 =	vadd.f32 v61, v4  }
0x667: {  	v12 =	vld [tilespmem:$0xF630]  }
0x668: {  	v4 =	vadd.f32 v62, v4  }
0x669: {  	v13 =	vld [tilespmem:$0xF670]  }
0x66a: {  	v4 =	vadd.f32 v63, v4  }
0x66b: {  	v14 =	vld [tilespmem:$0xF6B0]  }
0x66c: {  	v4 =	vadd.f32 v12, v4  }
0x66d: {  	v15 =	vld [tilespmem:$0xF6F0]  }
0x66e: {  	v4 =	vadd.f32 v13, v4  }
0x66f: {  	v16 =	vld [tilespmem:$0xF730]  }
0x670: {  	v4 =	vadd.f32 v14, v4  }
0x671: {  	v17 =	vld [tilespmem:$0xF770]  }
0x672: {  	v4 =	vadd.f32 v15, v4  }
0x673: {  	v18 =	vld [tilespmem:$0xF7B0]  }
0x674: {  	v4 =	vadd.f32 v16, v4  }
0x675: {  	v19 =	vld [tilespmem:$0xF7F0]  }
0x676: {  	v4 =	vadd.f32 v17, v4  }
0x677: {  	v20 =	vld [tilespmem:$0xF830]  }
0x678: {  	v4 =	vadd.f32 v18, v4  }
0x679: {  	v21 =	vld [tilespmem:$0xF870]  }
0x67a: {  	v4 =	vadd.f32 v19, v4  }
0x67b: {  	v22 =	vld [tilespmem:$0xF8B0]  }
0x67c: {  	v4 =	vadd.f32 v20, v4;
	_ =	sdelay $0x1  }
0x67d: {  	v4 =	vadd.f32 v21, v4;
	_ =	sdelay $0x1  }
0x67e: {  	v4 =	vadd.f32 v22, v4;
	_ =	sdelay $0x1  }
0x67f: {  	[tilespmem:s17+$0xFFFFFFF0] =	vst v4  }
0x680: {  	v23 =	vld [tilespmem:$0xF500];
	_ =	sdelay $0x1  }
0x681: {  	v24 =	vld [tilespmem:$0xF540];
	_ =	sdelay $0x1  }
0x682: {  	v25 =	vld [tilespmem:$0xF580]  }
0x683: {  	v5 =	vadd.f32 v23, v5  }
0x684: {  	v26 =	vld [tilespmem:$0xF5C0]  }
0x685: {  	v5 =	vadd.f32 v24, v5  }
0x686: {  	v27 =	vld [tilespmem:$0xF600]  }
0x687: {  	v5 =	vadd.f32 v25, v5  }
0x688: {  	v28 =	vld [tilespmem:$0xF640]  }
0x689: {  	v5 =	vadd.f32 v26, v5  }
0x68a: {  	v29 =	vld [tilespmem:$0xF680]  }
0x68b: {  	v5 =	vadd.f32 v27, v5  }
0x68c: {  	v30 =	vld [tilespmem:$0xF6C0]  }
0x68d: {  	v5 =	vadd.f32 v28, v5  }
0x68e: {  	v31 =	vld [tilespmem:$0xF700]  }
0x68f: {  	v5 =	vadd.f32 v29, v5  }
0x690: {  	v32 =	vld [tilespmem:$0xF740]  }
0x691: {  	v5 =	vadd.f32 v30, v5  }
0x692: {  	v33 =	vld [tilespmem:$0xF780]  }
0x693: {  	v5 =	vadd.f32 v31, v5  }
0x694: {  	v34 =	vld [tilespmem:$0xF7C0]  }
0x695: {  	v5 =	vadd.f32 v32, v5  }
0x696: {  	v35 =	vld [tilespmem:$0xF800]  }
0x697: {  	v5 =	vadd.f32 v33, v5  }
0x698: {  	v36 =	vld [tilespmem:$0xF840]  }
0x699: {  	v5 =	vadd.f32 v34, v5  }
0x69a: {  	v37 =	vld [tilespmem:$0xF880]  }
0x69b: {  	v5 =	vadd.f32 v35, v5  }
0x69c: {  	v38 =	vld [tilespmem:$0xF8C0]  }
0x69d: {  	v5 =	vadd.f32 v36, v5;
	_ =	sdelay $0x1  }
0x69e: {  	v5 =	vadd.f32 v37, v5;
	_ =	sdelay $0x1  }
0x69f: {  	v5 =	vadd.f32 v38, v5;
	_ =	sdelay $0x1  }
0x6a0: {  	[tilespmem:s17+$0x0] =	vst v5  }
0x6a1: {  	v39 =	vld [tilespmem:$0xF510];
	_ =	sdelay $0x1  }
0x6a2: {  	v40 =	vld [tilespmem:$0xF550];
	_ =	sdelay $0x1  }
0x6a3: {  	v41 =	vld [tilespmem:$0xF590]  }
0x6a4: {  	v6 =	vadd.f32 v39, v6  }
0x6a5: {  	v42 =	vld [tilespmem:$0xF5D0]  }
0x6a6: {  	v6 =	vadd.f32 v40, v6  }
0x6a7: {  	v43 =	vld [tilespmem:$0xF610]  }
0x6a8: {  	v6 =	vadd.f32 v41, v6  }
0x6a9: {  	v44 =	vld [tilespmem:$0xF650]  }
0x6aa: {  	v6 =	vadd.f32 v42, v6  }
0x6ab: {  	v45 =	vld [tilespmem:$0xF690]  }
0x6ac: {  	v6 =	vadd.f32 v43, v6  }
0x6ad: {  	v46 =	vld [tilespmem:$0xF6D0]  }
0x6ae: {  	v6 =	vadd.f32 v44, v6  }
0x6af: {  	v47 =	vld [tilespmem:$0xF710]  }
0x6b0: {  	v6 =	vadd.f32 v45, v6  }
0x6b1: {  	v48 =	vld [tilespmem:$0xF750]  }
0x6b2: {  	v6 =	vadd.f32 v46, v6  }
0x6b3: {  	v49 =	vld [tilespmem:$0xF790]  }
0x6b4: {  	v6 =	vadd.f32 v47, v6  }
0x6b5: {  	v50 =	vld [tilespmem:$0xF7D0]  }
0x6b6: {  	v6 =	vadd.f32 v48, v6  }
0x6b7: {  	v51 =	vld [tilespmem:$0xF810]  }
0x6b8: {  	v6 =	vadd.f32 v49, v6  }
0x6b9: {  	v52 =	vld [tilespmem:$0xF850]  }
0x6ba: {  	v6 =	vadd.f32 v50, v6  }
0x6bb: {  	v53 =	vld [tilespmem:$0xF890]  }
0x6bc: {  	v6 =	vadd.f32 v51, v6  }
0x6bd: {  	v54 =	vld [tilespmem:$0xF8D0]  }
0x6be: {  	v6 =	vadd.f32 v52, v6;
	_ =	sdelay $0x1  }
0x6bf: {  	v6 =	vadd.f32 v53, v6;
	_ =	sdelay $0x1  }
0x6c0: {  	v6 =	vadd.f32 v54, v6;
	_ =	sdelay $0x1  }
0x6c1: {  	[tilespmem:s17+$0x10] =	vst v6  }
0x6c2: {  	v55 =	vld [tilespmem:$0xF8E0];
	_ =	sdelay $0x1  }
0x6c3: {  	v56 =	vld [tilespmem:$0xF920];
	_ =	sdelay $0x1  }
0x6c4: {  	v57 =	vld [tilespmem:$0xF960]  }
0x6c5: {  	v3 =	vadd.f32 v55, v3  }
0x6c6: {  	v58 =	vld [tilespmem:$0xF9A0]  }
0x6c7: {  	v3 =	vadd.f32 v56, v3  }
0x6c8: {  	v59 =	vld [tilespmem:$0xF9E0]  }
0x6c9: {  	v3 =	vadd.f32 v57, v3  }
0x6ca: {  	v60 =	vld [tilespmem:$0xFA20]  }
0x6cb: {  	v3 =	vadd.f32 v58, v3  }
0x6cc: {  	v61 =	vld [tilespmem:$0xFA60]  }
0x6cd: {  	v3 =	vadd.f32 v59, v3  }
0x6ce: {  	v62 =	vld [tilespmem:$0xFAA0]  }
0x6cf: {  	v3 =	vadd.f32 v60, v3  }
0x6d0: {  	v63 =	vld [tilespmem:$0xFAE0]  }
0x6d1: {  	v3 =	vadd.f32 v61, v3  }
0x6d2: {  	v12 =	vld [tilespmem:$0xFB20]  }
0x6d3: {  	v3 =	vadd.f32 v62, v3  }
0x6d4: {  	v13 =	vld [tilespmem:$0xFB60]  }
0x6d5: {  	v3 =	vadd.f32 v63, v3  }
0x6d6: {  	v14 =	vld [tilespmem:$0xFBA0]  }
0x6d7: {  	v3 =	vadd.f32 v12, v3  }
0x6d8: {  	v15 =	vld [tilespmem:$0xFBE0]  }
0x6d9: {  	v3 =	vadd.f32 v13, v3  }
0x6da: {  	v16 =	vld [tilespmem:$0xFC20]  }
0x6db: {  	v3 =	vadd.f32 v14, v3  }
0x6dc: {  	v17 =	vld [tilespmem:$0xFC60]  }
0x6dd: {  	v3 =	vadd.f32 v15, v3  }
0x6de: {  	v18 =	vld [tilespmem:$0xFCA0]  }
0x6df: {  	v3 =	vadd.f32 v16, v3;
	_ =	sdelay $0x1  }
0x6e0: {  	v3 =	vadd.f32 v17, v3;
	_ =	sdelay $0x1  }
0x6e1: {  	v3 =	vadd.f32 v18, v3;
	_ =	sdelay $0x1  }
0x6e2: {  	[tilespmem:s17+$0xFFFFFFE0] =	vst v3  }
0x6e3: {  	v3 =	vld [tilespmem:$0xF8F0];
	_ =	sdelay $0x1  }
0x6e4: {  	v19 =	vld [tilespmem:$0xF930];
	_ =	sdelay $0x1  }
0x6e5: {  	v20 =	vld [tilespmem:$0xF970]  }
0x6e6: {  	v3 =	vadd.f32 v3, v4  }
0x6e7: {  	v21 =	vld [tilespmem:$0xF9B0]  }
0x6e8: {  	v3 =	vadd.f32 v19, v3  }
0x6e9: {  	v22 =	vld [tilespmem:$0xF9F0]  }
0x6ea: {  	v3 =	vadd.f32 v20, v3  }
0x6eb: {  	v23 =	vld [tilespmem:$0xFA30]  }
0x6ec: {  	v3 =	vadd.f32 v21, v3  }
0x6ed: {  	v24 =	vld [tilespmem:$0xFA70]  }
0x6ee: {  	v3 =	vadd.f32 v22, v3  }
0x6ef: {  	v25 =	vld [tilespmem:$0xFAB0]  }
0x6f0: {  	v3 =	vadd.f32 v23, v3  }
0x6f1: {  	v26 =	vld [tilespmem:$0xFAF0]  }
0x6f2: {  	v3 =	vadd.f32 v24, v3  }
0x6f3: {  	v27 =	vld [tilespmem:$0xFB30]  }
0x6f4: {  	v3 =	vadd.f32 v25, v3  }
0x6f5: {  	v28 =	vld [tilespmem:$0xFB70]  }
0x6f6: {  	v3 =	vadd.f32 v26, v3  }
0x6f7: {  	v29 =	vld [tilespmem:$0xFBB0]  }
0x6f8: {  	v3 =	vadd.f32 v27, v3  }
0x6f9: {  	v30 =	vld [tilespmem:$0xFBF0]  }
0x6fa: {  	v3 =	vadd.f32 v28, v3  }
0x6fb: {  	v31 =	vld [tilespmem:$0xFC30]  }
0x6fc: {  	v3 =	vadd.f32 v29, v3  }
0x6fd: {  	v32 =	vld [tilespmem:$0xFC70]  }
0x6fe: {  	v3 =	vadd.f32 v30, v3  }
0x6ff: {  	v33 =	vld [tilespmem:$0xFCB0]  }
0x700: {  	v3 =	vadd.f32 v31, v3;
	_ =	sdelay $0x1  }
0x701: {  	v3 =	vadd.f32 v32, v3;
	_ =	sdelay $0x1  }
0x702: {  	v3 =	vadd.f32 v33, v3;
	_ =	sdelay $0x1  }
0x703: {  	[tilespmem:s17+$0xFFFFFFF0] =	vst v3  }
0x704: {  	v3 =	vld [tilespmem:$0xF900];
	_ =	sdelay $0x1  }
0x705: {  	v34 =	vld [tilespmem:$0xF940];
	_ =	sdelay $0x1  }
0x706: {  	v35 =	vld [tilespmem:$0xF980]  }
0x707: {  	v3 =	vadd.f32 v3, v5  }
0x708: {  	v36 =	vld [tilespmem:$0xF9C0]  }
0x709: {  	v3 =	vadd.f32 v34, v3  }
0x70a: {  	v37 =	vld [tilespmem:$0xFA00]  }
0x70b: {  	v3 =	vadd.f32 v35, v3  }
0x70c: {  	v38 =	vld [tilespmem:$0xFA40]  }
0x70d: {  	v3 =	vadd.f32 v36, v3  }
0x70e: {  	v39 =	vld [tilespmem:$0xFA80]  }
0x70f: {  	v3 =	vadd.f32 v37, v3  }
0x710: {  	v40 =	vld [tilespmem:$0xFAC0]  }
0x711: {  	v3 =	vadd.f32 v38, v3  }
0x712: {  	v41 =	vld [tilespmem:$0xFB00]  }
0x713: {  	v3 =	vadd.f32 v39, v3  }
0x714: {  	v42 =	vld [tilespmem:$0xFB40]  }
0x715: {  	v3 =	vadd.f32 v40, v3  }
0x716: {  	v43 =	vld [tilespmem:$0xFB80]  }
0x717: {  	v3 =	vadd.f32 v41, v3  }
0x718: {  	v44 =	vld [tilespmem:$0xFBC0]  }
0x719: {  	v3 =	vadd.f32 v42, v3  }
0x71a: {  	v45 =	vld [tilespmem:$0xFC00]  }
0x71b: {  	v3 =	vadd.f32 v43, v3  }
0x71c: {  	v46 =	vld [tilespmem:$0xFC40]  }
0x71d: {  	v3 =	vadd.f32 v44, v3  }
0x71e: {  	v47 =	vld [tilespmem:$0xFC80]  }
0x71f: {  	v3 =	vadd.f32 v45, v3  }
0x720: {  	v48 =	vld [tilespmem:$0xFCC0]  }
0x721: {  	v3 =	vadd.f32 v46, v3;
	_ =	sdelay $0x1  }
0x722: {  	v3 =	vadd.f32 v47, v3;
	_ =	sdelay $0x1  }
0x723: {  	v3 =	vadd.f32 v48, v3;
	_ =	sdelay $0x1  }
0x724: {  	[tilespmem:s17+$0x0] =	vst v3  }
0x725: {  	v3 =	vld [tilespmem:$0xF910];
	_ =	sdelay $0x1  }
0x726: {  	v49 =	vld [tilespmem:$0xF950];
	_ =	sdelay $0x1  }
0x727: {  	v50 =	vld [tilespmem:$0xF990]  }
0x728: {  	v3 =	vadd.f32 v3, v6  }
0x729: {  	v51 =	vld [tilespmem:$0xF9D0]  }
0x72a: {  	v3 =	vadd.f32 v49, v3  }
0x72b: {  	v52 =	vld [tilespmem:$0xFA10]  }
0x72c: {  	v3 =	vadd.f32 v50, v3  }
0x72d: {  	v53 =	vld [tilespmem:$0xFA50]  }
0x72e: {  	v3 =	vadd.f32 v51, v3  }
0x72f: {  	v54 =	vld [tilespmem:$0xFA90]  }
0x730: {  	v3 =	vadd.f32 v52, v3  }
0x731: {  	v55 =	vld [tilespmem:$0xFAD0]  }
0x732: {  	v3 =	vadd.f32 v53, v3  }
0x733: {  	v56 =	vld [tilespmem:$0xFB10]  }
0x734: {  	v3 =	vadd.f32 v54, v3  }
0x735: {  	v57 =	vld [tilespmem:$0xFB50]  }
0x736: {  	v3 =	vadd.f32 v55, v3  }
0x737: {  	v58 =	vld [tilespmem:$0xFB90]  }
0x738: {  	v3 =	vadd.f32 v56, v3  }
0x739: {  	v59 =	vld [tilespmem:$0xFBD0]  }
0x73a: {  	v3 =	vadd.f32 v57, v3  }
0x73b: {  	v60 =	vld [tilespmem:$0xFC10]  }
0x73c: {  	v3 =	vadd.f32 v58, v3  }
0x73d: {  	v61 =	vld [tilespmem:$0xFC50]  }
0x73e: {  	v3 =	vadd.f32 v59, v3  }
0x73f: {  	v62 =	vld [tilespmem:$0xFC90]  }
0x740: {  	v3 =	vadd.f32 v60, v3  }
0x741: {  	v63 =	vld [tilespmem:$0xFCD0]  }
0x742: {  	v3 =	vadd.f32 v61, v3  }
0x743: {  	p0 =	sne.s32 s16, $0x18FC0  }
.Ltmp0:
0x744: {  	v3 =	vadd.f32 v62, v3;
	(pc) =	sbr.rel @p0 .LBB2_2-.Ltmp0, $3  }
0x745: {  	_ = 	snop  }
0x746: {  	v3 =	vadd.f32 v63, v3;
	_ =	sdelay $0x1  }
0x747: {  	s16 =	sadd.s32 $0x320, s16;
	[tilespmem:s17+$0x10] =	vst v3;
	s17 =	sadd.s32 $0x40, s17  }
0x748: {  	s15 =	sadd.s32 $0x1, s15  }
0x749: {  	p0 =	sne.s32 s15, s7  }
.Ltmp1:
0x74a: {  	_ = 	snop;
	(pc) =	sbr.rel @p0 .LBB2_1-.Ltmp1, $4  }
0x74b: {  	[hbm4b:s6+s2] =	stream.linear.scatter [tilespmem:s14], [sflag:$0x2], $0x2000, $0x38;
	[tilespmem:$0x11CE0] =	vst v63  }
0x74c: {  	_ =	swait.ge [sflag:s8], $0x2000  }
0x74d: {  	[sflag:s8] =	ssyncset.done $0x0  }
0x74e: {  	[sflag:s8] =	ssyncadd.s32 $0xFFFFE000  }
0x74f: {  	_ =	sfence.sel $0x180000  }
0x750: {  	[bflag:$0x0] =	sbarrier.arrive $0xFFFF  }
0x751: {  	p0 =	sne.s32 s0, $0x0;
	_ =	strace $0x90000047  }
0x752: {  	s0 =	sadd.s32 @!p0 $0x100000, s1;
	[bflag:$0x2] =	sbarrier.arrive $0xFFFF  }
0x753: {  	[sflag:s0] =	ssyncadd.tile.s32 @!p0 $0x1;
	_ =	shalt  }
.Lfunc_end2:
_tile_overlayer_lowered:
.L_overlay_start_2:
0x754: {  	(tag) =	ssettag $0x2  }
0x755: {  	s0 =	rddreg [dreg:$0x0];
	s2 =	stileid.u32  }
0x756: {  	s1 =	rddreg [dreg:$0x1];
	p0 =	sne.s32 s2, $0x0  }
0x757: {  	s3 =	rddreg [dreg:$0x2];
	[bflag:$0x3] =	sbarrier.arrive $0xFFFF;
	s2 =	simm.s32 @!p0 $0x1C02  }
0x758: {  	[timem:s3], [sflag:s2] =	dma.local @!p0 [hbm:s0], s1  }
0x759: {  	s0 =	simm.s32 @!p0 $0x2  }
0x75a: {  	_ =	swait.ge @!p0 [sflag:s0], s1  }
0x75b: {  	s1 =	ssub.s32 @!p0 $0x0, s1;
	[sflag:s0] =	ssyncset.done @!p0 $0x0  }
0x75c: {  	[sflag:s0] =	ssyncadd.s32 @!p0 s1  }
0x75d: {  	[bflag:$0x3] =	sbarrier.arrive $0xFFFF  }
0x75e: {  	_ =	shalt  }

</sc_bundles>
